<compile_context>
chip_gen: v7x
topology: tpu7x:2x2x1
jax: 0.10.2.dev20260603
libtpu: 0.0.44.dev20260713+nightly
codegen_flags: <defaults>
</compile_context>

<pallas_src>
import functools

import jax
import jax.numpy as jnp
from jax import lax
from jax.experimental import pallas as pl
from jax.experimental.pallas import tpu as pltpu
from jax.experimental.pallas import tpu_sc as plsc

N = 10000
E = 320000
D = 128
DE = 16
C = 3
AW = 136
NWORK = 32
EPW = E // NWORK
K = 40
NCH = EPW // K
NB = 2000
EB = 8000
RPT = N // 16


def _prep_nodes_body(feats_ref, coords_ref, w1_ref, w2_ref, t1_ref, t2_ref):
    f = feats_ref[...]
    c = coords_ref[...]
    p1 = jnp.dot(f, w1_ref[...], preferred_element_type=jnp.float32)
    p2 = jnp.dot(f, w2_ref[...], preferred_element_type=jnp.float32)
    t1_ref[...] = jnp.concatenate([p1, c], axis=1)
    t2_ref[...] = jnp.concatenate([p2, c], axis=1)


def _prep_edges_body(ea_ref, wa_ref, be_ref, out_ref):
    out_ref[...] = (
        jnp.dot(ea_ref[...], wa_ref[...], preferred_element_type=jnp.float32)
        + be_ref[...]
    )


def _finish_body(p_ref, feats_ref, coords_ref, wn1_ref, wn2_ref, bn_ref, out_ref):
    p0 = p_ref[0]
    p1 = p_ref[1]
    nb = p0[:, :D] + p1[:, :D]
    seg = p0[:, D:D + 3] + p1[:, D:D + 3]
    cnt = jnp.maximum(p0[:, D + 3:D + 4] + p1[:, D + 3:D + 4], 1.0)
    coords_new = coords_ref[:, :3] + seg / cnt
    x = (
        jnp.dot(feats_ref[...], wn1_ref[...], preferred_element_type=jnp.float32)
        + jnp.dot(nb, wn2_ref[...], preferred_element_type=jnp.float32)
        + bn_ref[...]
    )
    nodes = x * jax.nn.sigmoid(x)
    out_ref[...] = jnp.concatenate([coords_new, nodes], axis=1)


def _take(v, idx):
    return jnp.take_along_axis(v, idx, axis=0, mode="promise_in_bounds")


def _lanesum(v, iota16):
    for step in (8, 4, 2, 1):
        v = v + _take(v, jnp.bitwise_xor(iota16, step))
    return v


def _edge_pass_body(t1_hbm, t2_hbm, am_hbm, first_hbm, second_hbm, prm_hbm,
                    out_hbm, acc, idx1a, idx2a, t1a, t2a, ama,
                    idx1b, idx2b, t1b, t2b, amb, stage, prm, zb, semA, semB):
    cid = lax.axis_index("c")
    sid = lax.axis_index("s")
    wid = cid * 16 + sid

    zeros16 = jnp.zeros((16,), jnp.float32)
    iota16 = lax.iota(jnp.int32, 16)
    for i in range(5):
        for cc in range(8):
            zb[i, pl.ds(cc * 16, 16)] = zeros16
        zb[i, pl.ds(AW - 16, 16)] = zeros16

    def zero_body(k, carry):
        pltpu.sync_copy(zb, acc.at[pl.ds(sid * RPT + k * 5, 5)])
        return carry

    lax.fori_loop(0, RPT // 5, zero_body, 0)
    pltpu.sync_copy(prm_hbm, prm)
    plsc.subcore_barrier()

    tail_mask = iota16 >= 8
    tail_cols = iota16 + (D - 8)
    f32 = jnp.float32
    m8 = (iota16 == 8).astype(f32)
    m9 = (iota16 == 9).astype(f32)
    m10 = (iota16 == 10).astype(f32)
    oh11 = (iota16 == 11).astype(f32)
    bc = prm[pl.ds(256, 16)]
    cD = jnp.full((16,), D, jnp.int32)
    cD1 = jnp.full((16,), D + 1, jnp.int32)
    cD2 = jnp.full((16,), D + 2, jnp.int32)
    base = wid * EPW

    def fetch_and_issue(cnum, i1, i2, t1, t2, am, sem):
        off = base + cnum * K
        pltpu.sync_copy(first_hbm.at[pl.ds(off, K)], i1)
        pltpu.sync_copy(second_hbm.at[pl.ds(off, K)], i2)
        pltpu.async_copy(t1_hbm.at[i1], t1, sem)
        pltpu.async_copy(t2_hbm.at[i2], t2, sem)
        pltpu.async_copy(am_hbm.at[pl.ds(off, K)], am, sem)

    def drain(t1, t2, am, sem):
        pltpu.make_async_copy(t1_hbm.at[pl.ds(0, K)], t1, sem).wait()
        pltpu.make_async_copy(t2_hbm.at[pl.ds(0, K)], t2, sem).wait()
        pltpu.make_async_copy(am_hbm.at[pl.ds(0, K)], am, sem).wait()

    def compute_scatter(i1, t1, t2, am):
        @plsc.parallel_loop(0, K, 1, unroll=2)
        def edge_body(j):
            jv = jnp.full((16,), j, jnp.int32)
            dxs = plsc.load_gather(t1, [jv, cD]) - plsc.load_gather(t2, [jv, cD])
            dys = plsc.load_gather(t1, [jv, cD1]) - plsc.load_gather(t2, [jv, cD1])
            dzs = plsc.load_gather(t1, [jv, cD2]) - plsc.load_gather(t2, [jv, cD2])
            cdn = dxs * dxs + dys * dys + dzs * dzs
            dot = zeros16
            for r in range(8):
                sl = pl.ds(r * 16, 16)
                x = t1[j, sl] + t2[j, sl] + am[j, sl] + cdn * prm[sl]
                e = x / (1.0 + jnp.exp(-x))
                stage[j, sl] = e
                dot = dot + e * prm[pl.ds(D + r * 16, 16)]
            svec = _lanesum(dot, iota16) + bc
            tail = (dxs * m8 + dys * m9 + dzs * m10) * svec + oh11
            plsc.store_scatter(stage, [jv, tail_cols], tail, mask=tail_mask)
        pltpu.sync_copy(stage, acc.at[i1], add=True)

    fetch_and_issue(0, idx1a, idx2a, t1a, t2a, ama, semA)

    def chunk_pair(i, carry):
        fetch_and_issue(2 * i + 1, idx1b, idx2b, t1b, t2b, amb, semB)
        drain(t1a, t2a, ama, semA)
        compute_scatter(idx1a, t1a, t2a, ama)
        cn = jnp.minimum(2 * i + 2, NCH - 1)
        fetch_and_issue(cn, idx1a, idx2a, t1a, t2a, ama, semA)
        drain(t1b, t2b, amb, semB)
        compute_scatter(idx1b, t1b, t2b, amb)
        return carry

    lax.fori_loop(0, NCH // 2, chunk_pair, 0)
    drain(t1a, t2a, ama, semA)
    plsc.subcore_barrier()
    pltpu.sync_copy(acc.at[pl.ds(sid * RPT, RPT)],
                    out_hbm.at[cid, pl.ds(sid * RPT, RPT)])


_edge_pass = functools.partial(
    pl.kernel,
    out_type=jax.ShapeDtypeStruct((2, N, AW), jnp.float32),
    mesh=plsc.VectorSubcoreMesh(core_axis_name="c", subcore_axis_name="s"),
    compiler_params=pltpu.CompilerParams(
        use_tc_tiling_on_sc=False, needs_layout_passes=False),
    scratch_types=[
        pltpu.VMEM_SHARED((N, AW), jnp.float32),
        pltpu.VMEM((K,), jnp.int32),
        pltpu.VMEM((K,), jnp.int32),
        pltpu.VMEM((K, AW), jnp.float32),
        pltpu.VMEM((K, AW), jnp.float32),
        pltpu.VMEM((K, D), jnp.float32),
        pltpu.VMEM((K,), jnp.int32),
        pltpu.VMEM((K,), jnp.int32),
        pltpu.VMEM((K, AW), jnp.float32),
        pltpu.VMEM((K, AW), jnp.float32),
        pltpu.VMEM((K, D), jnp.float32),
        pltpu.VMEM((K, AW), jnp.float32),
        pltpu.VMEM((288,), jnp.float32),
        pltpu.VMEM((5, AW), jnp.float32),
        pltpu.SemaphoreType.DMA,
        pltpu.SemaphoreType.DMA,
    ],
)(_edge_pass_body)


def kernel(node_features, edge_index, edge_attr, W_edge, b_edge, W_coord,
           b_coord, W_node, b_node):
    f32 = jnp.float32
    coords = node_features[:, :C]
    feats = node_features[:, C:]
    coords8 = jnp.pad(coords, ((0, 0), (0, 8 - C)))
    coords16 = jnp.pad(coords, ((0, 0), (0, 16 - C)))
    first = edge_index[0].astype(jnp.int32)
    second = edge_index[1].astype(jnp.int32)
    W1 = W_edge[:D]
    W2 = W_edge[D:2 * D]
    w_norm = W_edge[2 * D]
    Wa = W_edge[2 * D + 1:]

    t1, t2 = pl.pallas_call(
        _prep_nodes_body,
        grid=(N // NB,),
        in_specs=[
            pl.BlockSpec((NB, D), lambda i: (i, 0)),
            pl.BlockSpec((NB, 8), lambda i: (i, 0)),
            pl.BlockSpec((D, D), lambda i: (0, 0)),
            pl.BlockSpec((D, D), lambda i: (0, 0)),
        ],
        out_specs=[
            pl.BlockSpec((NB, AW), lambda i: (i, 0)),
            pl.BlockSpec((NB, AW), lambda i: (i, 0)),
        ],
        out_shape=[
            jax.ShapeDtypeStruct((N, AW), f32),
            jax.ShapeDtypeStruct((N, AW), f32),
        ],
    )(feats, coords8, W1, W2)

    am = pl.pallas_call(
        _prep_edges_body,
        grid=(E // EB,),
        in_specs=[
            pl.BlockSpec((EB, DE), lambda i: (i, 0)),
            pl.BlockSpec((DE, D), lambda i: (0, 0)),
            pl.BlockSpec((1, D), lambda i: (0, 0)),
        ],
        out_specs=pl.BlockSpec((EB, D), lambda i: (i, 0)),
        out_shape=jax.ShapeDtypeStruct((E, D), f32),
    )(edge_attr, Wa, b_edge.reshape(1, D))

    prm = jnp.zeros((288,), f32)
    prm = prm.at[0:D].set(w_norm)
    prm = prm.at[D:2 * D].set(W_coord[:, 0])
    prm = prm.at[256:272].set(jnp.full((16,), b_coord[0], f32))

    partials = _edge_pass(t1, t2, am, first, second, prm)

    packed = pl.pallas_call(
        _finish_body,
        grid=(N // NB,),
        in_specs=[
            pl.BlockSpec((2, NB, AW), lambda i: (0, i, 0)),
            pl.BlockSpec((NB, D), lambda i: (i, 0)),
            pl.BlockSpec((NB, 16), lambda i: (i, 0)),
            pl.BlockSpec((D, D), lambda i: (0, 0)),
            pl.BlockSpec((D, D), lambda i: (0, 0)),
            pl.BlockSpec((1, D), lambda i: (0, 0)),
        ],
        out_specs=pl.BlockSpec((NB, C + D), lambda i: (i, 0)),
        out_shape=jax.ShapeDtypeStruct((N, C + D), f32),
    )(partials, feats, coords16, W_node[:D], W_node[D:], b_node.reshape(1, D))

    return (packed, edge_index, edge_attr)

# --- scband reference (transcript-rebuilt; emitter-appended) ---
"""Pipeline reference for scband-equivariant-graph-convolution-45045617001163 (READ-ONLY COPY).

The authoritative reference and input builder live on the scoring server;
editing this copy changes nothing except your own understanding.
"""

import jax, jax.numpy as jnp
import numpy as np

N = 10000
E = 320000
D = 128
DE = 16
C = 3

def setup_inputs(seed: int = 0) -> dict:
    key = jax.random.key(seed)
    ks = jax.random.split(key, 8)
    node_features = jax.random.normal(ks[0], (N, C + D), dtype=jnp.float32)
    edge_index = jax.random.randint(ks[1], (2, E), 0, N, dtype=jnp.int64)
    edge_attr = jax.random.normal(ks[2], (E, DE), dtype=jnp.float32)
    W_edge = jax.random.normal(ks[3], (2 * D + 1 + DE, D), dtype=jnp.float32) * 0.02
    b_edge = jnp.zeros((D,), dtype=jnp.float32)
    W_coord = jax.random.normal(ks[4], (D, 1), dtype=jnp.float32) * 0.02
    b_coord = jnp.zeros((1,), dtype=jnp.float32)
    W_node = jax.random.normal(ks[5], (2 * D, D), dtype=jnp.float32) * 0.02
    b_node = jnp.zeros((D,), dtype=jnp.float32)
    return {"node_features": node_features, "edge_index": edge_index, "edge_attr": edge_attr,
            "W_edge": W_edge, "b_edge": b_edge, "W_coord": W_coord, "b_coord": b_coord,
            "W_node": W_node, "b_node": b_node}

def reference(node_features, edge_index, edge_attr, W_edge, b_edge, W_coord, b_coord, W_node, b_node):
    # unpack_node_params: num_coords=3, num_velocities=0
    coords = node_features[:, :C]
    feats = node_features[:, C:]
    first = edge_index[0]
    second = edge_index[1]
    # phi_edge input
    coords_diff = coords[first] - coords[second]                      # gather
    coords_diff_norm = jnp.sum(coords_diff ** 2, axis=1, keepdims=True)
    edges_in = jnp.concatenate([feats[first], feats[second], coords_diff_norm, edge_attr], axis=1)
    edges = jax.nn.silu(edges_in @ W_edge + b_edge)                   # phi_edge
    # coordinate update: unsorted_segment_mean(coords_diff * phi_coord(edges), first, N)
    coord_msg = coords_diff * (edges @ W_coord + b_coord)
    seg_sum = jax.ops.segment_sum(coord_msg, first, num_segments=N)   # scatter-add
    counts = jax.ops.segment_sum(jnp.ones((E, 1), dtype=jnp.float32), first, num_segments=N)
    counts = jnp.clip(counts, 1.0, None)
    coords_new = coords + seg_sum / counts
    # node update: unsorted_segment_sum(edges, first, N)
    neighbours_sum = jax.ops.segment_sum(edges, first, num_segments=N)
    nodes_in = jnp.concatenate([feats, neighbours_sum], axis=1)
    nodes = jax.nn.silu(nodes_in @ W_node + b_node)                   # phi_node
    packed = jnp.concatenate([coords_new, nodes], axis=1)             # pack_node_params (no velocities)
    return (packed, edge_index, edge_attr)

if __name__ == "__main__":
    import jax
    _d = setup_inputs()
    print(jax.jit(kernel)(*tuple(_d.values())))

</pallas_src>

<mosaic_0001>
#map = affine_map<(d0, d1) -> (0, 0)>
#map1 = affine_map<(d0, d1) -> (0)>
#map2 = affine_map<(d0, d1) -> (0, 0, 0)>
module attributes {stable_mosaic.version = 14 : i64} {
  func.func @_edge_pass_body(%arg0: i32, %arg1: i32, %arg2: memref<10000x136xf32, #tpu.memory_space<hbm>>, %arg3: memref<10000x136xf32, #tpu.memory_space<hbm>>, %arg4: memref<320000x128xf32, #tpu.memory_space<hbm>>, %arg5: memref<320000xi32, #tpu.memory_space<hbm>>, %arg6: memref<320000xi32, #tpu.memory_space<hbm>>, %arg7: memref<288xf32, #tpu.memory_space<hbm>>, %arg8: memref<2x10000x136xf32, #tpu.memory_space<hbm>>, %arg9: memref<10000x136xf32, #tpu.memory_space<vmem_shared>>, %arg10: memref<40xi32, #tpu.memory_space<vmem>>, %arg11: memref<40xi32, #tpu.memory_space<vmem>>, %arg12: memref<40x136xf32, #tpu.memory_space<vmem>>, %arg13: memref<40x136xf32, #tpu.memory_space<vmem>>, %arg14: memref<40x128xf32, #tpu.memory_space<vmem>>, %arg15: memref<40xi32, #tpu.memory_space<vmem>>, %arg16: memref<40xi32, #tpu.memory_space<vmem>>, %arg17: memref<40x136xf32, #tpu.memory_space<vmem>>, %arg18: memref<40x136xf32, #tpu.memory_space<vmem>>, %arg19: memref<40x128xf32, #tpu.memory_space<vmem>>, %arg20: memref<40x136xf32, #tpu.memory_space<vmem>>, %arg21: memref<288xf32, #tpu.memory_space<vmem>>, %arg22: memref<5x136xf32, #tpu.memory_space<vmem>>, %arg23: memref<!tpu.dma_semaphore, #tpu.memory_space<semaphore_mem>>, %arg24: memref<!tpu.dma_semaphore, #tpu.memory_space<semaphore_mem>>) attributes {dimension_semantics = [#tpu.dimension_semantics<core_parallel>, #tpu.dimension_semantics<subcore_parallel>], iteration_bounds = array<i64: 2, 16>, scalar_prefetch = 0 : i64, scratch_operands = 16 : i64, tpu.core_type = #tpu.core_type<sc_vector_subcore>, window_params = [{transform_indices = #map}, {transform_indices = #map}, {transform_indices = #map}, {transform_indices = #map1}, {transform_indices = #map1}, {transform_indices = #map1}, {transform_indices = #map2}]} {
    %mul3A = arith.constant 16 : i32
    %mul3A_0 = arith.muli %arg0, %mul3A : i32
    %add3A = arith.addi %mul3A_0, %arg1 : i32
    %broadcast_in_dim3A = arith.constant 0.000000e+00 : f32
    %broadcast_in_dim3A_1 = vector.broadcast %broadcast_in_dim3A : f32 to vector<16xf32>
    %iota3A = tpu.iota {dimensions = array<i32: 0>} : vector<16xi32>
    %swap3A = arith.constant 0 : i32
    %swap3A_2 = arith.index_cast %swap3A : i32 to index
    %swap3A_3 = arith.constant 0 : index
    %swap3A_4 = tpu.vector_load %arg22[%swap3A_2, %swap3A_3] {strides = array<i32>} : memref<5x136xf32, #tpu.memory_space<vmem>>, vector<16xf32>,
    tpu.vector_store %arg22[%swap3A_2, %swap3A_3], %broadcast_in_dim3A_1 {strides = array<i32>} : memref<5x136xf32, #tpu.memory_space<vmem>>, vector<16xf32>,
    %swap3A_5 = arith.constant 0 : i32
    %swap3A_6 = arith.index_cast %swap3A_5 : i32 to index
    %swap3A_7 = arith.constant 16 : index
    %swap3A_8 = tpu.vector_load %arg22[%swap3A_6, %swap3A_7] {strides = array<i32>} : memref<5x136xf32, #tpu.memory_space<vmem>>, vector<16xf32>,
    tpu.vector_store %arg22[%swap3A_6, %swap3A_7], %broadcast_in_dim3A_1 {strides = array<i32>} : memref<5x136xf32, #tpu.memory_space<vmem>>, vector<16xf32>,
    %swap3A_9 = arith.constant 0 : i32
    %swap3A_10 = arith.index_cast %swap3A_9 : i32 to index
    %swap3A_11 = arith.constant 32 : index
    %swap3A_12 = tpu.vector_load %arg22[%swap3A_10, %swap3A_11] {strides = array<i32>} : memref<5x136xf32, #tpu.memory_space<vmem>>, vector<16xf32>,
    tpu.vector_store %arg22[%swap3A_10, %swap3A_11], %broadcast_in_dim3A_1 {strides = array<i32>} : memref<5x136xf32, #tpu.memory_space<vmem>>, vector<16xf32>,
    %swap3A_13 = arith.constant 0 : i32
    %swap3A_14 = arith.index_cast %swap3A_13 : i32 to index
    %swap3A_15 = arith.constant 48 : index
    %swap3A_16 = tpu.vector_load %arg22[%swap3A_14, %swap3A_15] {strides = array<i32>} : memref<5x136xf32, #tpu.memory_space<vmem>>, vector<16xf32>,
    tpu.vector_store %arg22[%swap3A_14, %swap3A_15], %broadcast_in_dim3A_1 {strides = array<i32>} : memref<5x136xf32, #tpu.memory_space<vmem>>, vector<16xf32>,
    %swap3A_17 = arith.constant 0 : i32
    %swap3A_18 = arith.index_cast %swap3A_17 : i32 to index
    %swap3A_19 = arith.constant 64 : index
    %swap3A_20 = tpu.vector_load %arg22[%swap3A_18, %swap3A_19] {strides = array<i32>} : memref<5x136xf32, #tpu.memory_space<vmem>>, vector<16xf32>,
    tpu.vector_store %arg22[%swap3A_18, %swap3A_19], %broadcast_in_dim3A_1 {strides = array<i32>} : memref<5x136xf32, #tpu.memory_space<vmem>>, vector<16xf32>,
    %swap3A_21 = arith.constant 0 : i32
    %swap3A_22 = arith.index_cast %swap3A_21 : i32 to index
    %swap3A_23 = arith.constant 80 : index
    %swap3A_24 = tpu.vector_load %arg22[%swap3A_22, %swap3A_23] {strides = array<i32>} : memref<5x136xf32, #tpu.memory_space<vmem>>, vector<16xf32>,
    tpu.vector_store %arg22[%swap3A_22, %swap3A_23], %broadcast_in_dim3A_1 {strides = array<i32>} : memref<5x136xf32, #tpu.memory_space<vmem>>, vector<16xf32>,
    %swap3A_25 = arith.constant 0 : i32
    %swap3A_26 = arith.index_cast %swap3A_25 : i32 to index
    %swap3A_27 = arith.constant 96 : index
    %swap3A_28 = tpu.vector_load %arg22[%swap3A_26, %swap3A_27] {strides = array<i32>} : memref<5x136xf32, #tpu.memory_space<vmem>>, vector<16xf32>,
    tpu.vector_store %arg22[%swap3A_26, %swap3A_27], %broadcast_in_dim3A_1 {strides = array<i32>} : memref<5x136xf32, #tpu.memory_space<vmem>>, vector<16xf32>,
    %swap3A_29 = arith.constant 0 : i32
    %swap3A_30 = arith.index_cast %swap3A_29 : i32 to index
    %swap3A_31 = arith.constant 112 : index
    %swap3A_32 = tpu.vector_load %arg22[%swap3A_30, %swap3A_31] {strides = array<i32>} : memref<5x136xf32, #tpu.memory_space<vmem>>, vector<16xf32>,
    tpu.vector_store %arg22[%swap3A_30, %swap3A_31], %broadcast_in_dim3A_1 {strides = array<i32>} : memref<5x136xf32, #tpu.memory_space<vmem>>, vector<16xf32>,
    %swap3A_33 = arith.constant 0 : i32
    %swap3A_34 = arith.index_cast %swap3A_33 : i32 to index
    %swap3A_35 = arith.constant 120 : index
    %swap3A_36 = tpu.vector_load %arg22[%swap3A_34, %swap3A_35] {strides = array<i32>} : memref<5x136xf32, #tpu.memory_space<vmem>>, vector<16xf32>,
    tpu.vector_store %arg22[%swap3A_34, %swap3A_35], %broadcast_in_dim3A_1 {strides = array<i32>} : memref<5x136xf32, #tpu.memory_space<vmem>>, vector<16xf32>,
    %swap3A_37 = arith.constant 1 : i32
    %swap3A_38 = arith.index_cast %swap3A_37 : i32 to index
    %swap3A_39 = arith.constant 0 : index
    %swap3A_40 = tpu.vector_load %arg22[%swap3A_38, %swap3A_39] {strides = array<i32>} : memref<5x136xf32, #tpu.memory_space<vmem>>, vector<16xf32>,
    tpu.vector_store %arg22[%swap3A_38, %swap3A_39], %broadcast_in_dim3A_1 {strides = array<i32>} : memref<5x136xf32, #tpu.memory_space<vmem>>, vector<16xf32>,
    %swap3A_41 = arith.constant 1 : i32
    %swap3A_42 = arith.index_cast %swap3A_41 : i32 to index
    %swap3A_43 = arith.constant 16 : index
    %swap3A_44 = tpu.vector_load %arg22[%swap3A_42, %swap3A_43] {strides = array<i32>} : memref<5x136xf32, #tpu.memory_space<vmem>>, vector<16xf32>,
    tpu.vector_store %arg22[%swap3A_42, %swap3A_43], %broadcast_in_dim3A_1 {strides = array<i32>} : memref<5x136xf32, #tpu.memory_space<vmem>>, vector<16xf32>,
    %swap3A_45 = arith.constant 1 : i32
    %swap3A_46 = arith.index_cast %swap3A_45 : i32 to index
    %swap3A_47 = arith.constant 32 : index
    %swap3A_48 = tpu.vector_load %arg22[%swap3A_46, %swap3A_47] {strides = array<i32>} : memref<5x136xf32, #tpu.memory_space<vmem>>, vector<16xf32>,
    tpu.vector_store %arg22[%swap3A_46, %swap3A_47], %broadcast_in_dim3A_1 {strides = array<i32>} : memref<5x136xf32, #tpu.memory_space<vmem>>, vector<16xf32>,
    %swap3A_49 = arith.constant 1 : i32
    %swap3A_50 = arith.index_cast %swap3A_49 : i32 to index
    %swap3A_51 = arith.constant 48 : index
    %swap3A_52 = tpu.vector_load %arg22[%swap3A_50, %swap3A_51] {strides = array<i32>} : memref<5x136xf32, #tpu.memory_space<vmem>>, vector<16xf32>,
    tpu.vector_store %arg22[%swap3A_50, %swap3A_51], %broadcast_in_dim3A_1 {strides = array<i32>} : memref<5x136xf32, #tpu.memory_space<vmem>>, vector<16xf32>,
    %swap3A_53 = arith.constant 1 : i32
    %swap3A_54 = arith.index_cast %swap3A_53 : i32 to index
    %swap3A_55 = arith.constant 64 : index
    %swap3A_56 = tpu.vector_load %arg22[%swap3A_54, %swap3A_55] {strides = array<i32>} : memref<5x136xf32, #tpu.memory_space<vmem>>, vector<16xf32>,
    tpu.vector_store %arg22[%swap3A_54, %swap3A_55], %broadcast_in_dim3A_1 {strides = array<i32>} : memref<5x136xf32, #tpu.memory_space<vmem>>, vector<16xf32>,
    %swap3A_57 = arith.constant 1 : i32
    %swap3A_58 = arith.index_cast %swap3A_57 : i32 to index
    %swap3A_59 = arith.constant 80 : index
    %swap3A_60 = tpu.vector_load %arg22[%swap3A_58, %swap3A_59] {strides = array<i32>} : memref<5x136xf32, #tpu.memory_space<vmem>>, vector<16xf32>,
    tpu.vector_store %arg22[%swap3A_58, %swap3A_59], %broadcast_in_dim3A_1 {strides = array<i32>} : memref<5x136xf32, #tpu.memory_space<vmem>>, vector<16xf32>,
    %swap3A_61 = arith.constant 1 : i32
    %swap3A_62 = arith.index_cast %swap3A_61 : i32 to index
    %swap3A_63 = arith.constant 96 : index
    %swap3A_64 = tpu.vector_load %arg22[%swap3A_62, %swap3A_63] {strides = array<i32>} : memref<5x136xf32, #tpu.memory_space<vmem>>, vector<16xf32>,
    tpu.vector_store %arg22[%swap3A_62, %swap3A_63], %broadcast_in_dim3A_1 {strides = array<i32>} : memref<5x136xf32, #tpu.memory_space<vmem>>, vector<16xf32>,
    %swap3A_65 = arith.constant 1 : i32
    %swap3A_66 = arith.index_cast %swap3A_65 : i32 to index
    %swap3A_67 = arith.constant 112 : index
    %swap3A_68 = tpu.vector_load %arg22[%swap3A_66, %swap3A_67] {strides = array<i32>} : memref<5x136xf32, #tpu.memory_space<vmem>>, vector<16xf32>,
    tpu.vector_store %arg22[%swap3A_66, %swap3A_67], %broadcast_in_dim3A_1 {strides = array<i32>} : memref<5x136xf32, #tpu.memory_space<vmem>>, vector<16xf32>,
    %swap3A_69 = arith.constant 1 : i32
    %swap3A_70 = arith.index_cast %swap3A_69 : i32 to index
    %swap3A_71 = arith.constant 120 : index
    %swap3A_72 = tpu.vector_load %arg22[%swap3A_70, %swap3A_71] {strides = array<i32>} : memref<5x136xf32, #tpu.memory_space<vmem>>, vector<16xf32>,
    tpu.vector_store %arg22[%swap3A_70, %swap3A_71], %broadcast_in_dim3A_1 {strides = array<i32>} : memref<5x136xf32, #tpu.memory_space<vmem>>, vector<16xf32>,
    %swap3A_73 = arith.constant 2 : i32
    %swap3A_74 = arith.index_cast %swap3A_73 : i32 to index
    %swap3A_75 = arith.constant 0 : index
    %swap3A_76 = tpu.vector_load %arg22[%swap3A_74, %swap3A_75] {strides = array<i32>} : memref<5x136xf32, #tpu.memory_space<vmem>>, vector<16xf32>,
    tpu.vector_store %arg22[%swap3A_74, %swap3A_75], %broadcast_in_dim3A_1 {strides = array<i32>} : memref<5x136xf32, #tpu.memory_space<vmem>>, vector<16xf32>,
    %swap3A_77 = arith.constant 2 : i32
    %swap3A_78 = arith.index_cast %swap3A_77 : i32 to index
    %swap3A_79 = arith.constant 16 : index
    %swap3A_80 = tpu.vector_load %arg22[%swap3A_78, %swap3A_79] {strides = array<i32>} : memref<5x136xf32, #tpu.memory_space<vmem>>, vector<16xf32>,
    tpu.vector_store %arg22[%swap3A_78, %swap3A_79], %broadcast_in_dim3A_1 {strides = array<i32>} : memref<5x136xf32, #tpu.memory_space<vmem>>, vector<16xf32>,
    %swap3A_81 = arith.constant 2 : i32
    %swap3A_82 = arith.index_cast %swap3A_81 : i32 to index
    %swap3A_83 = arith.constant 32 : index
    %swap3A_84 = tpu.vector_load %arg22[%swap3A_82, %swap3A_83] {strides = array<i32>} : memref<5x136xf32, #tpu.memory_space<vmem>>, vector<16xf32>,
    tpu.vector_store %arg22[%swap3A_82, %swap3A_83], %broadcast_in_dim3A_1 {strides = array<i32>} : memref<5x136xf32, #tpu.memory_space<vmem>>, vector<16xf32>,
    %swap3A_85 = arith.constant 2 : i32
    %swap3A_86 = arith.index_cast %swap3A_85 : i32 to index
    %swap3A_87 = arith.constant 48 : index
    %swap3A_88 = tpu.vector_load %arg22[%swap3A_86, %swap3A_87] {strides = array<i32>} : memref<5x136xf32, #tpu.memory_space<vmem>>, vector<16xf32>,
    tpu.vector_store %arg22[%swap3A_86, %swap3A_87], %broadcast_in_dim3A_1 {strides = array<i32>} : memref<5x136xf32, #tpu.memory_space<vmem>>, vector<16xf32>,
    %swap3A_89 = arith.constant 2 : i32
    %swap3A_90 = arith.index_cast %swap3A_89 : i32 to index
    %swap3A_91 = arith.constant 64 : index
    %swap3A_92 = tpu.vector_load %arg22[%swap3A_90, %swap3A_91] {strides = array<i32>} : memref<5x136xf32, #tpu.memory_space<vmem>>, vector<16xf32>,
    tpu.vector_store %arg22[%swap3A_90, %swap3A_91], %broadcast_in_dim3A_1 {strides = array<i32>} : memref<5x136xf32, #tpu.memory_space<vmem>>, vector<16xf32>,
    %swap3A_93 = arith.constant 2 : i32
    %swap3A_94 = arith.index_cast %swap3A_93 : i32 to index
    %swap3A_95 = arith.constant 80 : index
    %swap3A_96 = tpu.vector_load %arg22[%swap3A_94, %swap3A_95] {strides = array<i32>} : memref<5x136xf32, #tpu.memory_space<vmem>>, vector<16xf32>,
    tpu.vector_store %arg22[%swap3A_94, %swap3A_95], %broadcast_in_dim3A_1 {strides = array<i32>} : memref<5x136xf32, #tpu.memory_space<vmem>>, vector<16xf32>,
    %swap3A_97 = arith.constant 2 : i32
    %swap3A_98 = arith.index_cast %swap3A_97 : i32 to index
    %swap3A_99 = arith.constant 96 : index
    %swap3A_100 = tpu.vector_load %arg22[%swap3A_98, %swap3A_99] {strides = array<i32>} : memref<5x136xf32, #tpu.memory_space<vmem>>, vector<16xf32>,
    tpu.vector_store %arg22[%swap3A_98, %swap3A_99], %broadcast_in_dim3A_1 {strides = array<i32>} : memref<5x136xf32, #tpu.memory_space<vmem>>, vector<16xf32>,
    %swap3A_101 = arith.constant 2 : i32
    %swap3A_102 = arith.index_cast %swap3A_101 : i32 to index
    %swap3A_103 = arith.constant 112 : index
    %swap3A_104 = tpu.vector_load %arg22[%swap3A_102, %swap3A_103] {strides = array<i32>} : memref<5x136xf32, #tpu.memory_space<vmem>>, vector<16xf32>,
    tpu.vector_store %arg22[%swap3A_102, %swap3A_103], %broadcast_in_dim3A_1 {strides = array<i32>} : memref<5x136xf32, #tpu.memory_space<vmem>>, vector<16xf32>,
    %swap3A_105 = arith.constant 2 : i32
    %swap3A_106 = arith.index_cast %swap3A_105 : i32 to index
    %swap3A_107 = arith.constant 120 : index
    %swap3A_108 = tpu.vector_load %arg22[%swap3A_106, %swap3A_107] {strides = array<i32>} : memref<5x136xf32, #tpu.memory_space<vmem>>, vector<16xf32>,
    tpu.vector_store %arg22[%swap3A_106, %swap3A_107], %broadcast_in_dim3A_1 {strides = array<i32>} : memref<5x136xf32, #tpu.memory_space<vmem>>, vector<16xf32>,
    %swap3A_109 = arith.constant 3 : i32
    %swap3A_110 = arith.index_cast %swap3A_109 : i32 to index
    %swap3A_111 = arith.constant 0 : index
    %swap3A_112 = tpu.vector_load %arg22[%swap3A_110, %swap3A_111] {strides = array<i32>} : memref<5x136xf32, #tpu.memory_space<vmem>>, vector<16xf32>,
    tpu.vector_store %arg22[%swap3A_110, %swap3A_111], %broadcast_in_dim3A_1 {strides = array<i32>} : memref<5x136xf32, #tpu.memory_space<vmem>>, vector<16xf32>,
    %swap3A_113 = arith.constant 3 : i32
    %swap3A_114 = arith.index_cast %swap3A_113 : i32 to index
    %swap3A_115 = arith.constant 16 : index
    %swap3A_116 = tpu.vector_load %arg22[%swap3A_114, %swap3A_115] {strides = array<i32>} : memref<5x136xf32, #tpu.memory_space<vmem>>, vector<16xf32>,
    tpu.vector_store %arg22[%swap3A_114, %swap3A_115], %broadcast_in_dim3A_1 {strides = array<i32>} : memref<5x136xf32, #tpu.memory_space<vmem>>, vector<16xf32>,
    %swap3A_117 = arith.constant 3 : i32
    %swap3A_118 = arith.index_cast %swap3A_117 : i32 to index
    %swap3A_119 = arith.constant 32 : index
    %swap3A_120 = tpu.vector_load %arg22[%swap3A_118, %swap3A_119] {strides = array<i32>} : memref<5x136xf32, #tpu.memory_space<vmem>>, vector<16xf32>,
    tpu.vector_store %arg22[%swap3A_118, %swap3A_119], %broadcast_in_dim3A_1 {strides = array<i32>} : memref<5x136xf32, #tpu.memory_space<vmem>>, vector<16xf32>,
    %swap3A_121 = arith.constant 3 : i32
    %swap3A_122 = arith.index_cast %swap3A_121 : i32 to index
    %swap3A_123 = arith.constant 48 : index
    %swap3A_124 = tpu.vector_load %arg22[%swap3A_122, %swap3A_123] {strides = array<i32>} : memref<5x136xf32, #tpu.memory_space<vmem>>, vector<16xf32>,
    tpu.vector_store %arg22[%swap3A_122, %swap3A_123], %broadcast_in_dim3A_1 {strides = array<i32>} : memref<5x136xf32, #tpu.memory_space<vmem>>, vector<16xf32>,
    %swap3A_125 = arith.constant 3 : i32
    %swap3A_126 = arith.index_cast %swap3A_125 : i32 to index
    %swap3A_127 = arith.constant 64 : index
    %swap3A_128 = tpu.vector_load %arg22[%swap3A_126, %swap3A_127] {strides = array<i32>} : memref<5x136xf32, #tpu.memory_space<vmem>>, vector<16xf32>,
    tpu.vector_store %arg22[%swap3A_126, %swap3A_127], %broadcast_in_dim3A_1 {strides = array<i32>} : memref<5x136xf32, #tpu.memory_space<vmem>>, vector<16xf32>,
    %swap3A_129 = arith.constant 3 : i32
    %swap3A_130 = arith.index_cast %swap3A_129 : i32 to index
    %swap3A_131 = arith.constant 80 : index
    %swap3A_132 = tpu.vector_load %arg22[%swap3A_130, %swap3A_131] {strides = array<i32>} : memref<5x136xf32, #tpu.memory_space<vmem>>, vector<16xf32>,
    tpu.vector_store %arg22[%swap3A_130, %swap3A_131], %broadcast_in_dim3A_1 {strides = array<i32>} : memref<5x136xf32, #tpu.memory_space<vmem>>, vector<16xf32>,
    %swap3A_133 = arith.constant 3 : i32
    %swap3A_134 = arith.index_cast %swap3A_133 : i32 to index
    %swap3A_135 = arith.constant 96 : index
    %swap3A_136 = tpu.vector_load %arg22[%swap3A_134, %swap3A_135] {strides = array<i32>} : memref<5x136xf32, #tpu.memory_space<vmem>>, vector<16xf32>,
    tpu.vector_store %arg22[%swap3A_134, %swap3A_135], %broadcast_in_dim3A_1 {strides = array<i32>} : memref<5x136xf32, #tpu.memory_space<vmem>>, vector<16xf32>,
    %swap3A_137 = arith.constant 3 : i32
    %swap3A_138 = arith.index_cast %swap3A_137 : i32 to index
    %swap3A_139 = arith.constant 112 : index
    %swap3A_140 = tpu.vector_load %arg22[%swap3A_138, %swap3A_139] {strides = array<i32>} : memref<5x136xf32, #tpu.memory_space<vmem>>, vector<16xf32>,
    tpu.vector_store %arg22[%swap3A_138, %swap3A_139], %broadcast_in_dim3A_1 {strides = array<i32>} : memref<5x136xf32, #tpu.memory_space<vmem>>, vector<16xf32>,
    %swap3A_141 = arith.constant 3 : i32
    %swap3A_142 = arith.index_cast %swap3A_141 : i32 to index
    %swap3A_143 = arith.constant 120 : index
    %swap3A_144 = tpu.vector_load %arg22[%swap3A_142, %swap3A_143] {strides = array<i32>} : memref<5x136xf32, #tpu.memory_space<vmem>>, vector<16xf32>,
    tpu.vector_store %arg22[%swap3A_142, %swap3A_143], %broadcast_in_dim3A_1 {strides = array<i32>} : memref<5x136xf32, #tpu.memory_space<vmem>>, vector<16xf32>,
    %swap3A_145 = arith.constant 4 : i32
    %swap3A_146 = arith.index_cast %swap3A_145 : i32 to index
    %swap3A_147 = arith.constant 0 : index
    %swap3A_148 = tpu.vector_load %arg22[%swap3A_146, %swap3A_147] {strides = array<i32>} : memref<5x136xf32, #tpu.memory_space<vmem>>, vector<16xf32>,
    tpu.vector_store %arg22[%swap3A_146, %swap3A_147], %broadcast_in_dim3A_1 {strides = array<i32>} : memref<5x136xf32, #tpu.memory_space<vmem>>, vector<16xf32>,
    %swap3A_149 = arith.constant 4 : i32
    %swap3A_150 = arith.index_cast %swap3A_149 : i32 to index
    %swap3A_151 = arith.constant 16 : index
    %swap3A_152 = tpu.vector_load %arg22[%swap3A_150, %swap3A_151] {strides = array<i32>} : memref<5x136xf32, #tpu.memory_space<vmem>>, vector<16xf32>,
    tpu.vector_store %arg22[%swap3A_150, %swap3A_151], %broadcast_in_dim3A_1 {strides = array<i32>} : memref<5x136xf32, #tpu.memory_space<vmem>>, vector<16xf32>,
    %swap3A_153 = arith.constant 4 : i32
    %swap3A_154 = arith.index_cast %swap3A_153 : i32 to index
    %swap3A_155 = arith.constant 32 : index
    %swap3A_156 = tpu.vector_load %arg22[%swap3A_154, %swap3A_155] {strides = array<i32>} : memref<5x136xf32, #tpu.memory_space<vmem>>, vector<16xf32>,
    tpu.vector_store %arg22[%swap3A_154, %swap3A_155], %broadcast_in_dim3A_1 {strides = array<i32>} : memref<5x136xf32, #tpu.memory_space<vmem>>, vector<16xf32>,
    %swap3A_157 = arith.constant 4 : i32
    %swap3A_158 = arith.index_cast %swap3A_157 : i32 to index
    %swap3A_159 = arith.constant 48 : index
    %swap3A_160 = tpu.vector_load %arg22[%swap3A_158, %swap3A_159] {strides = array<i32>} : memref<5x136xf32, #tpu.memory_space<vmem>>, vector<16xf32>,
    tpu.vector_store %arg22[%swap3A_158, %swap3A_159], %broadcast_in_dim3A_1 {strides = array<i32>} : memref<5x136xf32, #tpu.memory_space<vmem>>, vector<16xf32>,
    %swap3A_161 = arith.constant 4 : i32
    %swap3A_162 = arith.index_cast %swap3A_161 : i32 to index
    %swap3A_163 = arith.constant 64 : index
    %swap3A_164 = tpu.vector_load %arg22[%swap3A_162, %swap3A_163] {strides = array<i32>} : memref<5x136xf32, #tpu.memory_space<vmem>>, vector<16xf32>,
    tpu.vector_store %arg22[%swap3A_162, %swap3A_163], %broadcast_in_dim3A_1 {strides = array<i32>} : memref<5x136xf32, #tpu.memory_space<vmem>>, vector<16xf32>,
    %swap3A_165 = arith.constant 4 : i32
    %swap3A_166 = arith.index_cast %swap3A_165 : i32 to index
    %swap3A_167 = arith.constant 80 : index
    %swap3A_168 = tpu.vector_load %arg22[%swap3A_166, %swap3A_167] {strides = array<i32>} : memref<5x136xf32, #tpu.memory_space<vmem>>, vector<16xf32>,
    tpu.vector_store %arg22[%swap3A_166, %swap3A_167], %broadcast_in_dim3A_1 {strides = array<i32>} : memref<5x136xf32, #tpu.memory_space<vmem>>, vector<16xf32>,
    %swap3A_169 = arith.constant 4 : i32
    %swap3A_170 = arith.index_cast %swap3A_169 : i32 to index
    %swap3A_171 = arith.constant 96 : index
    %swap3A_172 = tpu.vector_load %arg22[%swap3A_170, %swap3A_171] {strides = array<i32>} : memref<5x136xf32, #tpu.memory_space<vmem>>, vector<16xf32>,
    tpu.vector_store %arg22[%swap3A_170, %swap3A_171], %broadcast_in_dim3A_1 {strides = array<i32>} : memref<5x136xf32, #tpu.memory_space<vmem>>, vector<16xf32>,
    %swap3A_173 = arith.constant 4 : i32
    %swap3A_174 = arith.index_cast %swap3A_173 : i32 to index
    %swap3A_175 = arith.constant 112 : index
    %swap3A_176 = tpu.vector_load %arg22[%swap3A_174, %swap3A_175] {strides = array<i32>} : memref<5x136xf32, #tpu.memory_space<vmem>>, vector<16xf32>,
    tpu.vector_store %arg22[%swap3A_174, %swap3A_175], %broadcast_in_dim3A_1 {strides = array<i32>} : memref<5x136xf32, #tpu.memory_space<vmem>>, vector<16xf32>,
    %swap3A_177 = arith.constant 4 : i32
    %swap3A_178 = arith.index_cast %swap3A_177 : i32 to index
    %swap3A_179 = arith.constant 120 : index
    %swap3A_180 = tpu.vector_load %arg22[%swap3A_178, %swap3A_179] {strides = array<i32>} : memref<5x136xf32, #tpu.memory_space<vmem>>, vector<16xf32>,
    tpu.vector_store %arg22[%swap3A_178, %swap3A_179], %broadcast_in_dim3A_1 {strides = array<i32>} : memref<5x136xf32, #tpu.memory_space<vmem>>, vector<16xf32>,
    %scan3A = arith.constant 0 : i32
    %scan3A_181 = arith.constant 0 : i32
    %scan3A_182 = arith.constant 125 : i32
    %scan3A_183 = arith.addi %scan3A_181, %scan3A_182 : i32
    %scan3A_184 = arith.constant 1 : i32
    scf.for %scan3A_257 = %scan3A_181 to %scan3A_183 step %scan3A_184  : i32 {
      %mul3A_258 = arith.constant 625 : i32
      %mul3A_259 = arith.muli %arg1, %mul3A_258 : i32
      %mul3A_260 = arith.constant 5 : i32
      %mul3A_261 = arith.muli %scan3A_257, %mul3A_260 : i32
      %add3A_262 = arith.addi %mul3A_259, %mul3A_261 : i32
      "tpu.region"() ({
        %run_scoped3A = tpu.sem_alloc : memref<!tpu.dma_semaphore, #tpu.memory_space<semaphore_mem>>
        %dma_start3A_263 = arith.constant 0 : i32
        %dma_start3A_264 = tpu.memref_slice %arg9[%add3A_262, %dma_start3A_263] : memref<10000x136xf32, #tpu.memory_space<vmem_shared>> -> memref<5x136xf32, #tpu.memory_space<vmem_shared>>
        %dma_start3A_265 = arith.constant 0 : i32
        %dma_start3A_266 = tpu.memref_slice %arg9[%add3A_262, %dma_start3A_265] : memref<10000x136xf32, #tpu.memory_space<vmem_shared>> -> memref<5x136xf32, #tpu.memory_space<vmem_shared>>
        tpu.enqueue_dma source(%arg22 : memref<5x136xf32, #tpu.memory_space<vmem>>) target(%dma_start3A_266 : memref<5x136xf32, #tpu.memory_space<vmem_shared>>) target_semaphore(%run_scoped3A : memref<!tpu.dma_semaphore, #tpu.memory_space<semaphore_mem>>)
        %dma_wait3A_267 = arith.constant 0 : i32
        %dma_wait3A_268 = tpu.memref_slice %arg9[%add3A_262, %dma_wait3A_267] : memref<10000x136xf32, #tpu.memory_space<vmem_shared>> -> memref<5x136xf32, #tpu.memory_space<vmem_shared>>
        %dma_wait3A_269 = arith.constant 0 : i32
        %dma_wait3A_270 = tpu.memref_slice %arg9[%add3A_262, %dma_wait3A_269] : memref<10000x136xf32, #tpu.memory_space<vmem_shared>> -> memref<5x136xf32, #tpu.memory_space<vmem_shared>>
        tpu.wait_dma2 semaphore(%run_scoped3A : memref<!tpu.dma_semaphore, #tpu.memory_space<semaphore_mem>>) src(%arg22 : memref<5x136xf32, #tpu.memory_space<vmem>>) dst(%dma_wait3A_270 : memref<5x136xf32, #tpu.memory_space<vmem_shared>>)
        tpu.yield
      }) : () -> ()
    }
    %scan3A_185 = arith.constant 125 : i32
    "tpu.region"() ({
      %run_scoped3A = tpu.sem_alloc : memref<!tpu.dma_semaphore, #tpu.memory_space<semaphore_mem>>
      tpu.enqueue_dma source(%arg7 : memref<288xf32, #tpu.memory_space<hbm>>) target(%arg21 : memref<288xf32, #tpu.memory_space<vmem>>) target_semaphore(%run_scoped3A : memref<!tpu.dma_semaphore, #tpu.memory_space<semaphore_mem>>)
      tpu.wait_dma2 semaphore(%run_scoped3A : memref<!tpu.dma_semaphore, #tpu.memory_space<semaphore_mem>>) src(%arg7 : memref<288xf32, #tpu.memory_space<hbm>>) dst(%arg21 : memref<288xf32, #tpu.memory_space<vmem>>)
      tpu.yield
    }) : () -> ()
    %barrier3A = arith.constant 0 : index
    tpu.barrier barrier_id(%barrier3A)
    %ge3A = arith.constant 8 : i32
    %ge3A_186 = vector.broadcast %ge3A : i32 to vector<16xi32>
    %ge3A_187 = arith.cmpi sge, %iota3A, %ge3A_186 : vector<16xi32>
    %add3A_188 = arith.constant 120 : i32
    %add3A_189 = vector.broadcast %add3A_188 : i32 to vector<16xi32>
    %add3A_190 = arith.addi %iota3A, %add3A_189 : vector<16xi32>
    %eq3A = arith.constant 8 : i32
    %eq3A_191 = vector.broadcast %eq3A : i32 to vector<16xi32>
    %eq3A_192 = arith.cmpi eq, %iota3A, %eq3A_191 : vector<16xi32>
    %convert_element_type3A = arith.extui %eq3A_192 : vector<16xi1> to vector<16xi32>
    %convert_element_type3A_193 = arith.sitofp %convert_element_type3A : vector<16xi32> to vector<16xf32>
    %eq3A_194 = arith.constant 9 : i32
    %eq3A_195 = vector.broadcast %eq3A_194 : i32 to vector<16xi32>
    %eq3A_196 = arith.cmpi eq, %iota3A, %eq3A_195 : vector<16xi32>
    %convert_element_type3A_197 = arith.extui %eq3A_196 : vector<16xi1> to vector<16xi32>
    %convert_element_type3A_198 = arith.sitofp %convert_element_type3A_197 : vector<16xi32> to vector<16xf32>
    %eq3A_199 = arith.constant 10 : i32
    %eq3A_200 = vector.broadcast %eq3A_199 : i32 to vector<16xi32>
    %eq3A_201 = arith.cmpi eq, %iota3A, %eq3A_200 : vector<16xi32>
    %convert_element_type3A_202 = arith.extui %eq3A_201 : vector<16xi1> to vector<16xi32>
    %convert_element_type3A_203 = arith.sitofp %convert_element_type3A_202 : vector<16xi32> to vector<16xf32>
    %eq3A_204 = arith.constant 11 : i32
    %eq3A_205 = vector.broadcast %eq3A_204 : i32 to vector<16xi32>
    %eq3A_206 = arith.cmpi eq, %iota3A, %eq3A_205 : vector<16xi32>
    %convert_element_type3A_207 = arith.extui %eq3A_206 : vector<16xi1> to vector<16xi32>
    %convert_element_type3A_208 = arith.sitofp %convert_element_type3A_207 : vector<16xi32> to vector<16xf32>
    %get3A = arith.constant 256 : index
    %get3A_209 = tpu.vector_load %arg21[%get3A] {strides = array<i32>} : memref<288xf32, #tpu.memory_space<vmem>>, vector<16xf32>,
    %broadcast_in_dim3A_210 = arith.constant 128 : i32
    %broadcast_in_dim3A_211 = vector.broadcast %broadcast_in_dim3A_210 : i32 to vector<16xi32>
    %broadcast_in_dim3A_212 = arith.constant 129 : i32
    %broadcast_in_dim3A_213 = vector.broadcast %broadcast_in_dim3A_212 : i32 to vector<16xi32>
    %broadcast_in_dim3A_214 = arith.constant 130 : i32
    %broadcast_in_dim3A_215 = vector.broadcast %broadcast_in_dim3A_214 : i32 to vector<16xi32>
    %mul3A_216 = arith.constant 10000 : i32
    %mul3A_217 = arith.muli %add3A, %mul3A_216 : i32
    %add3A_218 = arith.constant 0 : i32
    %add3A_219 = arith.addi %mul3A_217, %add3A_218 : i32
    "tpu.region"() ({
      %run_scoped3A = tpu.sem_alloc : memref<!tpu.dma_semaphore, #tpu.memory_space<semaphore_mem>>
      %dma_start3A_257 = tpu.memref_slice %arg5[%add3A_219] : memref<320000xi32, #tpu.memory_space<hbm>> -> memref<40xi32, #tpu.memory_space<hbm>>
      %dma_start3A_258 = tpu.memref_slice %arg5[%add3A_219] : memref<320000xi32, #tpu.memory_space<hbm>> -> memref<40xi32, #tpu.memory_space<hbm>>
      tpu.enqueue_dma source(%dma_start3A_258 : memref<40xi32, #tpu.memory_space<hbm>>) target(%arg10 : memref<40xi32, #tpu.memory_space<vmem>>) target_semaphore(%run_scoped3A : memref<!tpu.dma_semaphore, #tpu.memory_space<semaphore_mem>>)
      %dma_wait3A_259 = tpu.memref_slice %arg5[%add3A_219] : memref<320000xi32, #tpu.memory_space<hbm>> -> memref<40xi32, #tpu.memory_space<hbm>>
      %dma_wait3A_260 = tpu.memref_slice %arg5[%add3A_219] : memref<320000xi32, #tpu.memory_space<hbm>> -> memref<40xi32, #tpu.memory_space<hbm>>
      tpu.wait_dma2 semaphore(%run_scoped3A : memref<!tpu.dma_semaphore, #tpu.memory_space<semaphore_mem>>) src(%dma_wait3A_260 : memref<40xi32, #tpu.memory_space<hbm>>) dst(%arg10 : memref<40xi32, #tpu.memory_space<vmem>>)
      tpu.yield
    }) : () -> ()
    "tpu.region"() ({
      %run_scoped3A = tpu.sem_alloc : memref<!tpu.dma_semaphore, #tpu.memory_space<semaphore_mem>>
      %dma_start3A_257 = tpu.memref_slice %arg6[%add3A_219] : memref<320000xi32, #tpu.memory_space<hbm>> -> memref<40xi32, #tpu.memory_space<hbm>>
      %dma_start3A_258 = tpu.memref_slice %arg6[%add3A_219] : memref<320000xi32, #tpu.memory_space<hbm>> -> memref<40xi32, #tpu.memory_space<hbm>>
      tpu.enqueue_dma source(%dma_start3A_258 : memref<40xi32, #tpu.memory_space<hbm>>) target(%arg11 : memref<40xi32, #tpu.memory_space<vmem>>) target_semaphore(%run_scoped3A : memref<!tpu.dma_semaphore, #tpu.memory_space<semaphore_mem>>)
      %dma_wait3A_259 = tpu.memref_slice %arg6[%add3A_219] : memref<320000xi32, #tpu.memory_space<hbm>> -> memref<40xi32, #tpu.memory_space<hbm>>
      %dma_wait3A_260 = tpu.memref_slice %arg6[%add3A_219] : memref<320000xi32, #tpu.memory_space<hbm>> -> memref<40xi32, #tpu.memory_space<hbm>>
      tpu.wait_dma2 semaphore(%run_scoped3A : memref<!tpu.dma_semaphore, #tpu.memory_space<semaphore_mem>>) src(%dma_wait3A_260 : memref<40xi32, #tpu.memory_space<hbm>>) dst(%arg11 : memref<40xi32, #tpu.memory_space<vmem>>)
      tpu.yield
    }) : () -> ()
    %dma_start3A = arith.constant 0 : i32
    %dma_start3A_220 = arith.constant 0 : i32
    %dma_start3A_221 = tpu.memref_slice %arg2[%dma_start3A, %dma_start3A_220] : memref<10000x136xf32, #tpu.memory_space<hbm>> -> memref<10000x136xf32, #tpu.memory_space<hbm>>
    tpu.enqueue_indirect_dma source(%dma_start3A_221 : memref<10000x136xf32, #tpu.memory_space<hbm>>) target(%arg12 : memref<40x136xf32, #tpu.memory_space<vmem>>) offsets(%arg10 : memref<40xi32, #tpu.memory_space<vmem>>) semaphore(%arg23 : memref<!tpu.dma_semaphore, #tpu.memory_space<semaphore_mem>>)
    %dma_start3A_222 = arith.constant 0 : i32
    %dma_start3A_223 = arith.constant 0 : i32
    %dma_start3A_224 = tpu.memref_slice %arg3[%dma_start3A_222, %dma_start3A_223] : memref<10000x136xf32, #tpu.memory_space<hbm>> -> memref<10000x136xf32, #tpu.memory_space<hbm>>
    tpu.enqueue_indirect_dma source(%dma_start3A_224 : memref<10000x136xf32, #tpu.memory_space<hbm>>) target(%arg13 : memref<40x136xf32, #tpu.memory_space<vmem>>) offsets(%arg11 : memref<40xi32, #tpu.memory_space<vmem>>) semaphore(%arg23 : memref<!tpu.dma_semaphore, #tpu.memory_space<semaphore_mem>>)
    %dma_start3A_225 = arith.constant 0 : i32
    %dma_start3A_226 = tpu.memref_slice %arg4[%add3A_219, %dma_start3A_225] : memref<320000x128xf32, #tpu.memory_space<hbm>> -> memref<40x128xf32, #tpu.memory_space<hbm>>
    %dma_start3A_227 = arith.constant 0 : i32
    %dma_start3A_228 = tpu.memref_slice %arg4[%add3A_219, %dma_start3A_227] : memref<320000x128xf32, #tpu.memory_space<hbm>> -> memref<40x128xf32, #tpu.memory_space<hbm>>
    tpu.enqueue_dma source(%dma_start3A_228 : memref<40x128xf32, #tpu.memory_space<hbm>>) target(%arg14 : memref<40x128xf32, #tpu.memory_space<vmem>>) target_semaphore(%arg23 : memref<!tpu.dma_semaphore, #tpu.memory_space<semaphore_mem>>)
    %scan3A_229 = arith.constant 0 : i32
    %scan3A_230 = arith.constant 0 : i32
    %scan3A_231 = arith.constant 125 : i32
    %scan3A_232 = arith.addi %scan3A_230, %scan3A_231 : i32
    %scan3A_233 = arith.constant 1 : i32
    scf.for %scan3A_257 = %scan3A_230 to %scan3A_232 step %scan3A_233  : i32 {
      %mul3A_258 = arith.constant 2 : i32
      %mul3A_259 = arith.muli %mul3A_258, %scan3A_257 : i32
      %add3A_260 = arith.constant 1 : i32
      %add3A_261 = arith.addi %mul3A_259, %add3A_260 : i32
      %mul3A_262 = arith.constant 40 : i32
      %mul3A_263 = arith.muli %add3A_261, %mul3A_262 : i32
      %add3A_264 = arith.addi %mul3A_217, %mul3A_263 : i32
      "tpu.region"() ({
        %run_scoped3A = tpu.sem_alloc : memref<!tpu.dma_semaphore, #tpu.memory_space<semaphore_mem>>
        %dma_start3A_334 = tpu.memref_slice %arg5[%add3A_264] : memref<320000xi32, #tpu.memory_space<hbm>> -> memref<40xi32, #tpu.memory_space<hbm>>
        %dma_start3A_335 = tpu.memref_slice %arg5[%add3A_264] : memref<320000xi32, #tpu.memory_space<hbm>> -> memref<40xi32, #tpu.memory_space<hbm>>
        tpu.enqueue_dma source(%dma_start3A_335 : memref<40xi32, #tpu.memory_space<hbm>>) target(%arg15 : memref<40xi32, #tpu.memory_space<vmem>>) target_semaphore(%run_scoped3A : memref<!tpu.dma_semaphore, #tpu.memory_space<semaphore_mem>>)
        %dma_wait3A_336 = tpu.memref_slice %arg5[%add3A_264] : memref<320000xi32, #tpu.memory_space<hbm>> -> memref<40xi32, #tpu.memory_space<hbm>>
        %dma_wait3A_337 = tpu.memref_slice %arg5[%add3A_264] : memref<320000xi32, #tpu.memory_space<hbm>> -> memref<40xi32, #tpu.memory_space<hbm>>
        tpu.wait_dma2 semaphore(%run_scoped3A : memref<!tpu.dma_semaphore, #tpu.memory_space<semaphore_mem>>) src(%dma_wait3A_337 : memref<40xi32, #tpu.memory_space<hbm>>) dst(%arg15 : memref<40xi32, #tpu.memory_space<vmem>>)
        tpu.yield
      }) : () -> ()
      "tpu.region"() ({
        %run_scoped3A = tpu.sem_alloc : memref<!tpu.dma_semaphore, #tpu.memory_space<semaphore_mem>>
        %dma_start3A_334 = tpu.memref_slice %arg6[%add3A_264] : memref<320000xi32, #tpu.memory_space<hbm>> -> memref<40xi32, #tpu.memory_space<hbm>>
        %dma_start3A_335 = tpu.memref_slice %arg6[%add3A_264] : memref<320000xi32, #tpu.memory_space<hbm>> -> memref<40xi32, #tpu.memory_space<hbm>>
        tpu.enqueue_dma source(%dma_start3A_335 : memref<40xi32, #tpu.memory_space<hbm>>) target(%arg16 : memref<40xi32, #tpu.memory_space<vmem>>) target_semaphore(%run_scoped3A : memref<!tpu.dma_semaphore, #tpu.memory_space<semaphore_mem>>)
        %dma_wait3A_336 = tpu.memref_slice %arg6[%add3A_264] : memref<320000xi32, #tpu.memory_space<hbm>> -> memref<40xi32, #tpu.memory_space<hbm>>
        %dma_wait3A_337 = tpu.memref_slice %arg6[%add3A_264] : memref<320000xi32, #tpu.memory_space<hbm>> -> memref<40xi32, #tpu.memory_space<hbm>>
        tpu.wait_dma2 semaphore(%run_scoped3A : memref<!tpu.dma_semaphore, #tpu.memory_space<semaphore_mem>>) src(%dma_wait3A_337 : memref<40xi32, #tpu.memory_space<hbm>>) dst(%arg16 : memref<40xi32, #tpu.memory_space<vmem>>)
        tpu.yield
      }) : () -> ()
      %dma_start3A_265 = arith.constant 0 : i32
      %dma_start3A_266 = arith.constant 0 : i32
      %dma_start3A_267 = tpu.memref_slice %arg2[%dma_start3A_265, %dma_start3A_266] : memref<10000x136xf32, #tpu.memory_space<hbm>> -> memref<10000x136xf32, #tpu.memory_space<hbm>>
      tpu.enqueue_indirect_dma source(%dma_start3A_267 : memref<10000x136xf32, #tpu.memory_space<hbm>>) target(%arg17 : memref<40x136xf32, #tpu.memory_space<vmem>>) offsets(%arg15 : memref<40xi32, #tpu.memory_space<vmem>>) semaphore(%arg24 : memref<!tpu.dma_semaphore, #tpu.memory_space<semaphore_mem>>)
      %dma_start3A_268 = arith.constant 0 : i32
      %dma_start3A_269 = arith.constant 0 : i32
      %dma_start3A_270 = tpu.memref_slice %arg3[%dma_start3A_268, %dma_start3A_269] : memref<10000x136xf32, #tpu.memory_space<hbm>> -> memref<10000x136xf32, #tpu.memory_space<hbm>>
      tpu.enqueue_indirect_dma source(%dma_start3A_270 : memref<10000x136xf32, #tpu.memory_space<hbm>>) target(%arg18 : memref<40x136xf32, #tpu.memory_space<vmem>>) offsets(%arg16 : memref<40xi32, #tpu.memory_space<vmem>>) semaphore(%arg24 : memref<!tpu.dma_semaphore, #tpu.memory_space<semaphore_mem>>)
      %dma_start3A_271 = arith.constant 0 : i32
      %dma_start3A_272 = tpu.memref_slice %arg4[%add3A_264, %dma_start3A_271] : memref<320000x128xf32, #tpu.memory_space<hbm>> -> memref<40x128xf32, #tpu.memory_space<hbm>>
      %dma_start3A_273 = arith.constant 0 : i32
      %dma_start3A_274 = tpu.memref_slice %arg4[%add3A_264, %dma_start3A_273] : memref<320000x128xf32, #tpu.memory_space<hbm>> -> memref<40x128xf32, #tpu.memory_space<hbm>>
      tpu.enqueue_dma source(%dma_start3A_274 : memref<40x128xf32, #tpu.memory_space<hbm>>) target(%arg19 : memref<40x128xf32, #tpu.memory_space<vmem>>) target_semaphore(%arg24 : memref<!tpu.dma_semaphore, #tpu.memory_space<semaphore_mem>>)
      %dma_wait3A_275 = arith.constant 0 : i32
      %dma_wait3A_276 = arith.constant 0 : i32
      %dma_wait3A_277 = tpu.memref_slice %arg2[%dma_wait3A_275, %dma_wait3A_276] : memref<10000x136xf32, #tpu.memory_space<hbm>> -> memref<40x136xf32, #tpu.memory_space<hbm>>
      %dma_wait3A_278 = arith.constant 0 : i32
      %dma_wait3A_279 = arith.constant 0 : i32
      %dma_wait3A_280 = tpu.memref_slice %arg2[%dma_wait3A_278, %dma_wait3A_279] : memref<10000x136xf32, #tpu.memory_space<hbm>> -> memref<40x136xf32, #tpu.memory_space<hbm>>
      tpu.wait_dma2 semaphore(%arg23 : memref<!tpu.dma_semaphore, #tpu.memory_space<semaphore_mem>>) src(%dma_wait3A_280 : memref<40x136xf32, #tpu.memory_space<hbm>>) dst(%arg12 : memref<40x136xf32, #tpu.memory_space<vmem>>)
      %dma_wait3A_281 = arith.constant 0 : i32
      %dma_wait3A_282 = arith.constant 0 : i32
      %dma_wait3A_283 = tpu.memref_slice %arg3[%dma_wait3A_281, %dma_wait3A_282] : memref<10000x136xf32, #tpu.memory_space<hbm>> -> memref<40x136xf32, #tpu.memory_space<hbm>>
      %dma_wait3A_284 = arith.constant 0 : i32
      %dma_wait3A_285 = arith.constant 0 : i32
      %dma_wait3A_286 = tpu.memref_slice %arg3[%dma_wait3A_284, %dma_wait3A_285] : memref<10000x136xf32, #tpu.memory_space<hbm>> -> memref<40x136xf32, #tpu.memory_space<hbm>>
      tpu.wait_dma2 semaphore(%arg23 : memref<!tpu.dma_semaphore, #tpu.memory_space<semaphore_mem>>) src(%dma_wait3A_286 : memref<40x136xf32, #tpu.memory_space<hbm>>) dst(%arg13 : memref<40x136xf32, #tpu.memory_space<vmem>>)
      %dma_wait3A_287 = arith.constant 0 : i32
      %dma_wait3A_288 = arith.constant 0 : i32
      %dma_wait3A_289 = tpu.memref_slice %arg4[%dma_wait3A_287, %dma_wait3A_288] : memref<320000x128xf32, #tpu.memory_space<hbm>> -> memref<40x128xf32, #tpu.memory_space<hbm>>
      %dma_wait3A_290 = arith.constant 0 : i32
      %dma_wait3A_291 = arith.constant 0 : i32
      %dma_wait3A_292 = tpu.memref_slice %arg4[%dma_wait3A_290, %dma_wait3A_291] : memref<320000x128xf32, #tpu.memory_space<hbm>> -> memref<40x128xf32, #tpu.memory_space<hbm>>
      tpu.wait_dma2 semaphore(%arg23 : memref<!tpu.dma_semaphore, #tpu.memory_space<semaphore_mem>>) src(%dma_wait3A_292 : memref<40x128xf32, #tpu.memory_space<hbm>>) dst(%arg14 : memref<40x128xf32, #tpu.memory_space<vmem>>)
      %parallel_loop3A = arith.constant 0 : i32
      %parallel_loop3A_293 = arith.constant 40 : i32
      %parallel_loop3A_294 = arith.constant 1 : i32
      scf.for %parallel_loop3A_334 = %parallel_loop3A to %parallel_loop3A_293 step %parallel_loop3A_294  : i32 {
        %parallel_loop3A_335 = vector.broadcast %parallel_loop3A_334 : i32 to vector<16xi32>
        %parallel_loop3A_336 = tpu.vector_load_idx %arg12[%parallel_loop3A_335, %broadcast_in_dim3A_211] : memref<40x136xf32, #tpu.memory_space<vmem>>[vector<16xi32>, vector<16xi32>], vector<16xf32>,
        %parallel_loop3A_337 = tpu.vector_load_idx %arg13[%parallel_loop3A_335, %broadcast_in_dim3A_211] : memref<40x136xf32, #tpu.memory_space<vmem>>[vector<16xi32>, vector<16xi32>], vector<16xf32>,
        %parallel_loop3A_338 = arith.subf %parallel_loop3A_336, %parallel_loop3A_337 : vector<16xf32>
        %parallel_loop3A_339 = tpu.vector_load_idx %arg12[%parallel_loop3A_335, %broadcast_in_dim3A_213] : memref<40x136xf32, #tpu.memory_space<vmem>>[vector<16xi32>, vector<16xi32>], vector<16xf32>,
        %parallel_loop3A_340 = tpu.vector_load_idx %arg13[%parallel_loop3A_335, %broadcast_in_dim3A_213] : memref<40x136xf32, #tpu.memory_space<vmem>>[vector<16xi32>, vector<16xi32>], vector<16xf32>,
        %parallel_loop3A_341 = arith.subf %parallel_loop3A_339, %parallel_loop3A_340 : vector<16xf32>
        %parallel_loop3A_342 = tpu.vector_load_idx %arg12[%parallel_loop3A_335, %broadcast_in_dim3A_215] : memref<40x136xf32, #tpu.memory_space<vmem>>[vector<16xi32>, vector<16xi32>], vector<16xf32>,
        %parallel_loop3A_343 = tpu.vector_load_idx %arg13[%parallel_loop3A_335, %broadcast_in_dim3A_215] : memref<40x136xf32, #tpu.memory_space<vmem>>[vector<16xi32>, vector<16xi32>], vector<16xf32>,
        %parallel_loop3A_344 = arith.subf %parallel_loop3A_342, %parallel_loop3A_343 : vector<16xf32>
        %parallel_loop3A_345 = arith.mulf %parallel_loop3A_338, %parallel_loop3A_338 : vector<16xf32>
        %parallel_loop3A_346 = arith.mulf %parallel_loop3A_341, %parallel_loop3A_341 : vector<16xf32>
        %parallel_loop3A_347 = arith.addf %parallel_loop3A_345, %parallel_loop3A_346 : vector<16xf32>
        %parallel_loop3A_348 = arith.mulf %parallel_loop3A_344, %parallel_loop3A_344 : vector<16xf32>
        %parallel_loop3A_349 = arith.addf %parallel_loop3A_347, %parallel_loop3A_348 : vector<16xf32>
        %parallel_loop3A_350 = arith.index_cast %parallel_loop3A_334 : i32 to index
        %parallel_loop3A_351 = arith.constant 0 : index
        %parallel_loop3A_352 = tpu.vector_load %arg12[%parallel_loop3A_350, %parallel_loop3A_351] {strides = array<i32>} : memref<40x136xf32, #tpu.memory_space<vmem>>, vector<16xf32>,
        %parallel_loop3A_353 = arith.index_cast %parallel_loop3A_334 : i32 to index
        %parallel_loop3A_354 = arith.constant 0 : index
        %parallel_loop3A_355 = tpu.vector_load %arg13[%parallel_loop3A_353, %parallel_loop3A_354] {strides = array<i32>} : memref<40x136xf32, #tpu.memory_space<vmem>>, vector<16xf32>,
        %parallel_loop3A_356 = arith.addf %parallel_loop3A_352, %parallel_loop3A_355 : vector<16xf32>
        %parallel_loop3A_357 = arith.index_cast %parallel_loop3A_334 : i32 to index
        %parallel_loop3A_358 = arith.constant 0 : index
        %parallel_loop3A_359 = tpu.vector_load %arg14[%parallel_loop3A_357, %parallel_loop3A_358] {strides = array<i32>} : memref<40x128xf32, #tpu.memory_space<vmem>>, vector<16xf32>,
        %parallel_loop3A_360 = arith.addf %parallel_loop3A_356, %parallel_loop3A_359 : vector<16xf32>
        %parallel_loop3A_361 = arith.constant 0 : index
        %parallel_loop3A_362 = tpu.vector_load %arg21[%parallel_loop3A_361] {strides = array<i32>} : memref<288xf32, #tpu.memory_space<vmem>>, vector<16xf32>,
        %parallel_loop3A_363 = arith.mulf %parallel_loop3A_349, %parallel_loop3A_362 : vector<16xf32>
        %parallel_loop3A_364 = arith.addf %parallel_loop3A_360, %parallel_loop3A_363 : vector<16xf32>
        %parallel_loop3A_365 = arith.constant 0.000000e+00 : f32
        %parallel_loop3A_366 = vector.broadcast %parallel_loop3A_365 : f32 to vector<16xf32>
        %parallel_loop3A_367 = arith.subf %parallel_loop3A_366, %parallel_loop3A_364 : vector<16xf32>
        %parallel_loop3A_368 = math.exp %parallel_loop3A_367 : vector<16xf32>
        %parallel_loop3A_369 = arith.constant 1.000000e+00 : f32
        %parallel_loop3A_370 = vector.broadcast %parallel_loop3A_369 : f32 to vector<16xf32>
        %parallel_loop3A_371 = arith.addf %parallel_loop3A_370, %parallel_loop3A_368 : vector<16xf32>
        %parallel_loop3A_372 = arith.divf %parallel_loop3A_364, %parallel_loop3A_371 : vector<16xf32>
        %parallel_loop3A_373 = arith.index_cast %parallel_loop3A_334 : i32 to index
        %parallel_loop3A_374 = arith.constant 0 : index
        %parallel_loop3A_375 = tpu.vector_load %arg20[%parallel_loop3A_373, %parallel_loop3A_374] {strides = array<i32>} : memref<40x136xf32, #tpu.memory_space<vmem>>, vector<16xf32>,
        tpu.vector_store %arg20[%parallel_loop3A_373, %parallel_loop3A_374], %parallel_loop3A_372 {strides = array<i32>} : memref<40x136xf32, #tpu.memory_space<vmem>>, vector<16xf32>,
        %parallel_loop3A_376 = arith.constant 128 : index
        %parallel_loop3A_377 = tpu.vector_load %arg21[%parallel_loop3A_376] {strides = array<i32>} : memref<288xf32, #tpu.memory_space<vmem>>, vector<16xf32>,
        %parallel_loop3A_378 = arith.mulf %parallel_loop3A_372, %parallel_loop3A_377 : vector<16xf32>
        %parallel_loop3A_379 = arith.addf %broadcast_in_dim3A_1, %parallel_loop3A_378 : vector<16xf32>
        %parallel_loop3A_380 = arith.index_cast %parallel_loop3A_334 : i32 to index
        %parallel_loop3A_381 = arith.constant 16 : index
        %parallel_loop3A_382 = tpu.vector_load %arg12[%parallel_loop3A_380, %parallel_loop3A_381] {strides = array<i32>} : memref<40x136xf32, #tpu.memory_space<vmem>>, vector<16xf32>,
        %parallel_loop3A_383 = arith.index_cast %parallel_loop3A_334 : i32 to index
        %parallel_loop3A_384 = arith.constant 16 : index
        %parallel_loop3A_385 = tpu.vector_load %arg13[%parallel_loop3A_383, %parallel_loop3A_384] {strides = array<i32>} : memref<40x136xf32, #tpu.memory_space<vmem>>, vector<16xf32>,
        %parallel_loop3A_386 = arith.addf %parallel_loop3A_382, %parallel_loop3A_385 : vector<16xf32>
        %parallel_loop3A_387 = arith.index_cast %parallel_loop3A_334 : i32 to index
        %parallel_loop3A_388 = arith.constant 16 : index
        %parallel_loop3A_389 = tpu.vector_load %arg14[%parallel_loop3A_387, %parallel_loop3A_388] {strides = array<i32>} : memref<40x128xf32, #tpu.memory_space<vmem>>, vector<16xf32>,
        %parallel_loop3A_390 = arith.addf %parallel_loop3A_386, %parallel_loop3A_389 : vector<16xf32>
        %parallel_loop3A_391 = arith.constant 16 : index
        %parallel_loop3A_392 = tpu.vector_load %arg21[%parallel_loop3A_391] {strides = array<i32>} : memref<288xf32, #tpu.memory_space<vmem>>, vector<16xf32>,
        %parallel_loop3A_393 = arith.mulf %parallel_loop3A_349, %parallel_loop3A_392 : vector<16xf32>
        %parallel_loop3A_394 = arith.addf %parallel_loop3A_390, %parallel_loop3A_393 : vector<16xf32>
        %parallel_loop3A_395 = arith.constant 0.000000e+00 : f32
        %parallel_loop3A_396 = vector.broadcast %parallel_loop3A_395 : f32 to vector<16xf32>
        %parallel_loop3A_397 = arith.subf %parallel_loop3A_396, %parallel_loop3A_394 : vector<16xf32>
        %parallel_loop3A_398 = math.exp %parallel_loop3A_397 : vector<16xf32>
        %parallel_loop3A_399 = arith.constant 1.000000e+00 : f32
        %parallel_loop3A_400 = vector.broadcast %parallel_loop3A_399 : f32 to vector<16xf32>
        %parallel_loop3A_401 = arith.addf %parallel_loop3A_400, %parallel_loop3A_398 : vector<16xf32>
        %parallel_loop3A_402 = arith.divf %parallel_loop3A_394, %parallel_loop3A_401 : vector<16xf32>
        %parallel_loop3A_403 = arith.index_cast %parallel_loop3A_334 : i32 to index
        %parallel_loop3A_404 = arith.constant 16 : index
        %parallel_loop3A_405 = tpu.vector_load %arg20[%parallel_loop3A_403, %parallel_loop3A_404] {strides = array<i32>} : memref<40x136xf32, #tpu.memory_space<vmem>>, vector<16xf32>,
        tpu.vector_store %arg20[%parallel_loop3A_403, %parallel_loop3A_404], %parallel_loop3A_402 {strides = array<i32>} : memref<40x136xf32, #tpu.memory_space<vmem>>, vector<16xf32>,
        %parallel_loop3A_406 = arith.constant 144 : index
        %parallel_loop3A_407 = tpu.vector_load %arg21[%parallel_loop3A_406] {strides = array<i32>} : memref<288xf32, #tpu.memory_space<vmem>>, vector<16xf32>,
        %parallel_loop3A_408 = arith.mulf %parallel_loop3A_402, %parallel_loop3A_407 : vector<16xf32>
        %parallel_loop3A_409 = arith.addf %parallel_loop3A_379, %parallel_loop3A_408 : vector<16xf32>
        %parallel_loop3A_410 = arith.index_cast %parallel_loop3A_334 : i32 to index
        %parallel_loop3A_411 = arith.constant 32 : index
        %parallel_loop3A_412 = tpu.vector_load %arg12[%parallel_loop3A_410, %parallel_loop3A_411] {strides = array<i32>} : memref<40x136xf32, #tpu.memory_space<vmem>>, vector<16xf32>,
        %parallel_loop3A_413 = arith.index_cast %parallel_loop3A_334 : i32 to index
        %parallel_loop3A_414 = arith.constant 32 : index
        %parallel_loop3A_415 = tpu.vector_load %arg13[%parallel_loop3A_413, %parallel_loop3A_414] {strides = array<i32>} : memref<40x136xf32, #tpu.memory_space<vmem>>, vector<16xf32>,
        %parallel_loop3A_416 = arith.addf %parallel_loop3A_412, %parallel_loop3A_415 : vector<16xf32>
        %parallel_loop3A_417 = arith.index_cast %parallel_loop3A_334 : i32 to index
        %parallel_loop3A_418 = arith.constant 32 : index
        %parallel_loop3A_419 = tpu.vector_load %arg14[%parallel_loop3A_417, %parallel_loop3A_418] {strides = array<i32>} : memref<40x128xf32, #tpu.memory_space<vmem>>, vector<16xf32>,
        %parallel_loop3A_420 = arith.addf %parallel_loop3A_416, %parallel_loop3A_419 : vector<16xf32>
        %parallel_loop3A_421 = arith.constant 32 : index
        %parallel_loop3A_422 = tpu.vector_load %arg21[%parallel_loop3A_421] {strides = array<i32>} : memref<288xf32, #tpu.memory_space<vmem>>, vector<16xf32>,
        %parallel_loop3A_423 = arith.mulf %parallel_loop3A_349, %parallel_loop3A_422 : vector<16xf32>
        %parallel_loop3A_424 = arith.addf %parallel_loop3A_420, %parallel_loop3A_423 : vector<16xf32>
        %parallel_loop3A_425 = arith.constant 0.000000e+00 : f32
        %parallel_loop3A_426 = vector.broadcast %parallel_loop3A_425 : f32 to vector<16xf32>
        %parallel_loop3A_427 = arith.subf %parallel_loop3A_426, %parallel_loop3A_424 : vector<16xf32>
        %parallel_loop3A_428 = math.exp %parallel_loop3A_427 : vector<16xf32>
        %parallel_loop3A_429 = arith.constant 1.000000e+00 : f32
        %parallel_loop3A_430 = vector.broadcast %parallel_loop3A_429 : f32 to vector<16xf32>
        %parallel_loop3A_431 = arith.addf %parallel_loop3A_430, %parallel_loop3A_428 : vector<16xf32>
        %parallel_loop3A_432 = arith.divf %parallel_loop3A_424, %parallel_loop3A_431 : vector<16xf32>
        %parallel_loop3A_433 = arith.index_cast %parallel_loop3A_334 : i32 to index
        %parallel_loop3A_434 = arith.constant 32 : index
        %parallel_loop3A_435 = tpu.vector_load %arg20[%parallel_loop3A_433, %parallel_loop3A_434] {strides = array<i32>} : memref<40x136xf32, #tpu.memory_space<vmem>>, vector<16xf32>,
        tpu.vector_store %arg20[%parallel_loop3A_433, %parallel_loop3A_434], %parallel_loop3A_432 {strides = array<i32>} : memref<40x136xf32, #tpu.memory_space<vmem>>, vector<16xf32>,
        %parallel_loop3A_436 = arith.constant 160 : index
        %parallel_loop3A_437 = tpu.vector_load %arg21[%parallel_loop3A_436] {strides = array<i32>} : memref<288xf32, #tpu.memory_space<vmem>>, vector<16xf32>,
        %parallel_loop3A_438 = arith.mulf %parallel_loop3A_432, %parallel_loop3A_437 : vector<16xf32>
        %parallel_loop3A_439 = arith.addf %parallel_loop3A_409, %parallel_loop3A_438 : vector<16xf32>
        %parallel_loop3A_440 = arith.index_cast %parallel_loop3A_334 : i32 to index
        %parallel_loop3A_441 = arith.constant 48 : index
        %parallel_loop3A_442 = tpu.vector_load %arg12[%parallel_loop3A_440, %parallel_loop3A_441] {strides = array<i32>} : memref<40x136xf32, #tpu.memory_space<vmem>>, vector<16xf32>,
        %parallel_loop3A_443 = arith.index_cast %parallel_loop3A_334 : i32 to index
        %parallel_loop3A_444 = arith.constant 48 : index
        %parallel_loop3A_445 = tpu.vector_load %arg13[%parallel_loop3A_443, %parallel_loop3A_444] {strides = array<i32>} : memref<40x136xf32, #tpu.memory_space<vmem>>, vector<16xf32>,
        %parallel_loop3A_446 = arith.addf %parallel_loop3A_442, %parallel_loop3A_445 : vector<16xf32>
        %parallel_loop3A_447 = arith.index_cast %parallel_loop3A_334 : i32 to index
        %parallel_loop3A_448 = arith.constant 48 : index
        %parallel_loop3A_449 = tpu.vector_load %arg14[%parallel_loop3A_447, %parallel_loop3A_448] {strides = array<i32>} : memref<40x128xf32, #tpu.memory_space<vmem>>, vector<16xf32>,
        %parallel_loop3A_450 = arith.addf %parallel_loop3A_446, %parallel_loop3A_449 : vector<16xf32>
        %parallel_loop3A_451 = arith.constant 48 : index
        %parallel_loop3A_452 = tpu.vector_load %arg21[%parallel_loop3A_451] {strides = array<i32>} : memref<288xf32, #tpu.memory_space<vmem>>, vector<16xf32>,
        %parallel_loop3A_453 = arith.mulf %parallel_loop3A_349, %parallel_loop3A_452 : vector<16xf32>
        %parallel_loop3A_454 = arith.addf %parallel_loop3A_450, %parallel_loop3A_453 : vector<16xf32>
        %parallel_loop3A_455 = arith.constant 0.000000e+00 : f32
        %parallel_loop3A_456 = vector.broadcast %parallel_loop3A_455 : f32 to vector<16xf32>
        %parallel_loop3A_457 = arith.subf %parallel_loop3A_456, %parallel_loop3A_454 : vector<16xf32>
        %parallel_loop3A_458 = math.exp %parallel_loop3A_457 : vector<16xf32>
        %parallel_loop3A_459 = arith.constant 1.000000e+00 : f32
        %parallel_loop3A_460 = vector.broadcast %parallel_loop3A_459 : f32 to vector<16xf32>
        %parallel_loop3A_461 = arith.addf %parallel_loop3A_460, %parallel_loop3A_458 : vector<16xf32>
        %parallel_loop3A_462 = arith.divf %parallel_loop3A_454, %parallel_loop3A_461 : vector<16xf32>
        %parallel_loop3A_463 = arith.index_cast %parallel_loop3A_334 : i32 to index
        %parallel_loop3A_464 = arith.constant 48 : index
        %parallel_loop3A_465 = tpu.vector_load %arg20[%parallel_loop3A_463, %parallel_loop3A_464] {strides = array<i32>} : memref<40x136xf32, #tpu.memory_space<vmem>>, vector<16xf32>,
        tpu.vector_store %arg20[%parallel_loop3A_463, %parallel_loop3A_464], %parallel_loop3A_462 {strides = array<i32>} : memref<40x136xf32, #tpu.memory_space<vmem>>, vector<16xf32>,
        %parallel_loop3A_466 = arith.constant 176 : index
        %parallel_loop3A_467 = tpu.vector_load %arg21[%parallel_loop3A_466] {strides = array<i32>} : memref<288xf32, #tpu.memory_space<vmem>>, vector<16xf32>,
        %parallel_loop3A_468 = arith.mulf %parallel_loop3A_462, %parallel_loop3A_467 : vector<16xf32>
        %parallel_loop3A_469 = arith.addf %parallel_loop3A_439, %parallel_loop3A_468 : vector<16xf32>
        %parallel_loop3A_470 = arith.index_cast %parallel_loop3A_334 : i32 to index
        %parallel_loop3A_471 = arith.constant 64 : index
        %parallel_loop3A_472 = tpu.vector_load %arg12[%parallel_loop3A_470, %parallel_loop3A_471] {strides = array<i32>} : memref<40x136xf32, #tpu.memory_space<vmem>>, vector<16xf32>,
        %parallel_loop3A_473 = arith.index_cast %parallel_loop3A_334 : i32 to index
        %parallel_loop3A_474 = arith.constant 64 : index
        %parallel_loop3A_475 = tpu.vector_load %arg13[%parallel_loop3A_473, %parallel_loop3A_474] {strides = array<i32>} : memref<40x136xf32, #tpu.memory_space<vmem>>, vector<16xf32>,
        %parallel_loop3A_476 = arith.addf %parallel_loop3A_472, %parallel_loop3A_475 : vector<16xf32>
        %parallel_loop3A_477 = arith.index_cast %parallel_loop3A_334 : i32 to index
        %parallel_loop3A_478 = arith.constant 64 : index
        %parallel_loop3A_479 = tpu.vector_load %arg14[%parallel_loop3A_477, %parallel_loop3A_478] {strides = array<i32>} : memref<40x128xf32, #tpu.memory_space<vmem>>, vector<16xf32>,
        %parallel_loop3A_480 = arith.addf %parallel_loop3A_476, %parallel_loop3A_479 : vector<16xf32>
        %parallel_loop3A_481 = arith.constant 64 : index
        %parallel_loop3A_482 = tpu.vector_load %arg21[%parallel_loop3A_481] {strides = array<i32>} : memref<288xf32, #tpu.memory_space<vmem>>, vector<16xf32>,
        %parallel_loop3A_483 = arith.mulf %parallel_loop3A_349, %parallel_loop3A_482 : vector<16xf32>
        %parallel_loop3A_484 = arith.addf %parallel_loop3A_480, %parallel_loop3A_483 : vector<16xf32>
        %parallel_loop3A_485 = arith.constant 0.000000e+00 : f32
        %parallel_loop3A_486 = vector.broadcast %parallel_loop3A_485 : f32 to vector<16xf32>
        %parallel_loop3A_487 = arith.subf %parallel_loop3A_486, %parallel_loop3A_484 : vector<16xf32>
        %parallel_loop3A_488 = math.exp %parallel_loop3A_487 : vector<16xf32>
        %parallel_loop3A_489 = arith.constant 1.000000e+00 : f32
        %parallel_loop3A_490 = vector.broadcast %parallel_loop3A_489 : f32 to vector<16xf32>
        %parallel_loop3A_491 = arith.addf %parallel_loop3A_490, %parallel_loop3A_488 : vector<16xf32>
        %parallel_loop3A_492 = arith.divf %parallel_loop3A_484, %parallel_loop3A_491 : vector<16xf32>
        %parallel_loop3A_493 = arith.index_cast %parallel_loop3A_334 : i32 to index
        %parallel_loop3A_494 = arith.constant 64 : index
        %parallel_loop3A_495 = tpu.vector_load %arg20[%parallel_loop3A_493, %parallel_loop3A_494] {strides = array<i32>} : memref<40x136xf32, #tpu.memory_space<vmem>>, vector<16xf32>,
        tpu.vector_store %arg20[%parallel_loop3A_493, %parallel_loop3A_494], %parallel_loop3A_492 {strides = array<i32>} : memref<40x136xf32, #tpu.memory_space<vmem>>, vector<16xf32>,
        %parallel_loop3A_496 = arith.constant 192 : index
        %parallel_loop3A_497 = tpu.vector_load %arg21[%parallel_loop3A_496] {strides = array<i32>} : memref<288xf32, #tpu.memory_space<vmem>>, vector<16xf32>,
        %parallel_loop3A_498 = arith.mulf %parallel_loop3A_492, %parallel_loop3A_497 : vector<16xf32>
        %parallel_loop3A_499 = arith.addf %parallel_loop3A_469, %parallel_loop3A_498 : vector<16xf32>
        %parallel_loop3A_500 = arith.index_cast %parallel_loop3A_334 : i32 to index
        %parallel_loop3A_501 = arith.constant 80 : index
        %parallel_loop3A_502 = tpu.vector_load %arg12[%parallel_loop3A_500, %parallel_loop3A_501] {strides = array<i32>} : memref<40x136xf32, #tpu.memory_space<vmem>>, vector<16xf32>,
        %parallel_loop3A_503 = arith.index_cast %parallel_loop3A_334 : i32 to index
        %parallel_loop3A_504 = arith.constant 80 : index
        %parallel_loop3A_505 = tpu.vector_load %arg13[%parallel_loop3A_503, %parallel_loop3A_504] {strides = array<i32>} : memref<40x136xf32, #tpu.memory_space<vmem>>, vector<16xf32>,
        %parallel_loop3A_506 = arith.addf %parallel_loop3A_502, %parallel_loop3A_505 : vector<16xf32>
        %parallel_loop3A_507 = arith.index_cast %parallel_loop3A_334 : i32 to index
        %parallel_loop3A_508 = arith.constant 80 : index
        %parallel_loop3A_509 = tpu.vector_load %arg14[%parallel_loop3A_507, %parallel_loop3A_508] {strides = array<i32>} : memref<40x128xf32, #tpu.memory_space<vmem>>, vector<16xf32>,
        %parallel_loop3A_510 = arith.addf %parallel_loop3A_506, %parallel_loop3A_509 : vector<16xf32>
        %parallel_loop3A_511 = arith.constant 80 : index
        %parallel_loop3A_512 = tpu.vector_load %arg21[%parallel_loop3A_511] {strides = array<i32>} : memref<288xf32, #tpu.memory_space<vmem>>, vector<16xf32>,
        %parallel_loop3A_513 = arith.mulf %parallel_loop3A_349, %parallel_loop3A_512 : vector<16xf32>
        %parallel_loop3A_514 = arith.addf %parallel_loop3A_510, %parallel_loop3A_513 : vector<16xf32>
        %parallel_loop3A_515 = arith.constant 0.000000e+00 : f32
        %parallel_loop3A_516 = vector.broadcast %parallel_loop3A_515 : f32 to vector<16xf32>
        %parallel_loop3A_517 = arith.subf %parallel_loop3A_516, %parallel_loop3A_514 : vector<16xf32>
        %parallel_loop3A_518 = math.exp %parallel_loop3A_517 : vector<16xf32>
        %parallel_loop3A_519 = arith.constant 1.000000e+00 : f32
        %parallel_loop3A_520 = vector.broadcast %parallel_loop3A_519 : f32 to vector<16xf32>
        %parallel_loop3A_521 = arith.addf %parallel_loop3A_520, %parallel_loop3A_518 : vector<16xf32>
        %parallel_loop3A_522 = arith.divf %parallel_loop3A_514, %parallel_loop3A_521 : vector<16xf32>
        %parallel_loop3A_523 = arith.index_cast %parallel_loop3A_334 : i32 to index
        %parallel_loop3A_524 = arith.constant 80 : index
        %parallel_loop3A_525 = tpu.vector_load %arg20[%parallel_loop3A_523, %parallel_loop3A_524] {strides = array<i32>} : memref<40x136xf32, #tpu.memory_space<vmem>>, vector<16xf32>,
        tpu.vector_store %arg20[%parallel_loop3A_523, %parallel_loop3A_524], %parallel_loop3A_522 {strides = array<i32>} : memref<40x136xf32, #tpu.memory_space<vmem>>, vector<16xf32>,
        %parallel_loop3A_526 = arith.constant 208 : index
        %parallel_loop3A_527 = tpu.vector_load %arg21[%parallel_loop3A_526] {strides = array<i32>} : memref<288xf32, #tpu.memory_space<vmem>>, vector<16xf32>,
        %parallel_loop3A_528 = arith.mulf %parallel_loop3A_522, %parallel_loop3A_527 : vector<16xf32>
        %parallel_loop3A_529 = arith.addf %parallel_loop3A_499, %parallel_loop3A_528 : vector<16xf32>
        %parallel_loop3A_530 = arith.index_cast %parallel_loop3A_334 : i32 to index
        %parallel_loop3A_531 = arith.constant 96 : index
        %parallel_loop3A_532 = tpu.vector_load %arg12[%parallel_loop3A_530, %parallel_loop3A_531] {strides = array<i32>} : memref<40x136xf32, #tpu.memory_space<vmem>>, vector<16xf32>,
        %parallel_loop3A_533 = arith.index_cast %parallel_loop3A_334 : i32 to index
        %parallel_loop3A_534 = arith.constant 96 : index
        %parallel_loop3A_535 = tpu.vector_load %arg13[%parallel_loop3A_533, %parallel_loop3A_534] {strides = array<i32>} : memref<40x136xf32, #tpu.memory_space<vmem>>, vector<16xf32>,
        %parallel_loop3A_536 = arith.addf %parallel_loop3A_532, %parallel_loop3A_535 : vector<16xf32>
        %parallel_loop3A_537 = arith.index_cast %parallel_loop3A_334 : i32 to index
        %parallel_loop3A_538 = arith.constant 96 : index
        %parallel_loop3A_539 = tpu.vector_load %arg14[%parallel_loop3A_537, %parallel_loop3A_538] {strides = array<i32>} : memref<40x128xf32, #tpu.memory_space<vmem>>, vector<16xf32>,
        %parallel_loop3A_540 = arith.addf %parallel_loop3A_536, %parallel_loop3A_539 : vector<16xf32>
        %parallel_loop3A_541 = arith.constant 96 : index
        %parallel_loop3A_542 = tpu.vector_load %arg21[%parallel_loop3A_541] {strides = array<i32>} : memref<288xf32, #tpu.memory_space<vmem>>, vector<16xf32>,
        %parallel_loop3A_543 = arith.mulf %parallel_loop3A_349, %parallel_loop3A_542 : vector<16xf32>
        %parallel_loop3A_544 = arith.addf %parallel_loop3A_540, %parallel_loop3A_543 : vector<16xf32>
        %parallel_loop3A_545 = arith.constant 0.000000e+00 : f32
        %parallel_loop3A_546 = vector.broadcast %parallel_loop3A_545 : f32 to vector<16xf32>
        %parallel_loop3A_547 = arith.subf %parallel_loop3A_546, %parallel_loop3A_544 : vector<16xf32>
        %parallel_loop3A_548 = math.exp %parallel_loop3A_547 : vector<16xf32>
        %parallel_loop3A_549 = arith.constant 1.000000e+00 : f32
        %parallel_loop3A_550 = vector.broadcast %parallel_loop3A_549 : f32 to vector<16xf32>
        %parallel_loop3A_551 = arith.addf %parallel_loop3A_550, %parallel_loop3A_548 : vector<16xf32>
        %parallel_loop3A_552 = arith.divf %parallel_loop3A_544, %parallel_loop3A_551 : vector<16xf32>
        %parallel_loop3A_553 = arith.index_cast %parallel_loop3A_334 : i32 to index
        %parallel_loop3A_554 = arith.constant 96 : index
        %parallel_loop3A_555 = tpu.vector_load %arg20[%parallel_loop3A_553, %parallel_loop3A_554] {strides = array<i32>} : memref<40x136xf32, #tpu.memory_space<vmem>>, vector<16xf32>,
        tpu.vector_store %arg20[%parallel_loop3A_553, %parallel_loop3A_554], %parallel_loop3A_552 {strides = array<i32>} : memref<40x136xf32, #tpu.memory_space<vmem>>, vector<16xf32>,
        %parallel_loop3A_556 = arith.constant 224 : index
        %parallel_loop3A_557 = tpu.vector_load %arg21[%parallel_loop3A_556] {strides = array<i32>} : memref<288xf32, #tpu.memory_space<vmem>>, vector<16xf32>,
        %parallel_loop3A_558 = arith.mulf %parallel_loop3A_552, %parallel_loop3A_557 : vector<16xf32>
        %parallel_loop3A_559 = arith.addf %parallel_loop3A_529, %parallel_loop3A_558 : vector<16xf32>
        %parallel_loop3A_560 = arith.index_cast %parallel_loop3A_334 : i32 to index
        %parallel_loop3A_561 = arith.constant 112 : index
        %parallel_loop3A_562 = tpu.vector_load %arg12[%parallel_loop3A_560, %parallel_loop3A_561] {strides = array<i32>} : memref<40x136xf32, #tpu.memory_space<vmem>>, vector<16xf32>,
        %parallel_loop3A_563 = arith.index_cast %parallel_loop3A_334 : i32 to index
        %parallel_loop3A_564 = arith.constant 112 : index
        %parallel_loop3A_565 = tpu.vector_load %arg13[%parallel_loop3A_563, %parallel_loop3A_564] {strides = array<i32>} : memref<40x136xf32, #tpu.memory_space<vmem>>, vector<16xf32>,
        %parallel_loop3A_566 = arith.addf %parallel_loop3A_562, %parallel_loop3A_565 : vector<16xf32>
        %parallel_loop3A_567 = arith.index_cast %parallel_loop3A_334 : i32 to index
        %parallel_loop3A_568 = arith.constant 112 : index
        %parallel_loop3A_569 = tpu.vector_load %arg14[%parallel_loop3A_567, %parallel_loop3A_568] {strides = array<i32>} : memref<40x128xf32, #tpu.memory_space<vmem>>, vector<16xf32>,
        %parallel_loop3A_570 = arith.addf %parallel_loop3A_566, %parallel_loop3A_569 : vector<16xf32>
        %parallel_loop3A_571 = arith.constant 112 : index
        %parallel_loop3A_572 = tpu.vector_load %arg21[%parallel_loop3A_571] {strides = array<i32>} : memref<288xf32, #tpu.memory_space<vmem>>, vector<16xf32>,
        %parallel_loop3A_573 = arith.mulf %parallel_loop3A_349, %parallel_loop3A_572 : vector<16xf32>
        %parallel_loop3A_574 = arith.addf %parallel_loop3A_570, %parallel_loop3A_573 : vector<16xf32>
        %parallel_loop3A_575 = arith.constant 0.000000e+00 : f32
        %parallel_loop3A_576 = vector.broadcast %parallel_loop3A_575 : f32 to vector<16xf32>
        %parallel_loop3A_577 = arith.subf %parallel_loop3A_576, %parallel_loop3A_574 : vector<16xf32>
        %parallel_loop3A_578 = math.exp %parallel_loop3A_577 : vector<16xf32>
        %parallel_loop3A_579 = arith.constant 1.000000e+00 : f32
        %parallel_loop3A_580 = vector.broadcast %parallel_loop3A_579 : f32 to vector<16xf32>
        %parallel_loop3A_581 = arith.addf %parallel_loop3A_580, %parallel_loop3A_578 : vector<16xf32>
        %parallel_loop3A_582 = arith.divf %parallel_loop3A_574, %parallel_loop3A_581 : vector<16xf32>
        %parallel_loop3A_583 = arith.index_cast %parallel_loop3A_334 : i32 to index
        %parallel_loop3A_584 = arith.constant 112 : index
        %parallel_loop3A_585 = tpu.vector_load %arg20[%parallel_loop3A_583, %parallel_loop3A_584] {strides = array<i32>} : memref<40x136xf32, #tpu.memory_space<vmem>>, vector<16xf32>,
        tpu.vector_store %arg20[%parallel_loop3A_583, %parallel_loop3A_584], %parallel_loop3A_582 {strides = array<i32>} : memref<40x136xf32, #tpu.memory_space<vmem>>, vector<16xf32>,
        %parallel_loop3A_586 = arith.constant 240 : index
        %parallel_loop3A_587 = tpu.vector_load %arg21[%parallel_loop3A_586] {strides = array<i32>} : memref<288xf32, #tpu.memory_space<vmem>>, vector<16xf32>,
        %parallel_loop3A_588 = arith.mulf %parallel_loop3A_582, %parallel_loop3A_587 : vector<16xf32>
        %parallel_loop3A_589 = arith.addf %parallel_loop3A_559, %parallel_loop3A_588 : vector<16xf32>
        %parallel_loop3A_590 = arith.constant 8 : i32
        %parallel_loop3A_591 = vector.broadcast %parallel_loop3A_590 : i32 to vector<16xi32>
        %parallel_loop3A_592 = arith.xori %iota3A, %parallel_loop3A_591 : vector<16xi32>
        %parallel_loop3A_593 = vector.shape_cast %parallel_loop3A_592 : vector<16xi32> to vector<16x1xi32>
        %parallel_loop3A_594 = vector.shape_cast %parallel_loop3A_593 : vector<16x1xi32> to vector<16xi32>
        %parallel_loop3A_595 = tpu.dynamic_gather %parallel_loop3A_589[%parallel_loop3A_594] in [0] : vector<16xf32>, vector<16xi32> -> vector<16xf32>
        %parallel_loop3A_596 = arith.addf %parallel_loop3A_589, %parallel_loop3A_595 : vector<16xf32>
        %parallel_loop3A_597 = arith.constant 4 : i32
        %parallel_loop3A_598 = vector.broadcast %parallel_loop3A_597 : i32 to vector<16xi32>
        %parallel_loop3A_599 = arith.xori %iota3A, %parallel_loop3A_598 : vector<16xi32>
        %parallel_loop3A_600 = vector.shape_cast %parallel_loop3A_599 : vector<16xi32> to vector<16x1xi32>
        %parallel_loop3A_601 = vector.shape_cast %parallel_loop3A_600 : vector<16x1xi32> to vector<16xi32>
        %parallel_loop3A_602 = tpu.dynamic_gather %parallel_loop3A_596[%parallel_loop3A_601] in [0] : vector<16xf32>, vector<16xi32> -> vector<16xf32>
        %parallel_loop3A_603 = arith.addf %parallel_loop3A_596, %parallel_loop3A_602 : vector<16xf32>
        %parallel_loop3A_604 = arith.constant 2 : i32
        %parallel_loop3A_605 = vector.broadcast %parallel_loop3A_604 : i32 to vector<16xi32>
        %parallel_loop3A_606 = arith.xori %iota3A, %parallel_loop3A_605 : vector<16xi32>
        %parallel_loop3A_607 = vector.shape_cast %parallel_loop3A_606 : vector<16xi32> to vector<16x1xi32>
        %parallel_loop3A_608 = vector.shape_cast %parallel_loop3A_607 : vector<16x1xi32> to vector<16xi32>
        %parallel_loop3A_609 = tpu.dynamic_gather %parallel_loop3A_603[%parallel_loop3A_608] in [0] : vector<16xf32>, vector<16xi32> -> vector<16xf32>
        %parallel_loop3A_610 = arith.addf %parallel_loop3A_603, %parallel_loop3A_609 : vector<16xf32>
        %parallel_loop3A_611 = arith.constant 1 : i32
        %parallel_loop3A_612 = vector.broadcast %parallel_loop3A_611 : i32 to vector<16xi32>
        %parallel_loop3A_613 = arith.xori %iota3A, %parallel_loop3A_612 : vector<16xi32>
        %parallel_loop3A_614 = vector.shape_cast %parallel_loop3A_613 : vector<16xi32> to vector<16x1xi32>
        %parallel_loop3A_615 = vector.shape_cast %parallel_loop3A_614 : vector<16x1xi32> to vector<16xi32>
        %parallel_loop3A_616 = tpu.dynamic_gather %parallel_loop3A_610[%parallel_loop3A_615] in [0] : vector<16xf32>, vector<16xi32> -> vector<16xf32>
        %parallel_loop3A_617 = arith.addf %parallel_loop3A_610, %parallel_loop3A_616 : vector<16xf32>
        %parallel_loop3A_618 = arith.addf %parallel_loop3A_617, %get3A_209 : vector<16xf32>
        %parallel_loop3A_619 = arith.mulf %parallel_loop3A_338, %convert_element_type3A_193 : vector<16xf32>
        %parallel_loop3A_620 = arith.mulf %parallel_loop3A_341, %convert_element_type3A_198 : vector<16xf32>
        %parallel_loop3A_621 = arith.addf %parallel_loop3A_619, %parallel_loop3A_620 : vector<16xf32>
        %parallel_loop3A_622 = arith.mulf %parallel_loop3A_344, %convert_element_type3A_203 : vector<16xf32>
        %parallel_loop3A_623 = arith.addf %parallel_loop3A_621, %parallel_loop3A_622 : vector<16xf32>
        %parallel_loop3A_624 = arith.mulf %parallel_loop3A_623, %parallel_loop3A_618 : vector<16xf32>
        %parallel_loop3A_625 = arith.addf %parallel_loop3A_624, %convert_element_type3A_208 : vector<16xf32>
        tpu.vector_store_idx %arg20[%parallel_loop3A_335, %add3A_190], %parallel_loop3A_625 masked %ge3A_187 : memref<40x136xf32, #tpu.memory_space<vmem>>[vector<16xi32>, vector<16xi32>], vector<16xf32>, vector<16xi1>
      } {sc.loop_unroll_factor = 2 : i64, sc.parallel_access}
      "tpu.region"() ({
        %run_scoped3A = tpu.sem_alloc : memref<!tpu.dma_semaphore, #tpu.memory_space<semaphore_mem>>
        %dma_start3A_334 = arith.constant 0 : i32
        %dma_start3A_335 = arith.constant 0 : i32
        %dma_start3A_336 = tpu.memref_slice %arg9[%dma_start3A_334, %dma_start3A_335] : memref<10000x136xf32, #tpu.memory_space<vmem_shared>> -> memref<10000x136xf32, #tpu.memory_space<vmem_shared>>
        tpu.enqueue_indirect_dma source(%arg20 : memref<40x136xf32, #tpu.memory_space<vmem>>) target(%dma_start3A_336 : memref<10000x136xf32, #tpu.memory_space<vmem_shared>>) offsets(%arg10 : memref<40xi32, #tpu.memory_space<vmem>>) semaphore(%run_scoped3A : memref<!tpu.dma_semaphore, #tpu.memory_space<semaphore_mem>>) {add = true}
        %dma_wait3A_337 = arith.constant 0 : i32
        %dma_wait3A_338 = arith.constant 0 : i32
        %dma_wait3A_339 = tpu.memref_slice %arg9[%dma_wait3A_337, %dma_wait3A_338] : memref<10000x136xf32, #tpu.memory_space<vmem_shared>> -> memref<10000x136xf32, #tpu.memory_space<vmem_shared>>
        tpu.wait_indirect_dma semaphore(%run_scoped3A : memref<!tpu.dma_semaphore, #tpu.memory_space<semaphore_mem>>) src(%arg20 : memref<40x136xf32, #tpu.memory_space<vmem>>) dst(%dma_wait3A_339 : memref<10000x136xf32, #tpu.memory_space<vmem_shared>>)
        tpu.yield
      }) : () -> ()
      %mul3A_295 = arith.constant 2 : i32
      %mul3A_296 = arith.muli %mul3A_295, %scan3A_257 : i32
      %add3A_297 = arith.constant 2 : i32
      %add3A_298 = arith.addi %mul3A_296, %add3A_297 : i32
      %min3A = arith.constant 249 : i32
      %min3A_299 = arith.minsi %add3A_298, %min3A : i32
      %mul3A_300 = arith.constant 40 : i32
      %mul3A_301 = arith.muli %min3A_299, %mul3A_300 : i32
      %add3A_302 = arith.addi %mul3A_217, %mul3A_301 : i32
      "tpu.region"() ({
        %run_scoped3A = tpu.sem_alloc : memref<!tpu.dma_semaphore, #tpu.memory_space<semaphore_mem>>
        %dma_start3A_334 = tpu.memref_slice %arg5[%add3A_302] : memref<320000xi32, #tpu.memory_space<hbm>> -> memref<40xi32, #tpu.memory_space<hbm>>
        %dma_start3A_335 = tpu.memref_slice %arg5[%add3A_302] : memref<320000xi32, #tpu.memory_space<hbm>> -> memref<40xi32, #tpu.memory_space<hbm>>
        tpu.enqueue_dma source(%dma_start3A_335 : memref<40xi32, #tpu.memory_space<hbm>>) target(%arg10 : memref<40xi32, #tpu.memory_space<vmem>>) target_semaphore(%run_scoped3A : memref<!tpu.dma_semaphore, #tpu.memory_space<semaphore_mem>>)
        %dma_wait3A_336 = tpu.memref_slice %arg5[%add3A_302] : memref<320000xi32, #tpu.memory_space<hbm>> -> memref<40xi32, #tpu.memory_space<hbm>>
        %dma_wait3A_337 = tpu.memref_slice %arg5[%add3A_302] : memref<320000xi32, #tpu.memory_space<hbm>> -> memref<40xi32, #tpu.memory_space<hbm>>
        tpu.wait_dma2 semaphore(%run_scoped3A : memref<!tpu.dma_semaphore, #tpu.memory_space<semaphore_mem>>) src(%dma_wait3A_337 : memref<40xi32, #tpu.memory_space<hbm>>) dst(%arg10 : memref<40xi32, #tpu.memory_space<vmem>>)
        tpu.yield
      }) : () -> ()
      "tpu.region"() ({
        %run_scoped3A = tpu.sem_alloc : memref<!tpu.dma_semaphore, #tpu.memory_space<semaphore_mem>>
        %dma_start3A_334 = tpu.memref_slice %arg6[%add3A_302] : memref<320000xi32, #tpu.memory_space<hbm>> -> memref<40xi32, #tpu.memory_space<hbm>>
        %dma_start3A_335 = tpu.memref_slice %arg6[%add3A_302] : memref<320000xi32, #tpu.memory_space<hbm>> -> memref<40xi32, #tpu.memory_space<hbm>>
        tpu.enqueue_dma source(%dma_start3A_335 : memref<40xi32, #tpu.memory_space<hbm>>) target(%arg11 : memref<40xi32, #tpu.memory_space<vmem>>) target_semaphore(%run_scoped3A : memref<!tpu.dma_semaphore, #tpu.memory_space<semaphore_mem>>)
        %dma_wait3A_336 = tpu.memref_slice %arg6[%add3A_302] : memref<320000xi32, #tpu.memory_space<hbm>> -> memref<40xi32, #tpu.memory_space<hbm>>
        %dma_wait3A_337 = tpu.memref_slice %arg6[%add3A_302] : memref<320000xi32, #tpu.memory_space<hbm>> -> memref<40xi32, #tpu.memory_space<hbm>>
        tpu.wait_dma2 semaphore(%run_scoped3A : memref<!tpu.dma_semaphore, #tpu.memory_space<semaphore_mem>>) src(%dma_wait3A_337 : memref<40xi32, #tpu.memory_space<hbm>>) dst(%arg11 : memref<40xi32, #tpu.memory_space<vmem>>)
        tpu.yield
      }) : () -> ()
      %dma_start3A_303 = arith.constant 0 : i32
      %dma_start3A_304 = arith.constant 0 : i32
      %dma_start3A_305 = tpu.memref_slice %arg2[%dma_start3A_303, %dma_start3A_304] : memref<10000x136xf32, #tpu.memory_space<hbm>> -> memref<10000x136xf32, #tpu.memory_space<hbm>>
      tpu.enqueue_indirect_dma source(%dma_start3A_305 : memref<10000x136xf32, #tpu.memory_space<hbm>>) target(%arg12 : memref<40x136xf32, #tpu.memory_space<vmem>>) offsets(%arg10 : memref<40xi32, #tpu.memory_space<vmem>>) semaphore(%arg23 : memref<!tpu.dma_semaphore, #tpu.memory_space<semaphore_mem>>)
      %dma_start3A_306 = arith.constant 0 : i32
      %dma_start3A_307 = arith.constant 0 : i32
      %dma_start3A_308 = tpu.memref_slice %arg3[%dma_start3A_306, %dma_start3A_307] : memref<10000x136xf32, #tpu.memory_space<hbm>> -> memref<10000x136xf32, #tpu.memory_space<hbm>>
      tpu.enqueue_indirect_dma source(%dma_start3A_308 : memref<10000x136xf32, #tpu.memory_space<hbm>>) target(%arg13 : memref<40x136xf32, #tpu.memory_space<vmem>>) offsets(%arg11 : memref<40xi32, #tpu.memory_space<vmem>>) semaphore(%arg23 : memref<!tpu.dma_semaphore, #tpu.memory_space<semaphore_mem>>)
      %dma_start3A_309 = arith.constant 0 : i32
      %dma_start3A_310 = tpu.memref_slice %arg4[%add3A_302, %dma_start3A_309] : memref<320000x128xf32, #tpu.memory_space<hbm>> -> memref<40x128xf32, #tpu.memory_space<hbm>>
      %dma_start3A_311 = arith.constant 0 : i32
      %dma_start3A_312 = tpu.memref_slice %arg4[%add3A_302, %dma_start3A_311] : memref<320000x128xf32, #tpu.memory_space<hbm>> -> memref<40x128xf32, #tpu.memory_space<hbm>>
      tpu.enqueue_dma source(%dma_start3A_312 : memref<40x128xf32, #tpu.memory_space<hbm>>) target(%arg14 : memref<40x128xf32, #tpu.memory_space<vmem>>) target_semaphore(%arg23 : memref<!tpu.dma_semaphore, #tpu.memory_space<semaphore_mem>>)
      %dma_wait3A_313 = arith.constant 0 : i32
      %dma_wait3A_314 = arith.constant 0 : i32
      %dma_wait3A_315 = tpu.memref_slice %arg2[%dma_wait3A_313, %dma_wait3A_314] : memref<10000x136xf32, #tpu.memory_space<hbm>> -> memref<40x136xf32, #tpu.memory_space<hbm>>
      %dma_wait3A_316 = arith.constant 0 : i32
      %dma_wait3A_317 = arith.constant 0 : i32
      %dma_wait3A_318 = tpu.memref_slice %arg2[%dma_wait3A_316, %dma_wait3A_317] : memref<10000x136xf32, #tpu.memory_space<hbm>> -> memref<40x136xf32, #tpu.memory_space<hbm>>
      tpu.wait_dma2 semaphore(%arg24 : memref<!tpu.dma_semaphore, #tpu.memory_space<semaphore_mem>>) src(%dma_wait3A_318 : memref<40x136xf32, #tpu.memory_space<hbm>>) dst(%arg17 : memref<40x136xf32, #tpu.memory_space<vmem>>)
      %dma_wait3A_319 = arith.constant 0 : i32
      %dma_wait3A_320 = arith.constant 0 : i32
      %dma_wait3A_321 = tpu.memref_slice %arg3[%dma_wait3A_319, %dma_wait3A_320] : memref<10000x136xf32, #tpu.memory_space<hbm>> -> memref<40x136xf32, #tpu.memory_space<hbm>>
      %dma_wait3A_322 = arith.constant 0 : i32
      %dma_wait3A_323 = arith.constant 0 : i32
      %dma_wait3A_324 = tpu.memref_slice %arg3[%dma_wait3A_322, %dma_wait3A_323] : memref<10000x136xf32, #tpu.memory_space<hbm>> -> memref<40x136xf32, #tpu.memory_space<hbm>>
      tpu.wait_dma2 semaphore(%arg24 : memref<!tpu.dma_semaphore, #tpu.memory_space<semaphore_mem>>) src(%dma_wait3A_324 : memref<40x136xf32, #tpu.memory_space<hbm>>) dst(%arg18 : memref<40x136xf32, #tpu.memory_space<vmem>>)
      %dma_wait3A_325 = arith.constant 0 : i32
      %dma_wait3A_326 = arith.constant 0 : i32
      %dma_wait3A_327 = tpu.memref_slice %arg4[%dma_wait3A_325, %dma_wait3A_326] : memref<320000x128xf32, #tpu.memory_space<hbm>> -> memref<40x128xf32, #tpu.memory_space<hbm>>
      %dma_wait3A_328 = arith.constant 0 : i32
      %dma_wait3A_329 = arith.constant 0 : i32
      %dma_wait3A_330 = tpu.memref_slice %arg4[%dma_wait3A_328, %dma_wait3A_329] : memref<320000x128xf32, #tpu.memory_space<hbm>> -> memref<40x128xf32, #tpu.memory_space<hbm>>
      tpu.wait_dma2 semaphore(%arg24 : memref<!tpu.dma_semaphore, #tpu.memory_space<semaphore_mem>>) src(%dma_wait3A_330 : memref<40x128xf32, #tpu.memory_space<hbm>>) dst(%arg19 : memref<40x128xf32, #tpu.memory_space<vmem>>)
      %parallel_loop3A_331 = arith.constant 0 : i32
      %parallel_loop3A_332 = arith.constant 40 : i32
      %parallel_loop3A_333 = arith.constant 1 : i32
      scf.for %parallel_loop3A_334 = %parallel_loop3A_331 to %parallel_loop3A_332 step %parallel_loop3A_333  : i32 {
        %parallel_loop3A_335 = vector.broadcast %parallel_loop3A_334 : i32 to vector<16xi32>
        %parallel_loop3A_336 = tpu.vector_load_idx %arg17[%parallel_loop3A_335, %broadcast_in_dim3A_211] : memref<40x136xf32, #tpu.memory_space<vmem>>[vector<16xi32>, vector<16xi32>], vector<16xf32>,
        %parallel_loop3A_337 = tpu.vector_load_idx %arg18[%parallel_loop3A_335, %broadcast_in_dim3A_211] : memref<40x136xf32, #tpu.memory_space<vmem>>[vector<16xi32>, vector<16xi32>], vector<16xf32>,
        %parallel_loop3A_338 = arith.subf %parallel_loop3A_336, %parallel_loop3A_337 : vector<16xf32>
        %parallel_loop3A_339 = tpu.vector_load_idx %arg17[%parallel_loop3A_335, %broadcast_in_dim3A_213] : memref<40x136xf32, #tpu.memory_space<vmem>>[vector<16xi32>, vector<16xi32>], vector<16xf32>,
        %parallel_loop3A_340 = tpu.vector_load_idx %arg18[%parallel_loop3A_335, %broadcast_in_dim3A_213] : memref<40x136xf32, #tpu.memory_space<vmem>>[vector<16xi32>, vector<16xi32>], vector<16xf32>,
        %parallel_loop3A_341 = arith.subf %parallel_loop3A_339, %parallel_loop3A_340 : vector<16xf32>
        %parallel_loop3A_342 = tpu.vector_load_idx %arg17[%parallel_loop3A_335, %broadcast_in_dim3A_215] : memref<40x136xf32, #tpu.memory_space<vmem>>[vector<16xi32>, vector<16xi32>], vector<16xf32>,
        %parallel_loop3A_343 = tpu.vector_load_idx %arg18[%parallel_loop3A_335, %broadcast_in_dim3A_215] : memref<40x136xf32, #tpu.memory_space<vmem>>[vector<16xi32>, vector<16xi32>], vector<16xf32>,
        %parallel_loop3A_344 = arith.subf %parallel_loop3A_342, %parallel_loop3A_343 : vector<16xf32>
        %parallel_loop3A_345 = arith.mulf %parallel_loop3A_338, %parallel_loop3A_338 : vector<16xf32>
        %parallel_loop3A_346 = arith.mulf %parallel_loop3A_341, %parallel_loop3A_341 : vector<16xf32>
        %parallel_loop3A_347 = arith.addf %parallel_loop3A_345, %parallel_loop3A_346 : vector<16xf32>
        %parallel_loop3A_348 = arith.mulf %parallel_loop3A_344, %parallel_loop3A_344 : vector<16xf32>
        %parallel_loop3A_349 = arith.addf %parallel_loop3A_347, %parallel_loop3A_348 : vector<16xf32>
        %parallel_loop3A_350 = arith.index_cast %parallel_loop3A_334 : i32 to index
        %parallel_loop3A_351 = arith.constant 0 : index
        %parallel_loop3A_352 = tpu.vector_load %arg17[%parallel_loop3A_350, %parallel_loop3A_351] {strides = array<i32>} : memref<40x136xf32, #tpu.memory_space<vmem>>, vector<16xf32>,
        %parallel_loop3A_353 = arith.index_cast %parallel_loop3A_334 : i32 to index
        %parallel_loop3A_354 = arith.constant 0 : index
        %parallel_loop3A_355 = tpu.vector_load %arg18[%parallel_loop3A_353, %parallel_loop3A_354] {strides = array<i32>} : memref<40x136xf32, #tpu.memory_space<vmem>>, vector<16xf32>,
        %parallel_loop3A_356 = arith.addf %parallel_loop3A_352, %parallel_loop3A_355 : vector<16xf32>
        %parallel_loop3A_357 = arith.index_cast %parallel_loop3A_334 : i32 to index
        %parallel_loop3A_358 = arith.constant 0 : index
        %parallel_loop3A_359 = tpu.vector_load %arg19[%parallel_loop3A_357, %parallel_loop3A_358] {strides = array<i32>} : memref<40x128xf32, #tpu.memory_space<vmem>>, vector<16xf32>,
        %parallel_loop3A_360 = arith.addf %parallel_loop3A_356, %parallel_loop3A_359 : vector<16xf32>
        %parallel_loop3A_361 = arith.constant 0 : index
        %parallel_loop3A_362 = tpu.vector_load %arg21[%parallel_loop3A_361] {strides = array<i32>} : memref<288xf32, #tpu.memory_space<vmem>>, vector<16xf32>,
        %parallel_loop3A_363 = arith.mulf %parallel_loop3A_349, %parallel_loop3A_362 : vector<16xf32>
        %parallel_loop3A_364 = arith.addf %parallel_loop3A_360, %parallel_loop3A_363 : vector<16xf32>
        %parallel_loop3A_365 = arith.constant 0.000000e+00 : f32
        %parallel_loop3A_366 = vector.broadcast %parallel_loop3A_365 : f32 to vector<16xf32>
        %parallel_loop3A_367 = arith.subf %parallel_loop3A_366, %parallel_loop3A_364 : vector<16xf32>
        %parallel_loop3A_368 = math.exp %parallel_loop3A_367 : vector<16xf32>
        %parallel_loop3A_369 = arith.constant 1.000000e+00 : f32
        %parallel_loop3A_370 = vector.broadcast %parallel_loop3A_369 : f32 to vector<16xf32>
        %parallel_loop3A_371 = arith.addf %parallel_loop3A_370, %parallel_loop3A_368 : vector<16xf32>
        %parallel_loop3A_372 = arith.divf %parallel_loop3A_364, %parallel_loop3A_371 : vector<16xf32>
        %parallel_loop3A_373 = arith.index_cast %parallel_loop3A_334 : i32 to index
        %parallel_loop3A_374 = arith.constant 0 : index
        %parallel_loop3A_375 = tpu.vector_load %arg20[%parallel_loop3A_373, %parallel_loop3A_374] {strides = array<i32>} : memref<40x136xf32, #tpu.memory_space<vmem>>, vector<16xf32>,
        tpu.vector_store %arg20[%parallel_loop3A_373, %parallel_loop3A_374], %parallel_loop3A_372 {strides = array<i32>} : memref<40x136xf32, #tpu.memory_space<vmem>>, vector<16xf32>,
        %parallel_loop3A_376 = arith.constant 128 : index
        %parallel_loop3A_377 = tpu.vector_load %arg21[%parallel_loop3A_376] {strides = array<i32>} : memref<288xf32, #tpu.memory_space<vmem>>, vector<16xf32>,
        %parallel_loop3A_378 = arith.mulf %parallel_loop3A_372, %parallel_loop3A_377 : vector<16xf32>
        %parallel_loop3A_379 = arith.addf %broadcast_in_dim3A_1, %parallel_loop3A_378 : vector<16xf32>
        %parallel_loop3A_380 = arith.index_cast %parallel_loop3A_334 : i32 to index
        %parallel_loop3A_381 = arith.constant 16 : index
        %parallel_loop3A_382 = tpu.vector_load %arg17[%parallel_loop3A_380, %parallel_loop3A_381] {strides = array<i32>} : memref<40x136xf32, #tpu.memory_space<vmem>>, vector<16xf32>,
        %parallel_loop3A_383 = arith.index_cast %parallel_loop3A_334 : i32 to index
        %parallel_loop3A_384 = arith.constant 16 : index
        %parallel_loop3A_385 = tpu.vector_load %arg18[%parallel_loop3A_383, %parallel_loop3A_384] {strides = array<i32>} : memref<40x136xf32, #tpu.memory_space<vmem>>, vector<16xf32>,
        %parallel_loop3A_386 = arith.addf %parallel_loop3A_382, %parallel_loop3A_385 : vector<16xf32>
        %parallel_loop3A_387 = arith.index_cast %parallel_loop3A_334 : i32 to index
        %parallel_loop3A_388 = arith.constant 16 : index
        %parallel_loop3A_389 = tpu.vector_load %arg19[%parallel_loop3A_387, %parallel_loop3A_388] {strides = array<i32>} : memref<40x128xf32, #tpu.memory_space<vmem>>, vector<16xf32>,
        %parallel_loop3A_390 = arith.addf %parallel_loop3A_386, %parallel_loop3A_389 : vector<16xf32>
        %parallel_loop3A_391 = arith.constant 16 : index
        %parallel_loop3A_392 = tpu.vector_load %arg21[%parallel_loop3A_391] {strides = array<i32>} : memref<288xf32, #tpu.memory_space<vmem>>, vector<16xf32>,
        %parallel_loop3A_393 = arith.mulf %parallel_loop3A_349, %parallel_loop3A_392 : vector<16xf32>
        %parallel_loop3A_394 = arith.addf %parallel_loop3A_390, %parallel_loop3A_393 : vector<16xf32>
        %parallel_loop3A_395 = arith.constant 0.000000e+00 : f32
        %parallel_loop3A_396 = vector.broadcast %parallel_loop3A_395 : f32 to vector<16xf32>
        %parallel_loop3A_397 = arith.subf %parallel_loop3A_396, %parallel_loop3A_394 : vector<16xf32>
        %parallel_loop3A_398 = math.exp %parallel_loop3A_397 : vector<16xf32>
        %parallel_loop3A_399 = arith.constant 1.000000e+00 : f32
        %parallel_loop3A_400 = vector.broadcast %parallel_loop3A_399 : f32 to vector<16xf32>
        %parallel_loop3A_401 = arith.addf %parallel_loop3A_400, %parallel_loop3A_398 : vector<16xf32>
        %parallel_loop3A_402 = arith.divf %parallel_loop3A_394, %parallel_loop3A_401 : vector<16xf32>
        %parallel_loop3A_403 = arith.index_cast %parallel_loop3A_334 : i32 to index
        %parallel_loop3A_404 = arith.constant 16 : index
        %parallel_loop3A_405 = tpu.vector_load %arg20[%parallel_loop3A_403, %parallel_loop3A_404] {strides = array<i32>} : memref<40x136xf32, #tpu.memory_space<vmem>>, vector<16xf32>,
        tpu.vector_store %arg20[%parallel_loop3A_403, %parallel_loop3A_404], %parallel_loop3A_402 {strides = array<i32>} : memref<40x136xf32, #tpu.memory_space<vmem>>, vector<16xf32>,
        %parallel_loop3A_406 = arith.constant 144 : index
        %parallel_loop3A_407 = tpu.vector_load %arg21[%parallel_loop3A_406] {strides = array<i32>} : memref<288xf32, #tpu.memory_space<vmem>>, vector<16xf32>,
        %parallel_loop3A_408 = arith.mulf %parallel_loop3A_402, %parallel_loop3A_407 : vector<16xf32>
        %parallel_loop3A_409 = arith.addf %parallel_loop3A_379, %parallel_loop3A_408 : vector<16xf32>
        %parallel_loop3A_410 = arith.index_cast %parallel_loop3A_334 : i32 to index
        %parallel_loop3A_411 = arith.constant 32 : index
        %parallel_loop3A_412 = tpu.vector_load %arg17[%parallel_loop3A_410, %parallel_loop3A_411] {strides = array<i32>} : memref<40x136xf32, #tpu.memory_space<vmem>>, vector<16xf32>,
        %parallel_loop3A_413 = arith.index_cast %parallel_loop3A_334 : i32 to index
        %parallel_loop3A_414 = arith.constant 32 : index
        %parallel_loop3A_415 = tpu.vector_load %arg18[%parallel_loop3A_413, %parallel_loop3A_414] {strides = array<i32>} : memref<40x136xf32, #tpu.memory_space<vmem>>, vector<16xf32>,
        %parallel_loop3A_416 = arith.addf %parallel_loop3A_412, %parallel_loop3A_415 : vector<16xf32>
        %parallel_loop3A_417 = arith.index_cast %parallel_loop3A_334 : i32 to index
        %parallel_loop3A_418 = arith.constant 32 : index
        %parallel_loop3A_419 = tpu.vector_load %arg19[%parallel_loop3A_417, %parallel_loop3A_418] {strides = array<i32>} : memref<40x128xf32, #tpu.memory_space<vmem>>, vector<16xf32>,
        %parallel_loop3A_420 = arith.addf %parallel_loop3A_416, %parallel_loop3A_419 : vector<16xf32>
        %parallel_loop3A_421 = arith.constant 32 : index
        %parallel_loop3A_422 = tpu.vector_load %arg21[%parallel_loop3A_421] {strides = array<i32>} : memref<288xf32, #tpu.memory_space<vmem>>, vector<16xf32>,
        %parallel_loop3A_423 = arith.mulf %parallel_loop3A_349, %parallel_loop3A_422 : vector<16xf32>
        %parallel_loop3A_424 = arith.addf %parallel_loop3A_420, %parallel_loop3A_423 : vector<16xf32>
        %parallel_loop3A_425 = arith.constant 0.000000e+00 : f32
        %parallel_loop3A_426 = vector.broadcast %parallel_loop3A_425 : f32 to vector<16xf32>
        %parallel_loop3A_427 = arith.subf %parallel_loop3A_426, %parallel_loop3A_424 : vector<16xf32>
        %parallel_loop3A_428 = math.exp %parallel_loop3A_427 : vector<16xf32>
        %parallel_loop3A_429 = arith.constant 1.000000e+00 : f32
        %parallel_loop3A_430 = vector.broadcast %parallel_loop3A_429 : f32 to vector<16xf32>
        %parallel_loop3A_431 = arith.addf %parallel_loop3A_430, %parallel_loop3A_428 : vector<16xf32>
        %parallel_loop3A_432 = arith.divf %parallel_loop3A_424, %parallel_loop3A_431 : vector<16xf32>
        %parallel_loop3A_433 = arith.index_cast %parallel_loop3A_334 : i32 to index
        %parallel_loop3A_434 = arith.constant 32 : index
        %parallel_loop3A_435 = tpu.vector_load %arg20[%parallel_loop3A_433, %parallel_loop3A_434] {strides = array<i32>} : memref<40x136xf32, #tpu.memory_space<vmem>>, vector<16xf32>,
        tpu.vector_store %arg20[%parallel_loop3A_433, %parallel_loop3A_434], %parallel_loop3A_432 {strides = array<i32>} : memref<40x136xf32, #tpu.memory_space<vmem>>, vector<16xf32>,
        %parallel_loop3A_436 = arith.constant 160 : index
        %parallel_loop3A_437 = tpu.vector_load %arg21[%parallel_loop3A_436] {strides = array<i32>} : memref<288xf32, #tpu.memory_space<vmem>>, vector<16xf32>,
        %parallel_loop3A_438 = arith.mulf %parallel_loop3A_432, %parallel_loop3A_437 : vector<16xf32>
        %parallel_loop3A_439 = arith.addf %parallel_loop3A_409, %parallel_loop3A_438 : vector<16xf32>
        %parallel_loop3A_440 = arith.index_cast %parallel_loop3A_334 : i32 to index
        %parallel_loop3A_441 = arith.constant 48 : index
        %parallel_loop3A_442 = tpu.vector_load %arg17[%parallel_loop3A_440, %parallel_loop3A_441] {strides = array<i32>} : memref<40x136xf32, #tpu.memory_space<vmem>>, vector<16xf32>,
        %parallel_loop3A_443 = arith.index_cast %parallel_loop3A_334 : i32 to index
        %parallel_loop3A_444 = arith.constant 48 : index
        %parallel_loop3A_445 = tpu.vector_load %arg18[%parallel_loop3A_443, %parallel_loop3A_444] {strides = array<i32>} : memref<40x136xf32, #tpu.memory_space<vmem>>, vector<16xf32>,
        %parallel_loop3A_446 = arith.addf %parallel_loop3A_442, %parallel_loop3A_445 : vector<16xf32>
        %parallel_loop3A_447 = arith.index_cast %parallel_loop3A_334 : i32 to index
        %parallel_loop3A_448 = arith.constant 48 : index
        %parallel_loop3A_449 = tpu.vector_load %arg19[%parallel_loop3A_447, %parallel_loop3A_448] {strides = array<i32>} : memref<40x128xf32, #tpu.memory_space<vmem>>, vector<16xf32>,
        %parallel_loop3A_450 = arith.addf %parallel_loop3A_446, %parallel_loop3A_449 : vector<16xf32>
        %parallel_loop3A_451 = arith.constant 48 : index
        %parallel_loop3A_452 = tpu.vector_load %arg21[%parallel_loop3A_451] {strides = array<i32>} : memref<288xf32, #tpu.memory_space<vmem>>, vector<16xf32>,
        %parallel_loop3A_453 = arith.mulf %parallel_loop3A_349, %parallel_loop3A_452 : vector<16xf32>
        %parallel_loop3A_454 = arith.addf %parallel_loop3A_450, %parallel_loop3A_453 : vector<16xf32>
        %parallel_loop3A_455 = arith.constant 0.000000e+00 : f32
        %parallel_loop3A_456 = vector.broadcast %parallel_loop3A_455 : f32 to vector<16xf32>
        %parallel_loop3A_457 = arith.subf %parallel_loop3A_456, %parallel_loop3A_454 : vector<16xf32>
        %parallel_loop3A_458 = math.exp %parallel_loop3A_457 : vector<16xf32>
        %parallel_loop3A_459 = arith.constant 1.000000e+00 : f32
        %parallel_loop3A_460 = vector.broadcast %parallel_loop3A_459 : f32 to vector<16xf32>
        %parallel_loop3A_461 = arith.addf %parallel_loop3A_460, %parallel_loop3A_458 : vector<16xf32>
        %parallel_loop3A_462 = arith.divf %parallel_loop3A_454, %parallel_loop3A_461 : vector<16xf32>
        %parallel_loop3A_463 = arith.index_cast %parallel_loop3A_334 : i32 to index
        %parallel_loop3A_464 = arith.constant 48 : index
        %parallel_loop3A_465 = tpu.vector_load %arg20[%parallel_loop3A_463, %parallel_loop3A_464] {strides = array<i32>} : memref<40x136xf32, #tpu.memory_space<vmem>>, vector<16xf32>,
        tpu.vector_store %arg20[%parallel_loop3A_463, %parallel_loop3A_464], %parallel_loop3A_462 {strides = array<i32>} : memref<40x136xf32, #tpu.memory_space<vmem>>, vector<16xf32>,
        %parallel_loop3A_466 = arith.constant 176 : index
        %parallel_loop3A_467 = tpu.vector_load %arg21[%parallel_loop3A_466] {strides = array<i32>} : memref<288xf32, #tpu.memory_space<vmem>>, vector<16xf32>,
        %parallel_loop3A_468 = arith.mulf %parallel_loop3A_462, %parallel_loop3A_467 : vector<16xf32>
        %parallel_loop3A_469 = arith.addf %parallel_loop3A_439, %parallel_loop3A_468 : vector<16xf32>
        %parallel_loop3A_470 = arith.index_cast %parallel_loop3A_334 : i32 to index
        %parallel_loop3A_471 = arith.constant 64 : index
        %parallel_loop3A_472 = tpu.vector_load %arg17[%parallel_loop3A_470, %parallel_loop3A_471] {strides = array<i32>} : memref<40x136xf32, #tpu.memory_space<vmem>>, vector<16xf32>,
        %parallel_loop3A_473 = arith.index_cast %parallel_loop3A_334 : i32 to index
        %parallel_loop3A_474 = arith.constant 64 : index
        %parallel_loop3A_475 = tpu.vector_load %arg18[%parallel_loop3A_473, %parallel_loop3A_474] {strides = array<i32>} : memref<40x136xf32, #tpu.memory_space<vmem>>, vector<16xf32>,
        %parallel_loop3A_476 = arith.addf %parallel_loop3A_472, %parallel_loop3A_475 : vector<16xf32>
        %parallel_loop3A_477 = arith.index_cast %parallel_loop3A_334 : i32 to index
        %parallel_loop3A_478 = arith.constant 64 : index
        %parallel_loop3A_479 = tpu.vector_load %arg19[%parallel_loop3A_477, %parallel_loop3A_478] {strides = array<i32>} : memref<40x128xf32, #tpu.memory_space<vmem>>, vector<16xf32>,
        %parallel_loop3A_480 = arith.addf %parallel_loop3A_476, %parallel_loop3A_479 : vector<16xf32>
        %parallel_loop3A_481 = arith.constant 64 : index
        %parallel_loop3A_482 = tpu.vector_load %arg21[%parallel_loop3A_481] {strides = array<i32>} : memref<288xf32, #tpu.memory_space<vmem>>, vector<16xf32>,
        %parallel_loop3A_483 = arith.mulf %parallel_loop3A_349, %parallel_loop3A_482 : vector<16xf32>
        %parallel_loop3A_484 = arith.addf %parallel_loop3A_480, %parallel_loop3A_483 : vector<16xf32>
        %parallel_loop3A_485 = arith.constant 0.000000e+00 : f32
        %parallel_loop3A_486 = vector.broadcast %parallel_loop3A_485 : f32 to vector<16xf32>
        %parallel_loop3A_487 = arith.subf %parallel_loop3A_486, %parallel_loop3A_484 : vector<16xf32>
        %parallel_loop3A_488 = math.exp %parallel_loop3A_487 : vector<16xf32>
        %parallel_loop3A_489 = arith.constant 1.000000e+00 : f32
        %parallel_loop3A_490 = vector.broadcast %parallel_loop3A_489 : f32 to vector<16xf32>
        %parallel_loop3A_491 = arith.addf %parallel_loop3A_490, %parallel_loop3A_488 : vector<16xf32>
        %parallel_loop3A_492 = arith.divf %parallel_loop3A_484, %parallel_loop3A_491 : vector<16xf32>
        %parallel_loop3A_493 = arith.index_cast %parallel_loop3A_334 : i32 to index
        %parallel_loop3A_494 = arith.constant 64 : index
        %parallel_loop3A_495 = tpu.vector_load %arg20[%parallel_loop3A_493, %parallel_loop3A_494] {strides = array<i32>} : memref<40x136xf32, #tpu.memory_space<vmem>>, vector<16xf32>,
        tpu.vector_store %arg20[%parallel_loop3A_493, %parallel_loop3A_494], %parallel_loop3A_492 {strides = array<i32>} : memref<40x136xf32, #tpu.memory_space<vmem>>, vector<16xf32>,
        %parallel_loop3A_496 = arith.constant 192 : index
        %parallel_loop3A_497 = tpu.vector_load %arg21[%parallel_loop3A_496] {strides = array<i32>} : memref<288xf32, #tpu.memory_space<vmem>>, vector<16xf32>,
        %parallel_loop3A_498 = arith.mulf %parallel_loop3A_492, %parallel_loop3A_497 : vector<16xf32>
        %parallel_loop3A_499 = arith.addf %parallel_loop3A_469, %parallel_loop3A_498 : vector<16xf32>
        %parallel_loop3A_500 = arith.index_cast %parallel_loop3A_334 : i32 to index
        %parallel_loop3A_501 = arith.constant 80 : index
        %parallel_loop3A_502 = tpu.vector_load %arg17[%parallel_loop3A_500, %parallel_loop3A_501] {strides = array<i32>} : memref<40x136xf32, #tpu.memory_space<vmem>>, vector<16xf32>,
        %parallel_loop3A_503 = arith.index_cast %parallel_loop3A_334 : i32 to index
        %parallel_loop3A_504 = arith.constant 80 : index
        %parallel_loop3A_505 = tpu.vector_load %arg18[%parallel_loop3A_503, %parallel_loop3A_504] {strides = array<i32>} : memref<40x136xf32, #tpu.memory_space<vmem>>, vector<16xf32>,
        %parallel_loop3A_506 = arith.addf %parallel_loop3A_502, %parallel_loop3A_505 : vector<16xf32>
        %parallel_loop3A_507 = arith.index_cast %parallel_loop3A_334 : i32 to index
        %parallel_loop3A_508 = arith.constant 80 : index
        %parallel_loop3A_509 = tpu.vector_load %arg19[%parallel_loop3A_507, %parallel_loop3A_508] {strides = array<i32>} : memref<40x128xf32, #tpu.memory_space<vmem>>, vector<16xf32>,
        %parallel_loop3A_510 = arith.addf %parallel_loop3A_506, %parallel_loop3A_509 : vector<16xf32>
        %parallel_loop3A_511 = arith.constant 80 : index
        %parallel_loop3A_512 = tpu.vector_load %arg21[%parallel_loop3A_511] {strides = array<i32>} : memref<288xf32, #tpu.memory_space<vmem>>, vector<16xf32>,
        %parallel_loop3A_513 = arith.mulf %parallel_loop3A_349, %parallel_loop3A_512 : vector<16xf32>
        %parallel_loop3A_514 = arith.addf %parallel_loop3A_510, %parallel_loop3A_513 : vector<16xf32>
        %parallel_loop3A_515 = arith.constant 0.000000e+00 : f32
        %parallel_loop3A_516 = vector.broadcast %parallel_loop3A_515 : f32 to vector<16xf32>
        %parallel_loop3A_517 = arith.subf %parallel_loop3A_516, %parallel_loop3A_514 : vector<16xf32>
        %parallel_loop3A_518 = math.exp %parallel_loop3A_517 : vector<16xf32>
        %parallel_loop3A_519 = arith.constant 1.000000e+00 : f32
        %parallel_loop3A_520 = vector.broadcast %parallel_loop3A_519 : f32 to vector<16xf32>
        %parallel_loop3A_521 = arith.addf %parallel_loop3A_520, %parallel_loop3A_518 : vector<16xf32>
        %parallel_loop3A_522 = arith.divf %parallel_loop3A_514, %parallel_loop3A_521 : vector<16xf32>
        %parallel_loop3A_523 = arith.index_cast %parallel_loop3A_334 : i32 to index
        %parallel_loop3A_524 = arith.constant 80 : index
        %parallel_loop3A_525 = tpu.vector_load %arg20[%parallel_loop3A_523, %parallel_loop3A_524] {strides = array<i32>} : memref<40x136xf32, #tpu.memory_space<vmem>>, vector<16xf32>,
        tpu.vector_store %arg20[%parallel_loop3A_523, %parallel_loop3A_524], %parallel_loop3A_522 {strides = array<i32>} : memref<40x136xf32, #tpu.memory_space<vmem>>, vector<16xf32>,
        %parallel_loop3A_526 = arith.constant 208 : index
        %parallel_loop3A_527 = tpu.vector_load %arg21[%parallel_loop3A_526] {strides = array<i32>} : memref<288xf32, #tpu.memory_space<vmem>>, vector<16xf32>,
        %parallel_loop3A_528 = arith.mulf %parallel_loop3A_522, %parallel_loop3A_527 : vector<16xf32>
        %parallel_loop3A_529 = arith.addf %parallel_loop3A_499, %parallel_loop3A_528 : vector<16xf32>
        %parallel_loop3A_530 = arith.index_cast %parallel_loop3A_334 : i32 to index
        %parallel_loop3A_531 = arith.constant 96 : index
        %parallel_loop3A_532 = tpu.vector_load %arg17[%parallel_loop3A_530, %parallel_loop3A_531] {strides = array<i32>} : memref<40x136xf32, #tpu.memory_space<vmem>>, vector<16xf32>,
        %parallel_loop3A_533 = arith.index_cast %parallel_loop3A_334 : i32 to index
        %parallel_loop3A_534 = arith.constant 96 : index
        %parallel_loop3A_535 = tpu.vector_load %arg18[%parallel_loop3A_533, %parallel_loop3A_534] {strides = array<i32>} : memref<40x136xf32, #tpu.memory_space<vmem>>, vector<16xf32>,
        %parallel_loop3A_536 = arith.addf %parallel_loop3A_532, %parallel_loop3A_535 : vector<16xf32>
        %parallel_loop3A_537 = arith.index_cast %parallel_loop3A_334 : i32 to index
        %parallel_loop3A_538 = arith.constant 96 : index
        %parallel_loop3A_539 = tpu.vector_load %arg19[%parallel_loop3A_537, %parallel_loop3A_538] {strides = array<i32>} : memref<40x128xf32, #tpu.memory_space<vmem>>, vector<16xf32>,
        %parallel_loop3A_540 = arith.addf %parallel_loop3A_536, %parallel_loop3A_539 : vector<16xf32>
        %parallel_loop3A_541 = arith.constant 96 : index
        %parallel_loop3A_542 = tpu.vector_load %arg21[%parallel_loop3A_541] {strides = array<i32>} : memref<288xf32, #tpu.memory_space<vmem>>, vector<16xf32>,
        %parallel_loop3A_543 = arith.mulf %parallel_loop3A_349, %parallel_loop3A_542 : vector<16xf32>
        %parallel_loop3A_544 = arith.addf %parallel_loop3A_540, %parallel_loop3A_543 : vector<16xf32>
        %parallel_loop3A_545 = arith.constant 0.000000e+00 : f32
        %parallel_loop3A_546 = vector.broadcast %parallel_loop3A_545 : f32 to vector<16xf32>
        %parallel_loop3A_547 = arith.subf %parallel_loop3A_546, %parallel_loop3A_544 : vector<16xf32>
        %parallel_loop3A_548 = math.exp %parallel_loop3A_547 : vector<16xf32>
        %parallel_loop3A_549 = arith.constant 1.000000e+00 : f32
        %parallel_loop3A_550 = vector.broadcast %parallel_loop3A_549 : f32 to vector<16xf32>
        %parallel_loop3A_551 = arith.addf %parallel_loop3A_550, %parallel_loop3A_548 : vector<16xf32>
        %parallel_loop3A_552 = arith.divf %parallel_loop3A_544, %parallel_loop3A_551 : vector<16xf32>
        %parallel_loop3A_553 = arith.index_cast %parallel_loop3A_334 : i32 to index
        %parallel_loop3A_554 = arith.constant 96 : index
        %parallel_loop3A_555 = tpu.vector_load %arg20[%parallel_loop3A_553, %parallel_loop3A_554] {strides = array<i32>} : memref<40x136xf32, #tpu.memory_space<vmem>>, vector<16xf32>,
        tpu.vector_store %arg20[%parallel_loop3A_553, %parallel_loop3A_554], %parallel_loop3A_552 {strides = array<i32>} : memref<40x136xf32, #tpu.memory_space<vmem>>, vector<16xf32>,
        %parallel_loop3A_556 = arith.constant 224 : index
        %parallel_loop3A_557 = tpu.vector_load %arg21[%parallel_loop3A_556] {strides = array<i32>} : memref<288xf32, #tpu.memory_space<vmem>>, vector<16xf32>,
        %parallel_loop3A_558 = arith.mulf %parallel_loop3A_552, %parallel_loop3A_557 : vector<16xf32>
        %parallel_loop3A_559 = arith.addf %parallel_loop3A_529, %parallel_loop3A_558 : vector<16xf32>
        %parallel_loop3A_560 = arith.index_cast %parallel_loop3A_334 : i32 to index
        %parallel_loop3A_561 = arith.constant 112 : index
        %parallel_loop3A_562 = tpu.vector_load %arg17[%parallel_loop3A_560, %parallel_loop3A_561] {strides = array<i32>} : memref<40x136xf32, #tpu.memory_space<vmem>>, vector<16xf32>,
        %parallel_loop3A_563 = arith.index_cast %parallel_loop3A_334 : i32 to index
        %parallel_loop3A_564 = arith.constant 112 : index
        %parallel_loop3A_565 = tpu.vector_load %arg18[%parallel_loop3A_563, %parallel_loop3A_564] {strides = array<i32>} : memref<40x136xf32, #tpu.memory_space<vmem>>, vector<16xf32>,
        %parallel_loop3A_566 = arith.addf %parallel_loop3A_562, %parallel_loop3A_565 : vector<16xf32>
        %parallel_loop3A_567 = arith.index_cast %parallel_loop3A_334 : i32 to index
        %parallel_loop3A_568 = arith.constant 112 : index
        %parallel_loop3A_569 = tpu.vector_load %arg19[%parallel_loop3A_567, %parallel_loop3A_568] {strides = array<i32>} : memref<40x128xf32, #tpu.memory_space<vmem>>, vector<16xf32>,
        %parallel_loop3A_570 = arith.addf %parallel_loop3A_566, %parallel_loop3A_569 : vector<16xf32>
        %parallel_loop3A_571 = arith.constant 112 : index
        %parallel_loop3A_572 = tpu.vector_load %arg21[%parallel_loop3A_571] {strides = array<i32>} : memref<288xf32, #tpu.memory_space<vmem>>, vector<16xf32>,
        %parallel_loop3A_573 = arith.mulf %parallel_loop3A_349, %parallel_loop3A_572 : vector<16xf32>
        %parallel_loop3A_574 = arith.addf %parallel_loop3A_570, %parallel_loop3A_573 : vector<16xf32>
        %parallel_loop3A_575 = arith.constant 0.000000e+00 : f32
        %parallel_loop3A_576 = vector.broadcast %parallel_loop3A_575 : f32 to vector<16xf32>
        %parallel_loop3A_577 = arith.subf %parallel_loop3A_576, %parallel_loop3A_574 : vector<16xf32>
        %parallel_loop3A_578 = math.exp %parallel_loop3A_577 : vector<16xf32>
        %parallel_loop3A_579 = arith.constant 1.000000e+00 : f32
        %parallel_loop3A_580 = vector.broadcast %parallel_loop3A_579 : f32 to vector<16xf32>
        %parallel_loop3A_581 = arith.addf %parallel_loop3A_580, %parallel_loop3A_578 : vector<16xf32>
        %parallel_loop3A_582 = arith.divf %parallel_loop3A_574, %parallel_loop3A_581 : vector<16xf32>
        %parallel_loop3A_583 = arith.index_cast %parallel_loop3A_334 : i32 to index
        %parallel_loop3A_584 = arith.constant 112 : index
        %parallel_loop3A_585 = tpu.vector_load %arg20[%parallel_loop3A_583, %parallel_loop3A_584] {strides = array<i32>} : memref<40x136xf32, #tpu.memory_space<vmem>>, vector<16xf32>,
        tpu.vector_store %arg20[%parallel_loop3A_583, %parallel_loop3A_584], %parallel_loop3A_582 {strides = array<i32>} : memref<40x136xf32, #tpu.memory_space<vmem>>, vector<16xf32>,
        %parallel_loop3A_586 = arith.constant 240 : index
        %parallel_loop3A_587 = tpu.vector_load %arg21[%parallel_loop3A_586] {strides = array<i32>} : memref<288xf32, #tpu.memory_space<vmem>>, vector<16xf32>,
        %parallel_loop3A_588 = arith.mulf %parallel_loop3A_582, %parallel_loop3A_587 : vector<16xf32>
        %parallel_loop3A_589 = arith.addf %parallel_loop3A_559, %parallel_loop3A_588 : vector<16xf32>
        %parallel_loop3A_590 = arith.constant 8 : i32
        %parallel_loop3A_591 = vector.broadcast %parallel_loop3A_590 : i32 to vector<16xi32>
        %parallel_loop3A_592 = arith.xori %iota3A, %parallel_loop3A_591 : vector<16xi32>
        %parallel_loop3A_593 = vector.shape_cast %parallel_loop3A_592 : vector<16xi32> to vector<16x1xi32>
        %parallel_loop3A_594 = vector.shape_cast %parallel_loop3A_593 : vector<16x1xi32> to vector<16xi32>
        %parallel_loop3A_595 = tpu.dynamic_gather %parallel_loop3A_589[%parallel_loop3A_594] in [0] : vector<16xf32>, vector<16xi32> -> vector<16xf32>
        %parallel_loop3A_596 = arith.addf %parallel_loop3A_589, %parallel_loop3A_595 : vector<16xf32>
        %parallel_loop3A_597 = arith.constant 4 : i32
        %parallel_loop3A_598 = vector.broadcast %parallel_loop3A_597 : i32 to vector<16xi32>
        %parallel_loop3A_599 = arith.xori %iota3A, %parallel_loop3A_598 : vector<16xi32>
        %parallel_loop3A_600 = vector.shape_cast %parallel_loop3A_599 : vector<16xi32> to vector<16x1xi32>
        %parallel_loop3A_601 = vector.shape_cast %parallel_loop3A_600 : vector<16x1xi32> to vector<16xi32>
        %parallel_loop3A_602 = tpu.dynamic_gather %parallel_loop3A_596[%parallel_loop3A_601] in [0] : vector<16xf32>, vector<16xi32> -> vector<16xf32>
        %parallel_loop3A_603 = arith.addf %parallel_loop3A_596, %parallel_loop3A_602 : vector<16xf32>
        %parallel_loop3A_604 = arith.constant 2 : i32
        %parallel_loop3A_605 = vector.broadcast %parallel_loop3A_604 : i32 to vector<16xi32>
        %parallel_loop3A_606 = arith.xori %iota3A, %parallel_loop3A_605 : vector<16xi32>
        %parallel_loop3A_607 = vector.shape_cast %parallel_loop3A_606 : vector<16xi32> to vector<16x1xi32>
        %parallel_loop3A_608 = vector.shape_cast %parallel_loop3A_607 : vector<16x1xi32> to vector<16xi32>
        %parallel_loop3A_609 = tpu.dynamic_gather %parallel_loop3A_603[%parallel_loop3A_608] in [0] : vector<16xf32>, vector<16xi32> -> vector<16xf32>
        %parallel_loop3A_610 = arith.addf %parallel_loop3A_603, %parallel_loop3A_609 : vector<16xf32>
        %parallel_loop3A_611 = arith.constant 1 : i32
        %parallel_loop3A_612 = vector.broadcast %parallel_loop3A_611 : i32 to vector<16xi32>
        %parallel_loop3A_613 = arith.xori %iota3A, %parallel_loop3A_612 : vector<16xi32>
        %parallel_loop3A_614 = vector.shape_cast %parallel_loop3A_613 : vector<16xi32> to vector<16x1xi32>
        %parallel_loop3A_615 = vector.shape_cast %parallel_loop3A_614 : vector<16x1xi32> to vector<16xi32>
        %parallel_loop3A_616 = tpu.dynamic_gather %parallel_loop3A_610[%parallel_loop3A_615] in [0] : vector<16xf32>, vector<16xi32> -> vector<16xf32>
        %parallel_loop3A_617 = arith.addf %parallel_loop3A_610, %parallel_loop3A_616 : vector<16xf32>
        %parallel_loop3A_618 = arith.addf %parallel_loop3A_617, %get3A_209 : vector<16xf32>
        %parallel_loop3A_619 = arith.mulf %parallel_loop3A_338, %convert_element_type3A_193 : vector<16xf32>
        %parallel_loop3A_620 = arith.mulf %parallel_loop3A_341, %convert_element_type3A_198 : vector<16xf32>
        %parallel_loop3A_621 = arith.addf %parallel_loop3A_619, %parallel_loop3A_620 : vector<16xf32>
        %parallel_loop3A_622 = arith.mulf %parallel_loop3A_344, %convert_element_type3A_203 : vector<16xf32>
        %parallel_loop3A_623 = arith.addf %parallel_loop3A_621, %parallel_loop3A_622 : vector<16xf32>
        %parallel_loop3A_624 = arith.mulf %parallel_loop3A_623, %parallel_loop3A_618 : vector<16xf32>
        %parallel_loop3A_625 = arith.addf %parallel_loop3A_624, %convert_element_type3A_208 : vector<16xf32>
        tpu.vector_store_idx %arg20[%parallel_loop3A_335, %add3A_190], %parallel_loop3A_625 masked %ge3A_187 : memref<40x136xf32, #tpu.memory_space<vmem>>[vector<16xi32>, vector<16xi32>], vector<16xf32>, vector<16xi1>
      } {sc.loop_unroll_factor = 2 : i64, sc.parallel_access}
      "tpu.region"() ({
        %run_scoped3A = tpu.sem_alloc : memref<!tpu.dma_semaphore, #tpu.memory_space<semaphore_mem>>
        %dma_start3A_334 = arith.constant 0 : i32
        %dma_start3A_335 = arith.constant 0 : i32
        %dma_start3A_336 = tpu.memref_slice %arg9[%dma_start3A_334, %dma_start3A_335] : memref<10000x136xf32, #tpu.memory_space<vmem_shared>> -> memref<10000x136xf32, #tpu.memory_space<vmem_shared>>
        tpu.enqueue_indirect_dma source(%arg20 : memref<40x136xf32, #tpu.memory_space<vmem>>) target(%dma_start3A_336 : memref<10000x136xf32, #tpu.memory_space<vmem_shared>>) offsets(%arg15 : memref<40xi32, #tpu.memory_space<vmem>>) semaphore(%run_scoped3A : memref<!tpu.dma_semaphore, #tpu.memory_space<semaphore_mem>>) {add = true}
        %dma_wait3A_337 = arith.constant 0 : i32
        %dma_wait3A_338 = arith.constant 0 : i32
        %dma_wait3A_339 = tpu.memref_slice %arg9[%dma_wait3A_337, %dma_wait3A_338] : memref<10000x136xf32, #tpu.memory_space<vmem_shared>> -> memref<10000x136xf32, #tpu.memory_space<vmem_shared>>
        tpu.wait_indirect_dma semaphore(%run_scoped3A : memref<!tpu.dma_semaphore, #tpu.memory_space<semaphore_mem>>) src(%arg20 : memref<40x136xf32, #tpu.memory_space<vmem>>) dst(%dma_wait3A_339 : memref<10000x136xf32, #tpu.memory_space<vmem_shared>>)
        tpu.yield
      }) : () -> ()
    }
    %scan3A_234 = arith.constant 125 : i32
    %dma_wait3A = arith.constant 0 : i32
    %dma_wait3A_235 = arith.constant 0 : i32
    %dma_wait3A_236 = tpu.memref_slice %arg2[%dma_wait3A, %dma_wait3A_235] : memref<10000x136xf32, #tpu.memory_space<hbm>> -> memref<40x136xf32, #tpu.memory_space<hbm>>
    %dma_wait3A_237 = arith.constant 0 : i32
    %dma_wait3A_238 = arith.constant 0 : i32
    %dma_wait3A_239 = tpu.memref_slice %arg2[%dma_wait3A_237, %dma_wait3A_238] : memref<10000x136xf32, #tpu.memory_space<hbm>> -> memref<40x136xf32, #tpu.memory_space<hbm>>
    tpu.wait_dma2 semaphore(%arg23 : memref<!tpu.dma_semaphore, #tpu.memory_space<semaphore_mem>>) src(%dma_wait3A_239 : memref<40x136xf32, #tpu.memory_space<hbm>>) dst(%arg12 : memref<40x136xf32, #tpu.memory_space<vmem>>)
    %dma_wait3A_240 = arith.constant 0 : i32
    %dma_wait3A_241 = arith.constant 0 : i32
    %dma_wait3A_242 = tpu.memref_slice %arg3[%dma_wait3A_240, %dma_wait3A_241] : memref<10000x136xf32, #tpu.memory_space<hbm>> -> memref<40x136xf32, #tpu.memory_space<hbm>>
    %dma_wait3A_243 = arith.constant 0 : i32
    %dma_wait3A_244 = arith.constant 0 : i32
    %dma_wait3A_245 = tpu.memref_slice %arg3[%dma_wait3A_243, %dma_wait3A_244] : memref<10000x136xf32, #tpu.memory_space<hbm>> -> memref<40x136xf32, #tpu.memory_space<hbm>>
    tpu.wait_dma2 semaphore(%arg23 : memref<!tpu.dma_semaphore, #tpu.memory_space<semaphore_mem>>) src(%dma_wait3A_245 : memref<40x136xf32, #tpu.memory_space<hbm>>) dst(%arg13 : memref<40x136xf32, #tpu.memory_space<vmem>>)
    %dma_wait3A_246 = arith.constant 0 : i32
    %dma_wait3A_247 = arith.constant 0 : i32
    %dma_wait3A_248 = tpu.memref_slice %arg4[%dma_wait3A_246, %dma_wait3A_247] : memref<320000x128xf32, #tpu.memory_space<hbm>> -> memref<40x128xf32, #tpu.memory_space<hbm>>
    %dma_wait3A_249 = arith.constant 0 : i32
    %dma_wait3A_250 = arith.constant 0 : i32
    %dma_wait3A_251 = tpu.memref_slice %arg4[%dma_wait3A_249, %dma_wait3A_250] : memref<320000x128xf32, #tpu.memory_space<hbm>> -> memref<40x128xf32, #tpu.memory_space<hbm>>
    tpu.wait_dma2 semaphore(%arg23 : memref<!tpu.dma_semaphore, #tpu.memory_space<semaphore_mem>>) src(%dma_wait3A_251 : memref<40x128xf32, #tpu.memory_space<hbm>>) dst(%arg14 : memref<40x128xf32, #tpu.memory_space<vmem>>)
    %barrier3A_252 = arith.constant 0 : index
    tpu.barrier barrier_id(%barrier3A_252)
    %mul3A_253 = arith.constant 625 : i32
    %mul3A_254 = arith.muli %arg1, %mul3A_253 : i32
    %mul3A_255 = arith.constant 625 : i32
    %mul3A_256 = arith.muli %arg1, %mul3A_255 : i32
    "tpu.region"() ({
      %run_scoped3A = tpu.sem_alloc : memref<!tpu.dma_semaphore, #tpu.memory_space<semaphore_mem>>
      %dma_start3A_257 = arith.constant 0 : i32
      %dma_start3A_258 = tpu.memref_slice %arg8[%arg0, %mul3A_256, %dma_start3A_257] : memref<2x10000x136xf32, #tpu.memory_space<hbm>> -> memref<1x625x136xf32, #tpu.memory_space<hbm>>
      %dma_start3A_259 = tpu.memref_squeeze %dma_start3A_258 : memref<1x625x136xf32, #tpu.memory_space<hbm>> -> memref<625x136xf32, #tpu.memory_space<hbm>>
      %dma_start3A_260 = arith.constant 0 : i32
      %dma_start3A_261 = tpu.memref_slice %arg9[%mul3A_254, %dma_start3A_260] : memref<10000x136xf32, #tpu.memory_space<vmem_shared>> -> memref<625x136xf32, #tpu.memory_space<vmem_shared>>
      tpu.enqueue_dma source(%dma_start3A_261 : memref<625x136xf32, #tpu.memory_space<vmem_shared>>) target(%dma_start3A_259 : memref<625x136xf32, #tpu.memory_space<hbm>>) target_semaphore(%run_scoped3A : memref<!tpu.dma_semaphore, #tpu.memory_space<semaphore_mem>>)
      %dma_wait3A_262 = arith.constant 0 : i32
      %dma_wait3A_263 = tpu.memref_slice %arg8[%arg0, %mul3A_256, %dma_wait3A_262] : memref<2x10000x136xf32, #tpu.memory_space<hbm>> -> memref<1x625x136xf32, #tpu.memory_space<hbm>>
      %dma_wait3A_264 = tpu.memref_squeeze %dma_wait3A_263 : memref<1x625x136xf32, #tpu.memory_space<hbm>> -> memref<625x136xf32, #tpu.memory_space<hbm>>
      %dma_wait3A_265 = arith.constant 0 : i32
      %dma_wait3A_266 = tpu.memref_slice %arg9[%mul3A_254, %dma_wait3A_265] : memref<10000x136xf32, #tpu.memory_space<vmem_shared>> -> memref<625x136xf32, #tpu.memory_space<vmem_shared>>
      tpu.wait_dma2 semaphore(%run_scoped3A : memref<!tpu.dma_semaphore, #tpu.memory_space<semaphore_mem>>) src(%dma_wait3A_266 : memref<625x136xf32, #tpu.memory_space<vmem_shared>>) dst(%dma_wait3A_264 : memref<625x136xf32, #tpu.memory_space<hbm>>)
      tpu.yield
    }) : () -> ()
    return
  }
}

module attributes {stable_mosaic.version = 14 : i64} {
  func.func @_prep_nodes_body(%arg0: i32, %arg1: memref<2000x128xf32, #tpu.memory_space<vmem>>, %arg2: memref<2000x8xf32, #tpu.memory_space<vmem>>, %arg3: memref<128x128xf32, #tpu.memory_space<vmem>>, %arg4: memref<128x128xf32, #tpu.memory_space<vmem>>, %arg5: memref<2000x136xf32, #tpu.memory_space<vmem>>, %arg6: memref<2000x136xf32, #tpu.memory_space<vmem>>) attributes {dimension_semantics = [#tpu.dimension_semantics<arbitrary>], iteration_bounds = array<i64: 5>, scalar_prefetch = 0 : i64, scratch_operands = 0 : i64, tpu.core_type = #tpu.core_type<tc>, window_params = [{transform_indices = @transform_0, window_bounds = array<i64: 2000, 128>}, {transform_indices = @transform_1, window_bounds = array<i64: 2000, 8>}, {pipeline_mode = #tpu.pipeline_mode<synchronous>, transform_indices = @transform_2, window_bounds = array<i64: 128, 128>}, {pipeline_mode = #tpu.pipeline_mode<synchronous>, transform_indices = @transform_3, window_bounds = array<i64: 128, 128>}, {transform_indices = @transform_4, window_bounds = array<i64: 2000, 136>}, {transform_indices = @transform_5, window_bounds = array<i64: 2000, 136>}]} {
    %get3A = arith.constant 0 : index
    %get3A_0 = arith.constant 0 : index
    %get3A_1 = vector.load %arg1[%get3A, %get3A_0] : memref<2000x128xf32, #tpu.memory_space<vmem>>, vector<2000x128xf32>
    %get3A_2 = arith.constant 0 : index
    %get3A_3 = arith.constant 0 : index
    %get3A_4 = vector.load %arg2[%get3A_2, %get3A_3] : memref<2000x8xf32, #tpu.memory_space<vmem>>, vector<2000x8xf32>
    %get3A_5 = arith.constant 0 : index
    %get3A_6 = arith.constant 0 : index
    %get3A_7 = vector.load %arg3[%get3A_5, %get3A_6] : memref<128x128xf32, #tpu.memory_space<vmem>>, vector<128x128xf32>
    %dot_general3A = arith.constant dense<0.000000e+00> : vector<2000x128xf32>
    %dot_general3A_8 = tpu.matmul %get3A_1, %get3A_7, %dot_general3A {dimension_numbers = #tpu.dot_dimension_numbers<[1], [0], [0], [1], [0, 0, 1, 1], [], []>, transpose_lhs_hint = false} : vector<2000x128xf32>, vector<128x128xf32>, vector<2000x128xf32> -> vector<2000x128xf32>
    %get3A_9 = arith.constant 0 : index
    %get3A_10 = arith.constant 0 : index
    %get3A_11 = vector.load %arg4[%get3A_9, %get3A_10] : memref<128x128xf32, #tpu.memory_space<vmem>>, vector<128x128xf32>
    %dot_general3A_12 = arith.constant dense<0.000000e+00> : vector<2000x128xf32>
    %dot_general3A_13 = tpu.matmul %get3A_1, %get3A_11, %dot_general3A_12 {dimension_numbers = #tpu.dot_dimension_numbers<[1], [0], [0], [1], [0, 0, 1, 1], [], []>, transpose_lhs_hint = false} : vector<2000x128xf32>, vector<128x128xf32>, vector<2000x128xf32> -> vector<2000x128xf32>
    %concatenate3A = tpu.concatenate %dot_general3A_8, %get3A_4 in 1 : vector<2000x128xf32>, vector<2000x8xf32> -> vector<2000x136xf32>
    %swap3A = arith.constant 0 : index
    %swap3A_14 = arith.constant 0 : index
    %swap3A_15 = vector.load %arg5[%swap3A, %swap3A_14] : memref<2000x136xf32, #tpu.memory_space<vmem>>, vector<2000x136xf32>
    tpu.vector_store %arg5[%swap3A, %swap3A_14], %concatenate3A {strides = array<i32>} : memref<2000x136xf32, #tpu.memory_space<vmem>>, vector<2000x136xf32>,
    %concatenate3A_16 = tpu.concatenate %dot_general3A_13, %get3A_4 in 1 : vector<2000x128xf32>, vector<2000x8xf32> -> vector<2000x136xf32>
    %swap3A_17 = arith.constant 0 : index
    %swap3A_18 = arith.constant 0 : index
    %swap3A_19 = vector.load %arg6[%swap3A_17, %swap3A_18] : memref<2000x136xf32, #tpu.memory_space<vmem>>, vector<2000x136xf32>
    tpu.vector_store %arg6[%swap3A_17, %swap3A_18], %concatenate3A_16 {strides = array<i32>} : memref<2000x136xf32, #tpu.memory_space<vmem>>, vector<2000x136xf32>,
    return
  }
  func.func @transform_0(%arg0: i32) -> (i32, i32) {
    %c0_i32 = arith.constant 0 : i32
    %c0_i32_0 = arith.constant 0 : i32
    return %arg0, %c0_i32 : i32, i32
  }
  func.func @transform_1(%arg0: i32) -> (i32, i32) {
    %c0_i32 = arith.constant 0 : i32
    %c0_i32_0 = arith.constant 0 : i32
    return %arg0, %c0_i32 : i32, i32
  }
  func.func @transform_2(%arg0: i32) -> (i32, i32) {
    %c0_i32 = arith.constant 0 : i32
    %c0_i32_0 = arith.constant 0 : i32
    %c0_i32_1 = arith.constant 0 : i32
    return %c0_i32, %c0_i32_0 : i32, i32
  }
  func.func @transform_3(%arg0: i32) -> (i32, i32) {
    %c0_i32 = arith.constant 0 : i32
    %c0_i32_0 = arith.constant 0 : i32
    %c0_i32_1 = arith.constant 0 : i32
    return %c0_i32, %c0_i32_0 : i32, i32
  }
  func.func @transform_4(%arg0: i32) -> (i32, i32) {
    %c0_i32 = arith.constant 0 : i32
    %c0_i32_0 = arith.constant 0 : i32
    return %arg0, %c0_i32 : i32, i32
  }
  func.func @transform_5(%arg0: i32) -> (i32, i32) {
    %c0_i32 = arith.constant 0 : i32
    %c0_i32_0 = arith.constant 0 : i32
    return %arg0, %c0_i32 : i32, i32
  }
}

module attributes {stable_mosaic.version = 14 : i64} {
  func.func @_prep_edges_body(%arg0: i32, %arg1: memref<8000x16xf32, #tpu.memory_space<vmem>>, %arg2: memref<16x128xf32, #tpu.memory_space<vmem>>, %arg3: memref<1x128xf32, #tpu.memory_space<vmem>>, %arg4: memref<8000x128xf32, #tpu.memory_space<vmem>>) attributes {dimension_semantics = [#tpu.dimension_semantics<arbitrary>], iteration_bounds = array<i64: 40>, scalar_prefetch = 0 : i64, scratch_operands = 0 : i64, tpu.core_type = #tpu.core_type<tc>, window_params = [{transform_indices = @transform_0, window_bounds = array<i64: 8000, 16>}, {pipeline_mode = #tpu.pipeline_mode<synchronous>, transform_indices = @transform_1, window_bounds = array<i64: 16, 128>}, {pipeline_mode = #tpu.pipeline_mode<synchronous>, transform_indices = @transform_2, window_bounds = array<i64: 1, 128>}, {transform_indices = @transform_3, window_bounds = array<i64: 8000, 128>}]} {
    %get3A = arith.constant 0 : index
    %get3A_0 = arith.constant 0 : index
    %get3A_1 = vector.load %arg1[%get3A, %get3A_0] : memref<8000x16xf32, #tpu.memory_space<vmem>>, vector<8000x16xf32>
    %get3A_2 = arith.constant 0 : index
    %get3A_3 = arith.constant 0 : index
    %get3A_4 = vector.load %arg2[%get3A_2, %get3A_3] : memref<16x128xf32, #tpu.memory_space<vmem>>, vector<16x128xf32>
    %dot_general3A = arith.constant dense<0.000000e+00> : vector<8000x128xf32>
    %dot_general3A_5 = tpu.matmul %get3A_1, %get3A_4, %dot_general3A {dimension_numbers = #tpu.dot_dimension_numbers<[1], [0], [0], [1], [0, 0, 1, 1], [], []>, transpose_lhs_hint = false} : vector<8000x16xf32>, vector<16x128xf32>, vector<8000x128xf32> -> vector<8000x128xf32>
    %get3A_6 = arith.constant 0 : index
    %get3A_7 = arith.constant 0 : index
    %get3A_8 = vector.load %arg3[%get3A_6, %get3A_7] : memref<1x128xf32, #tpu.memory_space<vmem>>, vector<1x128xf32>
    %add3A = vector.broadcast %get3A_8 : vector<1x128xf32> to vector<8000x128xf32>
    %add3A_9 = arith.addf %dot_general3A_5, %add3A : vector<8000x128xf32>
    %swap3A = arith.constant 0 : index
    %swap3A_10 = arith.constant 0 : index
    %swap3A_11 = vector.load %arg4[%swap3A, %swap3A_10] : memref<8000x128xf32, #tpu.memory_space<vmem>>, vector<8000x128xf32>
    tpu.vector_store %arg4[%swap3A, %swap3A_10], %add3A_9 {strides = array<i32>} : memref<8000x128xf32, #tpu.memory_space<vmem>>, vector<8000x128xf32>,
    return
  }
  func.func @transform_0(%arg0: i32) -> (i32, i32) {
    %c0_i32 = arith.constant 0 : i32
    %c0_i32_0 = arith.constant 0 : i32
    return %arg0, %c0_i32 : i32, i32
  }
  func.func @transform_1(%arg0: i32) -> (i32, i32) {
    %c0_i32 = arith.constant 0 : i32
    %c0_i32_0 = arith.constant 0 : i32
    %c0_i32_1 = arith.constant 0 : i32
    return %c0_i32, %c0_i32_0 : i32, i32
  }
  func.func @transform_2(%arg0: i32) -> (i32, i32) {
    %c0_i32 = arith.constant 0 : i32
    %c0_i32_0 = arith.constant 0 : i32
    %c0_i32_1 = arith.constant 0 : i32
    return %c0_i32, %c0_i32_0 : i32, i32
  }
  func.func @transform_3(%arg0: i32) -> (i32, i32) {
    %c0_i32 = arith.constant 0 : i32
    %c0_i32_0 = arith.constant 0 : i32
    return %arg0, %c0_i32 : i32, i32
  }
}

module attributes {stable_mosaic.version = 14 : i64} {
  func.func @_finish_body(%arg0: i32, %arg1: memref<2x2000x136xf32, #tpu.memory_space<vmem>>, %arg2: memref<2000x128xf32, #tpu.memory_space<vmem>>, %arg3: memref<2000x16xf32, #tpu.memory_space<vmem>>, %arg4: memref<128x128xf32, #tpu.memory_space<vmem>>, %arg5: memref<128x128xf32, #tpu.memory_space<vmem>>, %arg6: memref<1x128xf32, #tpu.memory_space<vmem>>, %arg7: memref<2000x131xf32, #tpu.memory_space<vmem>>) attributes {dimension_semantics = [#tpu.dimension_semantics<arbitrary>], iteration_bounds = array<i64: 5>, scalar_prefetch = 0 : i64, scratch_operands = 0 : i64, tpu.core_type = #tpu.core_type<tc>, window_params = [{transform_indices = @transform_0, window_bounds = array<i64: 2, 2000, 136>}, {transform_indices = @transform_1, window_bounds = array<i64: 2000, 128>}, {transform_indices = @transform_2, window_bounds = array<i64: 2000, 16>}, {pipeline_mode = #tpu.pipeline_mode<synchronous>, transform_indices = @transform_3, window_bounds = array<i64: 128, 128>}, {pipeline_mode = #tpu.pipeline_mode<synchronous>, transform_indices = @transform_4, window_bounds = array<i64: 128, 128>}, {pipeline_mode = #tpu.pipeline_mode<synchronous>, transform_indices = @transform_5, window_bounds = array<i64: 1, 128>}, {transform_indices = @transform_6, window_bounds = array<i64: 2000, 131>}]} {
    %get3A = arith.constant 0 : index
    %get3A_0 = arith.constant 0 : index
    %get3A_1 = arith.constant 0 : index
    %get3A_2 = vector.load %arg1[%get3A, %get3A_0, %get3A_1] : memref<2x2000x136xf32, #tpu.memory_space<vmem>>, vector<1x2000x136xf32>
    %get3A_3 = vector.shape_cast %get3A_2 : vector<1x2000x136xf32> to vector<2000x136xf32>
    %get3A_4 = arith.constant 1 : index
    %get3A_5 = arith.constant 0 : index
    %get3A_6 = arith.constant 0 : index
    %get3A_7 = vector.load %arg1[%get3A_4, %get3A_5, %get3A_6] : memref<2x2000x136xf32, #tpu.memory_space<vmem>>, vector<1x2000x136xf32>
    %get3A_8 = vector.shape_cast %get3A_7 : vector<1x2000x136xf32> to vector<2000x136xf32>
    %slice3A = vector.extract_strided_slice %get3A_3 {offsets = [0, 0], sizes = [2000, 128], strides = [1, 1]} : vector<2000x136xf32> to vector<2000x128xf32>
    %slice3A_9 = vector.extract_strided_slice %get3A_8 {offsets = [0, 0], sizes = [2000, 128], strides = [1, 1]} : vector<2000x136xf32> to vector<2000x128xf32>
    %add3A = arith.addf %slice3A, %slice3A_9 : vector<2000x128xf32>
    %slice3A_10 = vector.extract_strided_slice %get3A_3 {offsets = [0, 128], sizes = [2000, 3], strides = [1, 1]} : vector<2000x136xf32> to vector<2000x3xf32>
    %slice3A_11 = vector.extract_strided_slice %get3A_8 {offsets = [0, 128], sizes = [2000, 3], strides = [1, 1]} : vector<2000x136xf32> to vector<2000x3xf32>
    %add3A_12 = arith.addf %slice3A_10, %slice3A_11 : vector<2000x3xf32>
    %slice3A_13 = vector.extract_strided_slice %get3A_3 {offsets = [0, 131], sizes = [2000, 1], strides = [1, 1]} : vector<2000x136xf32> to vector<2000x1xf32>
    %slice3A_14 = vector.extract_strided_slice %get3A_8 {offsets = [0, 131], sizes = [2000, 1], strides = [1, 1]} : vector<2000x136xf32> to vector<2000x1xf32>
    %add3A_15 = arith.addf %slice3A_13, %slice3A_14 : vector<2000x1xf32>
    %max3A = arith.constant 1.000000e+00 : f32
    %max3A_16 = vector.broadcast %max3A : f32 to vector<2000x1xf32>
    %max3A_17 = arith.maximumf %add3A_15, %max3A_16 : vector<2000x1xf32>
    %get3A_18 = arith.constant 0 : index
    %get3A_19 = arith.constant 0 : index
    %get3A_20 = vector.load %arg3[%get3A_18, %get3A_19] : memref<2000x16xf32, #tpu.memory_space<vmem>>, vector<2000x3xf32>
    %div3A = vector.broadcast %max3A_17 : vector<2000x1xf32> to vector<2000x3xf32>
    %div3A_21 = arith.divf %add3A_12, %div3A : vector<2000x3xf32>
    %add3A_22 = arith.addf %get3A_20, %div3A_21 : vector<2000x3xf32>
    %get3A_23 = arith.constant 0 : index
    %get3A_24 = arith.constant 0 : index
    %get3A_25 = vector.load %arg2[%get3A_23, %get3A_24] : memref<2000x128xf32, #tpu.memory_space<vmem>>, vector<2000x128xf32>
    %get3A_26 = arith.constant 0 : index
    %get3A_27 = arith.constant 0 : index
    %get3A_28 = vector.load %arg4[%get3A_26, %get3A_27] : memref<128x128xf32, #tpu.memory_space<vmem>>, vector<128x128xf32>
    %dot_general3A = arith.constant dense<0.000000e+00> : vector<2000x128xf32>
    %dot_general3A_29 = tpu.matmul %get3A_25, %get3A_28, %dot_general3A {dimension_numbers = #tpu.dot_dimension_numbers<[1], [0], [0], [1], [0, 0, 1, 1], [], []>, transpose_lhs_hint = false} : vector<2000x128xf32>, vector<128x128xf32>, vector<2000x128xf32> -> vector<2000x128xf32>
    %get3A_30 = arith.constant 0 : index
    %get3A_31 = arith.constant 0 : index
    %get3A_32 = vector.load %arg5[%get3A_30, %get3A_31] : memref<128x128xf32, #tpu.memory_space<vmem>>, vector<128x128xf32>
    %dot_general3A_33 = arith.constant dense<0.000000e+00> : vector<2000x128xf32>
    %dot_general3A_34 = tpu.matmul %add3A, %get3A_32, %dot_general3A_33 {dimension_numbers = #tpu.dot_dimension_numbers<[1], [0], [0], [1], [0, 0, 1, 1], [], []>, transpose_lhs_hint = false} : vector<2000x128xf32>, vector<128x128xf32>, vector<2000x128xf32> -> vector<2000x128xf32>
    %add3A_35 = arith.addf %dot_general3A_29, %dot_general3A_34 : vector<2000x128xf32>
    %get3A_36 = arith.constant 0 : index
    %get3A_37 = arith.constant 0 : index
    %get3A_38 = vector.load %arg6[%get3A_36, %get3A_37] : memref<1x128xf32, #tpu.memory_space<vmem>>, vector<1x128xf32>
    %add3A_39 = vector.broadcast %get3A_38 : vector<1x128xf32> to vector<2000x128xf32>
    %add3A_40 = arith.addf %add3A_35, %add3A_39 : vector<2000x128xf32>
    %logistic3A = arith.negf %add3A_40 : vector<2000x128xf32>
    %logistic3A_41 = math.exp %logistic3A : vector<2000x128xf32>
    %logistic3A_42 = arith.constant 1.000000e+00 : f32
    %logistic3A_43 = vector.broadcast %logistic3A_42 : f32 to vector<2000x128xf32>
    %logistic3A_44 = arith.addf %logistic3A_43, %logistic3A_41 : vector<2000x128xf32>
    %logistic3A_45 = arith.divf %logistic3A_43, %logistic3A_44 : vector<2000x128xf32>
    %mul3A = arith.mulf %add3A_40, %logistic3A_45 : vector<2000x128xf32>
    %concatenate3A = tpu.concatenate %add3A_22, %mul3A in 1 : vector<2000x3xf32>, vector<2000x128xf32> -> vector<2000x131xf32>
    %swap3A = arith.constant 0 : index
    %swap3A_46 = arith.constant 0 : index
    %swap3A_47 = vector.load %arg7[%swap3A, %swap3A_46] : memref<2000x131xf32, #tpu.memory_space<vmem>>, vector<2000x131xf32>
    tpu.vector_store %arg7[%swap3A, %swap3A_46], %concatenate3A {strides = array<i32>} : memref<2000x131xf32, #tpu.memory_space<vmem>>, vector<2000x131xf32>,
    return
  }
  func.func @transform_0(%arg0: i32) -> (i32, i32, i32) {
    %c0_i32 = arith.constant 0 : i32
    %c0_i32_0 = arith.constant 0 : i32
    %c0_i32_1 = arith.constant 0 : i32
    return %c0_i32, %arg0, %c0_i32_0 : i32, i32, i32
  }
  func.func @transform_1(%arg0: i32) -> (i32, i32) {
    %c0_i32 = arith.constant 0 : i32
    %c0_i32_0 = arith.constant 0 : i32
    return %arg0, %c0_i32 : i32, i32
  }
  func.func @transform_2(%arg0: i32) -> (i32, i32) {
    %c0_i32 = arith.constant 0 : i32
    %c0_i32_0 = arith.constant 0 : i32
    return %arg0, %c0_i32 : i32, i32
  }
  func.func @transform_3(%arg0: i32) -> (i32, i32) {
    %c0_i32 = arith.constant 0 : i32
    %c0_i32_0 = arith.constant 0 : i32
    %c0_i32_1 = arith.constant 0 : i32
    return %c0_i32, %c0_i32_0 : i32, i32
  }
  func.func @transform_4(%arg0: i32) -> (i32, i32) {
    %c0_i32 = arith.constant 0 : i32
    %c0_i32_0 = arith.constant 0 : i32
    %c0_i32_1 = arith.constant 0 : i32
    return %c0_i32, %c0_i32_0 : i32, i32
  }
  func.func @transform_5(%arg0: i32) -> (i32, i32) {
    %c0_i32 = arith.constant 0 : i32
    %c0_i32_0 = arith.constant 0 : i32
    %c0_i32_1 = arith.constant 0 : i32
    return %c0_i32, %c0_i32_0 : i32, i32
  }
  func.func @transform_6(%arg0: i32) -> (i32, i32) {
    %c0_i32 = arith.constant 0 : i32
    %c0_i32_0 = arith.constant 0 : i32
    return %arg0, %c0_i32 : i32, i32
  }
}

</mosaic_0001>

<sc_bundles>
// kernel: kernel.6.cloned.1.call-start
scs
__scs_entry_jumppad:
0x0: {  	(pc) =	sbr.rel $0x88, $3  }
0x1: {  	(tag) =	ssettag $0x0;
	lr =	simm.s32 $0x1  }
0x2: {  	[smem:$0x3F98] =	sst lr;
	_ =	strace $0xD0000000  }
0x3: {  	_ = 	snop  }
0x4: {  	_ = 	snop  }
0x5: {  	_ = 	snop  }
0x6: {  	_ = 	snop  }
0x7: {  	_ = 	snop  }
__scs_overlays_trampoline_lowered:
0x8: {  	[smem:$0x3FA7] =	sst s0  }
0x9: {  	[smem:$0x3FA8] =	sst s1  }
0xa: {  	[smem:$0x3FA9] =	sst s2  }
0xb: {  	[smem:$0x3FAA] =	sst s3  }
0xc: {  	[smem:$0x3FAB] =	sst s4  }
0xd: {  	[smem:$0x3FAC] =	sst s5  }
0xe: {  	[smem:$0x3FAD] =	sst s6  }
0xf: {  	[smem:$0x3FAE] =	sst s7  }
0x10: {  	[smem:$0x3FAF] =	sst s8  }
0x11: {  	[smem:$0x3FB0] =	sst s9;
	s0 =	simm.s32 @!p0 $0x0  }
0x12: {  	s1 =	sld [smem:$0x3F96];
	s0 =	simm.s32 @p0 $0x1  }
0x13: {  	[smem:$0x3FB1] =	sst s0;
	s0 =	simm.s32 @!p1 $0x0  }
0x14: {  	s2 =	sld [smem:$0x3F95];
	s0 =	simm.s32 @p1 $0x1  }
0x15: {  	[smem:$0x3FB2] =	sst s0;
	s0 =	simm.s32 @!p2 $0x0  }
0x16: {  	s3 =	sld [smem:$0x3FDB];
	s0 =	simm.s32 @p2 $0x1  }
0x17: {  	s4 =	simm.s32 $0x1BF5;
	[smem:$0x3FB4] =	sst s0  }
0x18: {  	s0 =	sld [smem:$0x3F97];
	_ =	swait.ge [sflag:s4], $0x0  }
0x19: {  	s7 =	sld [smem:$0x3F98]  }
0x1a: {  	s8 =	sadd.s32 $0xFFFFE003, lr  }
0x1b: {  	s9 =	sadd.s32 $0xFFFFFEF7, lr;
	s5 =	simm.s32 $0xFFFFFFFF;
	p2 =	slt.u32 s8, $0xFFFFF086  }
0x1c: {  	p1 =	slt.u32 s9, $0xF7A;
	s5 =	simm.s32 @!p2 $0x0  }
0x1d: {  	s5 =	simm.s32 @p1 $0x1;
	p0 =	seq.s32 s7, s2  }
0x1e: {  	s7 =	smul.u32 @!p0 $0xF7A, s2;
	p2 =	seq.s32 @!p0 s5, $0x0  }
0x1f: {  	s9 =	smul.u32 $0xF7A, s1;
	s8 =	simm.s32 @!p0 $0x1BF5;
	p2 =	por !p2, p0  }
0x20: {  	[sflag:s8] =	ssyncset.s32 @!p0 $0xFFFFF086;
	s6 =	sadd.s32 @!p0 s3, s7;
	s7 =	simm.s32 @!p0 $0x108  }
0x21: {  	s3 =	sadd.s32 s3, s9;
	s6 =	sadd.s32 @!p0 $0x88, s6;
	s7 =	simm.s32 @p2 $0x1082  }
0x22: {  	[simem:s7], [sflag:s8] =	dma.local @!p0 [hbm:s6], $0xF7A  }
0x23: {  	s9 =	sor.u32 $0xD0000000, s2;
	s6 =	simm.s32 $0x108;
	_ =	swait.ge @!p0 [sflag:s8], $0x0  }
0x24: {  	s3 =	sadd.s32 $0x88, s3;
	s6 =	simm.s32 @!p1 $0x1082;
	[sflag:s4] =	ssyncset.s32 $0xFFFFF086  }
0x25: {  	[simem:s6], [sflag:s4] =	dma.local [hbm:s3], $0xF7A  }
0x26: {  	[smem:$0x3F98] =	sst s1;
	(tag) =	ssettag s2;
	_ =	strace s9  }
0x27: {  	s1 =	sld [smem:$0x3FA8]  }
0x28: {  	s2 =	sld [smem:$0x3FA9]  }
0x29: {  	s4 =	sld [smem:$0x3FAB]  }
0x2a: {  	p0 =	seq.s32 s5, $0x0;
	s5 =	sld [smem:$0x3FAC]  }
0x2b: {  	s6 =	sld [smem:$0x3FAD]  }
0x2c: {  	s7 =	sld [smem:$0x3FAE]  }
0x2d: {  	s3 =	simm.s32 $0x108;
	s8 =	sld [smem:$0x3FAF]  }
0x2e: {  	s3 =	simm.s32 @!p0 $0x1082;
	s9 =	sld [smem:$0x3FB0]  }
0x2f: {  	lr =	sadd.s32 s0, s3;
	s0 =	sld [smem:$0x3FA7]  }
0x30: {  	s3 =	sld [smem:$0x3FAA]  }
0x31: {  	[smem:$0x3FB3] =	sst s10  }
0x32: {  	s10 =	sld [smem:$0x3FB1];
	_ =	sdelay $0x3  }
0x33: {  	p0 =	seq.s32 s10, $0x1;
	s10 =	sld [smem:$0x3FB3];
	_ =	sdelay $0x3  }
0x34: {  	[smem:$0x3FB3] =	sst s10  }
0x35: {  	s10 =	sld [smem:$0x3FB2];
	_ =	sdelay $0x3  }
0x36: {  	p1 =	seq.s32 s10, $0x1;
	s10 =	sld [smem:$0x3FB3];
	_ =	sdelay $0x3  }
0x37: {  	[smem:$0x3FB3] =	sst s10  }
0x38: {  	s10 =	sld [smem:$0x3FB4]  }
0x39: {  	_ = 	snop;
	(pc) =	sbr.ind lr, $3  }
0x3a: {  	_ = 	snop  }
0x3b: {  	_ = 	snop  }
0x3c: {  	p2 =	seq.s32 s10, $0x1;
	s10 =	sld [smem:$0x3FB3]  }
0x3d: {  	_ =	shalt  }
0x3e: {  	_ =	shalt  }
0x3f: {  	_ =	shalt  }
0x40: {  	_ =	shalt  }
0x41: {  	_ =	shalt  }
0x42: {  	_ =	shalt  }
0x43: {  	_ =	shalt  }
0x44: {  	_ =	shalt  }
0x45: {  	_ =	shalt  }
0x46: {  	_ =	shalt  }
0x47: {  	_ =	shalt  }
0x48: {  	_ =	shalt  }
0x49: {  	_ =	shalt  }
0x4a: {  	_ =	shalt  }
0x4b: {  	_ =	shalt  }
0x4c: {  	_ =	shalt  }
0x4d: {  	_ =	shalt  }
0x4e: {  	_ =	shalt  }
0x4f: {  	_ =	shalt  }
0x50: {  	_ =	shalt  }
0x51: {  	_ =	shalt  }
0x52: {  	_ =	shalt  }
0x53: {  	_ =	shalt  }
0x54: {  	_ =	shalt  }
0x55: {  	_ =	shalt  }
0x56: {  	_ =	shalt  }
0x57: {  	_ =	shalt  }
0x58: {  	_ =	shalt  }
0x59: {  	_ =	shalt  }
0x5a: {  	_ =	shalt  }
0x5b: {  	_ =	shalt  }
0x5c: {  	_ =	shalt  }
0x5d: {  	_ =	shalt  }
0x5e: {  	_ =	shalt  }
0x5f: {  	_ =	shalt  }
0x60: {  	_ =	shalt  }
0x61: {  	_ =	shalt  }
0x62: {  	_ =	shalt  }
0x63: {  	_ =	shalt  }
0x64: {  	_ =	shalt  }
0x65: {  	_ =	shalt  }
0x66: {  	_ =	shalt  }
0x67: {  	_ =	shalt  }
0x68: {  	_ =	shalt  }
0x69: {  	_ =	shalt  }
0x6a: {  	_ =	shalt  }
0x6b: {  	_ =	shalt  }
0x6c: {  	_ =	shalt  }
0x6d: {  	_ =	shalt  }
0x6e: {  	_ =	shalt  }
0x6f: {  	_ =	shalt  }
0x70: {  	_ =	shalt  }
0x71: {  	_ =	shalt  }
0x72: {  	_ =	shalt  }
0x73: {  	_ =	shalt  }
0x74: {  	_ =	shalt  }
0x75: {  	_ =	shalt  }
0x76: {  	_ =	shalt  }
0x77: {  	_ =	shalt  }
0x78: {  	_ =	shalt  }
0x79: {  	_ =	shalt  }
0x7a: {  	_ =	shalt  }
0x7b: {  	_ =	shalt  }
0x7c: {  	_ =	shalt  }
0x7d: {  	_ =	shalt  }
0x7e: {  	_ =	shalt  }
0x7f: {  	_ =	shalt  }
0x80: {  	_ =	shalt  }
0x81: {  	_ =	shalt  }
0x82: {  	_ =	shalt  }
0x83: {  	_ =	shalt  }
0x84: {  	_ =	shalt  }
0x85: {  	_ =	shalt  }
0x86: {  	_ =	shalt  }
0x87: {  	_ =	shalt  }
.Lfunc_end0:
.L_simem_size_0:
called_computation_lowered:
.L_overlay_start_0:
0x88: {  	s2 =	sld [smem:$0x3FD9]  }
0x89: {  	s3 =	sld [smem:$0x3FFE];
	_ =	sdelay $0x1  }
0x8a: {  	s1 =	srdreg.scid  }
0x8b: {  	s0 =	sand.u32 $0x1, s1  }
0x8c: {  	s14 =	sshll.u32 s0, $0xA;
	s2 =	sadd.s32 s3, s2  }
0x8d: {  	s2 =	sadd.s32 s2, s14  }
0x8e: {  	[smem:$0x3FBF] =	sst s2  }
0x8f: {  	_ = 	snop  }
0x90: {  	s2 =	sld [smem:$0x3FD0];
	_ =	sdelay $0x2  }
0x91: {  	s15 =	simm.s32 $0xA;
	s4 =	simm.s32 $0x10  }
0x92: {  	[smem:s4], [sflag:s15] =	dma.local [hbm:s2], $0x1  }
0x93: {  	_ =	swait.eq [sflag:s15], $0x1  }
0x94: {  	s16 =	sld [smem:$0x10];
	[sflag:s15] =	ssyncset.done $0x0  }
0x95: {  	s17 =	sld [smem:$0x11];
	[sflag:s15] =	ssyncadd.s32 $0xFFFFFFFF  }
0x96: {  	s18 =	sld [smem:$0x12];
	(tm) =	ssettm $0x1  }
0x97: {  	s5 =	sld [smem:$0x3FFB];
	_ =	sdelay $0x3  }
0x98: {  	_ =	strace s5  }
0x99: {  	s5 =	sld [smem:$0x3FFC];
	_ =	sdelay $0x3  }
0x9a: {  	_ =	strace s5  }
0x9b: {  	s5 =	sld [smem:$0x3FFD];
	_ =	sdelay $0x3  }
0x9c: {  	_ =	strace s5  }
0x9d: {  	_ =	strace $0x8FFFFFFF  }
0x9e: {  	s19 =	sld [smem:$0x3FDB];
	_ =	sdelay $0x1  }
0x9f: {  	s6 =	simm.s32 $_scs_section_size  }
0xa0: {  	s7 =	simm.s32 $_size__tile_overlayer_lowered;
	s8 =	simm.s32 $_tile_overlayer_lowered  }
0xa1: {  	s22 =	simm.s32 $0x1BFF;
	s21 =	sshll.u32 s8, $0x1;
	s5 =	sadd.s32 s6, s19  }
0xa2: {  	s9 =	simm.s32 $0x0;
	s20 =	sshll.u32 s7, $0x1;
	s7 =	sadd.s32 s21, s5  }
0xa3: {  	[timem:s9], [sflag:s22] =	dma.local [hbm:s7], s20  }
0xa4: {  	_ =	swait.ge [sflag:s22], s20  }
0xa5: {  	s6 =	ssub.s32 $0x0, s20;
	[sflag:s22] =	ssyncset.done $0x0  }
0xa6: {  	[sflag:s22] =	ssyncadd.s32 s6;
	_ =	sdelay $0x1  }
0xa7: {  	s23 =	simm.s32 $0x1B8B  }
0xa8: {  	_ =	swait.ge [sflag:s23], $0x1  }
0xa9: {  	[sflag:s23] =	ssyncset.done $0x0  }
0xaa: {  	s25 =	simm.s32 $0x1B8E;
	s24 =	sld [smem:$0x3FFE];
	[sflag:s23] =	ssyncadd.s32 $0xFFFFFFFF  }
0xab: {  	s26 =	simm.s32 $execute0_lowered;
	[smem:$0x3FD2] =	sst s25  }
0xac: {  	s7 =	sshll.u32 s26, $0x1;
	_ =	strace $0x80000046;
	[dreg:$0x1] =	wrdreg $0xFFFFFFFF  }
0xad: {  	s28 =	simm.s32 $_size_execute0_lowered;
	s5 =	sadd.s32 s5, s7;
	[dreg:$0x0] =	wrdreg $0x0  }
0xae: {  	s7 =	sshll.u32 s28, $0x1;
	[dreg:$0x2] =	wrdreg s5  }
0xaf: {  	[dreg:$0x3] =	wrdreg s7  }
0xb0: {  	[dreg:$0x4] =	wrdreg $0xC0  }
0xb1: {  	_ =	task [dreg:s9], $0x5FFFF  }
0xb2: {  	[dreg:$0x1] =	wrdreg $0xFFFFFFFF  }
0xb3: {  	[dreg:$0x0] =	wrdreg $0x60  }
0xb4: {  	[dreg:$0x2] =	wrdreg s16  }
0xb5: {  	[dreg:$0x3] =	wrdreg s18  }
0xb6: {  	[dreg:$0x4] =	wrdreg s24  }
0xb7: {  	[dreg:$0x5] =	wrdreg s17  }
0xb8: {  	[dreg:$0x6] =	wrdreg $0x0  }
0xb9: {  	[dreg:$0x7] =	wrdreg $0x9  }
0xba: {  	_ =	task.clear_ibuf [dreg:s9], $0x8FFFF;
	_ =	strace $0x90000046  }
0xbb: {  	s29 =	simm.s32 $0x9;
	_ =	strace $0x80000048  }
0xbc: {  	_ =	swait.ge [sflag:s29], $0x1  }
0xbd: {  	[sflag:s29] =	ssyncadd.s32 $0xFFFFFFFF  }
0xbe: {  	_ =	strace $0x90000048  }
0xbf: {  	_ =	sfence  }
0xc0: {  	s30 =	sld [smem:$0x0];
	_ =	sdelay $0x2  }
0xc1: {  	s31 =	sshll.u32 s1, $0xD;
	s1 =	sshrl.u32 s1, $0x2  }
0xc2: {  	s3 =	sand.u32 $0x4000, s31;
	s1 =	sadd.s32 s1, s30  }
0xc3: {  	s0 =	sor.u32 s3, s0;
	s1 =	sshll.u32 s1, $0x11  }
0xc4: {  	s0 =	sor.u32 s1, s0  }
0xc5: {  	s0 =	sadd.s32 $0x8F2B, s0  }
0xc6: {  	[sflag:s0] =	ssyncadd.remote.s32 $0x1  }
0xc7: {  	_ =	sfence.sel $0xFFFF  }
0xc8: {  	[dreg:$0x0] =	wrdreg $0xFFFFFFFF;
	(pc) =	sbr.abs _section_cstart, $3  }
0xc9: {  	[dreg:$0x1] =	wrdreg $0xFFFFFFFF  }
0xca: {  	_ =	task.clear_ibuf [dreg:s9], $0x2FFFF;
	_ =	strace $0x9FFFFFFF  }
0xcb: {  	(tm) =	ssettm $0x7FFFFFFF  }
tec
execute0_lowered:
.L_overlay_start_1:
0x0: {  	(tag) =	ssettag $0x1  }
0x1: {  	s0 =	rddreg [dreg:$0x2]  }
0x2: {  	s7 =	rddreg [dreg:$0x3];
	v0 =	vimm.s32 $0x76543210  }
0x3: {  	s8 =	rddreg [dreg:$0x4];
	s1 =	srdreg.scid;
	s11 =	simm.s32 $0x0;
	v1 =	vimm.s32 $0xFEDCBA98;
	v2 =	vimm.s32 $0xBA98FEDC;
	v3 =	vimm.s32 $0x32107654  }
0x4: {  	s9 =	stileid.u32;
	v4 =	vimm.s32 $0xDCFE98BA;
	v5 =	vimm.s32 $0x54761032;
	s18 =	simm.s32 $0x1E008;
	s19 =	simm.s32 $0x3  }
0x5: {  	v6 =	vimm.s32 $0xEFCDAB89;
	s31 =	simm.s32 $0x18B28;
	[smem:$0x7FF] =	sst s11;
	s3 =	smul.u32 $0x14C08, s9  }
0x6: {  	v7 =	vimm.s32 $0x67452301;
	s1 =	sand.u32 $0x1, s1;
	s12 =	sadd.s32 $0x50BC00, s0;
	s6 =	sadd.s32 $0x515A00, s0  }
0x7: {  	v51 =	vimm.f32 $0.0e+00;
	vm0 =	vcmask $0x2320;
	v62 =	vlaneseq.u32;
	s24 =	smul.u32 $0x53020, s9;
	_ =	strace $0x80000047;
	[dreg:$0x9] =	wrdreg s6  }
0x8: {  	v0 =	vunpack.c.l.s4.s8 v0;
	v1 =	vunpack.c.l.s4.s8 v1;
	s10 =	sadd.s32 $0x515C00, s0;
	v2 =	vunpack.c.l.s4.s8 v2;
	s2 =	smul.u32 $0x14C080, s1;
	[dreg:$0x8] =	wrdreg s12  }
0x9: {  	v3 =	vunpack.c.l.s4.s8 v3;
	v4 =	vunpack.c.l.s4.s8 v4;
	v5 =	vunpack.c.l.s4.s8 v5;
	s4 =	sshll.u32 s1, $0x4;
	s1 =	ssub.s32 $0x2, s1;
	[dreg:$0x7] =	wrdreg s10  }
0xa: {  	v6 =	vunpack.c.l.s4.s8 v6;
	v54 =	vsel vm0, $0x3F800000, v51;
	vm0 =	vcmask $0x2724;
	s4 =	sor.u32 s9, s4;
	s21 =	sshrl.u32 s1, $0x1;
	s28 =	sshrl.u32 s24, $0x2  }
0xb: {  	v7 =	vunpack.c.l.s4.s8 v7;
	v63 =	vadd.s32 $0x78, v62;
	v60 =	vsel vm0, $0x3F800000, v51;
	s29 =	sadd.s32 s3, s8;
	s24 =	simm.s32 $0x14C58;
	s5 =	smul.u32 $0x2710, s4  }
0xc: {  	vm0 =	vcmask $0x2B28;
	v0 =	vunpack.c.0.s8.s32 v0;
	v1 =	vunpack.c.0.s8.s32 v1;
	s9 =	simm.s32 $0x1C9A8;
	s2 =	sadd.s32 s3, s2;
	s4 =	smul.u32 $0x27100, s4  }
0xd: {  	[tilespmem:$0x1FFB0] =	vst v63;
	v2 =	vunpack.c.0.s8.s32 v2;
	v3 =	vunpack.c.0.s8.s32 v3;
	v4 =	vunpack.c.0.s8.s32 v4;
	s1 =	ssub.s32 s1, s21;
	s17 =	sadd.s32 s28, s8;
	s30 =	sshrl.u32 s29, $0x3  }
0xe: {  	[tilespmem:$0x1FFC0] =	vst v54;
	v5 =	vunpack.c.0.s8.s32 v5;
	v49 =	vunpack.c.0.s8.s32 v6;
	v50 =	vunpack.c.0.s8.s32 v7;
	s2 =	sshrl.u32 s2, $0x3;
	s1 =	smax.u32 s1, $0x1;
	[dreg:$0x11] =	wrdreg s30  }
0xf: {  	v61 =	vsel vm0, $0x3F800000, v51;
	vm0 =	vcmask $0x2F2C;
	[tilespmem:$0x1FF90] =	vst v60;
	v1 =	vand.u32 $0xF, v1;
	s0 =	sadd.s32 s2, s0;
	s4 =	sadd.s32 s10, s4;
	[dreg:$0x10] =	wrdreg s1  }
0x10: {  	v43 =	vsel vm0, $0x3F800000, v51;
	[tilespmem:$0x1FFA0] =	vst v61;
	v57 =	vcombine.low v50, v49;
	s22 =	sshrl.u32 s5, $0x3;
	s25 =	sadd.s32 $0x28, s5;
	v44 =	vcombine.low v1, v0;
	[dreg:$0xc] =	wrdreg s4  }
0x11: {  	vm0 =	vcmask $0x3F20;
	v55 =	vcombine.low v5, v4;
	[tilespmem:$0x1FF80] =	vst v43;
	s26 =	sadd.s32 $0x50, s5;
	s5 =	simm.s32 $0x1;
	[dreg:$0xd] =	wrdreg s25  }
0x12: {  	v2 =	vcombine.low v3, v2;
	s10 =	simm.s32 $0x2;
	s23 =	sadd.s32 s12, s22;
	[dreg:$0xe] =	wrdreg s26;
	v58 =	vand.u32 $0xF, v57;
	[tilespmem:$0x1FF70] =	vst v44  }
0x13: {  	s6 =	sadd.s32 s7, s22;
	s0 =	sadd.s32 $0x29C00, s0;
	v45 =	vand.u32 $0xF, v55;
	[dreg:$0xa] =	wrdreg s23;
	[tilespmem:$0x1FFD0] =	vst v58  }
0x14: {  	v59 =	vand.u32 $0xF, v2;
	s26 =	simm.s32 $0x16198;
	s4 =	simm.s32 $0x18AD8;
	[dreg:$0xb] =	wrdreg s6;
	[tilespmem:$0x1FFE0] =	vst v45  }
0x15: {  	[dreg:$0xf] =	wrdreg s0;
	s23 =	simm.s32 $0x28;
	s0 =	simm.s32 $0x1A068;
	[tilespmem:$0x1FFF0] =	vst v59  }
.LBB2_1:
0x16: {  	v0 =	vimm.f32 $0.0e+00  }
0x17: {  	[tilespmem:$0x1E008] =	vst v0  }
0x18: {  	[tilespmem:$0x1E018] =	vst v0  }
0x19: {  	[tilespmem:$0x1E028] =	vst v0  }
0x1a: {  	[tilespmem:$0x1E038] =	vst v0  }
0x1b: {  	[tilespmem:$0x1E048] =	vst v0  }
0x1c: {  	[tilespmem:$0x1E058] =	vst v0  }
0x1d: {  	[tilespmem:$0x1E068] =	vst v0  }
0x1e: {  	[tilespmem:$0x1E078] =	vst v0  }
0x1f: {  	[tilespmem:$0x1E090] =	vst v0  }
0x20: {  	[tilespmem:$0x1E0A0] =	vst v0  }
0x21: {  	[tilespmem:$0x1E0B0] =	vst v0  }
0x22: {  	[tilespmem:$0x1E0C0] =	vst v0  }
0x23: {  	[tilespmem:$0x1E0D0] =	vst v0  }
0x24: {  	[tilespmem:$0x1E0E0] =	vst v0  }
0x25: {  	[tilespmem:$0x1E0F0] =	vst v0  }
0x26: {  	[tilespmem:$0x1E100] =	vst v0  }
0x27: {  	[tilespmem:$0x1E118] =	vst v0  }
0x28: {  	[tilespmem:$0x1E128] =	vst v0  }
0x29: {  	[tilespmem:$0x1E138] =	vst v0  }
0x2a: {  	[tilespmem:$0x1E148] =	vst v0  }
0x2b: {  	[tilespmem:$0x1E158] =	vst v0  }
0x2c: {  	[tilespmem:$0x1E168] =	vst v0  }
0x2d: {  	[tilespmem:$0x1E178] =	vst v0  }
0x2e: {  	[tilespmem:$0x1E188] =	vst v0  }
0x2f: {  	[tilespmem:$0x1E1A0] =	vst v0  }
0x30: {  	[tilespmem:$0x1E1B0] =	vst v0  }
0x31: {  	[tilespmem:$0x1E1C0] =	vst v0  }
0x32: {  	[tilespmem:$0x1E1D0] =	vst v0  }
0x33: {  	[tilespmem:$0x1E1E0] =	vst v0  }
0x34: {  	[tilespmem:$0x1E1F0] =	vst v0  }
0x35: {  	[tilespmem:$0x1E200] =	vst v0  }
0x36: {  	[tilespmem:$0x1E210] =	vst v0  }
0x37: {  	[tilespmem:$0x1E228] =	vst v0  }
0x38: {  	[tilespmem:$0x1E238] =	vst v0  }
0x39: {  	[tilespmem:$0x1E248] =	vst v0  }
0x3a: {  	[tilespmem:$0x1E258] =	vst v0  }
0x3b: {  	[tilespmem:$0x1E268] =	vst v0  }
0x3c: {  	[tilespmem:$0x1E278] =	vst v0  }
0x3d: {  	[tilespmem:$0x1E288] =	vst v0  }
0x3e: {  	[tilespmem:$0x1E298] =	vst v0  }
0x3f: {  	[tilespmem:$0x1E080] =	vst v0  }
0x40: {  	[tilespmem:$0x1E108] =	vst v0  }
0x41: {  	[tilespmem:$0x1E190] =	vst v0  }
0x42: {  	[tilespmem:$0x1E218] =	vst v0  }
0x43: {  	[dreg:$0x6] =	wrdreg s11;
	s1 =	sadd.s32 $0x0, s17;
	[tilespmem:$0x1E2A0] =	vst v0  }
0x44: {  	[spmem:s1] =	stream.linear.scatter [tilespmem:s18], [sflag:$0x3], $0x2A8, $0x38;
	[tilespmem:$0x1E2B0] =	vst v63  }
0x45: {  	s1 =	simm.s32 $0xAA0;
	_ =	swait.ge [sflag:s19], $0x2A8  }
.LBB2_2:
0x46: {  	s2 =	sshra.s32 s1, $0x2;
	[sflag:s19] =	ssyncset.done $0x0;
	p0 =	sne.s32 s1, $0x52580  }
.Ltmp0:
0x47: {  	s2 =	sadd.s32 s2, s17;
	[sflag:s19] =	ssyncadd.s32 $0xFFFFFD58;
	(pc) =	sbr.rel @p0 .LBB2_2-.Ltmp0, $3  }
0x48: {  	[spmem:s2] =	stream.linear.scatter [tilespmem:s18], [sflag:$0x3], $0x2A8, $0x38;
	[tilespmem:$0x1E2B0] =	vst v63  }
0x49: {  	s1 =	sadd.s32 $0xAA0, s1;
	_ =	sdelay $0x1  }
0x4a: {  	_ =	swait.ge [sflag:s19], $0x2A8  }
0x4b: {  	[sflag:s19] =	ssyncset.done $0x0;
	s11 =	simm.s32 $0x0  }
0x4c: {  	s1 =	rddreg [dreg:$0x9];
	s2 =	simm.s32 $0x1DEE8;
	[sflag:s19] =	ssyncadd.s32 $0xFFFFFD58  }
0x4d: {  	[tilespmem:s2], [sflag:$0x3] =	stream.linear.gather [hbm4b:s1+s11], $0x120, $0x38;
	[tilespmem:$0x1E2B0] =	vst v63  }
0x4e: {  	_ =	swait.ge [sflag:s19], $0x120  }
0x4f: {  	[sflag:s19] =	ssyncset.done $0x0  }
0x50: {  	[sflag:s19] =	ssyncadd.s32 $0xFFFFFEE0  }
0x51: {  	[bflag:$0x0] =	sbarrier.arrive $0xFFFF  }
0x52: {  	v0 =	vld [tilespmem:$0x1DFE8];
	_ =	sdelay $0x2  }
0x53: {  	s21 =	simm.s32 $0x14C08;
	s20 =	rddreg [dreg:$0xa]  }
0x54: {  	[tilespmem:s21], [sflag:$0x3] =	stream.linear.gather [hbm4b:s20+s11], $0x28, $0x38;
	[tilespmem:$0x1E2B0] =	vst v63  }
0x55: {  	[tilespmem:$0x1FF60] =	vst v0  }
0x56: {  	_ =	swait.ge [sflag:s19], $0x28  }
0x57: {  	[sflag:s19] =	ssyncset.done $0x0  }
0x58: {  	s3 =	simm.s32 $0x14C30;
	s22 =	rddreg [dreg:$0xb];
	[sflag:s19] =	ssyncadd.s32 $0xFFFFFFD8  }
0x59: {  	[tilespmem:s3], [sflag:$0x3] =	stream.linear.gather [hbm4b:s22+s11], $0x28, $0x38;
	[tilespmem:$0x1E2B0] =	vst v63  }
0x5a: {  	_ =	swait.ge [sflag:s19], $0x28  }
0x5b: {  	[sflag:s19] =	ssyncset.done $0x0  }
0x5c: {  	[sflag:s19] =	ssyncadd.s32 $0xFFFFFFD8  }
0x5d: {  	s25 =	rddreg [dreg:$0x0]  }
0x5e: {  	[tilespmem:s24], [sflag:$0x1] =	stream.indirect.gather [hbm4b:s25+s23], $0x88, s21, s23, $0xb8;
	[tilespmem:$0x1E2B0] =	vst v63  }
0x5f: {  	s28 =	rddreg [dreg:$0x1]  }
0x60: {  	[tilespmem:s26], [sflag:$0x1] =	stream.indirect.gather [hbm4b:s28+s23], $0x88, s3, s23, $0xb8;
	[tilespmem:$0x1E2B0] =	vst v63  }
0x61: {  	s30 =	simm.s32 $0x176D8;
	s12 =	simm.s32 $0x0;
	s29 =	rddreg [dreg:$0xc]  }
0x62: {  	[tilespmem:s30], [sflag:$0x1] =	stream.linear.gather [hbm4b:s29+s11], $0x1400, $0x38;
	[tilespmem:$0x1E2B0] =	vst v63  }
.LBB2_4:
0x63: {  	s1 =	smul.u32 $0x50, s12  }
0x64: {  	s2 =	rddreg [dreg:$0xd]  }
0x65: {  	s1 =	sadd.s32 s1, s2  }
0x66: {  	s3 =	rddreg [dreg:$0x8];
	s2 =	sshrl.u32 s1, $0x3  }
0x67: {  	s3 =	sadd.s32 s3, s2  }
0x68: {  	[tilespmem:s4], [sflag:$0x3] =	stream.linear.gather [hbm4b:s3+s11], $0x28, $0x38;
	[tilespmem:$0x1E2B0] =	vst v63  }
0x69: {  	_ =	swait.ge [sflag:s19], $0x28  }
0x6a: {  	[sflag:s19] =	ssyncset.done $0x0  }
0x6b: {  	[sflag:s19] =	ssyncadd.s32 $0xFFFFFFD8  }
0x6c: {  	s22 =	rddreg [dreg:$0x3]  }
0x6d: {  	s25 =	simm.s32 $0x18B00;
	s2 =	sadd.s32 s22, s2  }
0x6e: {  	[tilespmem:s25], [sflag:$0x3] =	stream.linear.gather [hbm4b:s2+s11], $0x28, $0x38;
	[tilespmem:$0x1E2B0] =	vst v63  }
0x6f: {  	_ =	swait.ge [sflag:s19], $0x28  }
0x70: {  	[sflag:s19] =	ssyncset.done $0x0  }
0x71: {  	s8 =	rddreg [dreg:$0x7];
	[sflag:s19] =	ssyncadd.s32 $0xFFFFFFD8  }
0x72: {  	s1 =	sshll.u32 s1, $0x4;
	s6 =	rddreg [dreg:$0x0]  }
0x73: {  	[tilespmem:s31], [sflag:$0x2] =	stream.indirect.gather [hbm4b:s6+s23], $0x88, s4, s23, $0xb8;
	[tilespmem:$0x1E2B0] =	vst v63  }
0x74: {  	s13 =	simm.s32 $0x1;
	s1 =	sand.u32 $0x1FFFFF80, s1;
	s7 =	rddreg [dreg:$0x1]  }
0x75: {  	v0 =	vmov s13;
	[tilespmem:s0], [sflag:$0x2] =	stream.indirect.gather [hbm4b:s7+s23], $0x88, s25, s23, $0xb8;
	[tilespmem:$0x1E2B0] =	vst v63  }
0x76: {  	s14 =	simm.s32 $0x1B5A8;
	v0 =	vmul.u32 $0x88, v0;
	s1 =	sadd.s32 s8, s1  }
0x77: {  	[tilespmem:s14], [sflag:$0x2] =	stream.linear.gather [hbm4b:s1+s11], $0x1400, $0x38;
	[tilespmem:$0x1E2B0] =	vst v63  }
0x78: {  	v3 =	vbroadcast v0, $0x0;
	_ =	swait.ge [sflag:s5], $0x1540  }
0x79: {  	[sflag:s5] =	ssyncset.done $0x0  }
0x7a: {  	[tilespmem:$0x1FF00] =	vst v3;
	[sflag:s5] =	ssyncadd.s32 $0xFFFFEAC0  }
0x7b: {  	v1 =	vmov s11;
	_ =	swait.ge [sflag:s5], $0x1540  }
0x7c: {  	v1 =	vmul.u32 $0x88, v1;
	v0 =	vadd.s32 $0x80, v3;
	[sflag:s5] =	ssyncset.done $0x0  }
0x7d: {  	[sflag:s5] =	ssyncadd.s32 $0xFFFFEAC0  }
0x7e: {  	v9 =	vbroadcast v1, $0x0;
	v2 =	vadd.s32 $0x81, v3;
	_ =	swait.ge [sflag:s5], $0x1400  }
0x7f: {  	[sflag:s5] =	ssyncset.done $0x0  }
0x80: {  	v3 =	vadd.s32 $0x82, v3;
	[tilespmem:$0x1FF10] =	vst v9;
	[sflag:s5] =	ssyncadd.s32 $0xFFFFEC00  }
0x81: {  	v1 =	vld.idx.msk [tilespmem:v0+s24+$0x0], $0xffff  }
0x82: {  	v0 =	vld.idx.msk [tilespmem:v0+s26+$0x0], $0xffff  }
0x83: {  	v5 =	vld.idx.msk [tilespmem:v2+s24+$0x0], $0xffff  }
0x84: {  	v2 =	vld.idx.msk [tilespmem:v2+s26+$0x0], $0xffff  }
0x85: {  	v4 =	vadd.s32 $0x80, v9;
	v6 =	vld.idx.msk [tilespmem:v3+s24+$0x0], $0xffff  }
0x86: {  	v3 =	vld.idx.msk [tilespmem:v3+s26+$0x0], $0xffff;
	_ =	sdelay $0x1  }
0x87: {  	v10 =	vsub.f32 v1, v0  }
0x88: {  	v5 =	vsub.f32 v5, v2  }
0x89: {  	v7 =	vld.idx.msk [tilespmem:v4+s24+$0x0], $0xffff;
	[tilespmem:$0x1FE00] =	vst v10  }
0x8a: {  	s29 =	simm.s32 $0x14CE0;
	v8 =	vadd.s32 $0x81, v9;
	v1 =	vadd.s32 $0x82, v9;
	v9 =	vsub.f32 v6, v3;
	[tilespmem:$0x1FE10] =	vst v5  }
0x8b: {  	s22 =	simm.s32 $0x16220;
	v0 =	vld [tilespmem:s29+$0x0]  }
0x8c: {  	s21 =	simm.s32 $0x17758;
	v2 =	vld [tilespmem:s22+$0x0];
	[tilespmem:$0x1FE20] =	vst v9  }
0x8d: {  	v6 =	vld [tilespmem:s21+$0x0]  }
0x8e: {  	v3 =	vmul.f32 v10, v10;
	v5 =	vmul.f32 v5, v5;
	v10 =	vld [tilespmem:$0x1DEE8]  }
0x8f: {  	v4 =	vld.idx.msk [tilespmem:v4+s26+$0x0], $0xffff  }
0x90: {  	v3 =	vadd.f32 v5, v3;
	v5 =	vmul.f32 v9, v9;
	v9 =	vld.idx.msk [tilespmem:v8+s24+$0x0], $0xffff  }
0x91: {  	v8 =	vld.idx.msk [tilespmem:v8+s26+$0x0], $0xffff;
	_ =	sdelay $0x1  }
0x92: {  	v0 =	vadd.f32 v2, v0;
	v2 =	vld.idx.msk [tilespmem:v1+s24+$0x0], $0xffff  }
0x93: {  	v28 =	vadd.f32 v5, v3;
	v1 =	vld.idx.msk [tilespmem:v1+s26+$0x0], $0xffff  }
0x94: {  	v0 =	vadd.f32 v6, v0;
	v6 =	vsub.f32 v7, v4  }
0x95: {  	v3 =	vmul.f32 v28, v10;
	v7 =	vsub.f32 v9, v8  }
0x96: {  	[tilespmem:$0x1FF20] =	vst v6  }
0x97: {  	v0 =	vadd.f32 v3, v0;
	[tilespmem:$0x1FF40] =	vst v7  }
0x98: {  	v3 =	vld [tilespmem:s29+$0xFFFFFF78];
	v8 =	vsub.f32 v2, v1  }
0x99: {  	v4 =	vld [tilespmem:s22+$0xFFFFFF78];
	v5 =	vsub.f32 $0.0e+00, v0  }
0x9a: {  	v6 =	vmul.f32 v6, v6;
	v1 =	vmul.f32 v7, v7;
	[tilespmem:$0x1FF50] =	vst v8  }
0x9b: {  	v2 =	vld [tilespmem:s21+$0xFFFFFF80];
	v5 =	vmul.f32 $1.442695020e+00, v5  }
0x9c: {  	v1 =	vadd.f32 v1, v6;
	v6 =	vmul.f32 v8, v8  }
0x9d: {  	(erf) = vpow2.f32 v5  }
0x9e: {  	v20 =	vadd.f32 v6, v1;
	v1 =	vadd.f32 v4, v3;
	_ =	sdelay $0x1  }
0x9f: {  	v3 =	vmul.f32 v10, v20;
	v1 =	vadd.f32 v2, v1;
	_ =	sdelay $0x1  }
0xa0: {  	v1 =	vadd.f32 v3, v1;
	_ =	sdelay $0x1  }
0xa1: {  	v2 =	vsub.f32 $0.0e+00, v1;
	_ =	sdelay $0x1  }
0xa2: {  	v2 =	vmul.f32 $1.442695020e+00, v2;
	v3 =	vpop (erf)  }
0xa3: {  	v3 =	vadd.f32 $1.000000000e+00, v3  }
0xa4: {  	(erf) = vpow2.f32 v2  }
0xa5: {  	(erf) = vrcp.f32 v3;
	_ =	sdelay $0x7  }
0xa6: {  	v2 =	vpop (erf)  }
0xa7: {  	v2 =	vadd.f32 $1.000000000e+00, v2;
	v3 =	vpop (erf)  }
0xa8: {  	v0 =	vmul.f32 v3, v0  }
0xa9: {  	(erf) = vrcp.f32 v2  }
0xaa: {  	s14 =	simm.s32 $0x1CA30;
	[tilespmem:$0x1FCF0] =	vst v0  }
0xab: {  	[tilespmem:s14+$0x0] =	vst v0  }
0xac: {  	v0 =	vld [tilespmem:s29+$0x10]  }
0xad: {  	v2 =	vld [tilespmem:s22+$0x10]  }
0xae: {  	v3 =	vld [tilespmem:s21+$0x10]  }
0xaf: {  	v4 =	vld [tilespmem:$0x1DEF8];
	_ =	sdelay $0x2  }
0xb0: {  	v0 =	vadd.f32 v2, v0;
	v2 =	vpop (erf)  }
0xb1: {  	v56 =	vmul.f32 v2, v1  }
0xb2: {  	v0 =	vadd.f32 v3, v0;
	v1 =	vmul.f32 v4, v28  }
0xb3: {  	[tilespmem:s14+$0xFFFFFF78] =	vst v56  }
0xb4: {  	v0 =	vadd.f32 v1, v0;
	v1 =	vld [tilespmem:s29+$0xFFFFFF88]  }
0xb5: {  	v2 =	vld [tilespmem:s22+$0xFFFFFF88]  }
0xb6: {  	v4 =	vld [tilespmem:s21+$0xFFFFFF90]  }
0xb7: {  	v5 =	vld [tilespmem:$0x1DEF8];
	v3 =	vsub.f32 $0.0e+00, v0;
	_ =	sdelay $0x1  }
0xb8: {  	v3 =	vmul.f32 $1.442695020e+00, v3  }
0xb9: {  	v1 =	vadd.f32 v2, v1  }
0xba: {  	(erf) = vpow2.f32 v3  }
0xbb: {  	v2 =	vmul.f32 v5, v20;
	v1 =	vadd.f32 v4, v1;
	_ =	sdelay $0x1  }
0xbc: {  	s15 =	simm.s32 $0x2;
	v1 =	vadd.f32 v2, v1  }
0xbd: {  	v3 =	vmov s15  }
0xbe: {  	v2 =	vmul.u32 $0x88, v3;
	v3 =	vsub.f32 $0.0e+00, v1;
	_ =	sdelay $0x3  }
0xbf: {  	v6 =	vbroadcast v2, $0x0;
	v2 =	vmul.f32 $1.442695020e+00, v3;
	v3 =	vpop (erf)  }
0xc0: {  	v3 =	vadd.f32 $1.000000000e+00, v3  }
0xc1: {  	(erf) = vpow2.f32 v2  }
0xc2: {  	s16 =	simm.s32 $0x3;
	v4 =	vadd.s32 $0x82, v6;
	(erf) = vrcp.f32 v3  }
0xc3: {  	v5 =	vmov s16  }
0xc4: {  	v5 =	vmul.u32 $0x88, v5;
	v2 =	vadd.s32 $0x80, v6;
	_ =	sdelay $0x1  }
0xc5: {  	v9 =	vbroadcast v5, $0x0;
	[tilespmem:$0x1FAE0] =	vst v6;
	v3 =	vadd.s32 $0x81, v6  }
0xc6: {  	v5 =	vld.idx.msk [tilespmem:v4+s24+$0x0], $0xffff  }
0xc7: {  	v4 =	vld.idx.msk [tilespmem:v4+s26+$0x0], $0xffff;
	v6 =	vadd.s32 $0x80, v9  }
0xc8: {  	v7 =	vld.idx.msk [tilespmem:v2+s24+$0x0], $0xffff  }
0xc9: {  	v2 =	vld.idx.msk [tilespmem:v2+s26+$0x0], $0xffff;
	v12 =	vpop (erf)  }
0xca: {  	v8 =	vld.idx.msk [tilespmem:v3+s24+$0x0], $0xffff;
	[tilespmem:$0x1FF30] =	vst v9;
	v11 =	vpop (erf)  }
0xcb: {  	v3 =	vld.idx.msk [tilespmem:v3+s26+$0x0], $0xffff;
	v11 =	vmul.f32 v11, v0  }
0xcc: {  	v13 =	vld.idx.msk [tilespmem:v6+s24+$0x0], $0xffff  }
0xcd: {  	v6 =	vld.idx.msk [tilespmem:v6+s26+$0x0], $0xffff;
	[tilespmem:$0x1FD10] =	vst v11  }
0xce: {  	v0 =	vld [tilespmem:$0x1DF68]  }
0xcf: {  	v10 =	vadd.s32 $0x81, v9;
	_ =	sdelay $0x1  }
0xd0: {  	v14 =	vadd.s32 $0x82, v9;
	_ =	sdelay $0x1  }
0xd1: {  	[tilespmem:$0x1FD00] =	vst v0  }
0xd2: {  	v0 =	vld.idx.msk [tilespmem:v10+s24+$0x0], $0xffff  }
0xd3: {  	v10 =	vld.idx.msk [tilespmem:v10+s26+$0x0], $0xffff  }
0xd4: {  	[tilespmem:s14+$0x10] =	vst v11;
	v18 =	vld.idx.msk [tilespmem:v14+s24+$0x0], $0xffff  }
0xd5: {  	v15 =	vld [tilespmem:s29+$0x20]  }
0xd6: {  	v12 =	vadd.f32 $1.000000000e+00, v12;
	v16 =	vld [tilespmem:s22+$0x20]  }
0xd7: {  	v14 =	vld.idx.msk [tilespmem:v14+s26+$0x0], $0xffff  }
0xd8: {  	(erf) = vrcp.f32 v12;
	v17 =	vld [tilespmem:s21+$0x20];
	_ =	sdelay $0x1  }
0xd9: {  	s1 =	simm.s32 $0x16330;
	v9 =	vsub.f32 v7, v2;
	v13 =	vsub.f32 v13, v6;
	v12 =	vld [tilespmem:$0x1DF08]  }
0xda: {  	s2 =	simm.s32 $0x14DF0;
	v2 =	vld [tilespmem:s1+$0x0];
	v0 =	vsub.f32 v0, v10;
	v15 =	vadd.f32 v16, v15  }
0xdb: {  	v16 =	vld [tilespmem:s2+$0x0];
	[tilespmem:$0x1FED0] =	vst v13  }
0xdc: {  	[tilespmem:$0x1FEE0] =	vst v0;
	v7 =	vadd.f32 v17, v15;
	v15 =	vsub.f32 v18, v14  }
0xdd: {  	s30 =	simm.s32 $0x17858;
	v11 =	vsub.f32 v8, v3;
	v6 =	vld [tilespmem:s2+$0xFFFFFF78];
	[tilespmem:$0x1FAF0] =	vst v9  }
0xde: {  	v3 =	vmul.f32 v9, v9;
	v12 =	vmul.f32 v12, v28;
	v9 =	vsub.f32 v5, v4;
	v8 =	vld [tilespmem:s30+$0x0];
	[tilespmem:$0x1FEF0] =	vst v15  }
0xdf: {  	v10 =	vmul.f32 v13, v13;
	v13 =	vld [tilespmem:$0x1DEE8];
	[tilespmem:$0x1FB00] =	vst v11  }
0xe0: {  	v7 =	vadd.f32 v12, v7;
	v12 =	vmul.f32 v0, v0;
	v0 =	vpop (erf);
	v14 =	vld [tilespmem:s1+$0xFFFFFF78];
	[tilespmem:$0x1FB10] =	vst v9  }
0xe1: {  	v37 =	vmul.f32 v0, v1;
	v0 =	vld [tilespmem:$0x1DF68];
	_ =	sdelay $0x2  }
0xe2: {  	v4 =	vmul.f32 v11, v11  }
0xe3: {  	v1 =	vadd.f32 v12, v10;
	v10 =	vmul.f32 v15, v15  }
0xe4: {  	v3 =	vadd.f32 v4, v3;
	v4 =	vmul.f32 v9, v9;
	v5 =	vsub.f32 $0.0e+00, v7;
	v15 =	vld [tilespmem:s30+$0xFFFFFF80];
	[tilespmem:$0x1FC90] =	vst v0  }
0xe5: {  	v2 =	vadd.f32 v2, v16;
	v33 =	vadd.f32 v10, v1;
	[tilespmem:s14+$0xFFFFFF88] =	vst v37  }
0xe6: {  	v36 =	vadd.f32 v4, v3;
	v17 =	vmul.f32 $1.442695020e+00, v5;
	v1 =	vld [tilespmem:s29+$0xFFFFFF98]  }
0xe7: {  	v2 =	vadd.f32 v8, v2;
	v3 =	vmul.f32 v33, v13;
	v4 =	vadd.f32 v14, v6;
	v6 =	vld [tilespmem:s22+$0xFFFFFF98]  }
0xe8: {  	(erf) = vpow2.f32 v17;
	v8 =	vld [tilespmem:$0x1DF08]  }
0xe9: {  	v2 =	vadd.f32 v3, v2;
	v3 =	vadd.f32 v15, v4;
	v4 =	vld [tilespmem:s21+$0xFFFFFFA0];
	_ =	sdelay $0x1  }
0xea: {  	v10 =	vmul.f32 v13, v36;
	v13 =	vsub.f32 $0.0e+00, v2  }
0xeb: {  	v1 =	vadd.f32 v6, v1  }
0xec: {  	v3 =	vadd.f32 v10, v3;
	v6 =	vmul.f32 $1.442695020e+00, v13  }
0xed: {  	v8 =	vmul.f32 v8, v20;
	v1 =	vadd.f32 v4, v1  }
0xee: {  	v10 =	vsub.f32 $0.0e+00, v3;
	(erf) = vpow2.f32 v6  }
0xef: {  	v8 =	vadd.f32 v8, v1  }
0xf0: {  	v4 =	vmul.f32 $1.442695020e+00, v10;
	v6 =	vpop (erf)  }
0xf1: {  	v6 =	vadd.f32 $1.000000000e+00, v6;
	v1 =	vsub.f32 $0.0e+00, v8  }
0xf2: {  	(erf) = vpow2.f32 v4  }
0xf3: {  	(erf) = vrcp.f32 v6;
	v1 =	vmul.f32 $1.442695020e+00, v1;
	_ =	sdelay $0x3  }
0xf4: {  	(erf) = vpow2.f32 v1;
	v1 =	vpop (erf)  }
0xf5: {  	v5 =	vld [tilespmem:$0x1DF78];
	v1 =	vadd.f32 $1.000000000e+00, v1;
	_ =	sdelay $0x2  }
0xf6: {  	s20 =	simm.s32 $0x4;
	v6 =	vpop (erf)  }
0xf7: {  	v4 =	vmov s20;
	(erf) = vrcp.f32 v1;
	v1 =	vpop (erf)  }
0xf8: {  	[tilespmem:$0x1FCA0] =	vst v5;
	v4 =	vmul.u32 $0x88, v4;
	v5 =	vmul.f32 v1, v7;
	_ =	sdelay $0x1  }
0xf9: {  	v0 =	vbroadcast v4, $0x0;
	[tilespmem:$0x1FD40] =	vst v5  }
0xfa: {  	v1 =	vld [tilespmem:$0x1DF78]  }
0xfb: {  	v4 =	vadd.s32 $0x82, v0;
	_ =	sdelay $0x2  }
0xfc: {  	v6 =	vadd.f32 $1.000000000e+00, v6;
	v10 =	vpop (erf)  }
0xfd: {  	v10 =	vadd.f32 $1.000000000e+00, v10;
	[tilespmem:$0x1FD20] =	vst v1  }
0xfe: {  	(erf) = vrcp.f32 v6;
	v1 =	vld.idx.msk [tilespmem:v4+s24+$0x0], $0xffff;
	[tilespmem:s14+$0x20] =	vst v5  }
0xff: {  	v6 =	vadd.s32 $0x80, v0;
	v7 =	vld [tilespmem:s29+$0x30]  }
0x100: {  	v13 =	vld [tilespmem:s22+$0x30];
	[tilespmem:$0x1FB20] =	vst v0  }
0x101: {  	v14 =	vadd.s32 $0x81, v0;
	(erf) = vrcp.f32 v10;
	v10 =	vpop (erf);
	v15 =	vld [tilespmem:s21+$0x30]  }
0x102: {  	v0 =	vmul.f32 v10, v2;
	v16 =	vld [tilespmem:$0x1DF18]  }
0x103: {  	v4 =	vld.idx.msk [tilespmem:v4+s26+$0x0], $0xffff  }
0x104: {  	v17 =	vld.idx.msk [tilespmem:v6+s24+$0x0], $0xffff;
	[tilespmem:$0x1FE40] =	vst v0  }
0x105: {  	v2 =	vld.idx.msk [tilespmem:v6+s26+$0x0], $0xffff  }
0x106: {  	s15 =	simm.s32 $0x1CB40;
	v10 =	vld.idx.msk [tilespmem:v14+s26+$0x0], $0xffff  }
0x107: {  	[tilespmem:s15+$0x0] =	vst v0;
	v6 =	vadd.f32 v13, v7;
	v7 =	vld.idx.msk [tilespmem:v14+s24+$0x0], $0xffff;
	v13 =	vpop (erf)  }
0x108: {  	v50 =	vmul.f32 v13, v3;
	v3 =	vld [tilespmem:s1+$0x10]  }
0x109: {  	v14 =	vmul.f32 v16, v28;
	v6 =	vadd.f32 v15, v6;
	v15 =	vld [tilespmem:s2+$0x10]  }
0x10a: {  	v13 =	vld [tilespmem:s30+$0x10]  }
0x10b: {  	v6 =	vadd.f32 v14, v6;
	v14 =	vld [tilespmem:$0x1DEF8];
	_ =	sdelay $0x1  }
0x10c: {  	v18 =	vsub.f32 $0.0e+00, v6  }
0x10d: {  	v16 =	vpop (erf);
	v3 =	vadd.f32 v3, v15  }
0x10e: {  	v53 =	vmul.f32 v16, v8;
	v16 =	vmul.f32 $1.442695020e+00, v18  }
0x10f: {  	v3 =	vadd.f32 v13, v3;
	v13 =	vmul.f32 v14, v33  }
0x110: {  	(erf) = vpow2.f32 v16  }
0x111: {  	v3 =	vadd.f32 v13, v3  }
0x112: {  	[tilespmem:s15+$0xFFFFFF78] =	vst v50  }
0x113: {  	v19 =	vld [tilespmem:s2+$0xFFFFFF88];
	v13 =	vsub.f32 $0.0e+00, v3  }
0x114: {  	v8 =	vld [tilespmem:s1+$0xFFFFFF88]  }
0x115: {  	v15 =	vld [tilespmem:$0x1DEF8];
	v13 =	vmul.f32 $1.442695020e+00, v13  }
0x116: {  	v18 =	vld [tilespmem:s30+$0xFFFFFF90];
	_ =	sdelay $0x2  }
0x117: {  	v8 =	vadd.f32 v8, v19;
	(erf) = vpow2.f32 v13;
	v13 =	vpop (erf)  }
0x118: {  	[tilespmem:s14+$0xFFFFFF98] =	vst v53;
	v13 =	vadd.f32 $1.000000000e+00, v13  }
0x119: {  	v14 =	vld [tilespmem:s29+$0xFFFFFFA8];
	v15 =	vmul.f32 v15, v36;
	v8 =	vadd.f32 v18, v8  }
0x11a: {  	v16 =	vld [tilespmem:s22+$0xFFFFFFA8];
	(erf) = vrcp.f32 v13  }
0x11b: {  	v8 =	vadd.f32 v15, v8;
	_ =	sdelay $0x1  }
0x11c: {  	v18 =	vsub.f32 $0.0e+00, v8  }
0x11d: {  	v13 =	vld [tilespmem:s21+$0xFFFFFFB0]  }
0x11e: {  	v14 =	vadd.f32 v16, v14;
	v16 =	vmul.f32 $1.442695020e+00, v18;
	_ =	sdelay $0x2  }
0x11f: {  	s25 =	simm.s32 $0x5;
	v15 =	vld [tilespmem:$0x1DF18];
	v18 =	vpop (erf)  }
0x120: {  	(erf) = vpow2.f32 v16;
	v13 =	vadd.f32 v13, v14;
	v14 =	vmov s25;
	v16 =	vpop (erf)  }
0x121: {  	v18 =	vadd.f32 $1.000000000e+00, v18;
	v14 =	vmul.u32 $0x88, v14;
	v5 =	vmul.f32 v16, v6;
	_ =	sdelay $0x1  }
0x122: {  	(erf) = vrcp.f32 v18;
	v0 =	vbroadcast v14, $0x0;
	[tilespmem:$0x1FD60] =	vst v5  }
0x123: {  	v15 =	vmul.f32 v15, v20;
	v6 =	vld [tilespmem:$0x1DF88]  }
0x124: {  	v14 =	vadd.s32 $0x82, v0  }
0x125: {  	v13 =	vadd.f32 v15, v13;
	v15 =	vadd.s32 $0x80, v0;
	_ =	sdelay $0x2  }
0x126: {  	[tilespmem:$0x1FD50] =	vst v6  }
0x127: {  	v22 =	vld.idx.msk [tilespmem:v14+s24+$0x0], $0xffff  }
0x128: {  	v21 =	vpop (erf);
	v6 =	vsub.f32 $0.0e+00, v13;
	[tilespmem:s14+$0x30] =	vst v5;
	v24 =	vld.idx.msk [tilespmem:v15+s24+$0x0], $0xffff  }
0x129: {  	v23 =	vpop (erf);
	v16 =	vld [tilespmem:s29+$0x40]  }
0x12a: {  	v5 =	vmul.f32 v23, v3;
	v6 =	vmul.f32 $1.442695020e+00, v6;
	v18 =	vld [tilespmem:s22+$0x40]  }
0x12b: {  	v19 =	vld [tilespmem:s21+$0x40]  }
0x12c: {  	(erf) = vpow2.f32 v6;
	v6 =	vld [tilespmem:$0x1DF28];
	[tilespmem:$0x1FE60] =	vst v5  }
0x12d: {  	v9 =	vld [tilespmem:$0x1DF68];
	_ =	sdelay $0x3  }
0x12e: {  	[tilespmem:$0x1FB30] =	vst v0  }
0x12f: {  	v3 =	vadd.f32 v18, v16;
	v16 =	vadd.s32 $0x81, v0;
	[tilespmem:$0x1FE50] =	vst v9  }
0x130: {  	v15 =	vld.idx.msk [tilespmem:v15+s26+$0x0], $0xffff  }
0x131: {  	[tilespmem:s15+$0x10] =	vst v5;
	v14 =	vld.idx.msk [tilespmem:v14+s26+$0x0], $0xffff  }
0x132: {  	v18 =	vld [tilespmem:s2+$0x20]  }
0x133: {  	v3 =	vadd.f32 v19, v3;
	v19 =	vld [tilespmem:s1+$0x20]  }
0x134: {  	v6 =	vmul.f32 v6, v28;
	v25 =	vld.idx.msk [tilespmem:v16+s24+$0x0], $0xffff  }
0x135: {  	v16 =	vld.idx.msk [tilespmem:v16+s26+$0x0], $0xffff  }
0x136: {  	v3 =	vadd.f32 v6, v3;
	v6 =	vld [tilespmem:s30+$0x20]  }
0x137: {  	s20 =	simm.s32 $0x16440;
	v21 =	vadd.f32 $1.000000000e+00, v21;
	v0 =	vsub.f32 v17, v2;
	v23 =	vld [tilespmem:$0x1DF08]  }
0x138: {  	s28 =	simm.s32 $0x17958;
	v2 =	vld [tilespmem:s20+$0x0];
	v5 =	vsub.f32 v7, v10;
	v26 =	vpop (erf);
	v27 =	vsub.f32 $0.0e+00, v3  }
0x139: {  	s6 =	simm.s32 $0x14F00;
	(erf) = vrcp.f32 v21;
	v7 =	vld [tilespmem:s28+$0x0];
	v26 =	vadd.f32 $1.000000000e+00, v26;
	v11 =	vsub.f32 v24, v15  }
0x13a: {  	v21 =	vmul.f32 $1.442695020e+00, v27;
	v15 =	vld [tilespmem:s6+$0xFFFFFF78];
	v18 =	vadd.f32 v19, v18;
	v12 =	vsub.f32 v25, v16  }
0x13b: {  	(erf) = vrcp.f32 v26;
	v19 =	vld [tilespmem:s6+$0x0];
	[tilespmem:$0x1FB40] =	vst v11  }
0x13c: {  	(erf) = vpow2.f32 v21;
	v6 =	vadd.f32 v6, v18;
	v18 =	vmul.f32 v23, v33;
	[tilespmem:$0x1FB50] =	vst v12  }
0x13d: {  	v9 =	vsub.f32 v22, v14;
	v10 =	vmul.f32 v11, v11;
	v14 =	vmul.f32 v12, v12;
	v16 =	vld [tilespmem:s20+$0xFFFFFF78];
	[tilespmem:$0x1FB60] =	vst v0  }
0x13e: {  	[tilespmem:$0x1FB70] =	vst v5;
	v6 =	vadd.f32 v18, v6;
	v18 =	vmul.f32 v0, v0;
	v0 =	vsub.f32 v1, v4  }
0x13f: {  	v1 =	vmul.f32 v5, v5;
	v4 =	vld [tilespmem:$0x1DEE8];
	[tilespmem:$0x1FB80] =	vst v9  }
0x140: {  	v10 =	vadd.f32 v14, v10;
	v14 =	vmul.f32 v9, v9;
	v21 =	vld [tilespmem:s28+$0xFFFFFF80];
	[tilespmem:$0x1FB90] =	vst v0  }
0x141: {  	v17 =	vsub.f32 $0.0e+00, v6;
	v1 =	vadd.f32 v1, v18;
	v18 =	vmul.f32 v0, v0;
	v0 =	vld [tilespmem:$0x1DF68];
	_ =	sdelay $0x1  }
0x142: {  	v22 =	vpop (erf);
	v2 =	vadd.f32 v2, v19;
	v49 =	vadd.f32 v14, v10;
	v17 =	vmul.f32 $1.442695020e+00, v17  }
0x143: {  	v42 =	vmul.f32 v22, v8;
	v46 =	vadd.f32 v18, v1;
	v8 =	vadd.f32 v16, v15  }
0x144: {  	v2 =	vadd.f32 v7, v2;
	v23 =	vpop (erf);
	(erf) = vpow2.f32 v17  }
0x145: {  	v7 =	vmul.f32 v49, v4;
	v1 =	vpop (erf);
	v4 =	vmul.f32 v4, v46;
	v8 =	vadd.f32 v21, v8;
	[tilespmem:$0x1FCB0] =	vst v0  }
0x146: {  	v1 =	vadd.f32 $1.000000000e+00, v1;
	[tilespmem:s15+$0xFFFFFF88] =	vst v42;
	v0 =	vld [tilespmem:$0x1DF88]  }
0x147: {  	v2 =	vadd.f32 v7, v2;
	v4 =	vadd.f32 v4, v8;
	v10 =	vld [tilespmem:s2+$0xFFFFFF98]  }
0x148: {  	(erf) = vrcp.f32 v1;
	v1 =	vld [tilespmem:s1+$0xFFFFFF98]  }
0x149: {  	v8 =	vsub.f32 $0.0e+00, v2;
	v7 =	vld [tilespmem:s30+$0xFFFFFFA0];
	v19 =	vsub.f32 $0.0e+00, v4  }
0x14a: {  	v18 =	vmul.f32 v23, v13;
	v17 =	vld [tilespmem:$0x1DF08]  }
0x14b: {  	v8 =	vmul.f32 $1.442695020e+00, v8;
	[tilespmem:$0x1FCC0] =	vst v0  }
0x14c: {  	v13 =	vmul.f32 $1.442695020e+00, v19;
	[tilespmem:s14+$0xFFFFFFA8] =	vst v18;
	v0 =	vld [tilespmem:$0x1DF98]  }
0x14d: {  	(erf) = vpow2.f32 v8;
	v19 =	vpop (erf);
	v1 =	vadd.f32 v1, v10;
	v10 =	vld [tilespmem:s29+$0xFFFFFFB8]  }
0x14e: {  	(erf) = vpow2.f32 v13;
	v8 =	vadd.f32 $1.000000000e+00, v19;
	v13 =	vld [tilespmem:s22+$0xFFFFFFB8]  }
0x14f: {  	v1 =	vadd.f32 v7, v1;
	v7 =	vmul.f32 v17, v36  }
0x150: {  	(erf) = vrcp.f32 v8  }
0x151: {  	v17 =	vpop (erf);
	v7 =	vadd.f32 v7, v1  }
0x152: {  	v8 =	vld [tilespmem:s21+$0xFFFFFFC0];
	v55 =	vmul.f32 v17, v3  }
0x153: {  	v1 =	vld [tilespmem:$0x1DF28];
	[tilespmem:$0x1FD70] =	vst v0;
	v3 =	vsub.f32 $0.0e+00, v7;
	v10 =	vadd.f32 v13, v10  }
0x154: {  	[tilespmem:s14+$0x40] =	vst v55  }
0x155: {  	v13 =	vld [tilespmem:s29+$0x50];
	v3 =	vmul.f32 $1.442695020e+00, v3  }
0x156: {  	v17 =	vld [tilespmem:s22+$0x50]  }
0x157: {  	v19 =	vld [tilespmem:s21+$0x50];
	v8 =	vadd.f32 v8, v10;
	v10 =	vpop (erf);
	(erf) = vpow2.f32 v3  }
0x158: {  	v3 =	vadd.f32 $1.000000000e+00, v10;
	v10 =	vld [tilespmem:$0x1DF38];
	v21 =	vpop (erf)  }
0x159: {  	v22 =	vpop (erf)  }
0x15a: {  	v0 =	vmul.f32 v22, v6;
	_ =	sdelay $0x1  }
0x15b: {  	[tilespmem:$0x1FE80] =	vst v0  }
0x15c: {  	(erf) = vrcp.f32 v3;
	v3 =	vld [tilespmem:$0x1DF78]  }
0x15d: {  	v1 =	vmul.f32 v1, v20;
	_ =	sdelay $0x1  }
0x15e: {  	v8 =	vadd.f32 v1, v8;
	v1 =	vadd.f32 v17, v13;
	_ =	sdelay $0x1  }
0x15f: {  	v1 =	vadd.f32 v19, v1;
	v6 =	vmul.f32 v10, v28;
	[tilespmem:$0x1FE70] =	vst v3;
	v3 =	vsub.f32 $0.0e+00, v8  }
0x160: {  	[tilespmem:s15+$0x20] =	vst v0  }
0x161: {  	v6 =	vadd.f32 v6, v1;
	v10 =	vld [tilespmem:s2+$0x30];
	v3 =	vmul.f32 $1.442695020e+00, v3  }
0x162: {  	v13 =	vld [tilespmem:s1+$0x30]  }
0x163: {  	v17 =	vadd.f32 $1.000000000e+00, v21;
	v21 =	vsub.f32 $0.0e+00, v6;
	(erf) = vpow2.f32 v3  }
0x164: {  	v1 =	vld [tilespmem:s30+$0x30]  }
0x165: {  	v3 =	vld [tilespmem:$0x1DF18]  }
0x166: {  	v19 =	vpop (erf);
	(erf) = vrcp.f32 v17  }
0x167: {  	s4 =	simm.s32 $0x6;
	v17 =	vadd.f32 $1.000000000e+00, v19;
	v10 =	vadd.f32 v13, v10;
	v13 =	vmul.f32 $1.442695020e+00, v21;
	v21 =	vpop (erf)  }
0x168: {  	v19 =	vmov s4;
	v5 =	vmul.f32 v21, v2  }
0x169: {  	(erf) = vrcp.f32 v17;
	v2 =	vmul.u32 $0x88, v19  }
0x16a: {  	s16 =	simm.s32 $0x1CC50;
	(erf) = vpow2.f32 v13;
	v1 =	vadd.f32 v1, v10;
	v3 =	vmul.f32 v3, v33;
	[tilespmem:$0x1FBA0] =	vst v5  }
0x16b: {  	v0 =	vbroadcast v2, $0x0;
	[tilespmem:s16+$0x0] =	vst v5  }
0x16c: {  	v3 =	vadd.f32 v3, v1;
	v2 =	vld [tilespmem:s6+$0x10];
	v13 =	vpop (erf)  }
0x16d: {  	v10 =	vadd.s32 $0x82, v0;
	v1 =	vld [tilespmem:s20+$0x10];
	v13 =	vadd.f32 $1.000000000e+00, v13  }
0x16e: {  	v17 =	vld [tilespmem:s28+$0x10];
	v19 =	vsub.f32 $0.0e+00, v3  }
0x16f: {  	v22 =	vld [tilespmem:$0x1DEF8]  }
0x170: {  	v19 =	vmul.f32 $1.442695020e+00, v19  }
0x171: {  	(erf) = vrcp.f32 v13;
	v13 =	vpop (erf)  }
0x172: {  	(erf) = vpow2.f32 v19;
	v16 =	vmul.f32 v13, v4;
	v4 =	vadd.f32 v1, v2;
	v1 =	vld.idx.msk [tilespmem:v10+s24+$0x0], $0xffff;
	v13 =	vpop (erf)  }
0x173: {  	v2 =	vld.idx.msk [tilespmem:v10+s26+$0x0], $0xffff;
	v10 =	vpop (erf)  }
0x174: {  	v4 =	vadd.f32 v17, v4;
	[tilespmem:s16+$0xFFFFFF78] =	vst v16;
	v10 =	vadd.f32 $1.000000000e+00, v10;
	v17 =	vmul.f32 v22, v49  }
0x175: {  	v19 =	vld [tilespmem:s6+$0xFFFFFF88]  }
0x176: {  	(erf) = vrcp.f32 v10;
	v4 =	vadd.f32 v17, v4;
	v10 =	vld [tilespmem:s20+$0xFFFFFF88];
	_ =	sdelay $0x1  }
0x177: {  	v17 =	vsub.f32 $0.0e+00, v4  }
0x178: {  	v58 =	vld [tilespmem:$0x1DF78]  }
0x179: {  	v51 =	vld [tilespmem:$0x1DF98];
	v22 =	vpop (erf);
	v17 =	vmul.f32 $1.442695020e+00, v17  }
0x17a: {  	v15 =	vmul.f32 v13, v7;
	v7 =	vld [tilespmem:s28+$0xFFFFFF90];
	v10 =	vadd.f32 v10, v19;
	v19 =	vpop (erf)  }
0x17b: {  	v13 =	vld [tilespmem:$0x1DEF8];
	(erf) = vpow2.f32 v17;
	v17 =	vadd.f32 $1.000000000e+00, v19  }
0x17c: {  	v5 =	vld [tilespmem:$0x1DFA8];
	[tilespmem:s15+$0xFFFFFF98] =	vst v15  }
0x17d: {  	v24 =	vld [tilespmem:s2+$0xFFFFFFA8];
	(erf) = vrcp.f32 v17  }
0x17e: {  	v25 =	vld [tilespmem:$0x1DF18];
	v22 =	vmul.f32 v22, v8  }
0x17f: {  	v8 =	vld [tilespmem:s1+$0xFFFFFFA8]  }
0x180: {  	[tilespmem:s14+$0xFFFFFFB8] =	vst v22;
	v19 =	vld [tilespmem:s30+$0xFFFFFFB0];
	v7 =	vadd.f32 v7, v10;
	v10 =	vmul.f32 v13, v46  }
0x181: {  	v26 =	vld [tilespmem:s29+$0xFFFFFFC8];
	v13 =	vpop (erf)  }
0x182: {  	v7 =	vadd.f32 v10, v7;
	v10 =	vld [tilespmem:s22+$0xFFFFFFC8];
	v38 =	vmul.f32 v13, v6  }
0x183: {  	v6 =	vld [tilespmem:s21+$0xFFFFFFD0];
	[tilespmem:$0x1FD80] =	vst v5  }
0x184: {  	v8 =	vadd.f32 v8, v24;
	v24 =	vadd.s32 $0x80, v0;
	v29 =	vld [tilespmem:$0x1DF38];
	[tilespmem:s14+$0x50] =	vst v38  }
0x185: {  	v30 =	vld [tilespmem:s29+$0x60];
	v32 =	vpop (erf)  }
0x186: {  	v8 =	vadd.f32 v19, v8;
	v19 =	vld [tilespmem:s22+$0x60];
	[tilespmem:$0x1FBB0] =	vst v0;
	v39 =	vpop (erf)  }
0x187: {  	s7 =	simm.s32 $0x7;
	v25 =	vmul.f32 v25, v36;
	v27 =	vsub.f32 $0.0e+00, v7;
	v31 =	vld [tilespmem:s21+$0x60];
	v5 =	vmul.f32 v39, v3  }
0x188: {  	v34 =	vmov s7;
	v35 =	vld [tilespmem:$0x1DF48]  }
0x189: {  	v27 =	vmul.f32 $1.442695020e+00, v27;
	v8 =	vadd.f32 v25, v8;
	v25 =	vmul.u32 $0x88, v34;
	v60 =	vld.idx.msk [tilespmem:v24+s24+$0x0], $0xffff;
	[tilespmem:$0x1FEA0] =	vst v5  }
0x18a: {  	v10 =	vadd.f32 v10, v26;
	v9 =	vld [tilespmem:$0x1DF88]  }
0x18b: {  	(erf) = vpow2.f32 v27;
	v27 =	vadd.s32 $0x81, v0;
	v0 =	vbroadcast v25, $0x0  }
0x18c: {  	v32 =	vadd.f32 $1.000000000e+00, v32  }
0x18d: {  	v6 =	vadd.f32 v6, v10;
	v10 =	vmul.f32 v29, v20;
	v29 =	vadd.s32 $0x80, v0  }
0x18e: {  	(erf) = vrcp.f32 v32  }
0x18f: {  	v3 =	vld.idx.msk [tilespmem:v24+s26+$0x0], $0xffff;
	[tilespmem:$0x1FE90] =	vst v9  }
0x190: {  	v19 =	vadd.f32 v19, v30;
	v24 =	vld.idx.msk [tilespmem:v27+s24+$0x0], $0xffff  }
0x191: {  	v27 =	vld.idx.msk [tilespmem:v27+s26+$0x0], $0xffff  }
0x192: {  	v26 =	vmul.f32 v35, v28;
	v19 =	vadd.f32 v31, v19;
	v40 =	vld.idx.msk [tilespmem:v29+s24+$0x0], $0xffff  }
0x193: {  	v29 =	vld.idx.msk [tilespmem:v29+s26+$0x0], $0xffff  }
0x194: {  	v25 =	vsub.f32 $0.0e+00, v8;
	v19 =	vadd.f32 v26, v19;
	v26 =	vadd.s32 $0x81, v0;
	[tilespmem:s15+$0x30] =	vst v5;
	v9 =	vld [tilespmem:$0x1DF68]  }
0x195: {  	v30 =	vld [tilespmem:s2+$0x40]  }
0x196: {  	v6 =	vadd.f32 v10, v6;
	v10 =	vmul.f32 $1.442695020e+00, v25;
	v61 =	vpop (erf);
	v25 =	vld [tilespmem:s1+$0x40]  }
0x197: {  	v43 =	vpop (erf);
	v31 =	vld [tilespmem:s30+$0x40]  }
0x198: {  	(erf) = vpow2.f32 v10;
	v10 =	vsub.f32 $0.0e+00, v6;
	v62 =	vld [tilespmem:$0x1DF28];
	v5 =	vmul.f32 v43, v4  }
0x199: {  	v63 =	vsub.f32 $0.0e+00, v19;
	v32 =	vadd.f32 $1.000000000e+00, v61;
	v4 =	vld.idx.msk [tilespmem:v26+s24+$0x0], $0xffff;
	[tilespmem:$0x1FBC0] =	vst v9  }
0x19a: {  	v10 =	vmul.f32 $1.442695020e+00, v10;
	v26 =	vld.idx.msk [tilespmem:v26+s26+$0x0], $0xffff;
	[tilespmem:$0x1FBD0] =	vst v5  }
0x19b: {  	(erf) = vrcp.f32 v32;
	v25 =	vadd.f32 v25, v30;
	v30 =	vmul.f32 $1.442695020e+00, v63;
	[tilespmem:s16+$0x10] =	vst v5  }
0x19c: {  	(erf) = vpow2.f32 v10;
	[tilespmem:$0x1FBE0] =	vst v0  }
0x19d: {  	(erf) = vpow2.f32 v30;
	v10 =	vadd.f32 v31, v25;
	v31 =	vld [tilespmem:s20+$0x20]  }
0x19e: {  	v25 =	vmul.f32 v62, v33;
	v47 =	vld [tilespmem:s28+$0x20]  }
0x19f: {  	v30 =	vadd.s32 $0x82, v0;
	v41 =	vld [tilespmem:$0x1DF08]  }
0x1a0: {  	v10 =	vadd.f32 v25, v10;
	v25 =	vld [tilespmem:s6+$0x20]  }
0x1a1: {  	s3 =	simm.s32 $0x15010;
	v44 =	vpop (erf);
	v61 =	vld [tilespmem:$0x1DF68]  }
0x1a2: {  	s4 =	simm.s32 $0x16550;
	v32 =	vadd.f32 $1.000000000e+00, v44;
	v0 =	vsub.f32 v24, v27;
	v27 =	vld [tilespmem:s3+$0x0]  }
0x1a3: {  	v57 =	vld [tilespmem:s4+$0x0];
	v48 =	vsub.f32 $0.0e+00, v10  }
0x1a4: {  	v9 =	vsub.f32 v60, v3;
	v12 =	vsub.f32 v40, v29;
	(erf) = vrcp.f32 v32;
	v52 =	vpop (erf);
	v43 =	vld.idx.msk [tilespmem:v30+s24+$0x0], $0xffff  }
0x1a5: {  	s13 =	simm.s32 $0x17A58;
	v5 =	vsub.f32 v1, v2;
	v30 =	vld.idx.msk [tilespmem:v30+s26+$0x0], $0xffff;
	v39 =	vmul.f32 $1.442695020e+00, v48;
	v3 =	vadd.f32 v31, v25;
	v25 =	vpop (erf)  }
0x1a6: {  	v2 =	vld [tilespmem:s13+$0x0];
	v13 =	vsub.f32 v4, v26;
	v24 =	vadd.f32 $1.000000000e+00, v25;
	v25 =	vpop (erf)  }
0x1a7: {  	v4 =	vld [tilespmem:s3+$0xFFFFFF78];
	[tilespmem:$0x1FBF0] =	vst v12;
	(erf) = vpow2.f32 v39;
	v25 =	vadd.f32 $1.000000000e+00, v25  }
0x1a8: {  	[tilespmem:$0x1FC00] =	vst v13;
	v31 =	vmul.f32 v41, v49;
	v3 =	vadd.f32 v47, v3;
	(erf) = vrcp.f32 v24  }
0x1a9: {  	v26 =	vmul.f32 v9, v9;
	(erf) = vrcp.f32 v25;
	v25 =	vld [tilespmem:$0x1DEE8];
	[tilespmem:$0x1FC10] =	vst v9  }
0x1aa: {  	v29 =	vmul.f32 v0, v0;
	v11 =	vsub.f32 v43, v30;
	v1 =	vadd.f32 v31, v3;
	[tilespmem:$0x1FC20] =	vst v0  }
0x1ab: {  	v24 =	vmul.f32 v13, v13;
	v3 =	vmul.f32 v12, v12;
	v30 =	vld [tilespmem:s4+$0xFFFFFF78]  }
0x1ac: {  	v60 =	vmul.f32 v52, v7;
	v31 =	vsub.f32 $0.0e+00, v1;
	v48 =	vld [tilespmem:$0x1DF88];
	[tilespmem:$0x1FC30] =	vst v11  }
0x1ad: {  	v7 =	vmul.f32 v11, v11;
	v3 =	vadd.f32 v24, v3;
	v24 =	vadd.f32 v29, v26;
	v26 =	vpop (erf);
	[tilespmem:$0x1FC40] =	vst v5  }
0x1ae: {  	v62 =	vld [tilespmem:s13+$0xFFFFFF80];
	v26 =	vmul.f32 v26, v8;
	v8 =	vadd.f32 v57, v27  }
0x1af: {  	v43 =	vld [tilespmem:$0x1FF80];
	v29 =	vmul.f32 $1.442695020e+00, v31;
	v31 =	vmul.f32 v5, v5;
	v52 =	vadd.f32 v7, v3  }
0x1b0: {  	v41 =	vld [tilespmem:$0x1DFA8];
	v2 =	vadd.f32 v2, v8  }
0x1b1: {  	[tilespmem:s16+$0xFFFFFF88] =	vst v60;
	v44 =	vld [tilespmem:$0x1DFB8];
	v3 =	vpop (erf);
	v47 =	vadd.f32 v31, v24;
	v24 =	vmul.f32 v52, v25;
	v4 =	vadd.f32 v30, v4  }
0x1b2: {  	v7 =	vld [tilespmem:s6+$0xFFFFFF98];
	(erf) = vpow2.f32 v29;
	v3 =	vadd.f32 $1.000000000e+00, v3  }
0x1b3: {  	v8 =	vld [tilespmem:s20+$0xFFFFFF98];
	v2 =	vadd.f32 v24, v2;
	v24 =	vmul.f32 v25, v47;
	v29 =	vpop (erf);
	v4 =	vadd.f32 v62, v4  }
0x1b4: {  	v27 =	vld [tilespmem:$0x1DF08];
	(erf) = vrcp.f32 v3;
	v25 =	vpop (erf)  }
0x1b5: {  	v3 =	vld [tilespmem:s28+$0xFFFFFFA0];
	v57 =	vmul.f32 v25, v19;
	v19 =	vadd.f32 v24, v4  }
0x1b6: {  	v0 =	vld [tilespmem:$0x1DF98];
	[tilespmem:s15+$0xFFFFFFA8] =	vst v26  }
0x1b7: {  	v31 =	vld [tilespmem:s30+$0xFFFFFFC0];
	v24 =	vsub.f32 $0.0e+00, v2;
	v63 =	vsub.f32 $0.0e+00, v19  }
0x1b8: {  	v30 =	vld [tilespmem:s2+$0xFFFFFFB8];
	v7 =	vadd.f32 v8, v7  }
0x1b9: {  	v4 =	vld [tilespmem:s1+$0xFFFFFFB8];
	[tilespmem:s14+$0x60] =	vst v57;
	v24 =	vmul.f32 $1.442695020e+00, v24;
	v8 =	vmul.f32 $1.442695020e+00, v63  }
0x1ba: {  	v34 =	vld [tilespmem:s29+$0x70];
	v3 =	vadd.f32 v3, v7;
	v7 =	vmul.f32 v27, v46  }
0x1bb: {  	v27 =	vmul.f32 v29, v6;
	(erf) = vpow2.f32 v24;
	v24 =	vld [tilespmem:s22+$0x70];
	v39 =	vpop (erf)  }
0x1bc: {  	v40 =	vld [tilespmem:s21+$0x70];
	v32 =	vadd.f32 $1.000000000e+00, v39;
	v62 =	vadd.f32 v7, v3  }
0x1bd: {  	v6 =	vld [tilespmem:$0x1DF58];
	[tilespmem:s14+$0xFFFFFFC8] =	vst v27;
	(erf) = vpow2.f32 v8;
	v8 =	vpop (erf)  }
0x1be: {  	v3 =	vld [tilespmem:$0x1DF28];
	[tilespmem:$0x1FEB0] =	vst v0;
	(erf) = vrcp.f32 v32;
	v7 =	vsub.f32 $0.0e+00, v62;
	v63 =	vmul.f32 v8, v10  }
0x1bf: {  	v5 =	vld [tilespmem:$0x1DF78]  }
0x1c0: {  	v4 =	vadd.f32 v4, v30;
	v10 =	vld [tilespmem:s29+$0xFFFFFFD8];
	v24 =	vadd.f32 v24, v34;
	v7 =	vmul.f32 $1.442695020e+00, v7;
	[tilespmem:s15+$0x40] =	vst v63  }
0x1c1: {  	v29 =	vld [tilespmem:s2+$0x50]  }
0x1c2: {  	v4 =	vadd.f32 v31, v4;
	v6 =	vmul.f32 v6, v28;
	v24 =	vadd.f32 v40, v24;
	v30 =	vld [tilespmem:s1+$0x50]  }
0x1c3: {  	v28 =	vld [tilespmem:s30+$0x50]  }
0x1c4: {  	v3 =	vmul.f32 v3, v36;
	(erf) = vpow2.f32 v7;
	v7 =	vpop (erf);
	v40 =	vadd.f32 v6, v24;
	v24 =	vld [tilespmem:s22+$0xFFFFFFD8]  }
0x1c5: {  	s7 =	simm.s32 $0x8;
	v31 =	vld [tilespmem:$0x1DF38];
	v6 =	vadd.f32 $1.000000000e+00, v7  }
0x1c6: {  	v39 =	vadd.f32 v3, v4;
	v7 =	vmov s7;
	v4 =	vpop (erf)  }
0x1c7: {  	v3 =	vmul.u32 $0x88, v7;
	(erf) = vrcp.f32 v6;
	v6 =	vadd.f32 v30, v29;
	v30 =	vpop (erf)  }
0x1c8: {  	v7 =	vld [tilespmem:s21+$0xFFFFFFE0];
	v29 =	vsub.f32 $0.0e+00, v40;
	v8 =	vmul.f32 v30, v1  }
0x1c9: {  	v0 =	vbroadcast v3, $0x0;
	v3 =	vld [tilespmem:$0x1DF48];
	[tilespmem:$0x1FC50] =	vst v5;
	v1 =	vsub.f32 $0.0e+00, v39;
	v10 =	vadd.f32 v24, v10  }
0x1ca: {  	v6 =	vadd.f32 v28, v6;
	v28 =	vmul.f32 $1.442695020e+00, v29;
	v29 =	vmul.f32 v31, v33;
	[tilespmem:$0x1FC60] =	vst v8  }
0x1cb: {  	v1 =	vmul.f32 $1.442695020e+00, v1;
	[tilespmem:s16+$0x20] =	vst v8  }
0x1cc: {  	(erf) = vpow2.f32 v28;
	v35 =	vadd.f32 v29, v6;
	v24 =	vld [tilespmem:s6+$0x30]  }
0x1cd: {  	v6 =	vadd.s32 $0x82, v0;
	(erf) = vpow2.f32 v1;
	v1 =	vadd.f32 $1.000000000e+00, v4;
	v4 =	vld [tilespmem:s20+$0x30]  }
0x1ce: {  	v7 =	vadd.f32 v7, v10;
	v3 =	vmul.f32 v3, v20;
	v10 =	vpop (erf);
	v30 =	vsub.f32 $0.0e+00, v35  }
0x1cf: {  	v28 =	vadd.s32 $0x80, v0;
	(erf) = vrcp.f32 v1;
	v1 =	vadd.f32 $1.000000000e+00, v10;
	v10 =	vld [tilespmem:$0x1DF18]  }
0x1d0: {  	v31 =	vadd.f32 v3, v7;
	v3 =	vmul.f32 $1.442695020e+00, v30  }
0x1d1: {  	v29 =	vld [tilespmem:s28+$0x30];
	[tilespmem:$0x1FC70] =	vst v0;
	(erf) = vrcp.f32 v1  }
0x1d2: {  	v25 =	vld.idx.msk [tilespmem:v6+s24+$0x0], $0xffff;
	v1 =	vadd.f32 v4, v24;
	(erf) = vpow2.f32 v3;
	v3 =	vsub.f32 $0.0e+00, v31;
	v4 =	vpop (erf)  }
0x1d3: {  	v5 =	vadd.s32 $0x81, v0;
	v23 =	vld.idx.msk [tilespmem:v6+s26+$0x0], $0xffff;
	v0 =	vmul.f32 v4, v2  }
0x1d4: {  	v30 =	vld.idx.msk [tilespmem:v28+s24+$0x0], $0xffff;
	v2 =	vmul.f32 $1.442695020e+00, v3;
	v3 =	vmul.f32 v10, v49  }
0x1d5: {  	s25 =	simm.s32 $0x1CD60;
	v21 =	vld.idx.msk [tilespmem:v28+s26+$0x0], $0xffff;
	[tilespmem:$0x1FC80] =	vst v0  }
0x1d6: {  	v1 =	vadd.f32 v29, v1;
	v10 =	vpop (erf);
	[tilespmem:s25+$0x0] =	vst v0  }
0x1d7: {  	(erf) = vpow2.f32 v2;
	v2 =	vadd.f32 $1.000000000e+00, v10;
	v10 =	vld [tilespmem:s3+$0x10]  }
0x1d8: {  	v8 =	vadd.f32 v3, v1;
	v28 =	vld [tilespmem:s4+$0x10];
	v3 =	vpop (erf)  }
0x1d9: {  	v3 =	vadd.f32 $1.000000000e+00, v3;
	_ =	sdelay $0x1  }
0x1da: {  	v29 =	vld.idx.msk [tilespmem:v5+s24+$0x0], $0xffff  }
0x1db: {  	(erf) = vrcp.f32 v2;
	v2 =	vld [tilespmem:s13+$0x10];
	v0 =	vsub.f32 $0.0e+00, v8  }
0x1dc: {  	v1 =	vld [tilespmem:$0x1DEF8];
	(erf) = vrcp.f32 v3;
	v10 =	vadd.f32 v28, v10;
	v3 =	vpop (erf)  }
0x1dd: {  	v17 =	vld.idx.msk [tilespmem:v5+s26+$0x0], $0xffff;
	v0 =	vmul.f32 $1.442695020e+00, v0;
	v5 =	vpop (erf)  }
0x1de: {  	v24 =	vmul.f32 v3, v19;
	v19 =	vpop (erf)  }
0x1df: {  	(erf) = vpow2.f32 v0;
	v0 =	vadd.f32 $1.000000000e+00, v19  }
0x1e0: {  	v2 =	vadd.f32 v2, v10;
	[tilespmem:s25+$0xFFFFFF78] =	vst v24;
	v10 =	vpop (erf)  }
0x1e1: {  	v28 =	vld [tilespmem:s3+$0xFFFFFF88];
	v10 =	vadd.f32 $1.000000000e+00, v10;
	(erf) = vrcp.f32 v0;
	v0 =	vmul.f32 v1, v52  }
0x1e2: {  	v1 =	vld [tilespmem:s4+$0xFFFFFF88]  }
0x1e3: {  	v9 =	vadd.f32 v0, v2  }
0x1e4: {  	v13 =	vmul.f32 v5, v62;
	v3 =	vld [tilespmem:s13+$0xFFFFFF90];
	v12 =	vpop (erf)  }
0x1e5: {  	(erf) = vrcp.f32 v10;
	v10 =	vpop (erf);
	v0 =	vsub.f32 $0.0e+00, v9  }
0x1e6: {  	v11 =	vld [tilespmem:$0x1DF78];
	[tilespmem:s16+$0xFFFFFF98] =	vst v13;
	v14 =	vmul.f32 v10, v39  }
0x1e7: {  	v1 =	vadd.f32 v1, v28;
	v2 =	vmul.f32 $1.442695020e+00, v0;
	v0 =	vld [tilespmem:$0x1FC90]  }
0x1e8: {  	v19 =	vld [tilespmem:$0x1DF98];
	[tilespmem:s15+$0xFFFFFFB8] =	vst v14  }
0x1e9: {  	v3 =	vadd.f32 v3, v1;
	v1 =	vld [tilespmem:$0x1FCA0]  }
0x1ea: {  	v62 =	vld [tilespmem:$0x1DFB8]  }
0x1eb: {  	v4 =	vld [tilespmem:$0x1DEF8]  }
0x1ec: {  	v6 =	vld [tilespmem:s6+$0xFFFFFFA8];
	v56 =	vmul.f32 v56, v0;
	v0 =	vpop (erf)  }
0x1ed: {  	v32 =	vmov v59;
	v34 =	vld [tilespmem:s20+$0xFFFFFFA8];
	v59 =	vpop (erf)  }
0x1ee: {  	v5 =	vld [tilespmem:$0x1DF18];
	v0 =	vadd.f32 $1.000000000e+00, v0;
	v1 =	vmul.f32 v37, v1;
	v37 =	vmul.f32 v59, v35  }
0x1ef: {  	(erf) = vpow2.f32 v2;
	v35 =	vld [tilespmem:$0x1DFA8]  }
0x1f0: {  	(erf) = vrcp.f32 v0;
	v0 =	vld [tilespmem:$0x1FCB0];
	[tilespmem:s15+$0x50] =	vst v37  }
0x1f1: {  	v59 =	vld [tilespmem:$0x1FCC0]  }
0x1f2: {  	v28 =	vld [tilespmem:s28+$0xFFFFFFB0]  }
0x1f3: {  	v7 =	vld [tilespmem:s2+$0xFFFFFFC8];
	v2 =	vmul.f32 v4, v47  }
0x1f4: {  	v4 =	vld [tilespmem:s1+$0xFFFFFFC8]  }
0x1f5: {  	s8 =	simm.s32 $0x9;
	v42 =	vmul.f32 v42, v58;
	v10 =	vadd.f32 v2, v3;
	v56 =	vadd.f32 $0.0e+00, v56;
	v58 =	vld [tilespmem:s2+$0x60]  }
0x1f6: {  	v39 =	vpop (erf);
	v3 =	vmul.f32 v50, v0;
	v0 =	vmov s8;
	v53 =	vmul.f32 v53, v59;
	v59 =	vld [tilespmem:s1+$0x60]  }
0x1f7: {  	v2 =	vld [tilespmem:s30+$0xFFFFFFD0];
	v31 =	vmul.f32 v39, v31;
	v1 =	vadd.f32 v1, v56;
	v0 =	vmul.u32 $0x88, v0  }
0x1f8: {  	v6 =	vadd.f32 v34, v6;
	v5 =	vmul.f32 v5, v46;
	v56 =	vld [tilespmem:$0x1DF38]  }
0x1f9: {  	[tilespmem:s14+$0xFFFFFFD8] =	vst v31;
	v34 =	vld [tilespmem:$0x1DF48];
	v50 =	vsub.f32 $0.0e+00, v10;
	v1 =	vadd.f32 v53, v1;
	v53 =	vbroadcast v0, $0x0  }
0x1fa: {  	v18 =	vmul.f32 v18, v51;
	v6 =	vadd.f32 v28, v6;
	v4 =	vadd.f32 v4, v7;
	v39 =	vld [tilespmem:s29+$0xFFFFFFE8]  }
0x1fb: {  	v51 =	vpop (erf);
	v50 =	vmul.f32 $1.442695020e+00, v50;
	v28 =	vadd.s32 $0x82, v53;
	v7 =	vadd.f32 v59, v58;
	v58 =	vld [tilespmem:$0x1DF88]  }
0x1fc: {  	v0 =	vld [tilespmem:s30+$0x60];
	v1 =	vadd.f32 v18, v1;
	v18 =	vmul.f32 v16, v61;
	v16 =	vadd.f32 v5, v6;
	v5 =	vpop (erf)  }
0x1fd: {  	v48 =	vmul.f32 v15, v48;
	v61 =	vld [tilespmem:s22+$0xFFFFFFE8];
	v15 =	vmul.f32 v5, v8  }
0x1fe: {  	v3 =	vadd.f32 $0.0e+00, v3;
	(erf) = vpow2.f32 v50;
	v6 =	vld [tilespmem:s21+$0xFFFFFFF0]  }
0x1ff: {  	v5 =	vld [tilespmem:$0x1DF58];
	[tilespmem:$0x1FCE0] =	vst v15  }
0x200: {  	v3 =	vadd.f32 v42, v3;
	[tilespmem:$0x1FCD0] =	vst v58  }
0x201: {  	v42 =	vadd.f32 $1.000000000e+00, v51;
	v0 =	vadd.f32 v0, v7;
	v7 =	vmul.f32 v34, v33;
	v34 =	vld.idx.msk [tilespmem:v28+s24+$0x0], $0xffff  }
0x202: {  	v2 =	vadd.f32 v2, v4;
	v4 =	vmul.f32 v56, v36;
	v8 =	vsub.f32 $0.0e+00, v16;
	v28 =	vld.idx.msk [tilespmem:v28+s26+$0x0], $0xffff  }
0x203: {  	(erf) = vrcp.f32 v42;
	[tilespmem:s16+$0x30] =	vst v15;
	v50 =	vld [tilespmem:$0x1DF68]  }
0x204: {  	v15 =	vadd.f32 v4, v2;
	v2 =	vmul.f32 $1.442695020e+00, v8;
	v8 =	vld [tilespmem:s6+$0x40]  }
0x205: {  	v22 =	vmul.f32 v22, v41;
	v0 =	vadd.f32 v7, v0;
	v4 =	vadd.s32 $0x80, v53;
	v7 =	vld [tilespmem:s20+$0x40]  }
0x206: {  	v3 =	vadd.f32 v48, v3;
	v48 =	vld [tilespmem:s28+$0x40]  }
0x207: {  	v1 =	vadd.f32 v22, v1;
	v59 =	vpop (erf);
	v22 =	vld [tilespmem:$0x1FCF0];
	(erf) = vpow2.f32 v2;
	v2 =	vsub.f32 $0.0e+00, v15  }
0x208: {  	v11 =	vmul.f32 v60, v11;
	v56 =	vsub.f32 $0.0e+00, v0;
	v41 =	vadd.f32 $1.000000000e+00, v59;
	v60 =	vld [tilespmem:$0x1FD00]  }
0x209: {  	v42 =	vadd.s32 $0x81, v53;
	v58 =	vld [tilespmem:$0x1DF28];
	v2 =	vmul.f32 $1.442695020e+00, v2  }
0x20a: {  	v51 =	vmul.f32 $1.442695020e+00, v56;
	(erf) = vrcp.f32 v41;
	v56 =	vld.idx.msk [tilespmem:v4+s24+$0x0], $0xffff  }
0x20b: {  	v4 =	vld.idx.msk [tilespmem:v4+s26+$0x0], $0xffff;
	(erf) = vpow2.f32 v2  }
0x20c: {  	v2 =	vmul.f32 v5, v20;
	v5 =	vadd.f32 v7, v8;
	v7 =	vpop (erf);
	v8 =	vadd.f32 $0.0e+00, v18;
	v18 =	vld [tilespmem:$0x1FD20]  }
0x20d: {  	v22 =	vmul.f32 v22, v60;
	v60 =	vmul.f32 v7, v9;
	v9 =	vld [tilespmem:$0x1FD10]  }
0x20e: {  	v39 =	vadd.f32 v61, v39;
	v20 =	vld.idx.msk [tilespmem:v42+s26+$0x0], $0xffff  }
0x20f: {  	v7 =	vld.idx.msk [tilespmem:v42+s24+$0x0], $0xffff;
	[tilespmem:$0x1FD30] =	vst v60  }
0x210: {  	v6 =	vadd.f32 v6, v39;
	[tilespmem:s25+$0x10] =	vst v60  }
0x211: {  	v61 =	vmul.f32 v58, v49;
	v5 =	vadd.f32 v48, v5;
	v39 =	vld [tilespmem:$0x1FD60]  }
0x212: {  	v59 =	vld [tilespmem:$0x1FD70];
	v58 =	vmul.f32 v9, v18;
	v9 =	vadd.f32 v2, v6  }
0x213: {  	v2 =	vadd.f32 $0.0e+00, v22;
	v22 =	vadd.f32 v61, v5;
	v5 =	vld [tilespmem:$0x1FD40]  }
0x214: {  	v18 =	vadd.f32 v11, v8;
	v11 =	vld [tilespmem:$0x1FD50]  }
0x215: {  	v12 =	vmul.f32 v12, v40;
	v42 =	vld [tilespmem:s4+$0x20]  }
0x216: {  	v8 =	vld [tilespmem:$0x1DFC8]  }
0x217: {  	(erf) = vpow2.f32 v51;
	v6 =	vmul.f32 v26, v19;
	v19 =	vld [tilespmem:s3+$0x20];
	[tilespmem:s14+$0x70] =	vst v12;
	v2 =	vadd.f32 v58, v2  }
0x218: {  	v26 =	vsub.f32 $0.0e+00, v9;
	v58 =	vsub.f32 v30, v21;
	v30 =	vld [tilespmem:$0x1FD80]  }
0x219: {  	v5 =	vmul.f32 v5, v11;
	v11 =	vpop (erf)  }
0x21a: {  	v51 =	vld [tilespmem:$0x1DF88];
	v26 =	vmul.f32 $1.442695020e+00, v26;
	v11 =	vadd.f32 $1.000000000e+00, v11  }
0x21b: {  	v61 =	vld [tilespmem:s13+$0x20];
	v60 =	vsub.f32 $0.0e+00, v22;
	v41 =	vmul.f32 v39, v59;
	v2 =	vadd.f32 v5, v2  }
0x21c: {  	v19 =	vadd.f32 v42, v19;
	v5 =	vadd.f32 v6, v3;
	(erf) = vrcp.f32 v11;
	v11 =	vld [tilespmem:$0x1DF08]  }
0x21d: {  	s22 =	simm.s32 $0x16660;
	v21 =	vld [tilespmem:$0x1DF68];
	v3 =	vmul.f32 $1.442695020e+00, v60;
	v6 =	vpop (erf);
	v30 =	vmul.f32 v55, v30;
	v2 =	vadd.f32 v41, v2  }
0x21e: {  	v42 =	vsub.f32 v29, v17;
	v17 =	vld [tilespmem:s22+$0x0];
	v60 =	vsub.f32 v56, v4;
	(erf) = vpow2.f32 v26;
	v26 =	vpop (erf)  }
0x21f: {  	s29 =	simm.s32 $0x15120;
	(erf) = vpow2.f32 v3;
	v3 =	vadd.f32 $1.000000000e+00, v26;
	v26 =	vld [tilespmem:$0x1DFD8];
	v29 =	vadd.f32 v30, v2  }
0x220: {  	v59 =	vpop (erf);
	v2 =	vadd.f32 v61, v19;
	v61 =	vsub.f32 v7, v20;
	v7 =	vld [tilespmem:s29+$0xFFFFFF78]  }
0x221: {  	s21 =	simm.s32 $0x17B58;
	v41 =	vadd.f32 $1.000000000e+00, v59;
	(erf) = vrcp.f32 v3;
	v3 =	vld [tilespmem:s29+$0x0];
	[tilespmem:$0x1FD90] =	vst v58;
	v11 =	vmul.f32 v11, v52  }
0x222: {  	v27 =	vmul.f32 v27, v62;
	v48 =	vsub.f32 v34, v28;
	v28 =	vmul.f32 v60, v60;
	v30 =	vld [tilespmem:s21+$0x0];
	[tilespmem:$0x1FDA0] =	vst v60  }
0x223: {  	v19 =	vmul.f32 v38, v44;
	(erf) = vrcp.f32 v41;
	[tilespmem:$0x1FDB0] =	vst v61;
	v4 =	vadd.f32 v11, v2  }
0x224: {  	v20 =	vmul.f32 v42, v42;
	v38 =	vsub.f32 v25, v23;
	v62 =	vmul.f32 v61, v61;
	v44 =	vld [tilespmem:s22+$0xFFFFFF78]  }
0x225: {  	v11 =	vmul.f32 v58, v58;
	v2 =	vmul.f32 v6, v10;
	v10 =	vld [tilespmem:$0x1DEE8];
	v23 =	vsub.f32 $0.0e+00, v4  }
0x226: {  	v25 =	vadd.f32 v62, v28;
	v28 =	vld [tilespmem:s21+$0xFFFFFF80]  }
0x227: {  	v6 =	vpop (erf);
	v11 =	vadd.f32 v20, v11;
	v20 =	vmul.f32 v48, v48;
	v23 =	vmul.f32 $1.442695020e+00, v23  }
0x228: {  	v8 =	vmul.f32 v57, v8;
	v40 =	vmul.f32 v38, v38;
	v17 =	vadd.f32 v17, v3;
	[tilespmem:s25+$0xFFFFFF88] =	vst v2;
	v34 =	vpop (erf)  }
0x229: {  	v41 =	vpop (erf);
	v61 =	vadd.f32 v20, v25;
	v20 =	vld [tilespmem:s3+$0xFFFFFF98];
	v7 =	vadd.f32 v44, v7;
	(erf) = vpow2.f32 v23  }
0x22a: {  	v3 =	vmul.f32 v6, v16;
	v60 =	vadd.f32 v40, v11;
	v11 =	vld [tilespmem:s4+$0xFFFFFF98];
	v6 =	vadd.f32 $1.000000000e+00, v41  }
0x22b: {  	v19 =	vadd.f32 v19, v29;
	v25 =	vmul.f32 v61, v10;
	v7 =	vadd.f32 v28, v7;
	v28 =	vld [tilespmem:$0x1DF08];
	v23 =	vpop (erf)  }
0x22c: {  	v16 =	vadd.f32 v30, v17;
	v10 =	vmul.f32 v10, v60;
	(erf) = vrcp.f32 v6;
	v6 =	vld [tilespmem:s13+$0xFFFFFFA0];
	v17 =	vpop (erf)  }
0x22d: {  	v39 =	vld [tilespmem:$0x1DFA8];
	v8 =	vadd.f32 v8, v19;
	v0 =	vmul.f32 v17, v0  }
0x22e: {  	v44 =	vld [tilespmem:$0x1FF70];
	v25 =	vadd.f32 v25, v16;
	v16 =	vadd.f32 v10, v7  }
0x22f: {  	v7 =	vmul.f32 v12, v26;
	v11 =	vadd.f32 v11, v20;
	v17 =	vadd.f32 v27, v1;
	v1 =	vld [tilespmem:$0x1DFB8];
	[tilespmem:s15+$0x60] =	vst v0  }
0x230: {  	v27 =	vld [tilespmem:s2+$0x70]  }
0x231: {  	[tilespmem:s16+$0xFFFFFFA8] =	vst v3;
	v8 =	vadd.f32 v7, v8;
	v20 =	vld [tilespmem:s1+$0x70];
	v6 =	vadd.f32 v6, v11;
	v11 =	vmul.f32 v28, v47  }
0x232: {  	v10 =	vld [tilespmem:s6+$0xFFFFFFB8];
	v12 =	vadd.f32 $1.000000000e+00, v34;
	v26 =	vsub.f32 $0.0e+00, v25;
	v7 =	vmul.f32 v23, v15;
	v23 =	vpop (erf)  }
0x233: {  	v19 =	vld [tilespmem:s30+$0x70];
	v15 =	vadd.f32 v11, v6;
	v6 =	vadd.f32 $1.000000000e+00, v23;
	v23 =	vperm.xlane v8, v44  }
0x234: {  	v29 =	vsub.f32 $0.0e+00, v16;
	(erf) = vrcp.f32 v12;
	v12 =	vmul.f32 $1.442695020e+00, v26;
	v28 =	vld [tilespmem:$0x1DF58]  }
0x235: {  	v8 =	vadd.f32 v8, v23;
	v23 =	vld [tilespmem:$0x1DF98]  }
0x236: {  	v26 =	vmul.f32 $1.442695020e+00, v29;
	(erf) = vpow2.f32 v12;
	v12 =	vld [tilespmem:s20+$0xFFFFFFB8];
	v20 =	vadd.f32 v20, v27;
	v27 =	vpop (erf)  }
0x237: {  	v13 =	vmul.f32 v13, v51;
	v11 =	vld [tilespmem:s28+$0xFFFFFFC0];
	v27 =	vmul.f32 v27, v22  }
0x238: {  	s8 =	simm.s32 $0xA;
	[tilespmem:s15+$0xFFFFFFC8] =	vst v7;
	(erf) = vpow2.f32 v26;
	v26 =	vld [tilespmem:$0x1DF28]  }
0x239: {  	v13 =	vadd.f32 v13, v18;
	v29 =	vmov s8;
	v22 =	vld [tilespmem:s2+$0xFFFFFFD8];
	[tilespmem:$0x1FDD0] =	vst v27  }
0x23a: {  	v18 =	vsub.f32 $0.0e+00, v15;
	(erf) = vrcp.f32 v6;
	v6 =	vmul.u32 $0x88, v29;
	[tilespmem:$0x1FDC0] =	vst v23  }
0x23b: {  	v10 =	vadd.f32 v12, v10;
	v19 =	vadd.f32 v19, v20;
	v20 =	vmul.f32 v28, v33;
	[tilespmem:s16+$0x40] =	vst v27  }
0x23c: {  	v18 =	vmul.f32 $1.442695020e+00, v18;
	v34 =	vbroadcast v6, $0x0;
	v12 =	vld [tilespmem:s6+$0x50]  }
0x23d: {  	v10 =	vadd.f32 v11, v10;
	v11 =	vmul.f32 v26, v46;
	v6 =	vadd.f32 v20, v19;
	v20 =	vld [tilespmem:s20+$0x50]  }
0x23e: {  	v19 =	vperm.xlane v8, v32  }
0x23f: {  	v14 =	vmul.f32 v14, v39;
	v26 =	vpop (erf);
	(erf) = vpow2.f32 v18;
	v18 =	vadd.f32 v11, v10  }
0x240: {  	v23 =	vld [tilespmem:s1+$0xFFFFFFD8];
	v8 =	vadd.f32 v8, v19;
	v30 =	vsub.f32 $0.0e+00, v6  }
0x241: {  	v24 =	vmul.f32 v24, v21;
	v5 =	vadd.f32 v14, v5;
	v27 =	vadd.s32 $0x80, v34;
	v28 =	vld [tilespmem:s30+$0xFFFFFFE0]  }
0x242: {  	v21 =	vld [tilespmem:$0x1DF48];
	v14 =	vperm.xlane v8, v45;
	v12 =	vadd.f32 v20, v12;
	v20 =	vsub.f32 $0.0e+00, v18  }
0x243: {  	v29 =	vld [tilespmem:s28+$0x50];
	v19 =	vpop (erf)  }
0x244: {  	v11 =	vmul.f32 $1.442695020e+00, v30;
	v30 =	vpop (erf);
	v8 =	vadd.f32 v8, v14;
	v14 =	vmul.f32 $1.442695020e+00, v20;
	v20 =	vld [tilespmem:$0x1DF78]  }
0x245: {  	v10 =	vadd.f32 $1.000000000e+00, v19;
	v19 =	vld [tilespmem:$0x1DF38];
	v56 =	vpop (erf)  }
0x246: {  	v33 =	vmul.f32 v56, v4  }
0x247: {  	(erf) = vrcp.f32 v10;
	v10 =	vld.idx.msk [tilespmem:v27+s24+$0x0], $0xffff;
	v4 =	vadd.f32 v23, v22  }
0x248: {  	(erf) = vpow2.f32 v11;
	v11 =	vld.idx.msk [tilespmem:v27+s26+$0x0], $0xffff;
	[tilespmem:$0x1FDF0] =	vst v33  }
0x249: {  	v4 =	vadd.f32 v28, v4;
	(erf) = vpow2.f32 v14;
	v14 =	vmul.f32 v21, v36;
	[tilespmem:$0x1FDE0] =	vst v20  }
0x24a: {  	v12 =	vadd.f32 v29, v12;
	v19 =	vmul.f32 v19, v49;
	[tilespmem:s25+$0x20] =	vst v33  }
0x24b: {  	v4 =	vadd.f32 v14, v4;
	v14 =	vld [tilespmem:$0x1FE00]  }
0x24c: {  	v21 =	vadd.f32 v19, v12;
	v19 =	vld [tilespmem:$0x1FE10]  }
0x24d: {  	v41 =	vld [tilespmem:$0x1FF90]  }
0x24e: {  	v20 =	vadd.f32 $1.000000000e+00, v30;
	_ =	sdelay $0x1  }
0x24f: {  	v51 =	vld [tilespmem:$0x1FFD0]  }
0x250: {  	v9 =	vmul.f32 v26, v9;
	v23 =	vld [tilespmem:$0x1DFC8];
	(erf) = vrcp.f32 v20  }
0x251: {  	v29 =	vsub.f32 $0.0e+00, v21;
	v27 =	vld [tilespmem:s3+$0x30];
	v20 =	vpop (erf);
	v14 =	vmul.f32 v54, v14;
	v19 =	vmul.f32 v41, v19  }
0x252: {  	v12 =	vld [tilespmem:s4+$0x30];
	v20 =	vadd.f32 $1.000000000e+00, v20  }
0x253: {  	v30 =	vld [tilespmem:$0x1DF18];
	[tilespmem:s14+$0xFFFFFFE8] =	vst v9;
	v14 =	vadd.f32 v19, v14;
	v19 =	vmul.f32 $1.442695020e+00, v29  }
0x254: {  	v40 =	vld [tilespmem:$0x1FFA0];
	v22 =	vperm.xlane v8, v51;
	(erf) = vrcp.f32 v20  }
0x255: {  	v29 =	vpop (erf);
	(erf) = vpow2.f32 v19;
	v19 =	vld [tilespmem:$0x1FE20]  }
0x256: {  	v8 =	vadd.f32 v8, v22;
	v22 =	vld [tilespmem:s13+$0x30];
	_ =	sdelay $0x1  }
0x257: {  	v28 =	vadd.s32 $0x81, v34  }
0x258: {  	v26 =	vld [tilespmem:$0x1DF78];
	v23 =	vmul.f32 v31, v23;
	v31 =	vsub.f32 $0.0e+00, v4;
	v12 =	vadd.f32 v12, v27  }
0x259: {  	v20 =	vld [tilespmem:$0x1DF98];
	v57 =	vmul.f32 v29, v25;
	v19 =	vmul.f32 v40, v19  }
0x25a: {  	v27 =	vld [tilespmem:$0x1DFB8];
	v25 =	vmul.f32 $1.442695020e+00, v31;
	v12 =	vadd.f32 v22, v12;
	v22 =	vmul.f32 v30, v52  }
0x25b: {  	s14 =	simm.s32 $0x1CE70;
	v31 =	vld [tilespmem:$0x1DFD8];
	[tilespmem:$0x1FE30] =	vst v57  }
0x25c: {  	v17 =	vadd.f32 v23, v17;
	v29 =	vpop (erf);
	(erf) = vpow2.f32 v25;
	[tilespmem:s14+$0x0] =	vst v57;
	v25 =	vld.idx.msk [tilespmem:v28+s24+$0x0], $0xffff  }
0x25d: {  	v2 =	vmul.f32 v2, v26;
	v29 =	vadd.f32 $1.000000000e+00, v29;
	v23 =	vld [tilespmem:s29+$0x10];
	v14 =	vadd.f32 v19, v14;
	v19 =	vpop (erf)  }
0x25e: {  	v3 =	vmul.f32 v3, v20;
	v20 =	vadd.f32 $0.0e+00, v24;
	v26 =	vld [tilespmem:s22+$0x10];
	v12 =	vadd.f32 v22, v12;
	v22 =	vpop (erf)  }
0x25f: {  	v24 =	vld [tilespmem:$0x1FE50];
	v19 =	vadd.f32 $1.000000000e+00, v19;
	v16 =	vmul.f32 v22, v16  }
0x260: {  	(erf) = vrcp.f32 v29;
	v20 =	vadd.f32 v2, v20;
	v2 =	vmul.f32 v7, v27;
	v7 =	vld [tilespmem:$0x1DEF8]  }
0x261: {  	(erf) = vrcp.f32 v19;
	v19 =	vld [tilespmem:$0x1FE40];
	[tilespmem:s14+$0xFFFFFF78] =	vst v16  }
0x262: {  	v3 =	vadd.f32 v3, v13;
	v13 =	vld [tilespmem:$0x1FE60]  }
0x263: {  	v27 =	vld [tilespmem:$0x1FE70]  }
0x264: {  	v22 =	vld.idx.msk [tilespmem:v28+s26+$0x0], $0xffff  }
0x265: {  	v5 =	vadd.f32 v2, v5;
	v2 =	vadd.f32 v26, v23;
	v23 =	vld [tilespmem:s22+$0xFFFFFF88]  }
0x266: {  	v28 =	vsub.f32 $0.0e+00, v12;
	v26 =	vld [tilespmem:$0x1FE80]  }
0x267: {  	v29 =	vmul.f32 v9, v31;
	v30 =	vld [tilespmem:$0x1FEA0]  }
0x268: {  	v31 =	vld [tilespmem:$0x1FEB0];
	v13 =	vmul.f32 v13, v27;
	v27 =	vmul.f32 $1.442695020e+00, v28  }
0x269: {  	v58 =	vld [tilespmem:$0x1FF60]  }
0x26a: {  	v9 =	vpop (erf);
	(erf) = vpow2.f32 v27;
	v27 =	vld [tilespmem:$0x1FE90]  }
0x26b: {  	v19 =	vmul.f32 v19, v24;
	v24 =	vld [tilespmem:s21+$0x10]  }
0x26c: {  	v28 =	vld [tilespmem:s29+$0xFFFFFF88]  }
0x26d: {  	v19 =	vadd.f32 $0.0e+00, v19  }
0x26e: {  	v15 =	vmul.f32 v9, v15  }
0x26f: {  	v8 =	vadd.f32 v8, v58;
	v9 =	vadd.f32 v13, v19;
	v19 =	vld [tilespmem:s21+$0xFFFFFF90];
	v13 =	vpop (erf);
	v26 =	vmul.f32 v26, v27  }
0x270: {  	v7 =	vmul.f32 v7, v61;
	v2 =	vadd.f32 v24, v2;
	v24 =	vld [tilespmem:$0x1DEF8];
	v13 =	vadd.f32 $1.000000000e+00, v13;
	v27 =	vpop (erf)  }
0x271: {  	v30 =	vmul.f32 v30, v31;
	v23 =	vadd.f32 v23, v28;
	v59 =	vpop (erf);
	v26 =	vadd.f32 v26, v9  }
0x272: {  	(erf) = vrcp.f32 v13;
	v13 =	vadd.f32 v7, v2;
	v2 =	vld [tilespmem:$0x1DFC8];
	v6 =	vmul.f32 v59, v6  }
0x273: {  	[tilespmem:s25+$0xFFFFFF98] =	vst v15;
	v9 =	vmul.f32 v8, v14;
	v8 =	vadd.f32 v29, v17;
	v17 =	vadd.f32 $1.000000000e+00, v27  }
0x274: {  	v1 =	vmul.f32 v37, v1;
	v62 =	vld [tilespmem:s3+$0xFFFFFFA8];
	v14 =	vmul.f32 v63, v35;
	v7 =	vadd.f32 v30, v26;
	[tilespmem:s15+$0x70] =	vst v6  }
0x275: {  	(erf) = vrcp.f32 v17;
	v17 =	vadd.f32 v19, v23;
	v19 =	vmul.f32 v24, v60;
	v28 =	vld [tilespmem:$0x1DFD8];
	v26 =	vpop (erf)  }
0x276: {  	v27 =	vld [tilespmem:s4+$0xFFFFFFA8];
	v7 =	vadd.f32 v14, v7;
	v18 =	vmul.f32 v26, v18;
	v26 =	vsub.f32 $0.0e+00, v13  }
0x277: {  	v29 =	vld [tilespmem:$0x1DF18];
	v0 =	vmul.f32 v0, v2;
	v2 =	vperm.xlane v8, v44;
	v24 =	vadd.f32 v19, v17  }
0x278: {  	v14 =	vld [tilespmem:s13+$0xFFFFFFB0];
	v1 =	vadd.f32 v1, v7;
	v23 =	vmul.f32 $1.442695020e+00, v26  }
0x279: {  	v8 =	vadd.f32 v8, v2;
	v7 =	vld [tilespmem:$0x1DF88];
	v2 =	vsub.f32 $0.0e+00, v24;
	[tilespmem:s16+$0xFFFFFFB8] =	vst v18  }
0x27a: {  	v19 =	vld [tilespmem:s6+$0xFFFFFFC8];
	v0 =	vadd.f32 v0, v1;
	v1 =	vmul.f32 v6, v28;
	v26 =	vpop (erf);
	(erf) = vpow2.f32 v23  }
0x27b: {  	v6 =	vld [tilespmem:s20+$0xFFFFFFC8];
	v17 =	vadd.f32 $1.000000000e+00, v26;
	v26 =	vsub.f32 v10, v11;
	v10 =	vpop (erf)  }
0x27c: {  	v0 =	vadd.f32 v1, v0;
	v1 =	vld [tilespmem:$0x1DF38];
	v63 =	vmul.f32 v10, v21;
	v10 =	vmul.f32 $1.442695020e+00, v2  }
0x27d: {  	v11 =	vld [tilespmem:s28+$0xFFFFFFD0];
	v21 =	vperm.xlane v8, v32;
	(erf) = vrcp.f32 v17  }
0x27e: {  	v7 =	vmul.f32 v15, v7;
	v17 =	vadd.f32 v27, v62  }
0x27f: {  	v2 =	vld [tilespmem:$0x1DFA8];
	v62 =	vsub.f32 v25, v22;
	v22 =	vperm.xlane v0, v44;
	v8 =	vadd.f32 v8, v21  }
0x280: {  	v25 =	vld [tilespmem:$0x1DFA8];
	[tilespmem:s16+$0x50] =	vst v63;
	v6 =	vadd.f32 v6, v19;
	v14 =	vadd.f32 v14, v17;
	v17 =	vmul.f32 v29, v47  }
0x281: {  	(erf) = vpow2.f32 v10;
	v19 =	vld [tilespmem:s6+$0x60];
	v0 =	vadd.f32 v0, v22;
	v10 =	vpop (erf);
	v1 =	vmul.f32 v1, v46  }
0x282: {  	v23 =	vadd.f32 v17, v14;
	v14 =	vld [tilespmem:s20+$0x60];
	v10 =	vmul.f32 v10, v4;
	v4 =	vadd.f32 v11, v6  }
0x283: {  	v6 =	vperm.xlane v8, v45;
	v11 =	vld [tilespmem:s28+$0x60];
	v17 =	vperm.xlane v0, v32;
	v15 =	vpop (erf)  }
0x284: {  	v22 =	vadd.f32 v1, v4;
	v4 =	vld [tilespmem:$0x1DF48];
	[tilespmem:s15+$0xFFFFFFD8] =	vst v10;
	v1 =	vadd.f32 $1.000000000e+00, v15  }
0x285: {  	v17 =	vadd.f32 v0, v17;
	v30 =	vadd.f32 v8, v6;
	v6 =	vld [tilespmem:s2+$0xFFFFFFE8]  }
0x286: {  	v7 =	vadd.f32 v7, v20;
	v15 =	vmul.f32 v18, v25;
	v18 =	vld [tilespmem:s1+$0xFFFFFFE8];
	v0 =	vpop (erf);
	(erf) = vrcp.f32 v1  }
0x287: {  	s8 =	simm.s32 $0xB;
	v1 =	vadd.f32 v14, v19;
	v14 =	vsub.f32 $0.0e+00, v23;
	v19 =	vperm.xlane v17, v45  }
0x288: {  	v31 =	vld [tilespmem:$0x1DF68];
	v8 =	vadd.f32 v15, v3;
	v0 =	vmul.f32 v0, v12;
	v12 =	vmov s8  }
0x289: {  	v3 =	vld [tilespmem:$0x1DF88];
	v15 =	vadd.f32 v17, v19;
	v14 =	vmul.f32 $1.442695020e+00, v14;
	v19 =	vsub.f32 $0.0e+00, v22  }
0x28a: {  	v11 =	vadd.f32 v11, v1;
	v1 =	vmul.u32 $0x88, v12;
	v12 =	vld [tilespmem:s30+$0xFFFFFFF0];
	v4 =	vmul.f32 v4, v49;
	[tilespmem:s25+$0x30] =	vst v0  }
0x28b: {  	v20 =	vpop (erf);
	v6 =	vadd.f32 v18, v6;
	(erf) = vpow2.f32 v14;
	v14 =	vmul.f32 $1.442695020e+00, v19;
	v19 =	vld [tilespmem:$0x1FED0]  }
0x28c: {  	[tilespmem:$0x1FEC0] =	vst v34;
	v25 =	vadd.f32 v4, v11;
	v4 =	vadd.f32 $1.000000000e+00, v20;
	v18 =	vld [tilespmem:$0x1FEE0]  }
0x28d: {  	v27 =	vld [tilespmem:$0x1DF58]  }
0x28e: {  	v11 =	vld [tilespmem:s3+$0x40];
	(erf) = vrcp.f32 v4  }
0x28f: {  	(erf) = vpow2.f32 v14;
	v14 =	vld [tilespmem:$0x1FEF0]  }
0x290: {  	v29 =	vld [tilespmem:s4+$0x40]  }
0x291: {  	v20 =	vperm.xlane v15, v51  }
0x292: {  	v45 =	vld [tilespmem:s13+$0x40];
	v19 =	vmul.f32 v54, v19;
	v18 =	vmul.f32 v41, v18;
	_ =	sdelay $0x1  }
0x293: {  	v15 =	vadd.f32 v15, v20;
	v18 =	vadd.f32 v18, v19;
	v14 =	vmul.f32 v40, v14  }
0x294: {  	v56 =	vld [tilespmem:$0x1DF28];
	v6 =	vadd.f32 v12, v6;
	v12 =	vmul.f32 v27, v36;
	v11 =	vadd.f32 v29, v11  }
0x295: {  	v15 =	vadd.f32 v15, v58;
	v58 =	vld [tilespmem:$0x1FFB0];
	v14 =	vadd.f32 v14, v18  }
0x296: {  	v18 =	vadd.f32 v45, v11;
	v11 =	vadd.f32 v12, v6;
	v6 =	vld [tilespmem:$0x1FF10]  }
0x297: {  	v1 =	vbroadcast v1, $0x0;
	_ =	sdelay $0x1  }
0x298: {  	v28 =	vadd.s32 $0x82, v1;
	v4 =	vsub.f32 $0.0e+00, v25;
	v27 =	vmul.f32 v56, v52;
	_ =	sdelay $0x1  }
0x299: {  	v4 =	vmul.f32 $1.442695020e+00, v4;
	v27 =	vadd.f32 v27, v18;
	v18 =	vadd.s32 v58, v6;
	v6 =	vld [tilespmem:$0x1FF20];
	_ =	sdelay $0x1  }
0x29a: {  	(erf) = vpow2.f32 v4;
	v4 =	vld [tilespmem:$0x1FF00]  }
0x29b: {  	v29 =	vld.idx.msk [tilespmem:v28+s24+$0x0], $0xffff  }
0x29c: {  	v16 =	vmul.f32 v16, v31;
	v31 =	vld.idx.msk [tilespmem:v28+s26+$0x0], $0xffff  }
0x29d: {  	v28 =	vmul.f32 v54, v6;
	v6 =	vld [tilespmem:$0x1FF30];
	_ =	sdelay $0x1  }
0x29e: {  	v59 =	vadd.s32 v58, v4;
	v4 =	vpop (erf)  }
0x29f: {  	v4 =	vmul.f32 v4, v13  }
0x2a0: {  	v17 =	vadd.s32 $0x82, v34;
	v12 =	vmul.f32 v15, v14  }
0x2a1: {  	v13 =	vadd.f32 v43, v9;
	v15 =	vadd.s32 v58, v6;
	v6 =	vld [tilespmem:$0x1DF68];
	[tilespmem:s14+$0x10] =	vst v4  }
0x2a2: {  	v9 =	vadd.f32 $0.0e+00, v16;
	v16 =	vadd.f32 v43, v12;
	v12 =	vld [tilespmem:$0x1FF40]  }
0x2a3: {  	v55 =	vadd.s32 $0x80, v1;
	_ =	sdelay $0x1  }
0x2a4: {  	v57 =	vadd.s32 $0x81, v1;
	v20 =	vld.idx.msk [tilespmem:v17+s24+$0x0], $0xffff  }
0x2a5: {  	v21 =	vld.idx.msk [tilespmem:v17+s26+$0x0], $0xffff;
	v14 =	vpop (erf);
	[tilespmem:v59+s9+$0x0] =	vst.idx.msk vm0, v13  }
0x2a6: {  	v36 =	vadd.f32 $1.000000000e+00, v14;
	v14 =	vmul.f32 v41, v12;
	v12 =	vld [tilespmem:$0x1FF50]  }
0x2a7: {  	v17 =	vld.idx.msk [tilespmem:v55+s24+$0x0], $0xffff  }
0x2a8: {  	v19 =	vld.idx.msk [tilespmem:v55+s26+$0x0], $0xffff  }
0x2a9: {  	v32 =	vld.idx.msk [tilespmem:v57+s24+$0x0], $0xffff  }
0x2aa: {  	s7 =	simm.s32 $0xC;
	v33 =	vld.idx.msk [tilespmem:v57+s26+$0x0], $0xffff  }
0x2ab: {  	s1 =	simm.s32 $0x15120;
	s2 =	simm.s32 $0x16660;
	v35 =	vperm.xlane v30, v51;
	s30 =	simm.s32 $0x17B58;
	v51 =	vmovc v26;
	v37 =	vsub.f32 $0.0e+00, v11;
	v34 =	vld [tilespmem:s29+$0x20];
	v13 =	vmul.f32 v40, v12  }
.LBB2_5:
0x2ac: {  	v39 =	vld [tilespmem:s22+$0x20]  }
0x2ad: {  	v40 =	vld [tilespmem:$0x1FC40];
	[tilespmem:v15+s9+$0x0] =	vst.idx.msk vm0, v16  }
0x2ae: {  	v12 =	vpop (erf);
	v16 =	vld [tilespmem:s21+$0x20]  }
0x2af: {  	v58 =	vmov v48;
	v48 =	vld [tilespmem:$0x1FF60];
	v24 =	vmul.f32 v12, v24  }
0x2b0: {  	v57 =	vld [tilespmem:$0x1FB70]  }
0x2b1: {  	(erf) = vrcp.f32 v36;
	v15 =	vadd.f32 v30, v35;
	v36 =	vld [tilespmem:$0x1DF08];
	[tilespmem:s14+$0xFFFFFF88] =	vst v24;
	v55 =	vadd.f32 v39, v34  }
0x2b2: {  	v14 =	vadd.f32 v14, v28;
	v28 =	vsub.f32 $0.0e+00, v27;
	v35 =	vmul.f32 v51, v26;
	v51 =	vld [tilespmem:$0x1DFC8]  }
0x2b3: {  	v41 =	vmov v38;
	v30 =	vmul.f32 $1.442695020e+00, v37;
	v38 =	vadd.f32 v16, v55;
	v16 =	vld [tilespmem:$0x1FB30]  }
0x2b4: {  	v59 =	vsub.f32 v20, v21;
	v28 =	vmul.f32 $1.442695020e+00, v28;
	v21 =	vld [tilespmem:s29+$0xFFFFFF98];
	v15 =	vadd.f32 v15, v48  }
0x2b5: {  	v45 =	vpop (erf);
	(erf) = vpow2.f32 v30;
	v12 =	vmov v40;
	v40 =	vld [tilespmem:s22+$0xFFFFFF98]  }
0x2b6: {  	v54 =	vadd.f32 v13, v14;
	v20 =	vpop (erf);
	(erf) = vpow2.f32 v28;
	v28 =	vld [tilespmem:$0x1FB00]  }
0x2b7: {  	[tilespmem:$0x1FC40] =	vst v41;
	v41 =	vld [tilespmem:$0x1FC20];
	v37 =	vadd.f32 $1.000000000e+00, v45;
	v45 =	vmovc v42;
	v13 =	vmov v47;
	v47 =	vmov v60  }
0x2b8: {  	v60 =	vmul.f32 v15, v54;
	v10 =	vmul.f32 v10, v51;
	v15 =	vmovc v16;
	v16 =	vsub.f32 v29, v31;
	v31 =	vld [tilespmem:$0x1FBE0]  }
0x2b9: {  	[tilespmem:$0x1FC20] =	vst v45;
	v45 =	vld [tilespmem:$0x1DEE8];
	s22 =	sadd.s32 $0x110, s22;
	v56 =	vadd.f32 $1.000000000e+00, v20  }
0x2ba: {  	s29 =	sadd.s32 $0x110, s29;
	v54 =	vld [tilespmem:s22+$0x0];
	v55 =	vmul.f32 v36, v61;
	v40 =	vadd.f32 v40, v21;
	v21 =	vadd.f32 v10, v5;
	v5 =	vmovc v53  }
0x2bb: {  	v36 =	vld [tilespmem:s29+$0xFFFFFF78];
	(erf) = vrcp.f32 v37;
	v29 =	vadd.f32 v43, v60;
	[tilespmem:$0x1FBE0] =	vst v5;
	v14 =	vmovc v28;
	v28 =	vmov v57  }
0x2bc: {  	v19 =	vsub.f32 v17, v19;
	v17 =	vsub.f32 v32, v33;
	(erf) = vrcp.f32 v56;
	[tilespmem:$0x1FB00] =	vst v28;
	v28 =	vld [tilespmem:s29+$0x0]  }
0x2bd: {  	s21 =	sadd.s32 $0x100, s21;
	v30 =	vmul.f32 v62, v62;
	v5 =	vld [tilespmem:s22+$0xFFFFFF78];
	v57 =	vmov v62;
	[tilespmem:v18+s9+$0x0] =	vst.idx.msk vm0, v29;
	v20 =	vmov v31  }
0x2be: {  	v39 =	vld [tilespmem:s21+$0x0];
	v62 =	vmul.f32 v17, v17;
	v31 =	vmul.f32 v19, v19;
	[tilespmem:$0x1FB30] =	vst v20;
	v20 =	vadd.f32 v55, v38;
	v38 =	vpop (erf)  }
0x2bf: {  	v18 =	vadd.f32 v30, v35;
	v29 =	vmul.f32 v59, v59;
	v23 =	vmul.f32 v38, v23  }
0x2c0: {  	v30 =	vld [tilespmem:s21+$0xFFFFFF80];
	v10 =	vadd.f32 v62, v31;
	v31 =	vmul.f32 v16, v16;
	v51 =	vsub.f32 $0.0e+00, v20  }
0x2c1: {  	v33 =	vmov v41;
	v60 =	vadd.f32 v29, v18;
	v53 =	vadd.f32 v54, v28;
	[tilespmem:s25+$0xFFFFFFA8] =	vst v23  }
0x2c2: {  	v56 =	vmov v1;
	v41 =	vpop (erf);
	v35 =	vadd.f32 v31, v10;
	v10 =	vld [tilespmem:s30+$0xFFFFFFA0];
	v42 =	vmul.f32 $1.442695020e+00, v51  }
0x2c3: {  	v5 =	vadd.f32 v5, v36;
	v34 =	vmul.f32 v45, v60;
	v28 =	vpop (erf);
	v1 =	vadd.f32 v39, v53;
	v18 =	vld [tilespmem:$0x1DF08]  }
0x2c4: {  	v28 =	vadd.f32 $1.000000000e+00, v28;
	v43 =	vld [tilespmem:$0x1DF78];
	v29 =	vmul.f32 v35, v45;
	v31 =	vpop (erf);
	(erf) = vpow2.f32 v42  }
0x2c5: {  	v32 =	vadd.f32 $1.000000000e+00, v41;
	v5 =	vadd.f32 v30, v5;
	v45 =	vld [tilespmem:s3+$0xFFFFFFB8];
	v37 =	vmul.f32 v31, v22;
	v22 =	vpop (erf)  }
0x2c6: {  	v31 =	vadd.f32 v29, v1;
	v29 =	vld [tilespmem:s4+$0xFFFFFFB8];
	(erf) = vrcp.f32 v28;
	v1 =	vmul.f32 v22, v25  }
0x2c7: {  	v30 =	vadd.f32 v34, v5;
	v25 =	vld [tilespmem:s13+$0xFFFFFFC0]  }
0x2c8: {  	(erf) = vrcp.f32 v32;
	v22 =	vadd.f32 v10, v40;
	v28 =	vsub.f32 $0.0e+00, v31;
	v10 =	vld [tilespmem:$0x1DFB8];
	[tilespmem:s16+$0x60] =	vst v1  }
0x2c9: {  	v18 =	vmul.f32 v18, v47;
	v5 =	vmul.f32 v24, v43;
	v24 =	vld [tilespmem:s6+$0x70]  }
0x2ca: {  	v53 =	vsub.f32 $0.0e+00, v30;
	v51 =	vld [tilespmem:s20+$0x70];
	v28 =	vmul.f32 $1.442695020e+00, v28  }
0x2cb: {  	v54 =	vld [tilespmem:s28+$0x70];
	v18 =	vadd.f32 v18, v22;
	v29 =	vadd.f32 v29, v45  }
0x2cc: {  	[tilespmem:s16+$0xFFFFFFC8] =	vst v37;
	v22 =	vadd.f32 v5, v9;
	(erf) = vpow2.f32 v28;
	v28 =	vld [tilespmem:$0x1DF58]  }
0x2cd: {  	v38 =	vmul.f32 $1.442695020e+00, v53;
	v5 =	vsub.f32 $0.0e+00, v18;
	v25 =	vadd.f32 v25, v29;
	v29 =	vld [tilespmem:$0x1DF28];
	v55 =	vpop (erf)  }
0x2ce: {  	v62 =	vadd.f32 $1.000000000e+00, v55  }
0x2cf: {  	v39 =	vld [tilespmem:s6+$0xFFFFFFD8];
	v5 =	vmul.f32 $1.442695020e+00, v5;
	(erf) = vpow2.f32 v38;
	v24 =	vadd.f32 v51, v24;
	v9 =	vpop (erf)  }
0x2d0: {  	v9 =	vmul.f32 v9, v27;
	v27 =	vld [tilespmem:s20+$0xFFFFFFD8];
	(erf) = vrcp.f32 v62  }
0x2d1: {  	v36 =	vld [tilespmem:$0x1DF98];
	v45 =	vpop (erf);
	v34 =	vadd.f32 v54, v24;
	v28 =	vmul.f32 v28, v49;
	(erf) = vpow2.f32 v5  }
0x2d2: {  	v24 =	vld [tilespmem:$0x1DF98];
	v54 =	vmul.f32 v29, v13  }
0x2d3: {  	v43 =	vmov s7;
	v5 =	vld [tilespmem:s28+$0xFFFFFFE0];
	[tilespmem:s25+$0x40] =	vst v9;
	v29 =	vadd.f32 v28, v34  }
0x2d4: {  	v53 =	vmul.u32 $0x88, v43;
	v49 =	vmovc v52;
	v52 =	vmovc v61;
	v61 =	vmov v35;
	v35 =	vld [tilespmem:s3+$0x50];
	v28 =	vadd.f32 v54, v25  }
0x2d5: {  	[tilespmem:$0x1FB70] =	vst v33;
	v33 =	vmul.f32 v45, v11;
	v25 =	vld [tilespmem:s4+$0x50];
	v55 =	vpop (erf);
	v27 =	vadd.f32 v27, v39;
	v62 =	vsub.f32 $0.0e+00, v29  }
0x2d6: {  	v11 =	vmul.f32 v23, v36;
	v34 =	vld [tilespmem:s13+$0x50];
	v32 =	vadd.f32 $1.000000000e+00, v55;
	v40 =	vsub.f32 $0.0e+00, v28  }
0x2d7: {  	v23 =	vbroadcast v53, $0x0;
	[tilespmem:s15+$0xFFFFFFE8] =	vst v33;
	v45 =	vld [tilespmem:$0x1DF38];
	v38 =	vmul.f32 $1.442695020e+00, v62  }
0x2d8: {  	v11 =	vadd.f32 v11, v7;
	v53 =	vpop (erf);
	(erf) = vrcp.f32 v32;
	v54 =	vmul.f32 $1.442695020e+00, v40;
	v40 =	vld [tilespmem:$0x1DFB8]  }
0x2d9: {  	v5 =	vadd.f32 v5, v27;
	v36 =	vadd.f32 $1.000000000e+00, v53;
	v55 =	vpop (erf);
	(erf) = vpow2.f32 v38  }
0x2da: {  	v7 =	vld [tilespmem:$0x1DF48];
	v35 =	vadd.f32 v25, v35;
	v25 =	vmul.f32 v55, v20;
	v27 =	vpop (erf);
	(erf) = vpow2.f32 v54;
	_ =	sdelay $0x1  }
0x2db: {  	v45 =	vmul.f32 v45, v49;
	v43 =	vadd.f32 v34, v35;
	(erf) = vrcp.f32 v36;
	v36 =	vld [tilespmem:$0x1DF78];
	[tilespmem:s14+$0x20] =	vst v25  }
0x2dc: {  	v55 =	vmul.f32 v37, v40;
	v62 =	vld [tilespmem:s1+$0x30]  }
0x2dd: {  	v54 =	vadd.f32 $1.000000000e+00, v27;
	v27 =	vadd.f32 v45, v43;
	v45 =	vld [tilespmem:s2+$0x30]  }
0x2de: {  	v41 =	vld [tilespmem:$0x1DFD8];
	v7 =	vmul.f32 v7, v46  }
0x2df: {  	v39 =	vadd.s32 $0x82, v23  }
0x2e0: {  	v7 =	vadd.f32 v7, v5;
	v5 =	vadd.f32 v55, v8;
	v55 =	vpop (erf)  }
0x2e1: {  	v38 =	vld [tilespmem:$0x1FC80];
	v43 =	vpop (erf)  }
0x2e2: {  	v35 =	vadd.s32 $0x81, v23;
	v37 =	vld [tilespmem:s30+$0x30];
	v34 =	vadd.f32 v45, v62;
	v45 =	vpop (erf)  }
0x2e3: {  	v33 =	vmul.f32 v33, v41;
	v53 =	vsub.f32 $0.0e+00, v27;
	v62 =	vadd.f32 $1.000000000e+00, v45;
	v45 =	vld [tilespmem:$0x1FE30]  }
0x2e4: {  	v20 =	vld.idx.msk [tilespmem:v39+s24+$0x0], $0xffff;
	(erf) = vrcp.f32 v54;
	v54 =	vsub.f32 $0.0e+00, v7  }
0x2e5: {  	v33 =	vadd.f32 v33, v21;
	v21 =	vld.idx.msk [tilespmem:v39+s26+$0x0], $0xffff;
	v40 =	vmul.f32 $1.442695020e+00, v53  }
0x2e6: {  	v8 =	vld [tilespmem:$0x1DF18];
	v32 =	vmul.f32 $1.442695020e+00, v54;
	v31 =	vmul.f32 v55, v31  }
0x2e7: {  	v54 =	vperm.xlane v33, v44;
	(erf) = vpow2.f32 v40;
	v39 =	vadd.f32 $1.000000000e+00, v43;
	v40 =	vld.idx.msk [tilespmem:v35+s24+$0x0], $0xffff;
	v53 =	vpop (erf)  }
0x2e8: {  	s15 =	smov.u32 s16;
	v44 =	vld [tilespmem:$0x1FD30];
	(erf) = vpow2.f32 v32;
	v34 =	vadd.f32 v37, v34;
	v37 =	vmul.f32 v53, v30;
	v53 =	vmovc v45;
	v45 =	vmovc v31  }
0x2e9: {  	s16 =	smov.u32 s25;
	s25 =	smov.u32 s14;
	s14 =	sadd.s32 $0x110, s14;
	(erf) = vrcp.f32 v39;
	[tilespmem:$0x1FE30] =	vst v45;
	v45 =	vld [tilespmem:$0x1FDE0]  }
0x2ea: {  	[tilespmem:s14+$0x0] =	vst v31;
	(erf) = vrcp.f32 v62;
	v62 =	vld [tilespmem:$0x1FBC0];
	v31 =	vmov v50  }
0x2eb: {  	[tilespmem:$0x1FBC0] =	vst v31;
	v31 =	vld [tilespmem:$0x1FBD0]  }
0x2ec: {  	[tilespmem:$0x1FC80] =	vst v53;
	v53 =	vld [tilespmem:$0x1FC50]  }
0x2ed: {  	v35 =	vld.idx.msk [tilespmem:v35+s26+$0x0], $0xffff  }
0x2ee: {  	v32 =	vld [tilespmem:s22+$0x10];
	v45 =	vmov v45  }
0x2ef: {  	v8 =	vmul.f32 v8, v52;
	v39 =	vld [tilespmem:s29+$0x10];
	v55 =	vpop (erf)  }
0x2f0: {  	v30 =	vadd.f32 v33, v54;
	v33 =	vmul.f32 v55, v18;
	v18 =	vld [tilespmem:$0x1FBA0]  }
0x2f1: {  	v8 =	vadd.f32 v8, v34;
	v31 =	vmul.f32 v31, v53;
	v53 =	vld [tilespmem:$0x1FC60];
	[tilespmem:$0x1FC50] =	vst v45;
	v45 =	vmov v44  }
0x2f2: {  	v43 =	vmov v38;
	[tilespmem:$0x1FBD0] =	vst v45;
	v45 =	vld [tilespmem:$0x1FCD0]  }
0x2f3: {  	[tilespmem:$0x1FBA0] =	vst v43;
	v43 =	vsub.f32 $0.0e+00, v8  }
0x2f4: {  	v51 =	vadd.s32 $0x80, v23;
	v42 =	vld [tilespmem:$0x1DEF8]  }
0x2f5: {  	v34 =	vld [tilespmem:s21+$0x10];
	v18 =	vmul.f32 v18, v62;
	v62 =	vsub.f32 v40, v35;
	v40 =	vmul.f32 $1.442695020e+00, v43;
	v50 =	vpop (erf)  }
0x2f6: {  	v32 =	vadd.f32 v32, v39;
	v39 =	vadd.f32 $1.000000000e+00, v50;
	v50 =	vld [tilespmem:$0x1FCE0]  }
0x2f7: {  	(erf) = vpow2.f32 v40;
	v40 =	vmul.f32 v53, v45;
	v53 =	vld [tilespmem:$0x1FDC0]  }
0x2f8: {  	v18 =	vadd.f32 $0.0e+00, v18  }
0x2f9: {  	v55 =	vld [tilespmem:$0x1FFF0]  }
0x2fa: {  	v41 =	vld.idx.msk [tilespmem:v51+s24+$0x0], $0xffff;
	v31 =	vadd.f32 v31, v18  }
0x2fb: {  	v51 =	vld.idx.msk [tilespmem:v51+s26+$0x0], $0xffff;
	v38 =	vmov v6;
	[tilespmem:s14+$0xFFFFFF78] =	vst v37;
	v32 =	vadd.f32 v34, v32  }
0x2fc: {  	v6 =	vld [tilespmem:s29+$0xFFFFFF88];
	[tilespmem:s25+$0xFFFFFF98] =	vst v33;
	v34 =	vmul.f32 v42, v61;
	v31 =	vadd.f32 v40, v31;
	v42 =	vmul.f32 v50, v53  }
0x2fd: {  	v35 =	vld [tilespmem:s22+$0xFFFFFF88]  }
0x2fe: {  	v54 =	vperm.xlane v30, v55;
	v31 =	vadd.f32 v42, v31;
	v42 =	vld [tilespmem:$0x1FDD0];
	_ =	sdelay $0x2  }
0x2ff: {  	v51 =	vsub.f32 v41, v51;
	v41 =	vld [tilespmem:$0x1DEF8];
	v43 =	vpop (erf)  }
0x300: {  	v30 =	vadd.f32 v30, v54;
	v54 =	vmov v36;
	v36 =	vld [tilespmem:s21+$0xFFFFFF90];
	v45 =	vpop (erf)  }
0x301: {  	v35 =	vadd.f32 v35, v6;
	v6 =	vadd.f32 v34, v32;
	v34 =	vld [tilespmem:s2+$0xFFFFFFA8];
	v53 =	vpop (erf);
	v2 =	vmul.f32 v42, v2  }
0x302: {  	v32 =	vmul.f32 v53, v28;
	v53 =	vld [tilespmem:$0x1FB20]  }
0x303: {  	v2 =	vadd.f32 v2, v31;
	v31 =	vld [tilespmem:$0x1FBB0]  }
0x304: {  	v44 =	vld [tilespmem:$0x1DF68];
	v29 =	vmul.f32 v45, v29  }
0x305: {  	v28 =	vld [tilespmem:$0x1DFC8]  }
0x306: {  	v50 =	vld [tilespmem:s1+$0xFFFFFFA8];
	[tilespmem:s15+$0x70] =	vst v29  }
0x307: {  	v45 =	vadd.f32 $1.000000000e+00, v43;
	(erf) = vrcp.f32 v39;
	v39 =	vld [tilespmem:$0x1DFD8]  }
0x308: {  	v43 =	vmovc v9;
	v9 =	vadd.f32 v36, v35;
	v40 =	vmovc v24;
	v36 =	vmov v53;
	v53 =	vmov v31;
	v31 =	vld [tilespmem:$0x1FC70]  }
0x309: {  	[tilespmem:$0x1FDC0] =	vst v40;
	(erf) = vrcp.f32 v45;
	v45 =	vld [tilespmem:$0x1FEC0]  }
0x30a: {  	[tilespmem:s16+$0xFFFFFFB8] =	vst v32;
	v1 =	vmul.f32 v1, v28;
	v28 =	vld [tilespmem:$0x1FDF0]  }
0x30b: {  	v25 =	vmov v25;
	[tilespmem:$0x1FDD0] =	vst v43;
	v43 =	vmul.f32 v63, v10;
	v40 =	vld [tilespmem:s30+$0xFFFFFFB0];
	v42 =	vsub.f32 $0.0e+00, v6  }
0x30c: {  	v35 =	vmul.f32 v41, v60;
	[tilespmem:$0x1FDF0] =	vst v25;
	v25 =	vld [tilespmem:s13+$0xFFFFFFD0];
	v39 =	vmul.f32 v29, v39  }
0x30d: {  	v63 =	vmul.f32 $1.442695020e+00, v42;
	v2 =	vadd.f32 v43, v2;
	v43 =	vadd.f32 v34, v50;
	v34 =	vld [tilespmem:s3+$0xFFFFFFC8];
	[tilespmem:$0x1FB20] =	vst v53;
	v24 =	vmovc v31  }
0x30e: {  	v53 =	vmov v23;
	v31 =	vmul.f32 v37, v44;
	v44 =	vld [tilespmem:$0x1FF70];
	[tilespmem:$0x1FBB0] =	vst v24;
	v24 =	vadd.f32 v35, v9;
	v9 =	vpop (erf)  }
0x30f: {  	v10 =	vmovc v28;
	(erf) = vpow2.f32 v63;
	[tilespmem:$0x1FEC0] =	vst v53;
	v53 =	vadd.f32 v1, v2;
	v35 =	vld [tilespmem:$0x1DF18];
	v63 =	vadd.f32 $1.000000000e+00, v9  }
0x310: {  	v50 =	vld [tilespmem:s4+$0xFFFFFFC8];
	[tilespmem:$0x1FC60] =	vst v10;
	v28 =	vpop (erf);
	v10 =	vsub.f32 $0.0e+00, v24  }
0x311: {  	v23 =	vld [tilespmem:$0x1DF88];
	(erf) = vrcp.f32 v63;
	v63 =	vmul.f32 v28, v27;
	v27 =	vadd.f32 v39, v53  }
0x312: {  	v29 =	vld [tilespmem:$0x1DF38];
	v9 =	vmov v0;
	v0 =	vmul.f32 $1.442695020e+00, v10  }
0x313: {  	v42 =	vld [tilespmem:$0x1FFE0];
	v2 =	vmov v3;
	[tilespmem:$0x1FCE0] =	vst v9;
	v9 =	vadd.f32 $0.0e+00, v31;
	v31 =	vperm.xlane v27, v44  }
0x314: {  	[tilespmem:$0x1FCD0] =	vst v2;
	v2 =	vld [tilespmem:$0x1DFA8];
	v10 =	vadd.f32 v40, v43;
	(erf) = vpow2.f32 v0;
	v0 =	vmul.f32 v35, v47  }
0x315: {  	v1 =	vmov v4;
	v27 =	vadd.f32 v27, v31;
	v31 =	vld [tilespmem:$0x1FB60]  }
0x316: {  	v4 =	vmul.f32 v33, v23;
	v28 =	vld [tilespmem:$0x1FAF0];
	[tilespmem:s16+$0x50] =	vst v63;
	v23 =	vadd.f32 v0, v10;
	v0 =	vadd.f32 v50, v34  }
0x317: {  	v53 =	vld [tilespmem:s4+$0x60]  }
0x318: {  	v0 =	vadd.f32 v25, v0;
	v25 =	vmul.f32 v29, v13;
	v29 =	vld [tilespmem:$0x1FD90]  }
0x319: {  	v50 =	vld [tilespmem:s3+$0x60]  }
0x31a: {  	v10 =	vpop (erf);
	v35 =	vmov v31;
	v31 =	vld [tilespmem:$0x1FC10]  }
0x31b: {  	v10 =	vmul.f32 v10, v7;
	v7 =	vmov v26;
	[tilespmem:$0x1FAF0] =	vst v35;
	v35 =	vld [tilespmem:s13+$0x60]  }
0x31c: {  	[tilespmem:$0x1FD90] =	vst v7;
	v7 =	vadd.f32 v4, v22;
	v4 =	vld [tilespmem:$0x1DF48]  }
0x31d: {  	v29 =	vmov v29  }
0x31e: {  	v33 =	vadd.f32 v53, v50;
	[tilespmem:$0x1FC10] =	vst v29;
	v29 =	vperm.xlane v27, v55  }
0x31f: {  	v18 =	vld [tilespmem:$0x1FAE0];
	v22 =	vadd.f32 v25, v0;
	v43 =	vmov v31;
	v31 =	vsub.f32 $0.0e+00, v23  }
0x320: {  	[tilespmem:$0x1FAE0] =	vst v36;
	v36 =	vperm.xlane v30, v42;
	v26 =	vpop (erf);
	v25 =	vadd.f32 v27, v29;
	v55 =	vadd.f32 v35, v33;
	v33 =	vld [tilespmem:$0x1FBF0]  }
0x321: {  	v41 =	vld [tilespmem:$0x1FFC0];
	v37 =	vmov v45;
	v45 =	vadd.f32 $1.000000000e+00, v26;
	v0 =	vpop (erf);
	v4 =	vmul.f32 v4, v49  }
0x322: {  	v3 =	vld [tilespmem:$0x1DFA8];
	v50 =	vpop (erf);
	v31 =	vmul.f32 $1.442695020e+00, v31;
	v53 =	vperm.xlane v25, v42  }
0x323: {  	v30 =	vadd.f32 v30, v36;
	(erf) = vrcp.f32 v45;
	v36 =	vadd.f32 $1.000000000e+00, v50;
	v50 =	vld [tilespmem:$0x1FDA0]  }
0x324: {  	s8 =	sadd.s32 $0x1, s7;
	(erf) = vpow2.f32 v31;
	v31 =	vadd.f32 v25, v53;
	v25 =	vadd.f32 v4, v55;
	v4 =	vld [tilespmem:$0x1FB40]  }
0x325: {  	[tilespmem:$0x1FD30] =	vst v1;
	v1 =	vmov s8;
	v55 =	vld [tilespmem:$0x1FB50];
	v45 =	vmov v33  }
0x326: {  	v1 =	vmul.u32 $0x88, v1;
	[tilespmem:$0x1FB40] =	vst v45;
	v45 =	vld [tilespmem:$0x1FF90]  }
0x327: {  	[tilespmem:s15+$0xFFFFFFD8] =	vst v10  }
0x328: {  	v1 =	vbroadcast v1, $0x0;
	v40 =	vld [tilespmem:s6+$0xFFFFFFE8]  }
0x329: {  	[tilespmem:$0x1FC70] =	vst v37;
	v3 =	vmul.f32 v32, v3;
	v32 =	vld [tilespmem:s20+$0xFFFFFFE8];
	v53 =	vmov v50  }
0x32a: {  	v37 =	vadd.s32 $0x82, v1;
	v28 =	vmul.f32 v41, v28;
	[tilespmem:$0x1FBF0] =	vst v53;
	v53 =	vld [tilespmem:$0x1FFD0]  }
0x32b: {  	v4 =	vmul.f32 v41, v4;
	v41 =	vmul.f32 v45, v55;
	v55 =	vld [tilespmem:$0x1FC00]  }
0x32c: {  	v34 =	vld [tilespmem:s28+$0xFFFFFFF0]  }
0x32d: {  	v0 =	vmul.f32 v0, v8;
	v8 =	vadd.f32 v3, v11;
	v11 =	vld [tilespmem:$0x1DF58]  }
0x32e: {  	v3 =	vld [tilespmem:$0x1DF88]  }
0x32f: {  	[tilespmem:$0x1FB60] =	vst v43;
	v29 =	vld.idx.msk [tilespmem:v37+s24+$0x0], $0xffff;
	v50 =	vmov v19  }
0x330: {  	v32 =	vadd.f32 v32, v40;
	[tilespmem:$0x1FDA0] =	vst v50;
	v50 =	vld [tilespmem:$0x1FFA0];
	v40 =	vperm.xlane v31, v53;
	v43 =	vmov v55  }
0x331: {  	[tilespmem:$0x1FB50] =	vst v43;
	v43 =	vld [tilespmem:$0x1FDB0]  }
0x332: {  	s6 =	smov.u32 s3;
	s3 =	smov.u32 s1;
	[tilespmem:s25+$0x30] =	vst v0;
	v40 =	vadd.f32 v31, v40;
	v31 =	vld [tilespmem:$0x1FB80]  }
0x333: {  	s20 =	smov.u32 s4;
	s4 =	smov.u32 s2;
	v39 =	vld [tilespmem:s3+$0x40]  }
0x334: {  	s28 =	smov.u32 s13;
	s13 =	smov.u32 s30;
	v27 =	vsub.f32 $0.0e+00, v22;
	v33 =	vld [tilespmem:s4+$0x40]  }
0x335: {  	(erf) = vrcp.f32 v36;
	v36 =	vld [tilespmem:s13+$0x40]  }
0x336: {  	v27 =	vmul.f32 $1.442695020e+00, v27;
	v42 =	vadd.s32 $0x81, v1;
	v55 =	vmov v43;
	v43 =	vld [tilespmem:$0x1DF28]  }
0x337: {  	v11 =	vmul.f32 v11, v46;
	v4 =	vadd.f32 v41, v4;
	[tilespmem:$0x1FC00] =	vst v55;
	v55 =	vmul.f32 v50, v31  }
0x338: {  	[tilespmem:$0x1FDE0] =	vst v54;
	v54 =	vld [tilespmem:$0x1FFB0];
	(erf) = vpow2.f32 v27;
	v27 =	vadd.f32 v34, v32;
	v19 =	vsub.f32 $0.0e+00, v25  }
0x339: {  	v35 =	vadd.s32 $0x80, v1;
	v46 =	vmovc v13;
	v13 =	vld [tilespmem:$0x1FB10];
	v31 =	vmovc v17;
	v41 =	vadd.f32 v55, v4;
	v55 =	vadd.f32 v33, v39  }
0x33a: {  	v11 =	vadd.f32 v11, v27;
	v17 =	vmov v58;
	v58 =	vpop (erf);
	[tilespmem:$0x1FDB0] =	vst v31;
	v31 =	vld.idx.msk [tilespmem:v37+s26+$0x0], $0xffff;
	v37 =	vmul.f32 $1.442695020e+00, v19  }
0x33b: {  	v19 =	vld [tilespmem:$0x1FC30];
	v4 =	vmul.f32 v58, v6;
	v27 =	vadd.f32 v36, v55;
	v58 =	vmul.f32 v43, v52  }
0x33c: {  	v32 =	vld.idx.msk [tilespmem:v42+s24+$0x0], $0xffff  }
0x33d: {  	v27 =	vadd.f32 v58, v27;
	v58 =	vld [tilespmem:$0x1FB90]  }
0x33e: {  	p0 =	slt.u32 s7, $0x26;
	v18 =	vadd.s32 v54, v18;
	v40 =	vadd.f32 v40, v48;
	v43 =	vld [tilespmem:$0x1FF80]  }
.Ltmp1:
0x33f: {  	v13 =	vmul.f32 v50, v13;
	v50 =	vmovc v38;
	v38 =	vmov v59;
	v59 =	vmov v12;
	[tilespmem:$0x1FC30] =	vst v17;
	v17 =	vld.idx.msk [tilespmem:v35+s24+$0x0], $0xffff;
	(pc) =	sbr.rel @p0 .LBB2_5-.Ltmp1, $4  }
0x340: {  	v15 =	vadd.s32 v54, v15;
	v26 =	vmov v51;
	v33 =	vld.idx.msk [tilespmem:v42+s26+$0x0], $0xffff;
	v19 =	vmov v19;
	[tilespmem:$0x1FB90] =	vst v59  }
0x341: {  	v14 =	vmul.f32 v45, v14;
	v48 =	vmovc v16;
	v42 =	vmov v57;
	v6 =	vld [tilespmem:$0x1DF68];
	v16 =	vmul.f32 v40, v41;
	[tilespmem:$0x1FB80] =	vst v19  }
0x342: {  	s7 =	sadd.s32 $0x2, s7;
	v57 =	vpop (erf);
	(erf) = vpow2.f32 v37;
	v37 =	vsub.f32 $0.0e+00, v11;
	v19 =	vld.idx.msk [tilespmem:v35+s26+$0x0], $0xffff;
	[tilespmem:s14+$0x10] =	vst v4;
	v40 =	vmov v58  }
0x343: {  	s1 =	smov.u32 s29;
	s2 =	smov.u32 s22;
	s30 =	smov.u32 s21;
	v36 =	vadd.f32 $1.000000000e+00, v57;
	v35 =	vperm.xlane v30, v53;
	v53 =	vmovc v56;
	v34 =	vld [tilespmem:s29+$0x20];
	v16 =	vadd.f32 v43, v16;
	[tilespmem:$0x1FB10] =	vst v40  }
0x344: {  	v39 =	vpop (erf)  }
0x345: {  	v41 =	vmul.f32 v39, v24;
	_ =	sdelay $0x1  }
0x346: {  	v12 =	vld [tilespmem:s22+$0x20];
	[tilespmem:$0x1F3B0] =	vst v41  }
0x347: {  	v58 =	vld [tilespmem:$0x1DFC8];
	_ =	sdelay $0x2  }
0x348: {  	v55 =	vsub.f32 $0.0e+00, v27  }
0x349: {  	v37 =	vmul.f32 $1.442695020e+00, v37;
	(erf) = vrcp.f32 v36;
	v57 =	vpop (erf);
	v24 =	vld [tilespmem:s21+$0x20];
	[tilespmem:s14+$0xFFFFFF88] =	vst v41  }
0x34a: {  	v56 =	vmul.f32 $1.442695020e+00, v55;
	v59 =	vadd.f32 $1.000000000e+00, v57;
	v57 =	vsub.f32 v17, v19;
	v40 =	vld [tilespmem:$0x1DF08];
	[tilespmem:$0x1F390] =	vst v58  }
0x34b: {  	v32 =	vsub.f32 v32, v33;
	(erf) = vpow2.f32 v37;
	v45 =	vld [tilespmem:s29+$0xFFFFFF98]  }
0x34c: {  	(erf) = vpow2.f32 v56;
	v54 =	vpop (erf);
	v56 =	vld [tilespmem:s22+$0xFFFFFF98];
	[tilespmem:$0x1F650] =	vst v57  }
0x34d: {  	v12 =	vadd.f32 v12, v34;
	v55 =	vadd.f32 $1.000000000e+00, v54;
	s29 =	sadd.s32 $0x110, s29;
	[tilespmem:$0x1F660] =	vst v32  }
0x34e: {  	s7 =	sadd.s32 $0x110, s22;
	(erf) = vrcp.f32 v59;
	v17 =	vld [tilespmem:s29+$0x0]  }
0x34f: {  	v12 =	vadd.f32 v24, v12;
	v58 =	vsub.f32 v20, v21;
	(erf) = vrcp.f32 v55;
	v24 =	vld [tilespmem:s7+$0x0]  }
0x350: {  	v59 =	vsub.f32 v29, v31  }
0x351: {  	v41 =	vmul.f32 v51, v26;
	v19 =	vmul.f32 v40, v61;
	[tilespmem:$0x1F680] =	vst v58  }
0x352: {  	[tilespmem:$0x1F670] =	vst v59;
	v51 =	vmul.f32 v58, v58;
	v31 =	vadd.f32 v56, v45;
	v45 =	vmul.f32 v62, v62  }
0x353: {  	v21 =	vmul.f32 v32, v32;
	s22 =	sadd.s32 $0x100, s21;
	v12 =	vadd.f32 v19, v12;
	v20 =	vld [tilespmem:s29+$0xFFFFFF78]  }
0x354: {  	v19 =	vmul.f32 v57, v57;
	v29 =	vld [tilespmem:s22+$0x0];
	v17 =	vadd.f32 v24, v17;
	v24 =	vpop (erf);
	v32 =	vadd.f32 v45, v41  }
0x355: {  	v57 =	vld [tilespmem:$0x1DF78];
	v56 =	vmul.f32 v24, v23;
	v23 =	vpop (erf)  }
0x356: {  	v19 =	vadd.f32 v21, v19;
	v21 =	vld [tilespmem:s7+$0xFFFFFF78];
	v54 =	vadd.f32 v51, v32;
	v51 =	vpop (erf)  }
0x357: {  	v30 =	vadd.f32 v30, v35;
	v35 =	vmul.f32 v59, v59;
	v34 =	vld [tilespmem:$0x1DEE8];
	v36 =	vsub.f32 $0.0e+00, v12;
	v58 =	vpop (erf)  }
0x358: {  	v45 =	vld [tilespmem:s22+$0xFFFFFF80];
	v59 =	vpop (erf)  }
0x359: {  	v41 =	vadd.f32 v35, v19;
	v19 =	vmul.f32 $1.442695020e+00, v36;
	v24 =	vld [tilespmem:s30+$0xFFFFFFA0];
	[tilespmem:s25+$0xFFFFFFA8] =	vst v56;
	v36 =	vmul.f32 v59, v25  }
0x35a: {  	v17 =	vadd.f32 v29, v17;
	v29 =	vld [tilespmem:$0x1DF08];
	[tilespmem:$0x1F3A0] =	vst v57  }
0x35b: {  	v20 =	vadd.f32 v21, v20;
	v21 =	vadd.f32 $1.000000000e+00, v23;
	v23 =	vld [tilespmem:s3+$0xFFFFFFB8];
	[tilespmem:$0x1F380] =	vst v36  }
0x35c: {  	v25 =	vld [tilespmem:$0x1DFB8];
	_ =	sdelay $0x2  }
0x35d: {  	(erf) = vpow2.f32 v19;
	v19 =	vadd.f32 $1.000000000e+00, v51;
	_ =	sdelay $0x1  }
0x35e: {  	(erf) = vrcp.f32 v19;
	v19 =	vld [tilespmem:s4+$0xFFFFFFB8];
	[tilespmem:$0x1F370] =	vst v25  }
0x35f: {  	[tilespmem:s16+$0x60] =	vst v36  }
0x360: {  	v55 =	vmul.f32 v41, v34;
	v51 =	vld [tilespmem:$0x1FF60]  }
0x361: {  	v20 =	vadd.f32 v45, v20;
	(erf) = vrcp.f32 v21;
	v21 =	vmul.f32 v34, v54  }
0x362: {  	v14 =	vadd.f32 v14, v28;
	v17 =	vadd.f32 v55, v17;
	v25 =	vld [tilespmem:s13+$0xFFFFFFC0]  }
0x363: {  	v33 =	vmul.f32 v58, v22;
	v20 =	vadd.f32 v21, v20;
	v21 =	vmul.f32 v29, v60;
	v29 =	vld [tilespmem:s6+$0x70]  }
0x364: {  	v13 =	vadd.f32 v13, v14;
	v24 =	vadd.f32 v24, v31;
	v31 =	vld [tilespmem:s28+$0x70]  }
0x365: {  	v28 =	vsub.f32 $0.0e+00, v17;
	v14 =	vadd.f32 v30, v51;
	v30 =	vld [tilespmem:s20+$0x70];
	[tilespmem:$0x1F3D0] =	vst v33  }
0x366: {  	v39 =	vld [tilespmem:$0x1DF98]  }
0x367: {  	v21 =	vadd.f32 v21, v24;
	v24 =	vmul.f32 $1.442695020e+00, v28;
	v28 =	vsub.f32 $0.0e+00, v20;
	_ =	sdelay $0x1  }
0x368: {  	v13 =	vmul.f32 v14, v13  }
0x369: {  	v37 =	vld [tilespmem:$0x1DF28];
	[tilespmem:s16+$0xFFFFFFC8] =	vst v33  }
0x36a: {  	v22 =	vmul.f32 $1.442695020e+00, v28;
	v28 =	vpop (erf);
	v14 =	vld [tilespmem:$0x1DF58];
	v13 =	vadd.f32 v43, v13;
	[tilespmem:$0x1F3C0] =	vst v39  }
0x36b: {  	(erf) = vpow2.f32 v24;
	v24 =	vsub.f32 $0.0e+00, v21;
	[tilespmem:v15+s9+$0x0] =	vst.idx.msk vm0, v16;
	v16 =	vpop (erf)  }
0x36c: {  	(erf) = vpow2.f32 v22;
	v28 =	vadd.f32 $1.000000000e+00, v28;
	v22 =	vld [tilespmem:s6+$0xFFFFFFD8];
	[tilespmem:v18+s9+$0x0] =	vst.idx.msk vm0, v13;
	v18 =	vpop (erf);
	v16 =	vmul.f32 v16, v27  }
0x36d: {  	v15 =	vmul.f32 $1.442695020e+00, v24;
	v13 =	vld [tilespmem:s20+$0xFFFFFFD8];
	[tilespmem:$0x1F360] =	vst v18  }
0x36e: {  	(erf) = vrcp.f32 v28;
	[tilespmem:$0x1F450] =	vst v16  }
0x36f: {  	(erf) = vpow2.f32 v15;
	v15 =	vld [tilespmem:$0x1DF98];
	_ =	sdelay $0x4  }
0x370: {  	v14 =	vmul.f32 v14, v49;
	v18 =	vadd.f32 v19, v23;
	v23 =	vpop (erf);
	[tilespmem:$0x1F430] =	vst v15;
	v15 =	vadd.f32 v30, v29  }
0x371: {  	v23 =	vadd.f32 $1.000000000e+00, v23  }
0x372: {  	v15 =	vadd.f32 v31, v15  }
0x373: {  	[tilespmem:s25+$0x40] =	vst v16  }
0x374: {  	v18 =	vadd.f32 v25, v18;
	v25 =	vmul.f32 v37, v47;
	v16 =	vld [tilespmem:s3+$0x50];
	v28 =	vadd.f32 v14, v15;
	v14 =	vpop (erf)  }
0x375: {  	v19 =	vld [tilespmem:s4+$0x50];
	(erf) = vrcp.f32 v23;
	v23 =	vpop (erf)  }
0x376: {  	v24 =	vld [tilespmem:s13+$0x50];
	v15 =	vadd.f32 v25, v18;
	v25 =	vmul.f32 v23, v12  }
0x377: {  	v27 =	vld [tilespmem:$0x1DF38];
	[tilespmem:$0x1F340] =	vst v28  }
0x378: {  	v18 =	vld [tilespmem:s28+$0xFFFFFFE0];
	[tilespmem:$0x1F550] =	vst v25  }
0x379: {  	v12 =	vsub.f32 $0.0e+00, v28;
	v28 =	vld [tilespmem:$0x1DF78]  }
0x37a: {  	v16 =	vadd.f32 v19, v16;
	v19 =	vld [tilespmem:$0x1DF48];
	_ =	sdelay $0x1  }
0x37b: {  	v23 =	vsub.f32 $0.0e+00, v15;
	_ =	sdelay $0x1  }
0x37c: {  	v13 =	vadd.f32 v13, v22;
	v12 =	vmul.f32 $1.442695020e+00, v12;
	v22 =	vmul.f32 $1.442695020e+00, v23;
	[tilespmem:$0x1F540] =	vst v28  }
0x37d: {  	v16 =	vadd.f32 v24, v16;
	v24 =	vmul.f32 v27, v52;
	v19 =	vmul.f32 v19, v46;
	[tilespmem:s14+$0x20] =	vst v25  }
0x37e: {  	v23 =	vld [tilespmem:s1+$0x30]  }
0x37f: {  	(erf) = vpow2.f32 v12;
	v12 =	vadd.f32 v24, v16;
	v13 =	vadd.f32 v18, v13;
	v16 =	vld [tilespmem:s2+$0x30]  }
0x380: {  	(erf) = vpow2.f32 v22;
	v22 =	vpop (erf);
	v25 =	vld [tilespmem:$0x1DF18]  }
0x381: {  	v13 =	vadd.f32 v19, v13;
	v19 =	vpop (erf)  }
0x382: {  	v14 =	vadd.f32 $1.000000000e+00, v14;
	v24 =	vsub.f32 $0.0e+00, v12;
	v18 =	vld [tilespmem:s30+$0x30];
	v17 =	vmul.f32 v19, v17  }
0x383: {  	v22 =	vadd.f32 $1.000000000e+00, v22  }
0x384: {  	s8 =	sadd.s32 $0x110, s14;
	(erf) = vrcp.f32 v14;
	v14 =	vmul.f32 $1.442695020e+00, v24;
	[tilespmem:$0x1F5C0] =	vst v17  }
0x385: {  	(erf) = vrcp.f32 v22;
	v16 =	vadd.f32 v16, v23;
	[tilespmem:s8+$0x0] =	vst v17;
	v17 =	vmul.f32 v25, v61  }
0x386: {  	(erf) = vpow2.f32 v14;
	v14 =	vsub.f32 $0.0e+00, v13  }
0x387: {  	v16 =	vadd.f32 v18, v16  }
0x388: {  	v14 =	vmul.f32 $1.442695020e+00, v14  }
0x389: {  	v16 =	vadd.f32 v17, v16;
	v17 =	vpop (erf)  }
0x38a: {  	(erf) = vpow2.f32 v14;
	v14 =	vadd.f32 $1.000000000e+00, v17;
	v17 =	vpop (erf)  }
0x38b: {  	v18 =	vld [tilespmem:s29+$0x10];
	v17 =	vadd.f32 $1.000000000e+00, v17  }
0x38c: {  	v19 =	vld [tilespmem:s7+$0x10];
	v24 =	vsub.f32 $0.0e+00, v16  }
0x38d: {  	v22 =	vld [tilespmem:s22+$0x10]  }
0x38e: {  	v23 =	vld [tilespmem:$0x1DEF8];
	(erf) = vrcp.f32 v14;
	v14 =	vmul.f32 $1.442695020e+00, v24  }
0x38f: {  	(erf) = vrcp.f32 v17;
	v17 =	vpop (erf)  }
0x390: {  	v20 =	vmul.f32 v17, v20  }
0x391: {  	v17 =	vadd.f32 v19, v18;
	v18 =	vpop (erf);
	(erf) = vpow2.f32 v14  }
0x392: {  	v14 =	vpop (erf);
	[tilespmem:$0x1F3F0] =	vst v20  }
0x393: {  	v19 =	vmul.f32 v23, v41;
	v17 =	vadd.f32 v22, v17;
	v14 =	vadd.f32 $1.000000000e+00, v14;
	[tilespmem:s8+$0xFFFFFF78] =	vst v20;
	v23 =	vld [tilespmem:$0x1DFB8]  }
0x394: {  	v20 =	vld [tilespmem:s29+$0xFFFFFF88]  }
0x395: {  	v57 =	vmul.f32 v18, v21;
	(erf) = vrcp.f32 v14;
	v14 =	vadd.f32 v19, v17;
	v17 =	vld [tilespmem:s7+$0xFFFFFF88];
	_ =	sdelay $0x1  }
0x396: {  	[tilespmem:s14+$0xFFFFFF98] =	vst v57;
	v18 =	vld [tilespmem:s22+$0xFFFFFF90];
	v19 =	vpop (erf)  }
0x397: {  	v21 =	vld [tilespmem:$0x1DEF8];
	[tilespmem:$0x1F3E0] =	vst v23;
	v23 =	vpop (erf)  }
0x398: {  	v19 =	vadd.f32 $1.000000000e+00, v19;
	[tilespmem:$0x1F350] =	vst v23;
	v23 =	vpop (erf)  }
0x399: {  	v22 =	vsub.f32 $0.0e+00, v14;
	v17 =	vadd.f32 v17, v20;
	v20 =	vpop (erf)  }
0x39a: {  	v23 =	vmul.f32 v23, v15;
	v20 =	vadd.f32 $1.000000000e+00, v20  }
0x39b: {  	(erf) = vrcp.f32 v19;
	v19 =	vmul.f32 $1.442695020e+00, v22  }
0x39c: {  	v22 =	vld [tilespmem:s1+$0xFFFFFFA8];
	[tilespmem:$0x1F4B0] =	vst v23  }
0x39d: {  	(erf) = vpow2.f32 v19;
	v15 =	vld [tilespmem:s2+$0xFFFFFFA8]  }
0x39e: {  	v19 =	vld [tilespmem:s30+$0xFFFFFFB0];
	(erf) = vrcp.f32 v20;
	v20 =	vpop (erf)  }
0x39f: {  	v17 =	vadd.f32 v18, v17;
	v18 =	vmul.f32 v21, v54;
	[tilespmem:s25+$0xFFFFFFB8] =	vst v23;
	v21 =	vld [tilespmem:$0x1DF18];
	v24 =	vmul.f32 v20, v12  }
0x3a0: {  	v23 =	vld [tilespmem:s3+$0xFFFFFFC8]  }
0x3a1: {  	v17 =	vadd.f32 v18, v17;
	v18 =	vld [tilespmem:s4+$0xFFFFFFC8];
	[tilespmem:$0x1F480] =	vst v24  }
0x3a2: {  	v25 =	vld [tilespmem:$0x1DFA8];
	_ =	sdelay $0x2  }
0x3a3: {  	v27 =	vpop (erf);
	v15 =	vadd.f32 v15, v22  }
0x3a4: {  	v20 =	vsub.f32 $0.0e+00, v17;
	v27 =	vmul.f32 v27, v13;
	v22 =	vpop (erf)  }
0x3a5: {  	v12 =	vld [tilespmem:s13+$0xFFFFFFD0];
	v15 =	vadd.f32 v19, v15;
	v19 =	vmul.f32 v21, v60;
	v21 =	vadd.f32 $1.000000000e+00, v22;
	[tilespmem:$0x1F460] =	vst v25  }
0x3a6: {  	v20 =	vmul.f32 $1.442695020e+00, v20;
	[tilespmem:s25+$0x50] =	vst v24;
	v24 =	vld [tilespmem:$0x1DF38]  }
0x3a7: {  	v25 =	vld [tilespmem:s3+$0x60];
	[tilespmem:$0x1F470] =	vst v27  }
0x3a8: {  	(erf) = vpow2.f32 v20;
	v13 =	vld [tilespmem:s4+$0x60]  }
0x3a9: {  	(erf) = vrcp.f32 v21;
	v21 =	vpop (erf);
	v20 =	vld [tilespmem:s13+$0x60]  }
0x3aa: {  	v28 =	vmul.f32 v21, v16;
	[tilespmem:s16+$0xFFFFFFD8] =	vst v27;
	v22 =	vld [tilespmem:$0x1DF48]  }
0x3ab: {  	v27 =	vld [tilespmem:s6+$0xFFFFFFE8]  }
0x3ac: {  	v15 =	vadd.f32 v19, v15;
	v19 =	vld [tilespmem:s20+$0xFFFFFFE8];
	[tilespmem:$0x1F570] =	vst v28  }
0x3ad: {  	v18 =	vadd.f32 v18, v23;
	v23 =	vld [tilespmem:$0x1DF88];
	_ =	sdelay $0x4  }
0x3ae: {  	v16 =	vld [tilespmem:s28+$0xFFFFFFF0];
	[tilespmem:$0x1F560] =	vst v23  }
0x3af: {  	v13 =	vadd.f32 v13, v25;
	[tilespmem:s14+$0x30] =	vst v28  }
0x3b0: {  	v12 =	vadd.f32 v12, v18;
	v18 =	vmul.f32 v24, v47;
	v24 =	vld [tilespmem:s1+$0x40]  }
0x3b1: {  	v13 =	vadd.f32 v20, v13;
	v20 =	vmul.f32 v22, v52;
	v22 =	vld [tilespmem:s2+$0x40];
	_ =	sdelay $0x1  }
0x3b2: {  	v21 =	vsub.f32 $0.0e+00, v15  }
0x3b3: {  	v12 =	vadd.f32 v18, v12;
	v18 =	vpop (erf);
	v23 =	vld [tilespmem:$0x1DF58]  }
0x3b4: {  	v21 =	vmul.f32 $1.442695020e+00, v21;
	v19 =	vadd.f32 v19, v27;
	v27 =	vpop (erf)  }
0x3b5: {  	v22 =	vadd.f32 v22, v24;
	v24 =	vmul.f32 v27, v14  }
0x3b6: {  	(erf) = vpow2.f32 v21;
	v21 =	vld [tilespmem:s30+$0x40]  }
0x3b7: {  	v13 =	vadd.f32 v20, v13;
	v20 =	vld [tilespmem:$0x1DF28];
	[tilespmem:$0x1F5E0] =	vst v24  }
0x3b8: {  	v16 =	vadd.f32 v16, v19;
	v19 =	vmul.f32 v23, v46;
	v23 =	vld [tilespmem:$0x1DF68]  }
0x3b9: {  	v25 =	vsub.f32 $0.0e+00, v12;
	v18 =	vadd.f32 $1.000000000e+00, v18;
	_ =	sdelay $0x1  }
0x3ba: {  	(erf) = vrcp.f32 v18;
	v18 =	vsub.f32 $0.0e+00, v13;
	v14 =	vmul.f32 $1.442695020e+00, v25;
	_ =	sdelay $0x1  }
0x3bb: {  	v18 =	vmul.f32 $1.442695020e+00, v18;
	(erf) = vpow2.f32 v14;
	[tilespmem:$0x1F5D0] =	vst v23  }
0x3bc: {  	v20 =	vmul.f32 v20, v61;
	v55 =	vadd.f32 v19, v16;
	v14 =	vadd.f32 v21, v22;
	[tilespmem:s8+$0x10] =	vst v24  }
0x3bd: {  	v16 =	vld [tilespmem:s29+$0x20]  }
0x3be: {  	(erf) = vpow2.f32 v18;
	v14 =	vadd.f32 v20, v14;
	v20 =	vsub.f32 $0.0e+00, v55;
	v18 =	vld [tilespmem:s7+$0x20];
	_ =	sdelay $0x1  }
0x3bf: {  	v19 =	vpop (erf);
	v20 =	vmul.f32 $1.442695020e+00, v20  }
0x3c0: {  	v19 =	vadd.f32 $1.000000000e+00, v19  }
0x3c1: {  	v22 =	vsub.f32 $0.0e+00, v14  }
0x3c2: {  	(erf) = vrcp.f32 v19;
	v16 =	vadd.f32 v18, v16;
	v18 =	vpop (erf)  }
0x3c3: {  	v19 =	vmul.f32 $1.442695020e+00, v22;
	(erf) = vpow2.f32 v20;
	v21 =	vld [tilespmem:s22+$0x20];
	v20 =	vpop (erf)  }
0x3c4: {  	v23 =	vld [tilespmem:$0x1DF08];
	v20 =	vadd.f32 $1.000000000e+00, v20  }
0x3c5: {  	(erf) = vpow2.f32 v19  }
0x3c6: {  	(erf) = vrcp.f32 v20;
	v20 =	vmul.f32 v18, v17;
	_ =	sdelay $0x1  }
0x3c7: {  	[tilespmem:$0x1F4D0] =	vst v20  }
0x3c8: {  	v19 =	vmul.f32 v23, v41;
	v16 =	vadd.f32 v21, v16;
	v18 =	vld [tilespmem:$0x1DF68]  }
0x3c9: {  	v21 =	vpop (erf)  }
0x3ca: {  	v16 =	vadd.f32 v19, v16;
	v19 =	vadd.f32 $1.000000000e+00, v21;
	_ =	sdelay $0x1  }
0x3cb: {  	(erf) = vrcp.f32 v19;
	v19 =	vsub.f32 $0.0e+00, v16  }
0x3cc: {  	[tilespmem:$0x1F400] =	vst v18  }
0x3cd: {  	v17 =	vmul.f32 $1.442695020e+00, v19;
	v19 =	vld [tilespmem:$0x1DF88];
	_ =	sdelay $0x4  }
0x3ce: {  	v18 =	vpop (erf);
	[tilespmem:$0x1F410] =	vst v19  }
0x3cf: {  	v19 =	vpop (erf);
	(erf) = vpow2.f32 v17;
	v17 =	vld [tilespmem:$0x1DFA8];
	_ =	sdelay $0x3  }
0x3d0: {  	v18 =	vmul.f32 v18, v15;
	[tilespmem:s8+$0xFFFFFF88] =	vst v20  }
0x3d1: {  	[tilespmem:$0x1F4C0] =	vst v17;
	v17 =	vpop (erf)  }
0x3d2: {  	v20 =	vld [tilespmem:s29+$0xFFFFFF98];
	[tilespmem:$0x1F4F0] =	vst v18;
	v21 =	vpop (erf)  }
0x3d3: {  	v17 =	vadd.f32 $1.000000000e+00, v17;
	v15 =	vld [tilespmem:s7+$0xFFFFFF98];
	v23 =	vpop (erf)  }
0x3d4: {  	[tilespmem:s14+$0xFFFFFFA8] =	vst v18;
	v18 =	vld [tilespmem:$0x1DF08];
	v23 =	vmul.f32 v23, v13  }
0x3d5: {  	(erf) = vrcp.f32 v17;
	v17 =	vld [tilespmem:s22+$0xFFFFFFA0]  }
0x3d6: {  	v22 =	vld [tilespmem:s1+$0xFFFFFFB8];
	[tilespmem:$0x1F4A0] =	vst v23  }
0x3d7: {  	v24 =	vld [tilespmem:$0x1DFB8];
	_ =	sdelay $0x2  }
0x3d8: {  	v19 =	vadd.f32 $1.000000000e+00, v19  }
0x3d9: {  	v15 =	vadd.f32 v15, v20  }
0x3da: {  	v13 =	vld [tilespmem:s2+$0xFFFFFFB8];
	[tilespmem:$0x1F490] =	vst v24  }
0x3db: {  	v15 =	vadd.f32 v17, v15;
	v17 =	vmul.f32 v18, v54;
	v24 =	vpop (erf);
	[tilespmem:s25+$0x60] =	vst v23;
	v23 =	vld [tilespmem:s30+$0xFFFFFFC0]  }
0x3dc: {  	v21 =	vmul.f32 v21, v12;
	(erf) = vrcp.f32 v19;
	v19 =	vpop (erf);
	v20 =	vld [tilespmem:s3+$0x70]  }
0x3dd: {  	v15 =	vadd.f32 v17, v15;
	v25 =	vld [tilespmem:s4+$0x70];
	v17 =	vmul.f32 v19, v14  }
0x3de: {  	v18 =	vld [tilespmem:s13+$0x70];
	[tilespmem:$0x1F510] =	vst v21  }
0x3df: {  	v12 =	vld [tilespmem:$0x1DF58];
	[tilespmem:$0x1F590] =	vst v17  }
0x3e0: {  	v19 =	vld [tilespmem:$0x1DF98];
	_ =	sdelay $0x2  }
0x3e1: {  	v20 =	vadd.f32 v25, v20  }
0x3e2: {  	v24 =	vadd.f32 $1.000000000e+00, v24;
	[tilespmem:s25+$0xFFFFFFC8] =	vst v21  }
0x3e3: {  	v14 =	vld [tilespmem:$0x1DF28];
	v12 =	vmul.f32 v12, v52;
	v18 =	vadd.f32 v18, v20;
	[tilespmem:$0x1F580] =	vst v19  }
0x3e4: {  	(erf) = vrcp.f32 v24;
	v19 =	vld [tilespmem:s3+$0xFFFFFFD8]  }
0x3e5: {  	[tilespmem:s14+$0x40] =	vst v17;
	v17 =	vsub.f32 $0.0e+00, v15;
	v18 =	vadd.f32 v12, v18;
	v12 =	vld [tilespmem:s4+$0xFFFFFFD8]  }
0x3e6: {  	v13 =	vadd.f32 v13, v22;
	v21 =	vld [tilespmem:s1+$0x50]  }
0x3e7: {  	v22 =	vld [tilespmem:s2+$0x50];
	v17 =	vmul.f32 $1.442695020e+00, v17  }
0x3e8: {  	v13 =	vadd.f32 v23, v13;
	v23 =	vpop (erf);
	v20 =	vld [tilespmem:s30+$0x50]  }
0x3e9: {  	(erf) = vpow2.f32 v17;
	v17 =	vld [tilespmem:$0x1DF38];
	[tilespmem:$0x1F420] =	vst v23  }
0x3ea: {  	v24 =	vld [tilespmem:$0x1DF78]  }
0x3eb: {  	v14 =	vmul.f32 v14, v60;
	_ =	sdelay $0x1  }
0x3ec: {  	v13 =	vadd.f32 v14, v13;
	v23 =	vpop (erf)  }
0x3ed: {  	v14 =	vld [tilespmem:s13+$0xFFFFFFE0];
	v59 =	vmul.f32 v23, v16;
	v16 =	vsub.f32 $0.0e+00, v18;
	v21 =	vadd.f32 v22, v21  }
0x3ee: {  	v23 =	vsub.f32 $0.0e+00, v13;
	v22 =	vld [tilespmem:$0x1DF48];
	[tilespmem:$0x1F5F0] =	vst v24  }
0x3ef: {  	v16 =	vmul.f32 $1.442695020e+00, v16;
	v20 =	vadd.f32 v20, v21;
	v17 =	vmul.f32 v17, v61;
	[tilespmem:s8+$0x20] =	vst v59  }
0x3f0: {  	v21 =	vmul.f32 $1.442695020e+00, v23;
	v23 =	vld [tilespmem:s29+$0x30]  }
0x3f1: {  	v12 =	vadd.f32 v12, v19;
	(erf) = vpow2.f32 v16;
	v16 =	vadd.f32 v17, v20;
	v17 =	vld [tilespmem:s7+$0x30]  }
0x3f2: {  	v19 =	vld [tilespmem:s22+$0x30]  }
0x3f3: {  	v12 =	vadd.f32 v14, v12;
	v14 =	vmul.f32 v22, v47;
	v22 =	vld [tilespmem:$0x1DF18]  }
0x3f4: {  	(erf) = vpow2.f32 v21  }
0x3f5: {  	v20 =	vpop (erf);
	v21 =	vsub.f32 $0.0e+00, v16  }
0x3f6: {  	v20 =	vadd.f32 $1.000000000e+00, v20;
	v17 =	vadd.f32 v17, v23  }
0x3f7: {  	v12 =	vadd.f32 v14, v12;
	v14 =	vmul.f32 $1.442695020e+00, v21  }
0x3f8: {  	(erf) = vrcp.f32 v20;
	v17 =	vadd.f32 v19, v17;
	v19 =	vmul.f32 v22, v41  }
0x3f9: {  	(erf) = vpow2.f32 v14;
	v14 =	vsub.f32 $0.0e+00, v12;
	_ =	sdelay $0x1  }
0x3fa: {  	v14 =	vmul.f32 $1.442695020e+00, v14;
	v17 =	vadd.f32 v19, v17  }
0x3fb: {  	v19 =	vpop (erf)  }
0x3fc: {  	(erf) = vpow2.f32 v14;
	v20 =	vsub.f32 $0.0e+00, v17;
	v14 =	vadd.f32 $1.000000000e+00, v19;
	v19 =	vpop (erf)  }
0x3fd: {  	v19 =	vadd.f32 $1.000000000e+00, v19  }
0x3fe: {  	(erf) = vrcp.f32 v14;
	v14 =	vmul.f32 $1.442695020e+00, v20;
	_ =	sdelay $0x2  }
0x3ff: {  	(erf) = vrcp.f32 v19;
	v19 =	vpop (erf)  }
0x400: {  	(erf) = vpow2.f32 v14;
	v14 =	vpop (erf)  }
0x401: {  	v14 =	vadd.f32 $1.000000000e+00, v14;
	_ =	sdelay $0x1  }
0x402: {  	(erf) = vrcp.f32 v14;
	v14 =	vld [tilespmem:$0x1DF78];
	_ =	sdelay $0x4  }
0x403: {  	[tilespmem:$0x1F4E0] =	vst v14  }
0x404: {  	v23 =	vmul.f32 v19, v15;
	v15 =	vld [tilespmem:$0x1DF98];
	_ =	sdelay $0x4  }
0x405: {  	[tilespmem:$0x1F500] =	vst v15  }
0x406: {  	v15 =	vld [tilespmem:$0x1DFB8];
	_ =	sdelay $0x3  }
0x407: {  	v14 =	vpop (erf);
	[tilespmem:s8+$0xFFFFFF98] =	vst v23  }
0x408: {  	[tilespmem:$0x1F520] =	vst v15;
	v15 =	vpop (erf)  }
0x409: {  	[tilespmem:$0x1F440] =	vst v15;
	v15 =	vpop (erf)  }
0x40a: {  	v19 =	vpop (erf)  }
0x40b: {  	v19 =	vadd.f32 $1.000000000e+00, v19  }
0x40c: {  	v14 =	vadd.f32 $1.000000000e+00, v14;
	_ =	sdelay $0x1  }
0x40d: {  	(erf) = vrcp.f32 v14;
	v14 =	vld [tilespmem:s29+$0xFFFFFFA8]  }
0x40e: {  	v20 =	vmul.f32 v15, v13;
	v13 =	vld [tilespmem:s7+$0xFFFFFFA8];
	(erf) = vrcp.f32 v19;
	v19 =	vpop (erf)  }
0x40f: {  	v25 =	vmul.f32 v19, v16;
	v19 =	vld [tilespmem:$0x1DFA8]  }
0x410: {  	v15 =	vld [tilespmem:s22+$0xFFFFFFB0]  }
0x411: {  	v21 =	vld [tilespmem:$0x1DF18];
	[tilespmem:s14+$0xFFFFFFB8] =	vst v20  }
0x412: {  	v22 =	vld [tilespmem:s1+$0xFFFFFFC8]  }
0x413: {  	v24 =	vld [tilespmem:s2+$0xFFFFFFC8]  }
0x414: {  	v16 =	vld [tilespmem:s30+$0xFFFFFFD0];
	[tilespmem:$0x1F5A0] =	vst v19  }
0x415: {  	[tilespmem:s14+$0x50] =	vst v25;
	v27 =	vld [tilespmem:$0x1DF38]  }
0x416: {  	v19 =	vpop (erf);
	v28 =	vld [tilespmem:s1+$0x60]  }
0x417: {  	v13 =	vadd.f32 v13, v14;
	v19 =	vmul.f32 v19, v12;
	v30 =	vpop (erf);
	v12 =	vld [tilespmem:s2+$0x60]  }
0x418: {  	v58 =	vmul.f32 v30, v17;
	v30 =	vld [tilespmem:$0x1DF88]  }
0x419: {  	v13 =	vadd.f32 v15, v13;
	v15 =	vmul.f32 v21, v54;
	v14 =	vld [tilespmem:s30+$0x60]  }
0x41a: {  	v21 =	vld [tilespmem:$0x1DF48];
	[tilespmem:s25+$0xFFFFFFD8] =	vst v19  }
0x41b: {  	v13 =	vadd.f32 v15, v13;
	v29 =	vld [tilespmem:s3+$0xFFFFFFE8]  }
0x41c: {  	v15 =	vld [tilespmem:s4+$0xFFFFFFE8]  }
0x41d: {  	v22 =	vadd.f32 v24, v22;
	v24 =	vsub.f32 $0.0e+00, v13;
	v17 =	vld [tilespmem:s13+$0xFFFFFFF0];
	[tilespmem:$0x1F610] =	vst v30  }
0x41e: {  	v12 =	vadd.f32 v12, v28;
	[tilespmem:s8+$0x30] =	vst v58;
	v28 =	vld [tilespmem:$0x1DF58]  }
0x41f: {  	v16 =	vadd.f32 v16, v22;
	v24 =	vmul.f32 $1.442695020e+00, v24;
	v22 =	vmul.f32 v27, v60;
	v27 =	vld [tilespmem:s29+$0x40]  }
0x420: {  	v12 =	vadd.f32 v14, v12;
	v14 =	vmul.f32 v21, v61;
	v21 =	vld [tilespmem:s7+$0x40]  }
0x421: {  	(erf) = vpow2.f32 v24;
	v16 =	vadd.f32 v22, v16;
	v22 =	vld [tilespmem:s22+$0x40]  }
0x422: {  	v12 =	vadd.f32 v14, v12;
	v14 =	vld [tilespmem:$0x1DF28];
	_ =	sdelay $0x1  }
0x423: {  	v15 =	vadd.f32 v15, v29;
	v24 =	vsub.f32 $0.0e+00, v16  }
0x424: {  	v21 =	vadd.f32 v21, v27  }
0x425: {  	v15 =	vadd.f32 v17, v15;
	v24 =	vmul.f32 $1.442695020e+00, v24;
	v17 =	vmul.f32 v28, v47  }
0x426: {  	v29 =	vsub.f32 $0.0e+00, v12;
	v21 =	vadd.f32 v22, v21;
	v14 =	vmul.f32 v14, v41  }
0x427: {  	(erf) = vpow2.f32 v24  }
0x428: {  	v27 =	vmul.f32 $1.442695020e+00, v29;
	v14 =	vadd.f32 v14, v21  }
0x429: {  	v15 =	vadd.f32 v17, v15;
	v17 =	vpop (erf)  }
0x42a: {  	(erf) = vpow2.f32 v27;
	v17 =	vadd.f32 $1.000000000e+00, v17;
	v22 =	vsub.f32 $0.0e+00, v14  }
0x42b: {  	v21 =	vsub.f32 $0.0e+00, v15  }
0x42c: {  	(erf) = vrcp.f32 v17;
	v17 =	vmul.f32 $1.442695020e+00, v22  }
0x42d: {  	v21 =	vmul.f32 $1.442695020e+00, v21;
	_ =	sdelay $0x1  }
0x42e: {  	(erf) = vpow2.f32 v21  }
0x42f: {  	(erf) = vpow2.f32 v17;
	v17 =	vpop (erf)  }
0x430: {  	v17 =	vadd.f32 $1.000000000e+00, v17;
	_ =	sdelay $0x1  }
0x431: {  	v21 =	vpop (erf)  }
0x432: {  	(erf) = vrcp.f32 v17  }
0x433: {  	v21 =	vadd.f32 $1.000000000e+00, v21;
	v17 =	vpop (erf)  }
0x434: {  	v17 =	vmul.f32 v17, v13;
	v13 =	vld [tilespmem:$0x1DF88]  }
0x435: {  	(erf) = vrcp.f32 v21;
	_ =	sdelay $0x1  }
0x436: {  	v21 =	vpop (erf)  }
0x437: {  	v22 =	vpop (erf)  }
0x438: {  	v22 =	vadd.f32 $1.000000000e+00, v22;
	[tilespmem:$0x1F530] =	vst v13  }
0x439: {  	v27 =	vld [tilespmem:$0x1DFB8]  }
0x43a: {  	(erf) = vrcp.f32 v22;
	_ =	sdelay $0x1  }
0x43b: {  	[tilespmem:s8+$0xFFFFFFA8] =	vst v17;
	v13 =	vpop (erf)  }
0x43c: {  	v22 =	vld [tilespmem:s29+$0xFFFFFFB8];
	v24 =	vpop (erf)  }
0x43d: {  	v24 =	vmul.f32 v24, v12;
	v12 =	vld [tilespmem:s7+$0xFFFFFFB8];
	[tilespmem:$0x1F5B0] =	vst v27  }
0x43e: {  	v27 =	vld [tilespmem:s22+$0xFFFFFFC0]  }
0x43f: {  	[tilespmem:s14+$0x60] =	vst v24;
	v45 =	vld [tilespmem:$0x1DF98]  }
0x440: {  	v28 =	vld [tilespmem:s1+$0x70]  }
0x441: {  	v29 =	vld [tilespmem:s2+$0x70]  }
0x442: {  	v30 =	vld [tilespmem:s30+$0x70];
	v40 =	vpop (erf)  }
0x443: {  	v31 =	vld [tilespmem:$0x1DF58];
	v47 =	vmul.f32 v40, v14  }
0x444: {  	v14 =	vld [tilespmem:$0x1DF28];
	[tilespmem:$0x1F620] =	vst v45  }
0x445: {  	[tilespmem:s8+$0x40] =	vst v47  }
0x446: {  	v28 =	vadd.f32 v29, v28;
	v29 =	vld [tilespmem:s29+$0x50]  }
0x447: {  	v12 =	vadd.f32 v12, v22;
	v22 =	vld [tilespmem:s7+$0x50]  }
0x448: {  	v16 =	vmul.f32 v13, v16;
	v13 =	vadd.f32 v30, v28;
	v28 =	vmul.f32 v31, v61;
	v30 =	vld [tilespmem:s22+$0x50]  }
0x449: {  	v12 =	vadd.f32 v27, v12;
	v27 =	vmul.f32 v14, v54;
	v31 =	vld [tilespmem:$0x1DF38]  }
0x44a: {  	v49 =	vld [tilespmem:$0x1DFA8];
	[tilespmem:s14+$0xFFFFFFC8] =	vst v16;
	v14 =	vadd.f32 v28, v13  }
0x44b: {  	v12 =	vadd.f32 v27, v12;
	v27 =	vld [tilespmem:s2+$0xFFFFFFD8]  }
0x44c: {  	v13 =	vld [tilespmem:s1+$0xFFFFFFD8];
	v22 =	vadd.f32 v22, v29;
	v28 =	vsub.f32 $0.0e+00, v14  }
0x44d: {  	v21 =	vadd.f32 $1.000000000e+00, v21;
	v46 =	vsub.f32 $0.0e+00, v12;
	v29 =	vld [tilespmem:s30+$0xFFFFFFE0]  }
0x44e: {  	v22 =	vadd.f32 v30, v22;
	v28 =	vmul.f32 $1.442695020e+00, v28;
	v30 =	vmul.f32 v31, v41;
	v31 =	vld [tilespmem:$0x1DF48]  }
0x44f: {  	(erf) = vrcp.f32 v21;
	v21 =	vmul.f32 $1.442695020e+00, v46  }
0x450: {  	(erf) = vpow2.f32 v28  }
0x451: {  	v13 =	vadd.f32 v27, v13;
	v22 =	vadd.f32 v30, v22;
	(erf) = vpow2.f32 v21;
	_ =	sdelay $0x1  }
0x452: {  	v13 =	vadd.f32 v29, v13;
	v21 =	vsub.f32 $0.0e+00, v22;
	v27 =	vmul.f32 v31, v60;
	_ =	sdelay $0x1  }
0x453: {  	v21 =	vmul.f32 $1.442695020e+00, v21;
	v13 =	vadd.f32 v27, v13;
	_ =	sdelay $0x1  }
0x454: {  	(erf) = vpow2.f32 v21;
	v21 =	vsub.f32 $0.0e+00, v13  }
0x455: {  	v28 =	vpop (erf)  }
0x456: {  	v21 =	vmul.f32 $1.442695020e+00, v21;
	v27 =	vpop (erf)  }
0x457: {  	v27 =	vadd.f32 $1.000000000e+00, v27;
	v29 =	vpop (erf)  }
0x458: {  	(erf) = vpow2.f32 v21;
	v21 =	vadd.f32 $1.000000000e+00, v29  }
0x459: {  	(erf) = vrcp.f32 v27  }
0x45a: {  	(erf) = vrcp.f32 v21;
	_ =	sdelay $0x2  }
0x45b: {  	v21 =	vpop (erf)  }
0x45c: {  	v21 =	vadd.f32 $1.000000000e+00, v21;
	_ =	sdelay $0x1  }
0x45d: {  	(erf) = vrcp.f32 v21  }
0x45e: {  	v27 =	vpop (erf)  }
0x45f: {  	v21 =	vpop (erf)  }
0x460: {  	v29 =	vpop (erf)  }
0x461: {  	v61 =	vmul.f32 v29, v12;
	v12 =	vld [tilespmem:$0x1DF98];
	_ =	sdelay $0x4  }
0x462: {  	[tilespmem:$0x1F600] =	vst v12;
	v12 =	vadd.f32 $1.000000000e+00, v27;
	v27 =	vpop (erf)  }
0x463: {  	v27 =	vmul.f32 v27, v22;
	v22 =	vld [tilespmem:$0x1DFA8];
	_ =	sdelay $0x1  }
0x464: {  	[tilespmem:s8+$0xFFFFFFB8] =	vst v61  }
0x465: {  	v29 =	vld [tilespmem:s29+$0xFFFFFFC8]  }
0x466: {  	v30 =	vld [tilespmem:s7+$0xFFFFFFC8]  }
0x467: {  	(erf) = vrcp.f32 v12;
	v12 =	vld [tilespmem:s22+$0xFFFFFFD0];
	[tilespmem:$0x1F640] =	vst v22  }
0x468: {  	[tilespmem:s8+$0x50] =	vst v27  }
0x469: {  	v31 =	vld [tilespmem:s29+$0x60]  }
0x46a: {  	v52 =	vld [tilespmem:s7+$0x60]  }
0x46b: {  	v22 =	vld [tilespmem:$0x1DF38]  }
0x46c: {  	v36 =	vld [tilespmem:s22+$0x60];
	_ =	sdelay $0x2  }
0x46d: {  	v29 =	vadd.f32 v30, v29;
	v30 =	vadd.f32 v52, v31  }
0x46e: {  	v37 =	vld [tilespmem:$0x1DF48];
	v31 =	vpop (erf)  }
0x46f: {  	v46 =	vmul.f32 v31, v13;
	v13 =	vmul.f32 v22, v54;
	v22 =	vadd.f32 v36, v30;
	v30 =	vld [tilespmem:$0x1DFB8];
	_ =	sdelay $0x3  }
0x470: {  	v12 =	vadd.f32 v12, v29  }
0x471: {  	v29 =	vmul.f32 v37, v41;
	[tilespmem:$0x1F630] =	vst v30  }
0x472: {  	v30 =	vadd.f32 v13, v12;
	[tilespmem:s14+$0xFFFFFFD8] =	vst v46  }
0x473: {  	v13 =	vadd.f32 v29, v22;
	v12 =	vld [tilespmem:s1+$0xFFFFFFE8]  }
0x474: {  	v22 =	vld [tilespmem:s2+$0xFFFFFFE8];
	v29 =	vsub.f32 $0.0e+00, v30  }
0x475: {  	v31 =	vld [tilespmem:s30+$0xFFFFFFF0];
	v39 =	vsub.f32 $0.0e+00, v13  }
0x476: {  	v40 =	vld [tilespmem:$0x1DF58];
	v29 =	vmul.f32 $1.442695020e+00, v29  }
0x477: {  	v32 =	vmul.f32 $1.442695020e+00, v39  }
0x478: {  	(erf) = vpow2.f32 v29  }
0x479: {  	v12 =	vadd.f32 v22, v12;
	(erf) = vpow2.f32 v32;
	_ =	sdelay $0x1  }
0x47a: {  	v22 =	vmul.f32 v40, v60;
	v12 =	vadd.f32 v31, v12;
	_ =	sdelay $0x1  }
0x47b: {  	v12 =	vadd.f32 v22, v12;
	_ =	sdelay $0x1  }
0x47c: {  	v22 =	vsub.f32 $0.0e+00, v12;
	_ =	sdelay $0x1  }
0x47d: {  	v22 =	vmul.f32 $1.442695020e+00, v22;
	v29 =	vpop (erf)  }
0x47e: {  	v29 =	vadd.f32 $1.000000000e+00, v29;
	v31 =	vpop (erf)  }
0x47f: {  	(erf) = vpow2.f32 v22;
	v22 =	vadd.f32 $1.000000000e+00, v31  }
0x480: {  	(erf) = vrcp.f32 v29  }
0x481: {  	(erf) = vrcp.f32 v22;
	_ =	sdelay $0x6  }
0x482: {  	v29 =	vpop (erf)  }
0x483: {  	v31 =	vpop (erf)  }
0x484: {  	v22 =	vpop (erf);
	v60 =	vmul.f32 v31, v30  }
0x485: {  	v13 =	vmul.f32 v22, v13  }
0x486: {  	v52 =	vld [tilespmem:$0x1DFA8];
	[tilespmem:s8+$0xFFFFFFC8] =	vst v60  }
0x487: {  	v22 =	vld [tilespmem:$0x1DFB8];
	[tilespmem:s8+$0x60] =	vst v13  }
0x488: {  	v45 =	vld [tilespmem:$0x1FBA0]  }
0x489: {  	v40 =	vld [tilespmem:$0x1FBC0];
	_ =	sdelay $0x3  }
0x48a: {  	v34 =	vld [tilespmem:s29+$0xFFFFFFD8]  }
0x48b: {  	v36 =	vmul.f32 v45, v40;
	v40 =	vld [tilespmem:$0x1FBD0]  }
0x48c: {  	v45 =	vld [tilespmem:$0x1FC50]  }
0x48d: {  	v32 =	vld [tilespmem:s29+$0x70]  }
0x48e: {  	v30 =	vld [tilespmem:s7+$0x70]  }
0x48f: {  	v35 =	vld [tilespmem:s7+$0xFFFFFFD8]  }
0x490: {  	v31 =	vld [tilespmem:s22+$0x70]  }
0x491: {  	v33 =	vld [tilespmem:$0x1DF58];
	v36 =	vadd.f32 $0.0e+00, v36;
	v40 =	vmul.f32 v40, v45  }
0x492: {  	v45 =	vld [tilespmem:$0x1FC60]  }
0x493: {  	v30 =	vadd.f32 v30, v32;
	v32 =	vadd.f32 v40, v36;
	v40 =	vld [tilespmem:$0x1FCD0];
	_ =	sdelay $0x3  }
0x494: {  	v30 =	vadd.f32 v31, v30;
	v31 =	vmul.f32 v33, v41;
	v41 =	vld [tilespmem:$0x1FCE0]  }
0x495: {  	v34 =	vadd.f32 v35, v34;
	v35 =	vmul.f32 v45, v40;
	v45 =	vld [tilespmem:$0x1FDC0];
	_ =	sdelay $0x1  }
0x496: {  	v37 =	vld [tilespmem:s22+$0xFFFFFFE0]  }
0x497: {  	v39 =	vld [tilespmem:$0x1DF48]  }
0x498: {  	v30 =	vadd.f32 v31, v30;
	v31 =	vld [tilespmem:$0x1F360]  }
0x499: {  	v33 =	vmul.f32 v41, v45;
	v41 =	vld [tilespmem:$0x1F340]  }
0x49a: {  	v45 =	vld [tilespmem:$0x1F350];
	_ =	sdelay $0x3  }
0x49b: {  	v34 =	vadd.f32 v37, v34;
	v11 =	vmul.f32 v31, v11;
	v40 =	vmul.f32 v39, v54  }
0x49c: {  	v32 =	vadd.f32 v35, v32;
	v35 =	vmul.f32 v45, v41  }
0x49d: {  	v39 =	vld [tilespmem:$0x1FDD0];
	v31 =	vadd.f32 v40, v34;
	[tilespmem:s15+$0xFFFFFFE8] =	vst v11  }
0x49e: {  	v34 =	vld [tilespmem:$0x1DFC8];
	[tilespmem:s16+$0x70] =	vst v35  }
0x49f: {  	v29 =	vadd.f32 $1.000000000e+00, v29;
	v45 =	vsub.f32 $0.0e+00, v31;
	v41 =	vld [tilespmem:$0x1F370];
	_ =	sdelay $0x1  }
0x4a0: {  	(erf) = vrcp.f32 v29;
	v29 =	vmul.f32 $1.442695020e+00, v45;
	v45 =	vld [tilespmem:$0x1F380]  }
0x4a1: {  	v2 =	vmul.f32 v39, v2;
	v32 =	vadd.f32 v33, v32  }
0x4a2: {  	v40 =	vsub.f32 $0.0e+00, v30;
	v36 =	vld [tilespmem:$0x1DFD8]  }
0x4a3: {  	v2 =	vadd.f32 v2, v32;
	v32 =	vmul.f32 v63, v41;
	v63 =	vld [tilespmem:$0x1F390]  }
0x4a4: {  	v33 =	vmul.f32 $1.442695020e+00, v40  }
0x4a5: {  	v39 =	vld [tilespmem:$0x1DFD8];
	v2 =	vadd.f32 v32, v2;
	v32 =	vmul.f32 v45, v34  }
0x4a6: {  	(erf) = vpow2.f32 v33  }
0x4a7: {  	(erf) = vpow2.f32 v29;
	v29 =	vmul.f32 v35, v36;
	v2 =	vadd.f32 v32, v2  }
0x4a8: {  	v10 =	vmul.f32 v10, v63  }
0x4a9: {  	v2 =	vadd.f32 v29, v2;
	v29 =	vld [tilespmem:$0x1F3B0]  }
0x4aa: {  	v5 =	vadd.f32 v10, v5;
	v10 =	vmul.f32 v11, v39;
	v11 =	vld [tilespmem:$0x1F3A0];
	_ =	sdelay $0x2  }
0x4ab: {  	v37 =	vld [tilespmem:$0x1F3E0]  }
0x4ac: {  	v5 =	vadd.f32 v10, v5;
	v10 =	vld [tilespmem:$0x1F3D0]  }
0x4ad: {  	v11 =	vmul.f32 v29, v11;
	v29 =	vld [tilespmem:$0x1F3C0];
	_ =	sdelay $0x1  }
0x4ae: {  	v9 =	vadd.f32 v11, v9;
	v11 =	vperm.xlane v5, v44;
	_ =	sdelay $0x1  }
0x4af: {  	v10 =	vmul.f32 v10, v37;
	v5 =	vadd.f32 v5, v11;
	v11 =	vld [tilespmem:$0x1F410]  }
0x4b0: {  	v29 =	vmul.f32 v56, v29  }
0x4b1: {  	v8 =	vadd.f32 v10, v8;
	v10 =	vld [tilespmem:$0x1F3F0]  }
0x4b2: {  	v7 =	vadd.f32 v29, v7;
	v29 =	vld [tilespmem:$0x1F400]  }
0x4b3: {  	v40 =	vld [tilespmem:$0x1FC80]  }
0x4b4: {  	v11 =	vmul.f32 v57, v11;
	v57 =	vld [tilespmem:$0x1FFF0]  }
0x4b5: {  	v39 =	vperm.xlane v2, v44;
	_ =	sdelay $0x1  }
0x4b6: {  	v45 =	vld [tilespmem:$0x1F420];
	v10 =	vmul.f32 v10, v29;
	v29 =	vadd.f32 v2, v39  }
0x4b7: {  	v63 =	vld [tilespmem:$0x1FDE0];
	v2 =	vpop (erf)  }
0x4b8: {  	v32 =	vmul.f32 v40, v50;
	v56 =	vld [tilespmem:$0x1FD30];
	v41 =	vpop (erf);
	v50 =	vperm.xlane v29, v57  }
0x4b9: {  	v33 =	vadd.f32 $1.000000000e+00, v41;
	v41 =	vld [tilespmem:$0x1FDF0]  }
0x4ba: {  	v29 =	vadd.f32 v29, v50;
	v50 =	vld [tilespmem:$0x1F440]  }
0x4bb: {  	v34 =	vmul.f32 v45, v55  }
0x4bc: {  	v45 =	vld [tilespmem:$0x1F430]  }
0x4bd: {  	v35 =	vld [tilespmem:$0x1DFC8];
	v32 =	vadd.f32 $0.0e+00, v32;
	v37 =	vmul.f32 v56, v63;
	v55 =	vpop (erf);
	[tilespmem:s16+$0xFFFFFFE8] =	vst v34  }
0x4be: {  	v36 =	vadd.f32 $1.000000000e+00, v55;
	v55 =	vld [tilespmem:$0x1FB40]  }
0x4bf: {  	v32 =	vadd.f32 v37, v32;
	v3 =	vmul.f32 v41, v3;
	v18 =	vmul.f32 v50, v18;
	v50 =	vld [tilespmem:$0x1FFC0];
	_ =	sdelay $0x1  }
0x4c0: {  	v0 =	vmul.f32 v0, v45;
	v3 =	vadd.f32 v3, v32  }
0x4c1: {  	v41 =	vld [tilespmem:$0x1FFE0]  }
0x4c2: {  	v40 =	vperm.xlane v5, v57;
	v0 =	vadd.f32 v0, v3;
	v3 =	vld [tilespmem:$0x1F450]  }
0x4c3: {  	v32 =	vmul.f32 v50, v55;
	v55 =	vld [tilespmem:$0x1F460]  }
0x4c4: {  	v5 =	vadd.f32 v5, v40  }
0x4c5: {  	v39 =	vld [tilespmem:$0x1DFC8]  }
0x4c6: {  	v45 =	vld [tilespmem:$0x1FF90];
	v63 =	vperm.xlane v5, v41  }
0x4c7: {  	v9 =	vadd.f32 v11, v9;
	v11 =	vld [tilespmem:$0x1FB50];
	v56 =	vperm.xlane v29, v41;
	[tilespmem:s25+$0x70] =	vst v18  }
0x4c8: {  	(erf) = vrcp.f32 v33;
	v33 =	vadd.f32 v5, v63;
	v5 =	vld [tilespmem:$0x1F470];
	v3 =	vmul.f32 v3, v55  }
0x4c9: {  	v29 =	vadd.f32 v29, v56;
	v56 =	vld [tilespmem:$0x1F490]  }
0x4ca: {  	v0 =	vadd.f32 v3, v0;
	v3 =	vld [tilespmem:$0x1F480];
	_ =	sdelay $0x1  }
0x4cb: {  	v55 =	vld [tilespmem:$0x1FFD0];
	_ =	sdelay $0x1  }
0x4cc: {  	(erf) = vrcp.f32 v36;
	v36 =	vld [tilespmem:$0x1DFD8];
	v5 =	vmul.f32 v5, v35  }
0x4cd: {  	v40 =	vld [tilespmem:$0x1F4B0];
	v3 =	vmul.f32 v3, v56  }
0x4ce: {  	v8 =	vadd.f32 v5, v8;
	v5 =	vld [tilespmem:$0x1FB80]  }
0x4cf: {  	v63 =	vperm.xlane v29, v55;
	v0 =	vadd.f32 v3, v0;
	v3 =	vld [tilespmem:$0x1F4A0]  }
0x4d0: {  	v56 =	vld [tilespmem:$0x1FFA0]  }
0x4d1: {  	v29 =	vadd.f32 v29, v63;
	v63 =	vld [tilespmem:$0x1F4C0]  }
0x4d2: {  	v11 =	vmul.f32 v45, v11;
	_ =	sdelay $0x1  }
0x4d3: {  	v11 =	vadd.f32 v11, v32;
	v32 =	vld [tilespmem:$0x1DFD8];
	v3 =	vmul.f32 v3, v39  }
0x4d4: {  	v34 =	vmul.f32 v34, v36;
	v36 =	vmul.f32 v56, v5;
	v5 =	vpop (erf)  }
0x4d5: {  	v35 =	vmul.f32 v40, v63;
	v40 =	vpop (erf);
	v63 =	vadd.f32 v3, v0;
	v3 =	vld [tilespmem:$0x1FAF0]  }
0x4d6: {  	v0 =	vmul.f32 v40, v31;
	v40 =	vld [tilespmem:$0x1FB00];
	_ =	sdelay $0x1  }
0x4d7: {  	v18 =	vmul.f32 v18, v32;
	v8 =	vadd.f32 v34, v8;
	_ =	sdelay $0x1  }
0x4d8: {  	v18 =	vadd.f32 v18, v63;
	v63 =	vperm.xlane v8, v44;
	v31 =	vmul.f32 v50, v3;
	v3 =	vld [tilespmem:$0x1DFB8];
	[tilespmem:s8+$0xFFFFFFD8] =	vst v0  }
0x4d9: {  	v34 =	vmul.f32 v45, v40;
	v40 =	vld [tilespmem:$0x1F4D0]  }
0x4da: {  	v8 =	vadd.f32 v8, v63;
	v63 =	vld [tilespmem:$0x1F4E0];
	_ =	sdelay $0x3  }
0x4db: {  	v39 =	vld [tilespmem:$0x1F4F0]  }
0x4dc: {  	v7 =	vadd.f32 v35, v7;
	v35 =	vmul.f32 v40, v63;
	v40 =	vld [tilespmem:$0x1FB10]  }
0x4dd: {  	v63 =	vld [tilespmem:$0x1F500];
	_ =	sdelay $0x1  }
0x4de: {  	v10 =	vadd.f32 $0.0e+00, v10  }
0x4df: {  	v29 =	vadd.f32 v29, v51  }
0x4e0: {  	v32 =	vperm.xlane v33, v55;
	v11 =	vadd.f32 v36, v11;
	v10 =	vadd.f32 v35, v10;
	v35 =	vld [tilespmem:$0x1F510]  }
0x4e1: {  	v31 =	vadd.f32 v34, v31;
	v36 =	vmul.f32 v56, v40;
	v39 =	vmul.f32 v39, v63;
	v63 =	vld [tilespmem:$0x1F520]  }
0x4e2: {  	v11 =	vmul.f32 v29, v11;
	v29 =	vadd.f32 v33, v32;
	v33 =	vperm.xlane v18, v44  }
0x4e3: {  	v31 =	vadd.f32 v36, v31;
	v36 =	vld [tilespmem:$0x1F530]  }
0x4e4: {  	v18 =	vadd.f32 v18, v33;
	_ =	sdelay $0x1  }
0x4e5: {  	v35 =	vmul.f32 v35, v63;
	v63 =	vperm.xlane v18, v57;
	_ =	sdelay $0x1  }
0x4e6: {  	v23 =	vmul.f32 v23, v36;
	v18 =	vadd.f32 v18, v63  }
0x4e7: {  	v32 =	vld [tilespmem:s29+$0xFFFFFFE8]  }
0x4e8: {  	v37 =	vld [tilespmem:s22+$0xFFFFFFF0];
	v10 =	vadd.f32 v23, v10;
	v23 =	vperm.xlane v18, v41  }
0x4e9: {  	v34 =	vld [tilespmem:s7+$0xFFFFFFE8]  }
0x4ea: {  	v18 =	vadd.f32 v18, v23;
	v23 =	vld [tilespmem:$0x1FE30]  }
0x4eb: {  	v40 =	vld [tilespmem:$0x1DF58]  }
0x4ec: {  	v63 =	vld [tilespmem:$0x1F540];
	_ =	sdelay $0x1  }
0x4ed: {  	v20 =	vmul.f32 v20, v49;
	v32 =	vadd.f32 v34, v32  }
0x4ee: {  	v15 =	vmul.f32 v28, v15;
	v29 =	vadd.f32 v29, v51;
	v28 =	vld [tilespmem:$0x1FC00];
	v6 =	vmul.f32 v23, v6  }
0x4ef: {  	v33 =	vperm.xlane v8, v57;
	v32 =	vadd.f32 v37, v32;
	v9 =	vadd.f32 v39, v9;
	v23 =	vld [tilespmem:$0x1FBF0]  }
0x4f0: {  	v49 =	vmul.f32 v40, v54;
	v54 =	vld [tilespmem:$0x1DFC8];
	v4 =	vmul.f32 v4, v63;
	[tilespmem:s25+$0xFFFFFFE8] =	vst v15;
	v6 =	vadd.f32 $0.0e+00, v6  }
0x4f1: {  	v8 =	vadd.f32 v8, v33;
	v9 =	vadd.f32 v20, v9;
	v37 =	vld [tilespmem:$0x1F560]  }
0x4f2: {  	v20 =	vadd.f32 v49, v32;
	v4 =	vadd.f32 v4, v6;
	v6 =	vld [tilespmem:$0x1F550]  }
0x4f3: {  	v28 =	vmul.f32 v45, v28;
	v39 =	vperm.xlane v8, v41  }
0x4f4: {  	v29 =	vmul.f32 v29, v31;
	v31 =	vsub.f32 $0.0e+00, v20;
	v23 =	vmul.f32 v50, v23  }
0x4f5: {  	v8 =	vadd.f32 v8, v39  }
0x4f6: {  	v23 =	vadd.f32 v28, v23;
	v28 =	vmul.f32 $1.442695020e+00, v31;
	v31 =	vperm.xlane v18, v55  }
0x4f7: {  	v7 =	vadd.f32 v35, v7;
	v19 =	vmul.f32 v19, v54;
	v40 =	vld [tilespmem:$0x1F580];
	v6 =	vmul.f32 v6, v37  }
0x4f8: {  	v18 =	vadd.f32 v18, v31;
	(erf) = vpow2.f32 v28;
	v28 =	vperm.xlane v8, v55;
	v31 =	vld [tilespmem:$0x1F570]  }
0x4f9: {  	v7 =	vadd.f32 v19, v7;
	v19 =	vld [tilespmem:$0x1F590]  }
0x4fa: {  	v4 =	vadd.f32 v6, v4;
	v6 =	vadd.f32 v8, v28;
	v8 =	vmul.f32 v21, v14;
	v21 =	vld [tilespmem:$0x1F5A0];
	_ =	sdelay $0x1  }
0x4fb: {  	v36 =	vld [tilespmem:$0x1DFD8]  }
0x4fc: {  	v39 =	vld [tilespmem:$0x1FC30];
	v31 =	vmul.f32 v31, v40  }
0x4fd: {  	v14 =	vld [tilespmem:$0x1DFC8]  }
0x4fe: {  	v28 =	vld [tilespmem:$0x1FB70];
	v4 =	vadd.f32 v31, v4;
	v19 =	vmul.f32 v19, v21  }
0x4ff: {  	v21 =	vld [tilespmem:$0x1FB60];
	[tilespmem:s14+$0x70] =	vst v8  }
0x500: {  	v4 =	vadd.f32 v19, v4;
	v19 =	vld [tilespmem:$0x1F5B0];
	_ =	sdelay $0x3  }
0x501: {  	v33 =	vmul.f32 v56, v39;
	v37 =	vld [tilespmem:$0x1FFB0]  }
0x502: {  	v15 =	vmul.f32 v15, v36;
	v19 =	vmul.f32 v25, v19;
	v25 =	vld [tilespmem:$0x1FB30]  }
0x503: {  	v23 =	vadd.f32 v33, v23;
	v18 =	vadd.f32 v18, v51  }
0x504: {  	v7 =	vadd.f32 v15, v7;
	v28 =	vmul.f32 v45, v28;
	v15 =	vld [tilespmem:$0x1FAE0];
	v21 =	vmul.f32 v50, v21  }
0x505: {  	v18 =	vmul.f32 v18, v23;
	v23 =	vld [tilespmem:$0x1FBE0]  }
0x506: {  	v21 =	vadd.f32 v28, v21;
	v28 =	vld [tilespmem:$0x1FB90]  }
0x507: {  	v25 =	vadd.s32 v37, v25;
	_ =	sdelay $0x1  }
0x508: {  	v15 =	vadd.s32 v37, v15  }
0x509: {  	v11 =	vadd.f32 v43, v11;
	v23 =	vadd.s32 v37, v23  }
0x50a: {  	v14 =	vmul.f32 v24, v14;
	v4 =	vadd.f32 v19, v4;
	v28 =	vmul.f32 v56, v28  }
0x50b: {  	v18 =	vadd.f32 v43, v18;
	v24 =	vld [tilespmem:$0x1FB20];
	v19 =	vadd.f32 v43, v29;
	[tilespmem:v25+s9+$0x0] =	vst.idx.msk vm0, v11  }
0x50c: {  	v29 =	vpop (erf);
	v4 =	vadd.f32 v14, v4;
	v14 =	vadd.f32 v28, v21;
	v21 =	vld [tilespmem:$0x1F5C0]  }
0x50d: {  	v11 =	vadd.f32 $1.000000000e+00, v29;
	v25 =	vld [tilespmem:$0x1F5D0];
	[tilespmem:v15+s9+$0x0] =	vst.idx.msk vm0, v19  }
0x50e: {  	v6 =	vadd.f32 v6, v51;
	v31 =	vld [tilespmem:$0x1DFD8];
	[tilespmem:v23+s9+$0x0] =	vst.idx.msk vm0, v18  }
0x50f: {  	(erf) = vrcp.f32 v11;
	v11 =	vld [tilespmem:$0x1F5E0]  }
0x510: {  	v6 =	vmul.f32 v6, v14;
	v14 =	vld [tilespmem:$0x1F5F0];
	_ =	sdelay $0x2  }
0x511: {  	v8 =	vmul.f32 v8, v31;
	v21 =	vmul.f32 v21, v25;
	_ =	sdelay $0x1  }
0x512: {  	v4 =	vadd.f32 v8, v4;
	v11 =	vmul.f32 v11, v14;
	v8 =	vadd.f32 $0.0e+00, v21;
	_ =	sdelay $0x1  }
0x513: {  	v8 =	vadd.f32 v11, v8;
	v11 =	vld [tilespmem:$0x1F610];
	_ =	sdelay $0x1  }
0x514: {  	v15 =	vperm.xlane v7, v44;
	v14 =	vld [tilespmem:$0x1F600];
	_ =	sdelay $0x1  }
0x515: {  	v7 =	vadd.f32 v7, v15;
	v15 =	vperm.xlane v4, v44  }
0x516: {  	v11 =	vmul.f32 v59, v11  }
0x517: {  	v4 =	vadd.f32 v4, v15;
	v15 =	vld [tilespmem:$0x1F620]  }
0x518: {  	v24 =	vadd.s32 v37, v24;
	v14 =	vmul.f32 v17, v14;
	v8 =	vadd.f32 v11, v8;
	v11 =	vld [tilespmem:$0x1F630]  }
0x519: {  	v2 =	vmul.f32 v2, v12;
	v12 =	vld [tilespmem:$0x1F640]  }
0x51a: {  	v10 =	vadd.f32 v14, v10;
	v14 =	vperm.xlane v7, v57  }
0x51b: {  	v5 =	vmul.f32 v5, v30;
	v6 =	vadd.f32 v43, v6  }
0x51c: {  	v15 =	vmul.f32 v58, v15;
	v7 =	vadd.f32 v7, v14;
	v14 =	vperm.xlane v4, v57  }
0x51d: {  	[tilespmem:v24+s9+$0x0] =	vst.idx.msk vm0, v6;
	v11 =	vmul.f32 v16, v11;
	v16 =	vld [tilespmem:$0x1DFC8]  }
0x51e: {  	v12 =	vmul.f32 v47, v12;
	v17 =	vld [tilespmem:$0x1DFC8];
	v8 =	vadd.f32 v15, v8;
	[tilespmem:s8+$0x70] =	vst v5  }
0x51f: {  	[tilespmem:s14+$0xFFFFFFE8] =	vst v2;
	v6 =	vadd.f32 v11, v9;
	v9 =	vld [tilespmem:$0x1DFD8]  }
0x520: {  	v4 =	vadd.f32 v4, v14;
	v19 =	vld [tilespmem:$0x1DFD8];
	v14 =	vpop (erf);
	v8 =	vadd.f32 v12, v8;
	v12 =	vmul.f32 v27, v22  }
0x521: {  	v14 =	vmul.f32 v14, v20;
	v15 =	vld [tilespmem:$0x1FBB0];
	v11 =	vperm.xlane v7, v41  }
0x522: {  	v8 =	vadd.f32 v12, v8;
	v12 =	vmul.f32 v13, v16;
	v13 =	vld [tilespmem:$0x1DFC8]  }
0x523: {  	v18 =	vperm.xlane v4, v41;
	v20 =	vld [tilespmem:$0x1FC10];
	v7 =	vadd.f32 v7, v11;
	v16 =	vmul.f32 v61, v52;
	[tilespmem:s8+$0xFFFFFFE8] =	vst v14  }
0x524: {  	v11 =	vmul.f32 v46, v17;
	v8 =	vadd.f32 v12, v8;
	v5 =	vmul.f32 v5, v9;
	v9 =	vld [tilespmem:$0x1DFD8]  }
0x525: {  	v3 =	vmul.f32 v60, v3;
	v4 =	vadd.f32 v4, v18;
	v10 =	vadd.f32 v16, v10  }
0x526: {  	v2 =	vmul.f32 v2, v19;
	v6 =	vadd.f32 v11, v6;
	v5 =	vadd.f32 v5, v8  }
0x527: {  	v16 =	vperm.xlane v4, v55;
	v3 =	vadd.f32 v3, v10;
	v0 =	vmul.f32 v0, v13  }
0x528: {  	v2 =	vadd.f32 v2, v6;
	v10 =	vperm.xlane v5, v44  }
0x529: {  	v12 =	vld [tilespmem:$0x1FDA0];
	v4 =	vadd.f32 v4, v16;
	v0 =	vadd.f32 v0, v3;
	v3 =	vmul.f32 v14, v9  }
0x52a: {  	v8 =	vld [tilespmem:$0x1FDB0];
	v5 =	vadd.f32 v5, v10  }
0x52b: {  	v10 =	vperm.xlane v2, v44;
	v0 =	vadd.f32 v3, v0;
	v3 =	vadd.f32 v4, v51;
	v4 =	vld [tilespmem:$0x1FC20];
	_ =	sdelay $0x1  }
0x52c: {  	v2 =	vadd.f32 v2, v10;
	v10 =	vld [tilespmem:$0x1FC40]  }
0x52d: {  	v12 =	vmul.f32 v50, v12;
	v9 =	vperm.xlane v7, v55  }
0x52e: {  	v8 =	vmul.f32 v45, v8;
	v11 =	vperm.xlane v5, v57  }
0x52f: {  	v20 =	vmul.f32 v50, v20;
	v7 =	vadd.f32 v7, v9;
	v4 =	vmul.f32 v45, v4  }
0x530: {  	v6 =	vadd.f32 v8, v12;
	v9 =	vperm.xlane v0, v44;
	v5 =	vadd.f32 v5, v11  }
0x531: {  	v8 =	vmul.f32 v56, v48;
	v10 =	vmul.f32 v56, v10;
	v4 =	vadd.f32 v4, v20  }
0x532: {  	v7 =	vadd.f32 v7, v51;
	v0 =	vadd.f32 v0, v9;
	v9 =	vperm.xlane v5, v41  }
0x533: {  	v6 =	vadd.f32 v8, v6;
	v8 =	vperm.xlane v2, v57;
	v4 =	vadd.f32 v10, v4  }
0x534: {  	v5 =	vadd.f32 v5, v9;
	v9 =	vld [tilespmem:$0x1F660]  }
0x535: {  	v2 =	vadd.f32 v2, v8;
	v8 =	vperm.xlane v0, v57;
	v4 =	vmul.f32 v7, v4;
	v7 =	vld [tilespmem:$0x1F650]  }
0x536: {  	v12 =	vld [tilespmem:$0x1FD90]  }
0x537: {  	v3 =	vmul.f32 v3, v6;
	v6 =	vperm.xlane v2, v41;
	v0 =	vadd.f32 v0, v8;
	_ =	sdelay $0x1  }
0x538: {  	v8 =	vperm.xlane v5, v55;
	v2 =	vadd.f32 v2, v6;
	v6 =	vperm.xlane v0, v41  }
0x539: {  	v9 =	vmul.f32 v45, v9;
	v7 =	vmul.f32 v50, v7  }
0x53a: {  	v12 =	vmul.f32 v50, v12;
	v5 =	vadd.f32 v5, v8;
	v8 =	vld [tilespmem:$0x1F670];
	v0 =	vadd.f32 v0, v6  }
0x53b: {  	v6 =	vmul.f32 v45, v42;
	v7 =	vadd.f32 v9, v7;
	v9 =	vperm.xlane v2, v55;
	_ =	sdelay $0x1  }
0x53c: {  	v16 =	vmul.f32 v56, v38;
	v6 =	vadd.f32 v6, v12;
	v2 =	vadd.f32 v2, v9  }
0x53d: {  	v9 =	vld [tilespmem:$0x1F680]  }
0x53e: {  	v11 =	vld [tilespmem:$0x1FC70];
	v8 =	vmul.f32 v56, v8;
	v6 =	vadd.f32 v16, v6;
	v2 =	vadd.f32 v2, v51  }
0x53f: {  	v13 =	vmul.f32 v50, v26;
	v14 =	vmul.f32 v45, v62  }
0x540: {  	v7 =	vadd.f32 v8, v7;
	v8 =	vperm.xlane v0, v55;
	v2 =	vmul.f32 v2, v6;
	v6 =	vld [tilespmem:$0x1FEC0]  }
0x541: {  	v15 =	vadd.s32 v37, v15;
	v10 =	vadd.s32 v37, v53;
	v5 =	vadd.f32 v5, v51  }
0x542: {  	v0 =	vadd.f32 v0, v8;
	v8 =	vadd.f32 v14, v13;
	v9 =	vmul.f32 v56, v9  }
0x543: {  	v1 =	vadd.s32 v37, v1;
	v3 =	vadd.f32 v43, v3;
	v11 =	vadd.s32 v37, v11  }
0x544: {  	v5 =	vmul.f32 v5, v7;
	v0 =	vadd.f32 v0, v51;
	v7 =	vadd.f32 v9, v8  }
0x545: {  	v4 =	vadd.f32 v43, v4;
	v6 =	vadd.s32 v37, v6  }
0x546: {  	[tilespmem:v10+s9+$0x0] =	vst.idx.msk vm0, v3;
	v3 =	vadd.f32 v43, v5;
	v0 =	vmul.f32 v0, v7  }
0x547: {  	[tilespmem:v15+s9+$0x0] =	vst.idx.msk vm0, v4;
	v2 =	vadd.f32 v43, v2  }
0x548: {  	[tilespmem:v1+s9+$0x0] =	vst.idx.msk vm0, v3;
	v0 =	vadd.f32 v43, v0  }
0x549: {  	s2 =	sshll.u32 s12, $0x1;
	[tilespmem:v11+s9+$0x0] =	vst.idx.msk vm0, v2  }
0x54a: {  	s4 =	simm.s32 $0x14C08;
	s3 =	rddreg [dreg:$0x4];
	s1 =	smin.u32 s2, $0xF7;
	[tilespmem:v6+s9+$0x0] =	vst.idx.msk vm0, v0  }
0x54b: {  	[spmem:s3] =	stream.indirect.scatter.add.f32 [tilespmem:s9], [sflag:$0x3], $0x88, s4, s23, $0xb8;
	[tilespmem:$0x1E2B0] =	vst v63  }
0x54c: {  	s1 =	smul.u32 $0x28, s1;
	_ =	swait.ge [sflag:s19], $0x1540  }
0x54d: {  	s7 =	rddreg [dreg:$0xe]  }
0x54e: {  	s1 =	sadd.s32 s1, s7  }
0x54f: {  	[sflag:s19] =	ssyncset.done $0x0;
	s8 =	rddreg [dreg:$0x8];
	s2 =	sshrl.u32 s1, $0x3  }
0x550: {  	s13 =	simm.s32 $0x0;
	[sflag:s19] =	ssyncadd.s32 $0xFFFFEAC0;
	s3 =	sadd.s32 s8, s2  }
0x551: {  	[tilespmem:s4], [sflag:$0x3] =	stream.linear.gather [hbm4b:s3+s13], $0x28, $0x38;
	[tilespmem:$0x1E2B0] =	vst v63  }
0x552: {  	_ =	swait.ge [sflag:s19], $0x28  }
0x553: {  	[sflag:s19] =	ssyncset.done $0x0  }
0x554: {  	[sflag:s19] =	ssyncadd.s32 $0xFFFFFFD8  }
0x555: {  	s14 =	rddreg [dreg:$0x3]  }
0x556: {  	s15 =	simm.s32 $0x14C30;
	s2 =	sadd.s32 s14, s2  }
0x557: {  	[tilespmem:s15], [sflag:$0x3] =	stream.linear.gather [hbm4b:s2+s13], $0x28, $0x38;
	[tilespmem:$0x1E2B0] =	vst v63  }
0x558: {  	_ =	swait.ge [sflag:s19], $0x28  }
0x559: {  	[sflag:s19] =	ssyncset.done $0x0  }
0x55a: {  	s21 =	rddreg [dreg:$0x7];
	[sflag:s19] =	ssyncadd.s32 $0xFFFFFFD8  }
0x55b: {  	s1 =	sshll.u32 s1, $0x4;
	s16 =	rddreg [dreg:$0x0]  }
0x55c: {  	[tilespmem:s24], [sflag:$0x1] =	stream.indirect.gather [hbm4b:s16+s23], $0x88, s4, s23, $0xb8;
	[tilespmem:$0x1E2B0] =	vst v63  }
0x55d: {  	s22 =	simm.s32 $0x1;
	s1 =	sand.u32 $0x1FFFF80, s1;
	s20 =	rddreg [dreg:$0x1]  }
0x55e: {  	v0 =	vmov s22;
	[tilespmem:s26], [sflag:$0x1] =	stream.indirect.gather [hbm4b:s20+s23], $0x88, s15, s23, $0xb8;
	[tilespmem:$0x1E2B0] =	vst v63  }
0x55f: {  	s25 =	simm.s32 $0x176D8;
	v0 =	vmul.u32 $0x88, v0;
	s1 =	sadd.s32 s21, s1  }
0x560: {  	[tilespmem:s25], [sflag:$0x1] =	stream.linear.gather [hbm4b:s1+s13], $0x1400, $0x38;
	[tilespmem:$0x1E2B0] =	vst v63  }
0x561: {  	v3 =	vbroadcast v0, $0x0;
	_ =	swait.ge [sflag:s10], $0x1540  }
0x562: {  	[sflag:s10] =	ssyncset.done $0x0  }
0x563: {  	[tilespmem:$0x1FA80] =	vst v3;
	[sflag:s10] =	ssyncadd.s32 $0xFFFFEAC0  }
0x564: {  	v1 =	vmov s13;
	_ =	swait.ge [sflag:s10], $0x1540  }
0x565: {  	v1 =	vmul.u32 $0x88, v1;
	v0 =	vadd.s32 $0x80, v3;
	[sflag:s10] =	ssyncset.done $0x0  }
0x566: {  	[sflag:s10] =	ssyncadd.s32 $0xFFFFEAC0  }
0x567: {  	v9 =	vbroadcast v1, $0x0;
	v2 =	vadd.s32 $0x81, v3;
	_ =	swait.ge [sflag:s10], $0x1400  }
0x568: {  	[sflag:s10] =	ssyncset.done $0x0  }
0x569: {  	v3 =	vadd.s32 $0x82, v3;
	[tilespmem:$0x1FA90] =	vst v9;
	[sflag:s10] =	ssyncadd.s32 $0xFFFFEC00  }
0x56a: {  	v1 =	vld.idx.msk [tilespmem:v0+s31+$0x0], $0xffff  }
0x56b: {  	v0 =	vld.idx.msk [tilespmem:v0+s0+$0x0], $0xffff  }
0x56c: {  	v5 =	vld.idx.msk [tilespmem:v2+s31+$0x0], $0xffff  }
0x56d: {  	v2 =	vld.idx.msk [tilespmem:v2+s0+$0x0], $0xffff  }
0x56e: {  	v4 =	vadd.s32 $0x80, v9;
	v6 =	vld.idx.msk [tilespmem:v3+s31+$0x0], $0xffff  }
0x56f: {  	v3 =	vld.idx.msk [tilespmem:v3+s0+$0x0], $0xffff;
	_ =	sdelay $0x1  }
0x570: {  	v10 =	vsub.f32 v1, v0  }
0x571: {  	v5 =	vsub.f32 v5, v2  }
0x572: {  	v7 =	vld.idx.msk [tilespmem:v4+s31+$0x0], $0xffff;
	[tilespmem:$0x1F990] =	vst v10  }
0x573: {  	s29 =	simm.s32 $0x18BB0;
	v8 =	vadd.s32 $0x81, v9;
	v1 =	vadd.s32 $0x82, v9;
	v9 =	vsub.f32 v6, v3;
	[tilespmem:$0x1F9A0] =	vst v5  }
0x574: {  	s22 =	simm.s32 $0x1A0F0;
	v0 =	vld [tilespmem:s29+$0x0]  }
0x575: {  	s21 =	simm.s32 $0x1B628;
	v2 =	vld [tilespmem:s22+$0x0];
	[tilespmem:$0x1F9B0] =	vst v9  }
0x576: {  	v6 =	vld [tilespmem:s21+$0x0]  }
0x577: {  	v3 =	vmul.f32 v10, v10;
	v5 =	vmul.f32 v5, v5;
	v10 =	vld [tilespmem:$0x1DEE8]  }
0x578: {  	v4 =	vld.idx.msk [tilespmem:v4+s0+$0x0], $0xffff  }
0x579: {  	v3 =	vadd.f32 v5, v3;
	v5 =	vmul.f32 v9, v9;
	v9 =	vld.idx.msk [tilespmem:v8+s31+$0x0], $0xffff  }
0x57a: {  	v8 =	vld.idx.msk [tilespmem:v8+s0+$0x0], $0xffff;
	_ =	sdelay $0x1  }
0x57b: {  	v0 =	vadd.f32 v2, v0;
	v2 =	vld.idx.msk [tilespmem:v1+s31+$0x0], $0xffff  }
0x57c: {  	v18 =	vadd.f32 v5, v3;
	v1 =	vld.idx.msk [tilespmem:v1+s0+$0x0], $0xffff  }
0x57d: {  	v0 =	vadd.f32 v6, v0;
	v6 =	vsub.f32 v7, v4  }
0x57e: {  	v3 =	vmul.f32 v18, v10;
	v7 =	vsub.f32 v9, v8  }
0x57f: {  	[tilespmem:$0x1FAA0] =	vst v6  }
0x580: {  	v0 =	vadd.f32 v3, v0;
	[tilespmem:$0x1FAC0] =	vst v7  }
0x581: {  	v3 =	vld [tilespmem:s29+$0xFFFFFF78];
	v8 =	vsub.f32 v2, v1  }
0x582: {  	v4 =	vld [tilespmem:s22+$0xFFFFFF78];
	v5 =	vsub.f32 $0.0e+00, v0  }
0x583: {  	v6 =	vmul.f32 v6, v6;
	v1 =	vmul.f32 v7, v7;
	[tilespmem:$0x1FAD0] =	vst v8  }
0x584: {  	v2 =	vld [tilespmem:s21+$0xFFFFFF80];
	v5 =	vmul.f32 $1.442695020e+00, v5  }
0x585: {  	v1 =	vadd.f32 v1, v6;
	v6 =	vmul.f32 v8, v8  }
0x586: {  	(erf) = vpow2.f32 v5  }
0x587: {  	v15 =	vadd.f32 v6, v1;
	v1 =	vadd.f32 v4, v3;
	_ =	sdelay $0x1  }
0x588: {  	v3 =	vmul.f32 v10, v15;
	v1 =	vadd.f32 v2, v1;
	_ =	sdelay $0x1  }
0x589: {  	v1 =	vadd.f32 v3, v1;
	_ =	sdelay $0x1  }
0x58a: {  	v2 =	vsub.f32 $0.0e+00, v1;
	_ =	sdelay $0x1  }
0x58b: {  	v2 =	vmul.f32 $1.442695020e+00, v2;
	v3 =	vpop (erf)  }
0x58c: {  	v3 =	vadd.f32 $1.000000000e+00, v3  }
0x58d: {  	(erf) = vpow2.f32 v2  }
0x58e: {  	(erf) = vrcp.f32 v3;
	_ =	sdelay $0x7  }
0x58f: {  	v2 =	vpop (erf)  }
0x590: {  	v2 =	vadd.f32 $1.000000000e+00, v2;
	v3 =	vpop (erf)  }
0x591: {  	v0 =	vmul.f32 v3, v0  }
0x592: {  	(erf) = vrcp.f32 v2  }
0x593: {  	s14 =	simm.s32 $0x1CA30;
	[tilespmem:$0x1F870] =	vst v0  }
0x594: {  	[tilespmem:s14+$0x0] =	vst v0  }
0x595: {  	v0 =	vld [tilespmem:s29+$0x10]  }
0x596: {  	v2 =	vld [tilespmem:s22+$0x10]  }
0x597: {  	v3 =	vld [tilespmem:s21+$0x10]  }
0x598: {  	v4 =	vld [tilespmem:$0x1DEF8];
	_ =	sdelay $0x2  }
0x599: {  	v0 =	vadd.f32 v2, v0;
	v2 =	vpop (erf)  }
0x59a: {  	v55 =	vmul.f32 v2, v1  }
0x59b: {  	v0 =	vadd.f32 v3, v0;
	v1 =	vmul.f32 v4, v18  }
0x59c: {  	[tilespmem:s14+$0xFFFFFF78] =	vst v55  }
0x59d: {  	v0 =	vadd.f32 v1, v0;
	v1 =	vld [tilespmem:s29+$0xFFFFFF88]  }
0x59e: {  	v2 =	vld [tilespmem:s22+$0xFFFFFF88]  }
0x59f: {  	v4 =	vld [tilespmem:s21+$0xFFFFFF90]  }
0x5a0: {  	v5 =	vld [tilespmem:$0x1DEF8];
	v3 =	vsub.f32 $0.0e+00, v0;
	_ =	sdelay $0x1  }
0x5a1: {  	v3 =	vmul.f32 $1.442695020e+00, v3  }
0x5a2: {  	v1 =	vadd.f32 v2, v1  }
0x5a3: {  	(erf) = vpow2.f32 v3  }
0x5a4: {  	v2 =	vmul.f32 v5, v15;
	v1 =	vadd.f32 v4, v1;
	_ =	sdelay $0x1  }
0x5a5: {  	s3 =	simm.s32 $0x2;
	v1 =	vadd.f32 v2, v1  }
0x5a6: {  	v3 =	vmov s3  }
0x5a7: {  	v2 =	vmul.u32 $0x88, v3;
	v3 =	vsub.f32 $0.0e+00, v1;
	_ =	sdelay $0x3  }
0x5a8: {  	v6 =	vbroadcast v2, $0x0;
	v2 =	vmul.f32 $1.442695020e+00, v3;
	v3 =	vpop (erf)  }
0x5a9: {  	v3 =	vadd.f32 $1.000000000e+00, v3  }
0x5aa: {  	(erf) = vpow2.f32 v2  }
0x5ab: {  	s4 =	simm.s32 $0x3;
	v4 =	vadd.s32 $0x82, v6;
	(erf) = vrcp.f32 v3  }
0x5ac: {  	v5 =	vmov s4  }
0x5ad: {  	v5 =	vmul.u32 $0x88, v5;
	v2 =	vadd.s32 $0x80, v6;
	_ =	sdelay $0x1  }
0x5ae: {  	v9 =	vbroadcast v5, $0x0;
	[tilespmem:$0x1F690] =	vst v6;
	v3 =	vadd.s32 $0x81, v6  }
0x5af: {  	v5 =	vld.idx.msk [tilespmem:v4+s31+$0x0], $0xffff  }
0x5b0: {  	v4 =	vld.idx.msk [tilespmem:v4+s0+$0x0], $0xffff;
	v6 =	vadd.s32 $0x80, v9  }
0x5b1: {  	v7 =	vld.idx.msk [tilespmem:v2+s31+$0x0], $0xffff  }
0x5b2: {  	v2 =	vld.idx.msk [tilespmem:v2+s0+$0x0], $0xffff;
	v12 =	vpop (erf)  }
0x5b3: {  	v8 =	vld.idx.msk [tilespmem:v3+s31+$0x0], $0xffff;
	[tilespmem:$0x1FAB0] =	vst v9;
	v11 =	vpop (erf)  }
0x5b4: {  	v3 =	vld.idx.msk [tilespmem:v3+s0+$0x0], $0xffff;
	v11 =	vmul.f32 v11, v0  }
0x5b5: {  	v13 =	vld.idx.msk [tilespmem:v6+s31+$0x0], $0xffff  }
0x5b6: {  	v6 =	vld.idx.msk [tilespmem:v6+s0+$0x0], $0xffff;
	[tilespmem:$0x1F890] =	vst v11  }
0x5b7: {  	v0 =	vld [tilespmem:$0x1DF68]  }
0x5b8: {  	v10 =	vadd.s32 $0x81, v9;
	_ =	sdelay $0x1  }
0x5b9: {  	v14 =	vadd.s32 $0x82, v9;
	_ =	sdelay $0x1  }
0x5ba: {  	[tilespmem:$0x1F880] =	vst v0  }
0x5bb: {  	v0 =	vld.idx.msk [tilespmem:v10+s31+$0x0], $0xffff  }
0x5bc: {  	v10 =	vld.idx.msk [tilespmem:v10+s0+$0x0], $0xffff  }
0x5bd: {  	[tilespmem:s14+$0x10] =	vst v11;
	v21 =	vld.idx.msk [tilespmem:v14+s31+$0x0], $0xffff  }
0x5be: {  	v16 =	vld [tilespmem:s29+$0x20]  }
0x5bf: {  	v19 =	vld [tilespmem:s22+$0x20]  }
0x5c0: {  	v12 =	vadd.f32 $1.000000000e+00, v12;
	v14 =	vld.idx.msk [tilespmem:v14+s0+$0x0], $0xffff  }
0x5c1: {  	v20 =	vld [tilespmem:s21+$0x20]  }
0x5c2: {  	(erf) = vrcp.f32 v12;
	v12 =	vld [tilespmem:$0x1DF08]  }
0x5c3: {  	s1 =	simm.s32 $0x1A200;
	v9 =	vsub.f32 v7, v2;
	v13 =	vsub.f32 v13, v6  }
0x5c4: {  	s2 =	simm.s32 $0x18CC0;
	v2 =	vld [tilespmem:s1+$0x0];
	v10 =	vsub.f32 v0, v10;
	v16 =	vadd.f32 v19, v16  }
0x5c5: {  	v19 =	vld [tilespmem:s2+$0x0];
	[tilespmem:$0x1FA50] =	vst v13  }
0x5c6: {  	[tilespmem:$0x1FA60] =	vst v10;
	v7 =	vadd.f32 v20, v16;
	v16 =	vsub.f32 v21, v14  }
0x5c7: {  	s30 =	simm.s32 $0x1B728;
	v11 =	vsub.f32 v8, v3;
	v12 =	vmul.f32 v12, v18;
	v6 =	vld [tilespmem:s2+$0xFFFFFF78];
	[tilespmem:$0x1F6A0] =	vst v9  }
0x5c8: {  	v0 =	vmul.f32 v9, v9;
	v9 =	vsub.f32 v5, v4;
	v3 =	vld [tilespmem:s30+$0x0];
	[tilespmem:$0x1FA70] =	vst v16  }
0x5c9: {  	v4 =	vmul.f32 v11, v11;
	v7 =	vadd.f32 v12, v7;
	v12 =	vld [tilespmem:$0x1DEE8];
	[tilespmem:$0x1F6B0] =	vst v11  }
0x5ca: {  	v5 =	vld [tilespmem:s1+$0xFFFFFF78];
	[tilespmem:$0x1F6C0] =	vst v9  }
0x5cb: {  	v4 =	vadd.f32 v4, v0;
	v0 =	vld [tilespmem:$0x1DF68];
	_ =	sdelay $0x1  }
0x5cc: {  	v8 =	vmul.f32 v13, v13;
	v10 =	vmul.f32 v10, v10  }
0x5cd: {  	v13 =	vpop (erf)  }
0x5ce: {  	v40 =	vmul.f32 v13, v1;
	v1 =	vadd.f32 v10, v8;
	v8 =	vmul.f32 v16, v16  }
0x5cf: {  	v10 =	vmul.f32 v9, v9;
	v14 =	vsub.f32 $0.0e+00, v7;
	v13 =	vld [tilespmem:s30+$0xFFFFFF80];
	[tilespmem:$0x1F830] =	vst v0  }
0x5d0: {  	v2 =	vadd.f32 v2, v19;
	v33 =	vadd.f32 v8, v1;
	[tilespmem:s14+$0xFFFFFF88] =	vst v40  }
0x5d1: {  	v51 =	vadd.f32 v10, v4;
	v16 =	vmul.f32 $1.442695020e+00, v14;
	v1 =	vld [tilespmem:s29+$0xFFFFFF98]  }
0x5d2: {  	v2 =	vadd.f32 v3, v2;
	v3 =	vmul.f32 v33, v12;
	v4 =	vadd.f32 v5, v6;
	v5 =	vld [tilespmem:s22+$0xFFFFFF98]  }
0x5d3: {  	(erf) = vpow2.f32 v16;
	v6 =	vld [tilespmem:$0x1DF08]  }
0x5d4: {  	v2 =	vadd.f32 v3, v2;
	v3 =	vadd.f32 v13, v4;
	v4 =	vld [tilespmem:s21+$0xFFFFFFA0];
	_ =	sdelay $0x1  }
0x5d5: {  	v10 =	vmul.f32 v12, v51;
	v12 =	vsub.f32 $0.0e+00, v2  }
0x5d6: {  	v1 =	vadd.f32 v5, v1  }
0x5d7: {  	v3 =	vadd.f32 v10, v3;
	v5 =	vmul.f32 $1.442695020e+00, v12  }
0x5d8: {  	v6 =	vmul.f32 v6, v15;
	v1 =	vadd.f32 v4, v1  }
0x5d9: {  	v10 =	vsub.f32 $0.0e+00, v3;
	(erf) = vpow2.f32 v5  }
0x5da: {  	v6 =	vadd.f32 v6, v1  }
0x5db: {  	v4 =	vmul.f32 $1.442695020e+00, v10;
	v5 =	vpop (erf)  }
0x5dc: {  	v5 =	vadd.f32 $1.000000000e+00, v5;
	v1 =	vsub.f32 $0.0e+00, v6  }
0x5dd: {  	(erf) = vpow2.f32 v4  }
0x5de: {  	(erf) = vrcp.f32 v5;
	v1 =	vmul.f32 $1.442695020e+00, v1;
	_ =	sdelay $0x3  }
0x5df: {  	(erf) = vpow2.f32 v1;
	v1 =	vpop (erf)  }
0x5e0: {  	v1 =	vadd.f32 $1.000000000e+00, v1  }
0x5e1: {  	v8 =	vld [tilespmem:$0x1DF78];
	_ =	sdelay $0x1  }
0x5e2: {  	s6 =	simm.s32 $0x4;
	v5 =	vpop (erf)  }
0x5e3: {  	v4 =	vmov s6;
	(erf) = vrcp.f32 v1;
	v1 =	vpop (erf)  }
0x5e4: {  	v4 =	vmul.u32 $0x88, v4;
	v7 =	vmul.f32 v1, v7  }
0x5e5: {  	[tilespmem:$0x1F840] =	vst v8  }
0x5e6: {  	v0 =	vbroadcast v4, $0x0;
	[tilespmem:$0x1F8C0] =	vst v7  }
0x5e7: {  	v1 =	vld [tilespmem:$0x1DF78]  }
0x5e8: {  	v4 =	vadd.s32 $0x82, v0;
	_ =	sdelay $0x2  }
0x5e9: {  	v5 =	vadd.f32 $1.000000000e+00, v5;
	v10 =	vpop (erf)  }
0x5ea: {  	v10 =	vadd.f32 $1.000000000e+00, v10;
	[tilespmem:$0x1F8A0] =	vst v1  }
0x5eb: {  	(erf) = vrcp.f32 v5;
	v1 =	vld.idx.msk [tilespmem:v4+s31+$0x0], $0xffff;
	[tilespmem:s14+$0x20] =	vst v7  }
0x5ec: {  	v5 =	vadd.s32 $0x80, v0;
	v7 =	vld [tilespmem:s29+$0x30]  }
0x5ed: {  	v12 =	vld [tilespmem:s22+$0x30];
	[tilespmem:$0x1F6D0] =	vst v0  }
0x5ee: {  	v13 =	vadd.s32 $0x81, v0;
	(erf) = vrcp.f32 v10;
	v10 =	vpop (erf);
	v19 =	vld [tilespmem:s21+$0x30]  }
0x5ef: {  	v0 =	vmul.f32 v10, v2;
	v20 =	vld [tilespmem:$0x1DF18]  }
0x5f0: {  	v4 =	vld.idx.msk [tilespmem:v4+s0+$0x0], $0xffff  }
0x5f1: {  	v21 =	vld.idx.msk [tilespmem:v5+s31+$0x0], $0xffff;
	[tilespmem:$0x1F9C0] =	vst v0  }
0x5f2: {  	v2 =	vld.idx.msk [tilespmem:v5+s0+$0x0], $0xffff  }
0x5f3: {  	s15 =	simm.s32 $0x1CB40;
	v10 =	vld.idx.msk [tilespmem:v13+s0+$0x0], $0xffff  }
0x5f4: {  	[tilespmem:s15+$0x0] =	vst v0;
	v5 =	vadd.f32 v12, v7;
	v7 =	vld.idx.msk [tilespmem:v13+s31+$0x0], $0xffff;
	v12 =	vpop (erf)  }
0x5f5: {  	v54 =	vmov v41;
	v41 =	vmul.f32 v12, v3;
	v3 =	vld [tilespmem:s1+$0x10]  }
0x5f6: {  	v13 =	vmul.f32 v20, v18;
	v5 =	vadd.f32 v19, v5;
	v19 =	vld [tilespmem:s2+$0x10]  }
0x5f7: {  	v12 =	vld [tilespmem:s30+$0x10]  }
0x5f8: {  	v5 =	vadd.f32 v13, v5;
	v13 =	vld [tilespmem:$0x1DEF8];
	_ =	sdelay $0x1  }
0x5f9: {  	v22 =	vsub.f32 $0.0e+00, v5  }
0x5fa: {  	v20 =	vpop (erf);
	v3 =	vadd.f32 v3, v19  }
0x5fb: {  	v42 =	vmul.f32 v20, v6;
	v20 =	vmul.f32 $1.442695020e+00, v22  }
0x5fc: {  	v3 =	vadd.f32 v12, v3;
	v12 =	vmul.f32 v13, v33  }
0x5fd: {  	(erf) = vpow2.f32 v20  }
0x5fe: {  	v3 =	vadd.f32 v12, v3  }
0x5ff: {  	[tilespmem:s15+$0xFFFFFF78] =	vst v41  }
0x600: {  	v23 =	vld [tilespmem:s2+$0xFFFFFF88];
	v12 =	vsub.f32 $0.0e+00, v3  }
0x601: {  	v6 =	vld [tilespmem:s1+$0xFFFFFF88]  }
0x602: {  	v19 =	vld [tilespmem:$0x1DEF8];
	v12 =	vmul.f32 $1.442695020e+00, v12  }
0x603: {  	v22 =	vld [tilespmem:s30+$0xFFFFFF90];
	_ =	sdelay $0x2  }
0x604: {  	v6 =	vadd.f32 v6, v23;
	(erf) = vpow2.f32 v12;
	v12 =	vpop (erf)  }
0x605: {  	[tilespmem:s14+$0xFFFFFF98] =	vst v42;
	v12 =	vadd.f32 $1.000000000e+00, v12  }
0x606: {  	v13 =	vld [tilespmem:s29+$0xFFFFFFA8];
	v19 =	vmul.f32 v19, v51;
	v6 =	vadd.f32 v22, v6  }
0x607: {  	v20 =	vld [tilespmem:s22+$0xFFFFFFA8];
	(erf) = vrcp.f32 v12  }
0x608: {  	v6 =	vadd.f32 v19, v6;
	_ =	sdelay $0x1  }
0x609: {  	v22 =	vsub.f32 $0.0e+00, v6  }
0x60a: {  	v12 =	vld [tilespmem:s21+$0xFFFFFFB0]  }
0x60b: {  	v13 =	vadd.f32 v20, v13;
	v20 =	vmul.f32 $1.442695020e+00, v22;
	_ =	sdelay $0x2  }
0x60c: {  	s7 =	simm.s32 $0x5;
	v19 =	vld [tilespmem:$0x1DF18];
	v22 =	vpop (erf)  }
0x60d: {  	(erf) = vpow2.f32 v20;
	v12 =	vadd.f32 v12, v13;
	v13 =	vmov s7;
	v20 =	vpop (erf)  }
0x60e: {  	v22 =	vadd.f32 $1.000000000e+00, v22;
	v13 =	vmul.u32 $0x88, v13;
	v8 =	vmul.f32 v20, v5;
	_ =	sdelay $0x1  }
0x60f: {  	(erf) = vrcp.f32 v22;
	v0 =	vbroadcast v13, $0x0;
	[tilespmem:$0x1F8E0] =	vst v8  }
0x610: {  	v19 =	vmul.f32 v19, v15;
	v5 =	vld [tilespmem:$0x1DF88]  }
0x611: {  	v13 =	vadd.s32 $0x82, v0  }
0x612: {  	v12 =	vadd.f32 v19, v12;
	v19 =	vadd.s32 $0x80, v0;
	_ =	sdelay $0x2  }
0x613: {  	[tilespmem:$0x1F8D0] =	vst v5  }
0x614: {  	v25 =	vld.idx.msk [tilespmem:v13+s31+$0x0], $0xffff  }
0x615: {  	v24 =	vpop (erf);
	v5 =	vsub.f32 $0.0e+00, v12;
	[tilespmem:s14+$0x30] =	vst v8;
	v27 =	vld.idx.msk [tilespmem:v19+s31+$0x0], $0xffff  }
0x616: {  	v26 =	vpop (erf);
	v20 =	vld [tilespmem:s29+$0x40]  }
0x617: {  	v8 =	vmul.f32 v26, v3;
	v5 =	vmul.f32 $1.442695020e+00, v5;
	v22 =	vld [tilespmem:s22+$0x40]  }
0x618: {  	v23 =	vld [tilespmem:s21+$0x40]  }
0x619: {  	(erf) = vpow2.f32 v5;
	v5 =	vld [tilespmem:$0x1DF28];
	[tilespmem:$0x1F9E0] =	vst v8  }
0x61a: {  	v9 =	vld [tilespmem:$0x1DF68];
	_ =	sdelay $0x3  }
0x61b: {  	[tilespmem:$0x1F6E0] =	vst v0  }
0x61c: {  	v3 =	vadd.f32 v22, v20;
	v20 =	vadd.s32 $0x81, v0;
	[tilespmem:$0x1F9D0] =	vst v9  }
0x61d: {  	v19 =	vld.idx.msk [tilespmem:v19+s0+$0x0], $0xffff  }
0x61e: {  	[tilespmem:s15+$0x10] =	vst v8;
	v13 =	vld.idx.msk [tilespmem:v13+s0+$0x0], $0xffff  }
0x61f: {  	v22 =	vld [tilespmem:s2+$0x20]  }
0x620: {  	v3 =	vadd.f32 v23, v3;
	v23 =	vld [tilespmem:s1+$0x20]  }
0x621: {  	v5 =	vmul.f32 v5, v18;
	v28 =	vld.idx.msk [tilespmem:v20+s31+$0x0], $0xffff  }
0x622: {  	v20 =	vld.idx.msk [tilespmem:v20+s0+$0x0], $0xffff  }
0x623: {  	v3 =	vadd.f32 v5, v3;
	v5 =	vld [tilespmem:s30+$0x20]  }
0x624: {  	s6 =	simm.s32 $0x1A310;
	v24 =	vadd.f32 $1.000000000e+00, v24;
	v0 =	vsub.f32 v21, v2;
	v26 =	vld [tilespmem:$0x1DF08]  }
0x625: {  	s20 =	simm.s32 $0x1B828;
	v2 =	vld [tilespmem:s6+$0x0];
	v8 =	vsub.f32 v7, v10;
	v29 =	vpop (erf);
	v30 =	vsub.f32 $0.0e+00, v3  }
0x626: {  	s4 =	simm.s32 $0x18DD0;
	(erf) = vrcp.f32 v24;
	v7 =	vld [tilespmem:s20+$0x0];
	v29 =	vadd.f32 $1.000000000e+00, v29;
	v9 =	vsub.f32 v27, v19  }
0x627: {  	v24 =	vmul.f32 $1.442695020e+00, v30;
	v19 =	vld [tilespmem:s4+$0xFFFFFF78];
	v22 =	vadd.f32 v23, v22;
	v14 =	vsub.f32 v28, v20  }
0x628: {  	(erf) = vrcp.f32 v29;
	v23 =	vld [tilespmem:s4+$0x0];
	[tilespmem:$0x1F6F0] =	vst v9  }
0x629: {  	(erf) = vpow2.f32 v24;
	v5 =	vadd.f32 v5, v22;
	v22 =	vmul.f32 v26, v33;
	[tilespmem:$0x1F700] =	vst v14  }
0x62a: {  	v11 =	vsub.f32 v25, v13;
	v20 =	vld [tilespmem:s6+$0xFFFFFF78];
	[tilespmem:$0x1F710] =	vst v0  }
0x62b: {  	v10 =	vmul.f32 v9, v9;
	v13 =	vmul.f32 v14, v14;
	[tilespmem:$0x1F720] =	vst v8;
	v5 =	vadd.f32 v22, v5  }
0x62c: {  	v22 =	vmul.f32 v0, v0;
	v0 =	vsub.f32 v1, v4;
	v1 =	vmul.f32 v8, v8;
	v4 =	vld [tilespmem:$0x1DEE8];
	[tilespmem:$0x1F730] =	vst v11  }
0x62d: {  	v10 =	vadd.f32 v13, v10;
	v13 =	vmul.f32 v11, v11;
	v24 =	vld [tilespmem:s20+$0xFFFFFF80];
	v21 =	vsub.f32 $0.0e+00, v5  }
0x62e: {  	v1 =	vadd.f32 v1, v22;
	v22 =	vmul.f32 v0, v0  }
0x62f: {  	v25 =	vpop (erf);
	v2 =	vadd.f32 v2, v23;
	v49 =	vadd.f32 v13, v10;
	v21 =	vmul.f32 $1.442695020e+00, v21  }
0x630: {  	v48 =	vmul.f32 v25, v6;
	v46 =	vadd.f32 v22, v1;
	v6 =	vadd.f32 v20, v19  }
0x631: {  	v2 =	vadd.f32 v7, v2;
	v26 =	vpop (erf);
	(erf) = vpow2.f32 v21  }
0x632: {  	[tilespmem:$0x1F740] =	vst v0;
	v7 =	vmul.f32 v49, v4;
	v1 =	vpop (erf);
	v4 =	vmul.f32 v4, v46;
	v6 =	vadd.f32 v24, v6  }
0x633: {  	v52 =	vld [tilespmem:$0x1DF68];
	[tilespmem:s15+$0xFFFFFF88] =	vst v48;
	v1 =	vadd.f32 $1.000000000e+00, v1  }
0x634: {  	v10 =	vld [tilespmem:s2+$0xFFFFFF98];
	v2 =	vadd.f32 v7, v2;
	v4 =	vadd.f32 v4, v6  }
0x635: {  	(erf) = vrcp.f32 v1;
	v1 =	vld [tilespmem:s1+$0xFFFFFF98]  }
0x636: {  	v7 =	vsub.f32 $0.0e+00, v2;
	v19 =	vsub.f32 $0.0e+00, v4  }
0x637: {  	v13 =	vld [tilespmem:$0x1DF08];
	v50 =	vmul.f32 v26, v12  }
0x638: {  	v21 =	vld [tilespmem:$0x1DF88];
	v7 =	vmul.f32 $1.442695020e+00, v7  }
0x639: {  	[tilespmem:s14+$0xFFFFFFA8] =	vst v50;
	v6 =	vld [tilespmem:s30+$0xFFFFFFA0];
	v12 =	vmul.f32 $1.442695020e+00, v19  }
0x63a: {  	(erf) = vpow2.f32 v7;
	v1 =	vadd.f32 v1, v10;
	v10 =	vld [tilespmem:s29+$0xFFFFFFB8];
	v19 =	vpop (erf)  }
0x63b: {  	(erf) = vpow2.f32 v12;
	v12 =	vld [tilespmem:s22+$0xFFFFFFB8];
	v7 =	vadd.f32 $1.000000000e+00, v19  }
0x63c: {  	v0 =	vld [tilespmem:$0x1DF98]  }
0x63d: {  	(erf) = vrcp.f32 v7;
	_ =	sdelay $0x1  }
0x63e: {  	v1 =	vadd.f32 v6, v1;
	v6 =	vmul.f32 v13, v51;
	v7 =	vld [tilespmem:s21+$0xFFFFFFC0];
	v13 =	vpop (erf)  }
0x63f: {  	v62 =	vmul.f32 v13, v3;
	v10 =	vadd.f32 v12, v10  }
0x640: {  	v6 =	vadd.f32 v6, v1;
	v1 =	vld [tilespmem:$0x1DF28];
	[tilespmem:$0x1F8F0] =	vst v0  }
0x641: {  	[tilespmem:s14+$0x40] =	vst v62  }
0x642: {  	v12 =	vld [tilespmem:s29+$0x50]  }
0x643: {  	v3 =	vsub.f32 $0.0e+00, v6;
	v19 =	vld [tilespmem:s22+$0x50];
	v7 =	vadd.f32 v7, v10;
	v10 =	vpop (erf)  }
0x644: {  	v20 =	vld [tilespmem:s21+$0x50];
	v22 =	vpop (erf)  }
0x645: {  	v3 =	vmul.f32 $1.442695020e+00, v3;
	v13 =	vpop (erf)  }
0x646: {  	v0 =	vmul.f32 v13, v5  }
0x647: {  	(erf) = vpow2.f32 v3;
	v3 =	vadd.f32 $1.000000000e+00, v10  }
0x648: {  	v10 =	vld [tilespmem:$0x1DF38];
	[tilespmem:$0x1FA00] =	vst v0  }
0x649: {  	(erf) = vrcp.f32 v3;
	v3 =	vld [tilespmem:$0x1DF78]  }
0x64a: {  	v1 =	vmul.f32 v1, v15;
	_ =	sdelay $0x1  }
0x64b: {  	v7 =	vadd.f32 v1, v7;
	v1 =	vadd.f32 v19, v12;
	_ =	sdelay $0x1  }
0x64c: {  	v1 =	vadd.f32 v20, v1;
	v5 =	vmul.f32 v10, v18;
	[tilespmem:$0x1F9F0] =	vst v3;
	v3 =	vsub.f32 $0.0e+00, v7  }
0x64d: {  	[tilespmem:s15+$0x20] =	vst v0  }
0x64e: {  	v5 =	vadd.f32 v5, v1;
	v10 =	vld [tilespmem:s2+$0x30];
	v3 =	vmul.f32 $1.442695020e+00, v3  }
0x64f: {  	v12 =	vld [tilespmem:s1+$0x30]  }
0x650: {  	v19 =	vadd.f32 $1.000000000e+00, v22;
	v22 =	vsub.f32 $0.0e+00, v5;
	(erf) = vpow2.f32 v3  }
0x651: {  	v1 =	vld [tilespmem:s30+$0x30]  }
0x652: {  	v3 =	vld [tilespmem:$0x1DF18]  }
0x653: {  	v20 =	vpop (erf);
	(erf) = vrcp.f32 v19  }
0x654: {  	s8 =	simm.s32 $0x6;
	v19 =	vadd.f32 $1.000000000e+00, v20;
	v10 =	vadd.f32 v12, v10;
	v12 =	vmul.f32 $1.442695020e+00, v22;
	v22 =	vpop (erf)  }
0x655: {  	v20 =	vmov s8;
	v8 =	vmul.f32 v22, v2  }
0x656: {  	(erf) = vrcp.f32 v19;
	v2 =	vmul.u32 $0x88, v20  }
0x657: {  	s16 =	simm.s32 $0x1CC50;
	(erf) = vpow2.f32 v12;
	v1 =	vadd.f32 v1, v10;
	v3 =	vmul.f32 v3, v33;
	[tilespmem:$0x1F750] =	vst v8  }
0x658: {  	v0 =	vbroadcast v2, $0x0;
	[tilespmem:s16+$0x0] =	vst v8  }
0x659: {  	v3 =	vadd.f32 v3, v1;
	v2 =	vld [tilespmem:s4+$0x10];
	v12 =	vpop (erf)  }
0x65a: {  	v10 =	vadd.s32 $0x82, v0;
	v1 =	vld [tilespmem:s6+$0x10];
	v12 =	vadd.f32 $1.000000000e+00, v12  }
0x65b: {  	v19 =	vld [tilespmem:s20+$0x10];
	v20 =	vsub.f32 $0.0e+00, v3  }
0x65c: {  	v22 =	vld [tilespmem:$0x1DEF8]  }
0x65d: {  	v20 =	vmul.f32 $1.442695020e+00, v20  }
0x65e: {  	(erf) = vrcp.f32 v12;
	v12 =	vpop (erf)  }
0x65f: {  	(erf) = vpow2.f32 v20;
	v23 =	vmul.f32 v12, v4;
	v4 =	vadd.f32 v1, v2;
	v1 =	vld.idx.msk [tilespmem:v10+s31+$0x0], $0xffff;
	v12 =	vpop (erf)  }
0x660: {  	v2 =	vld.idx.msk [tilespmem:v10+s0+$0x0], $0xffff;
	v10 =	vpop (erf)  }
0x661: {  	v4 =	vadd.f32 v19, v4;
	[tilespmem:s16+$0xFFFFFF78] =	vst v23;
	v10 =	vadd.f32 $1.000000000e+00, v10;
	v19 =	vmul.f32 v22, v49  }
0x662: {  	v20 =	vld [tilespmem:s4+$0xFFFFFF88]  }
0x663: {  	(erf) = vrcp.f32 v10;
	v4 =	vadd.f32 v19, v4;
	v10 =	vld [tilespmem:s6+$0xFFFFFF88];
	_ =	sdelay $0x1  }
0x664: {  	v19 =	vsub.f32 $0.0e+00, v4  }
0x665: {  	v25 =	vld [tilespmem:$0x1DF78]  }
0x666: {  	v58 =	vld [tilespmem:$0x1DF98];
	v22 =	vpop (erf);
	v19 =	vmul.f32 $1.442695020e+00, v19  }
0x667: {  	v24 =	vmul.f32 v12, v6;
	v6 =	vld [tilespmem:s20+$0xFFFFFF90];
	v10 =	vadd.f32 v10, v20;
	v20 =	vpop (erf)  }
0x668: {  	v12 =	vld [tilespmem:$0x1DEF8];
	(erf) = vpow2.f32 v19;
	v19 =	vadd.f32 $1.000000000e+00, v20  }
0x669: {  	v8 =	vld [tilespmem:$0x1DFA8];
	[tilespmem:s15+$0xFFFFFF98] =	vst v24  }
0x66a: {  	v26 =	vld [tilespmem:s2+$0xFFFFFFA8];
	(erf) = vrcp.f32 v19  }
0x66b: {  	v38 =	vmul.f32 v22, v7;
	v7 =	vld [tilespmem:s1+$0xFFFFFFA8]  }
0x66c: {  	v20 =	vld [tilespmem:s30+$0xFFFFFFB0]  }
0x66d: {  	[tilespmem:s14+$0xFFFFFFB8] =	vst v38;
	v6 =	vadd.f32 v6, v10;
	v10 =	vmul.f32 v12, v46;
	v12 =	vld [tilespmem:$0x1DF18]  }
0x66e: {  	v19 =	vld [tilespmem:s29+$0xFFFFFFC8];
	v22 =	vpop (erf)  }
0x66f: {  	v6 =	vadd.f32 v10, v6;
	v10 =	vld [tilespmem:s22+$0xFFFFFFC8];
	v56 =	vmul.f32 v22, v5  }
0x670: {  	v5 =	vld [tilespmem:s21+$0xFFFFFFD0];
	[tilespmem:$0x1F900] =	vst v8  }
0x671: {  	v7 =	vadd.f32 v7, v26;
	v26 =	vadd.s32 $0x80, v0;
	v28 =	vld [tilespmem:$0x1DF38];
	[tilespmem:s14+$0x50] =	vst v56  }
0x672: {  	v29 =	vld [tilespmem:s29+$0x60];
	v31 =	vpop (erf)  }
0x673: {  	v7 =	vadd.f32 v20, v7;
	v20 =	vld [tilespmem:s22+$0x60];
	[tilespmem:$0x1F760] =	vst v0;
	v47 =	vpop (erf)  }
0x674: {  	s13 =	simm.s32 $0x7;
	v27 =	vsub.f32 $0.0e+00, v6;
	v12 =	vmul.f32 v12, v51;
	v30 =	vld [tilespmem:s21+$0x60];
	v8 =	vmul.f32 v47, v3  }
0x675: {  	v44 =	vmov s13;
	v45 =	vld [tilespmem:$0x1DF48]  }
0x676: {  	v27 =	vmul.f32 $1.442695020e+00, v27;
	v7 =	vadd.f32 v12, v7;
	v12 =	vmul.u32 $0x88, v44;
	v32 =	vld.idx.msk [tilespmem:v26+s31+$0x0], $0xffff;
	[tilespmem:$0x1FA20] =	vst v8  }
0x677: {  	v9 =	vld [tilespmem:$0x1DF88]  }
0x678: {  	(erf) = vpow2.f32 v27;
	v27 =	vadd.s32 $0x81, v0;
	v0 =	vbroadcast v12, $0x0  }
0x679: {  	v31 =	vadd.f32 $1.000000000e+00, v31  }
0x67a: {  	v20 =	vadd.f32 v20, v29;
	v29 =	vadd.s32 $0x80, v0  }
0x67b: {  	(erf) = vrcp.f32 v31  }
0x67c: {  	v10 =	vadd.f32 v10, v19;
	v3 =	vld.idx.msk [tilespmem:v26+s0+$0x0], $0xffff;
	[tilespmem:$0x1FA10] =	vst v9  }
0x67d: {  	v12 =	vld.idx.msk [tilespmem:v27+s31+$0x0], $0xffff  }
0x67e: {  	v5 =	vadd.f32 v5, v10;
	v27 =	vld.idx.msk [tilespmem:v27+s0+$0x0], $0xffff  }
0x67f: {  	v10 =	vmul.f32 v28, v15;
	v28 =	vmul.f32 v45, v18;
	v20 =	vadd.f32 v30, v20;
	v39 =	vld.idx.msk [tilespmem:v29+s31+$0x0], $0xffff  }
0x680: {  	v26 =	vsub.f32 $0.0e+00, v7;
	v29 =	vld.idx.msk [tilespmem:v29+s0+$0x0], $0xffff  }
0x681: {  	v20 =	vadd.f32 v28, v20;
	v28 =	vadd.s32 $0x81, v0;
	[tilespmem:s15+$0x30] =	vst v8;
	v9 =	vld [tilespmem:$0x1DF68]  }
0x682: {  	v5 =	vadd.f32 v10, v5;
	v10 =	vmul.f32 $1.442695020e+00, v26;
	v30 =	vld [tilespmem:s2+$0x40]  }
0x683: {  	v53 =	vpop (erf);
	v26 =	vld [tilespmem:s1+$0x40]  }
0x684: {  	(erf) = vpow2.f32 v10;
	v60 =	vpop (erf);
	v31 =	vld [tilespmem:s30+$0x40]  }
0x685: {  	v10 =	vsub.f32 $0.0e+00, v5;
	v57 =	vld [tilespmem:$0x1DF28];
	v8 =	vmul.f32 v60, v4  }
0x686: {  	v59 =	vsub.f32 $0.0e+00, v20;
	v34 =	vadd.f32 $1.000000000e+00, v53;
	v4 =	vld.idx.msk [tilespmem:v28+s31+$0x0], $0xffff;
	[tilespmem:$0x1F770] =	vst v9  }
0x687: {  	v10 =	vmul.f32 $1.442695020e+00, v10;
	v28 =	vld.idx.msk [tilespmem:v28+s0+$0x0], $0xffff;
	[tilespmem:$0x1F780] =	vst v8  }
0x688: {  	(erf) = vrcp.f32 v34;
	v26 =	vadd.f32 v26, v30;
	v30 =	vmul.f32 $1.442695020e+00, v59;
	[tilespmem:s16+$0x10] =	vst v8  }
0x689: {  	(erf) = vpow2.f32 v10;
	[tilespmem:$0x1F790] =	vst v0  }
0x68a: {  	(erf) = vpow2.f32 v30;
	v10 =	vadd.f32 v31, v26;
	v30 =	vadd.s32 $0x82, v0;
	v31 =	vld [tilespmem:s6+$0x20]  }
0x68b: {  	v26 =	vmul.f32 v57, v33;
	v35 =	vld [tilespmem:s20+$0x20]  }
0x68c: {  	v53 =	vld [tilespmem:$0x1DF08]  }
0x68d: {  	v61 =	vpop (erf);
	v10 =	vadd.f32 v26, v10;
	v26 =	vld [tilespmem:s4+$0x20]  }
0x68e: {  	v34 =	vadd.f32 $1.000000000e+00, v61;
	v60 =	vld [tilespmem:$0x1DF68]  }
0x68f: {  	v63 =	vsub.f32 $0.0e+00, v10;
	v57 =	vld.idx.msk [tilespmem:v30+s31+$0x0], $0xffff  }
0x690: {  	s3 =	simm.s32 $0x18EE0;
	v9 =	vsub.f32 v32, v3;
	v13 =	vsub.f32 v39, v29;
	(erf) = vrcp.f32 v34;
	v30 =	vld.idx.msk [tilespmem:v30+s0+$0x0], $0xffff  }
0x691: {  	s28 =	simm.s32 $0x1B928;
	v8 =	vsub.f32 v1, v2;
	v0 =	vsub.f32 v12, v27;
	v59 =	vpop (erf);
	v27 =	vld [tilespmem:s3+$0x0];
	v36 =	vmul.f32 $1.442695020e+00, v63  }
0x692: {  	v2 =	vld [tilespmem:s28+$0x0];
	v14 =	vsub.f32 v4, v28;
	v3 =	vadd.f32 v31, v26;
	v26 =	vpop (erf)  }
0x693: {  	s13 =	simm.s32 $0x1A420;
	v4 =	vld [tilespmem:s3+$0xFFFFFF78];
	v28 =	vmul.f32 v9, v9;
	(erf) = vpow2.f32 v36;
	v12 =	vadd.f32 $1.000000000e+00, v26;
	v26 =	vpop (erf)  }
0x694: {  	v31 =	vmul.f32 v53, v49;
	v36 =	vld [tilespmem:s13+$0x0];
	[tilespmem:$0x1F7A0] =	vst v13;
	v3 =	vadd.f32 v35, v3;
	v26 =	vadd.f32 $1.000000000e+00, v26  }
0x695: {  	[tilespmem:$0x1F7B0] =	vst v14;
	(erf) = vrcp.f32 v12;
	v11 =	vsub.f32 v57, v30;
	v12 =	vmul.f32 v14, v14  }
0x696: {  	v1 =	vadd.f32 v31, v3;
	v3 =	vmul.f32 v13, v13;
	(erf) = vrcp.f32 v26;
	v26 =	vld [tilespmem:$0x1DEE8];
	[tilespmem:$0x1F7C0] =	vst v9  }
0x697: {  	v29 =	vmul.f32 v0, v0;
	v30 =	vld [tilespmem:s13+$0xFFFFFF78]  }
0x698: {  	v59 =	vmul.f32 v59, v6;
	v6 =	vadd.f32 v12, v3;
	v22 =	vld [tilespmem:$0x1DF88];
	[tilespmem:$0x1F7D0] =	vst v11;
	v12 =	vmul.f32 v11, v11  }
0x699: {  	v47 =	vmul.f32 v8, v8;
	v29 =	vadd.f32 v29, v28;
	v28 =	vpop (erf);
	v31 =	vsub.f32 $0.0e+00, v1;
	[tilespmem:$0x1F7E0] =	vst v8  }
0x69a: {  	v28 =	vmul.f32 v28, v7;
	v7 =	vadd.f32 v36, v27;
	v57 =	vld [tilespmem:s28+$0xFFFFFF80];
	v53 =	vadd.f32 v12, v6  }
0x69b: {  	v43 =	vld [tilespmem:$0x1FF70];
	[tilespmem:s16+$0xFFFFFF88] =	vst v59;
	v31 =	vmul.f32 $1.442695020e+00, v31  }
0x69c: {  	v47 =	vadd.f32 v47, v29;
	v12 =	vld [tilespmem:s4+$0xFFFFFF98];
	v2 =	vadd.f32 v2, v7;
	v6 =	vpop (erf);
	v27 =	vmul.f32 v53, v26  }
0x69d: {  	v7 =	vld [tilespmem:s6+$0xFFFFFF98];
	(erf) = vpow2.f32 v31;
	v6 =	vadd.f32 $1.000000000e+00, v6;
	v4 =	vadd.f32 v30, v4  }
0x69e: {  	v29 =	vld [tilespmem:$0x1DF08];
	v26 =	vmul.f32 v26, v47  }
0x69f: {  	v2 =	vadd.f32 v27, v2;
	v30 =	vpop (erf);
	(erf) = vrcp.f32 v6;
	v6 =	vld [tilespmem:s20+$0xFFFFFFA0];
	v4 =	vadd.f32 v57, v4  }
0x6a0: {  	v27 =	vpop (erf)  }
0x6a1: {  	v61 =	vld [tilespmem:$0x1DFA8];
	v57 =	vmul.f32 v27, v20;
	v9 =	vadd.f32 v26, v4;
	v20 =	vsub.f32 $0.0e+00, v2  }
0x6a2: {  	v45 =	vmov v0;
	[tilespmem:s15+$0xFFFFFFA8] =	vst v28;
	v0 =	vld [tilespmem:$0x1DF98];
	v7 =	vadd.f32 v7, v12  }
0x6a3: {  	v31 =	vld [tilespmem:s2+$0xFFFFFFB8];
	v20 =	vmul.f32 $1.442695020e+00, v20;
	v36 =	vsub.f32 $0.0e+00, v9  }
0x6a4: {  	v27 =	vld [tilespmem:$0x1DFB8];
	[tilespmem:s14+$0x60] =	vst v57;
	v6 =	vadd.f32 v6, v7;
	v7 =	vmul.f32 v29, v46  }
0x6a5: {  	v12 =	vld [tilespmem:s29+$0x70];
	(erf) = vpow2.f32 v20;
	v20 =	vmul.f32 $1.442695020e+00, v36  }
0x6a6: {  	v34 =	vld [tilespmem:s22+$0x70];
	v39 =	vpop (erf);
	v63 =	vadd.f32 v7, v6  }
0x6a7: {  	v44 =	vld [tilespmem:s21+$0x70];
	v35 =	vadd.f32 $1.000000000e+00, v39  }
0x6a8: {  	v29 =	vmul.f32 v30, v5;
	v5 =	vld [tilespmem:$0x1DF58];
	(erf) = vpow2.f32 v20;
	v7 =	vsub.f32 $0.0e+00, v63  }
0x6a9: {  	v26 =	vld [tilespmem:s1+$0xFFFFFFB8];
	(erf) = vrcp.f32 v35;
	v20 =	vpop (erf)  }
0x6aa: {  	v32 =	vld [tilespmem:s30+$0xFFFFFFC0];
	[tilespmem:s14+$0xFFFFFFC8] =	vst v29;
	v39 =	vmul.f32 v20, v10;
	v7 =	vmul.f32 $1.442695020e+00, v7  }
0x6ab: {  	v6 =	vld [tilespmem:$0x1DF28];
	[tilespmem:$0x1FA30] =	vst v0;
	v12 =	vadd.f32 v34, v12  }
0x6ac: {  	v3 =	vld [tilespmem:$0x1DF78];
	[tilespmem:s15+$0x40] =	vst v39  }
0x6ad: {  	v5 =	vmul.f32 v5, v18;
	v12 =	vadd.f32 v44, v12;
	v30 =	vld [tilespmem:s2+$0x50]  }
0x6ae: {  	s25 =	simm.s32 $0x8;
	v26 =	vadd.f32 v26, v31;
	(erf) = vpow2.f32 v7;
	v31 =	vld [tilespmem:s1+$0x50];
	v7 =	vpop (erf)  }
0x6af: {  	v18 =	vld [tilespmem:s30+$0x50];
	v36 =	vadd.f32 v5, v12;
	v5 =	vadd.f32 $1.000000000e+00, v7;
	v7 =	vmov s25  }
0x6b0: {  	v26 =	vadd.f32 v32, v26;
	v6 =	vmul.f32 v6, v51;
	v44 =	vld [tilespmem:$0x1DF38]  }
0x6b1: {  	v10 =	vld [tilespmem:s29+$0xFFFFFFD8]  }
0x6b2: {  	v12 =	vld [tilespmem:s22+$0xFFFFFFD8];
	v34 =	vadd.f32 v6, v26;
	v6 =	vmul.u32 $0x88, v7;
	v7 =	vpop (erf)  }
0x6b3: {  	v26 =	vld [tilespmem:s21+$0xFFFFFFE0];
	(erf) = vrcp.f32 v5;
	v5 =	vadd.f32 v31, v30;
	v30 =	vsub.f32 $0.0e+00, v36;
	v31 =	vpop (erf)  }
0x6b4: {  	v0 =	vbroadcast v6, $0x0;
	v6 =	vld [tilespmem:$0x1DF48];
	v4 =	vmul.f32 v31, v1;
	v1 =	vsub.f32 $0.0e+00, v34  }
0x6b5: {  	v5 =	vadd.f32 v18, v5;
	v18 =	vmul.f32 $1.442695020e+00, v30;
	v30 =	vmul.f32 v44, v33  }
0x6b6: {  	[tilespmem:$0x1F7F0] =	vst v3;
	v1 =	vmul.f32 $1.442695020e+00, v1  }
0x6b7: {  	v10 =	vadd.f32 v12, v10;
	[tilespmem:$0x1F800] =	vst v4;
	(erf) = vpow2.f32 v18;
	v18 =	vadd.f32 v30, v5  }
0x6b8: {  	v5 =	vadd.s32 $0x82, v0;
	[tilespmem:s16+$0x20] =	vst v4;
	(erf) = vpow2.f32 v1;
	v1 =	vadd.f32 $1.000000000e+00, v7  }
0x6b9: {  	v10 =	vadd.f32 v26, v10;
	v6 =	vmul.f32 v6, v15;
	v30 =	vld [tilespmem:s4+$0x30];
	v32 =	vsub.f32 $0.0e+00, v18  }
0x6ba: {  	v12 =	vpop (erf);
	v7 =	vld [tilespmem:s6+$0x30];
	(erf) = vrcp.f32 v1  }
0x6bb: {  	v31 =	vld [tilespmem:s20+$0x30];
	v1 =	vadd.f32 $1.000000000e+00, v12;
	v12 =	vadd.f32 v6, v10;
	v6 =	vmul.f32 $1.442695020e+00, v32  }
0x6bc: {  	v44 =	vld [tilespmem:$0x1DF18];
	[tilespmem:$0x1F810] =	vst v0  }
0x6bd: {  	v26 =	vadd.s32 $0x80, v0;
	v32 =	vld.idx.msk [tilespmem:v5+s31+$0x0], $0xffff  }
0x6be: {  	v20 =	vld.idx.msk [tilespmem:v5+s0+$0x0], $0xffff;
	(erf) = vrcp.f32 v1;
	v5 =	vsub.f32 $0.0e+00, v12  }
0x6bf: {  	(erf) = vpow2.f32 v6;
	v6 =	vpop (erf)  }
0x6c0: {  	v0 =	vadd.s32 $0x81, v0;
	v3 =	vmul.f32 v6, v2;
	v2 =	vmul.f32 $1.442695020e+00, v5;
	_ =	sdelay $0x1  }
0x6c1: {  	v19 =	vld.idx.msk [tilespmem:v26+s31+$0x0], $0xffff;
	v1 =	vadd.f32 v7, v30  }
0x6c2: {  	v17 =	vld.idx.msk [tilespmem:v26+s0+$0x0], $0xffff;
	v26 =	vpop (erf)  }
0x6c3: {  	s25 =	simm.s32 $0x1CD60;
	v1 =	vadd.f32 v31, v1;
	v5 =	vmul.f32 v44, v49;
	[tilespmem:$0x1F820] =	vst v3;
	(erf) = vpow2.f32 v2;
	v2 =	vpop (erf)  }
0x6c4: {  	[tilespmem:s25+$0x0] =	vst v3;
	v30 =	vld.idx.msk [tilespmem:v0+s31+$0x0], $0xffff;
	v2 =	vadd.f32 $1.000000000e+00, v2  }
0x6c5: {  	v35 =	vadd.f32 v5, v1;
	v1 =	vadd.f32 $1.000000000e+00, v26;
	v31 =	vld [tilespmem:s3+$0x10]  }
0x6c6: {  	v3 =	vld [tilespmem:s13+$0x10]  }
0x6c7: {  	(erf) = vrcp.f32 v1;
	v4 =	vld [tilespmem:s28+$0x10];
	v8 =	vsub.f32 $0.0e+00, v35  }
0x6c8: {  	v1 =	vld [tilespmem:$0x1DEF8];
	(erf) = vrcp.f32 v2;
	v2 =	vpop (erf)  }
0x6c9: {  	v16 =	vld.idx.msk [tilespmem:v0+s0+$0x0], $0xffff;
	v0 =	vmul.f32 $1.442695020e+00, v8;
	v26 =	vmul.f32 v2, v9;
	v2 =	vpop (erf)  }
0x6ca: {  	v5 =	vpop (erf)  }
0x6cb: {  	v3 =	vadd.f32 v3, v31;
	(erf) = vpow2.f32 v0;
	v0 =	vadd.f32 $1.000000000e+00, v5;
	_ =	sdelay $0x1  }
0x6cc: {  	v3 =	vadd.f32 v4, v3;
	[tilespmem:s25+$0xFFFFFF78] =	vst v26;
	(erf) = vrcp.f32 v0;
	v0 =	vmul.f32 v1, v53  }
0x6cd: {  	v13 =	vmul.f32 v2, v63;
	v2 =	vpop (erf);
	v31 =	vld [tilespmem:s3+$0xFFFFFF88]  }
0x6ce: {  	v4 =	vld [tilespmem:s13+$0xFFFFFF88];
	v8 =	vadd.f32 v0, v3;
	v0 =	vadd.f32 $1.000000000e+00, v2;
	_ =	sdelay $0x2  }
0x6cf: {  	v10 =	vld [tilespmem:$0x1DF98];
	v11 =	vpop (erf)  }
0x6d0: {  	v9 =	vld [tilespmem:$0x1DF78];
	[tilespmem:s16+$0xFFFFFF98] =	vst v13;
	(erf) = vrcp.f32 v0;
	v0 =	vpop (erf)  }
0x6d1: {  	v4 =	vadd.f32 v4, v31;
	v31 =	vmul.f32 v0, v34;
	v0 =	vld [tilespmem:$0x1F830]  }
0x6d2: {  	v14 =	vld [tilespmem:$0x1DFB8]  }
0x6d3: {  	v44 =	vld [tilespmem:s28+$0xFFFFFF90]  }
0x6d4: {  	v6 =	vld [tilespmem:s4+$0xFFFFFFA8]  }
0x6d5: {  	v2 =	vld [tilespmem:$0x1DEF8];
	v1 =	vsub.f32 $0.0e+00, v8;
	[tilespmem:s15+$0xFFFFFFB8] =	vst v31  }
0x6d6: {  	v55 =	vmul.f32 v55, v0;
	v0 =	vld [tilespmem:$0x1F840]  }
0x6d7: {  	v5 =	vld [tilespmem:$0x1DF18];
	v1 =	vmul.f32 $1.442695020e+00, v1  }
0x6d8: {  	v3 =	vld [tilespmem:s6+$0xFFFFFFA8];
	v4 =	vadd.f32 v44, v4;
	v44 =	vpop (erf)  }
0x6d9: {  	v34 =	vld [tilespmem:s20+$0xFFFFFFB0];
	(erf) = vpow2.f32 v1;
	v63 =	vadd.f32 $1.000000000e+00, v44  }
0x6da: {  	v1 =	vmul.f32 v2, v47;
	v7 =	vld [tilespmem:s2+$0xFFFFFFC8]  }
0x6db: {  	v2 =	vld [tilespmem:s1+$0xFFFFFFC8];
	v55 =	vadd.f32 $0.0e+00, v55;
	v40 =	vmul.f32 v40, v0;
	v0 =	vpop (erf);
	(erf) = vrcp.f32 v63  }
0x6dc: {  	v42 =	vmul.f32 v42, v21;
	v4 =	vadd.f32 v1, v4;
	v63 =	vmul.f32 v0, v18;
	v0 =	vld [tilespmem:s30+$0xFFFFFFD0]  }
0x6dd: {  	s8 =	simm.s32 $0x9;
	v25 =	vmul.f32 v48, v25;
	v3 =	vadd.f32 v3, v6;
	v18 =	vld [tilespmem:$0x1DFA8];
	v1 =	vadd.f32 v40, v55  }
0x6de: {  	v21 =	vpop (erf);
	v40 =	vmul.f32 v41, v52;
	v41 =	vsub.f32 $0.0e+00, v4;
	v55 =	vld [tilespmem:$0x1DF38];
	v52 =	vmov s8;
	[tilespmem:s15+$0x50] =	vst v63  }
0x6df: {  	v5 =	vmul.f32 v5, v46;
	v21 =	vmul.f32 v21, v12;
	v44 =	vmul.u32 $0x88, v52;
	v52 =	vld [tilespmem:s2+$0x60]  }
0x6e0: {  	v3 =	vadd.f32 v34, v3;
	v12 =	vadd.f32 $0.0e+00, v40;
	v40 =	vmul.f32 $1.442695020e+00, v41;
	v41 =	vld [tilespmem:s1+$0x60]  }
0x6e1: {  	v2 =	vadd.f32 v2, v7;
	v1 =	vadd.f32 v42, v1;
	v6 =	vld [tilespmem:s30+$0x60];
	[tilespmem:s14+$0xFFFFFFD8] =	vst v21;
	v44 =	vbroadcast v44, $0x0  }
0x6e2: {  	v42 =	vpop (erf);
	v48 =	vld [tilespmem:s29+$0xFFFFFFE8];
	v12 =	vadd.f32 v25, v12;
	v25 =	vmul.f32 v50, v58;
	(erf) = vpow2.f32 v40  }
0x6e3: {  	v40 =	vld [tilespmem:$0x1DF48];
	v58 =	vmul.f32 v23, v60;
	v23 =	vadd.f32 $1.000000000e+00, v42;
	v34 =	vadd.s32 $0x82, v44  }
0x6e4: {  	v22 =	vmul.f32 v24, v22;
	v42 =	vld [tilespmem:s22+$0xFFFFFFE8];
	v1 =	vadd.f32 v25, v1;
	v25 =	vadd.f32 v5, v3;
	v3 =	vpop (erf)  }
0x6e5: {  	v50 =	vld [tilespmem:$0x1DF88];
	(erf) = vrcp.f32 v23;
	v23 =	vmul.f32 v3, v35  }
0x6e6: {  	v0 =	vadd.f32 v0, v2;
	v5 =	vld [tilespmem:s21+$0xFFFFFFF0];
	v7 =	vadd.f32 v41, v52  }
0x6e7: {  	v2 =	vmul.f32 v55, v51;
	v12 =	vadd.f32 v22, v12;
	v22 =	vmul.f32 v38, v61;
	v3 =	vld [tilespmem:$0x1DF58];
	[tilespmem:$0x1F850] =	vst v23  }
0x6e8: {  	v6 =	vadd.f32 v6, v7;
	v7 =	vmul.f32 v40, v33;
	[tilespmem:s16+$0x30] =	vst v23;
	v55 =	vld.idx.msk [tilespmem:v34+s31+$0x0], $0xffff  }
0x6e9: {  	v41 =	vsub.f32 $0.0e+00, v25;
	v35 =	vld [tilespmem:s4+$0x40]  }
0x6ea: {  	v22 =	vadd.f32 v22, v1;
	v7 =	vadd.f32 v7, v6;
	v6 =	vld [tilespmem:s6+$0x40]  }
0x6eb: {  	v23 =	vadd.f32 v2, v0;
	v0 =	vmul.f32 $1.442695020e+00, v41;
	v2 =	vadd.s32 $0x80, v44;
	v1 =	vld [tilespmem:$0x1F870]  }
0x6ec: {  	[tilespmem:$0x1F860] =	vst v44;
	v61 =	vld [tilespmem:$0x1F880]  }
0x6ed: {  	v40 =	vadd.s32 $0x81, v44;
	(erf) = vpow2.f32 v0;
	v0 =	vsub.f32 $0.0e+00, v23;
	v24 =	vpop (erf);
	v41 =	vld [tilespmem:s20+$0x40]  }
0x6ee: {  	v60 =	vsub.f32 $0.0e+00, v7;
	v52 =	vld [tilespmem:$0x1DF28];
	v24 =	vadd.f32 $1.000000000e+00, v24  }
0x6ef: {  	v34 =	vld.idx.msk [tilespmem:v34+s0+$0x0], $0xffff;
	v0 =	vmul.f32 $1.442695020e+00, v0  }
0x6f0: {  	(erf) = vrcp.f32 v24;
	v24 =	vmul.f32 $1.442695020e+00, v60;
	v60 =	vld.idx.msk [tilespmem:v2+s31+$0x0], $0xffff  }
0x6f1: {  	(erf) = vpow2.f32 v0;
	v0 =	vmul.f32 v3, v15;
	v3 =	vadd.f32 v6, v35;
	v6 =	vld.idx.msk [tilespmem:v2+s0+$0x0], $0xffff  }
0x6f2: {  	v2 =	vpop (erf);
	v35 =	vld.idx.msk [tilespmem:v40+s0+$0x0], $0xffff  }
0x6f3: {  	v42 =	vadd.f32 v42, v48;
	v48 =	vmul.f32 v2, v8;
	v8 =	vld.idx.msk [tilespmem:v40+s31+$0x0], $0xffff  }
0x6f4: {  	v2 =	vadd.f32 $0.0e+00, v58;
	v58 =	vld [tilespmem:$0x1F8A0]  }
0x6f5: {  	v9 =	vmul.f32 v59, v9;
	v15 =	vadd.f32 v41, v3;
	v3 =	vld [tilespmem:$0x1F890]  }
0x6f6: {  	(erf) = vpow2.f32 v24;
	v24 =	vmul.f32 v52, v49;
	v52 =	vld [tilespmem:$0x1DF68];
	[tilespmem:$0x1F8B0] =	vst v48  }
0x6f7: {  	[tilespmem:s25+$0x10] =	vst v48  }
0x6f8: {  	v5 =	vadd.f32 v5, v42;
	v2 =	vadd.f32 v9, v2;
	v9 =	vld [tilespmem:$0x1F8C0]  }
0x6f9: {  	v1 =	vmul.f32 v1, v61;
	v38 =	vld [tilespmem:$0x1F8E0]  }
0x6fa: {  	v59 =	vld [tilespmem:$0x1F8F0];
	v40 =	vmul.f32 v3, v58;
	v3 =	vadd.f32 v0, v5  }
0x6fb: {  	v0 =	vadd.f32 $0.0e+00, v1;
	v1 =	vadd.f32 v24, v15;
	v15 =	vld [tilespmem:$0x1F8D0]  }
0x6fc: {  	v11 =	vmul.f32 v11, v36;
	_ =	sdelay $0x1  }
0x6fd: {  	v5 =	vmul.f32 v28, v10;
	v10 =	vld [tilespmem:$0x1DFC8];
	[tilespmem:s14+$0x70] =	vst v11  }
0x6fe: {  	v38 =	vmul.f32 v38, v59;
	v59 =	vsub.f32 v19, v17;
	v19 =	vld [tilespmem:$0x1F900]  }
0x6ff: {  	v61 =	vld [tilespmem:s13+$0x20];
	v0 =	vadd.f32 v40, v0;
	v24 =	vsub.f32 $0.0e+00, v3;
	v9 =	vmul.f32 v9, v15;
	v15 =	vpop (erf)  }
0x700: {  	v14 =	vmul.f32 v29, v14;
	v28 =	vld [tilespmem:s3+$0x20];
	v48 =	vsub.f32 $0.0e+00, v1;
	v15 =	vadd.f32 $1.000000000e+00, v15  }
0x701: {  	v30 =	vsub.f32 v30, v16;
	v58 =	vld [tilespmem:s28+$0x20];
	v24 =	vmul.f32 $1.442695020e+00, v24;
	v0 =	vadd.f32 v9, v0  }
0x702: {  	v9 =	vadd.f32 v5, v12;
	v5 =	vmul.f32 $1.442695020e+00, v48;
	v12 =	vpop (erf);
	(erf) = vrcp.f32 v15;
	v15 =	vld [tilespmem:$0x1DF08]  }
0x703: {  	s22 =	simm.s32 $0x1A530;
	v29 =	vld [tilespmem:$0x1DF88];
	v35 =	vsub.f32 v8, v35;
	v17 =	vpop (erf);
	v19 =	vmul.f32 v62, v19;
	(erf) = vpow2.f32 v24  }
0x704: {  	s21 =	simm.s32 $0x18FF0;
	v16 =	vld [tilespmem:s22+$0x0];
	v0 =	vadd.f32 v38, v0;
	(erf) = vpow2.f32 v5;
	v5 =	vadd.f32 $1.000000000e+00, v17;
	v17 =	vpop (erf)  }
0x705: {  	v8 =	vld [tilespmem:s21+$0xFFFFFF78];
	v28 =	vadd.f32 v61, v28;
	v17 =	vadd.f32 $1.000000000e+00, v17  }
0x706: {  	v44 =	vmovc v43;
	v60 =	vsub.f32 v60, v6;
	v43 =	vld [tilespmem:$0x1DFD8];
	v19 =	vadd.f32 v19, v0;
	(erf) = vrcp.f32 v5  }
0x707: {  	v0 =	vld [tilespmem:s21+$0x0];
	v5 =	vadd.f32 v58, v28;
	(erf) = vrcp.f32 v17;
	v15 =	vmul.f32 v15, v53  }
0x708: {  	v62 =	vmul.f32 v35, v35;
	v24 =	vld [tilespmem:$0x1DF68];
	[tilespmem:$0x1F910] =	vst v59  }
0x709: {  	s29 =	simm.s32 $0x1BA28;
	[tilespmem:$0x1F920] =	vst v30;
	v17 =	vadd.f32 v15, v5;
	v15 =	vmul.f32 v30, v30;
	v30 =	vmul.f32 v60, v60  }
0x70a: {  	v28 =	vld [tilespmem:s29+$0x0];
	[tilespmem:$0x1F930] =	vst v60  }
0x70b: {  	v6 =	vmul.f32 v59, v59;
	v61 =	vsub.f32 v55, v34;
	[tilespmem:$0x1F940] =	vst v35;
	v30 =	vadd.f32 v62, v30  }
0x70c: {  	v38 =	vsub.f32 v32, v20;
	v35 =	vld [tilespmem:s22+$0xFFFFFF78];
	v5 =	vmul.f32 v12, v4;
	v0 =	vadd.f32 v16, v0;
	v4 =	vpop (erf)  }
0x70d: {  	v40 =	vmul.f32 v61, v61;
	v12 =	vld [tilespmem:$0x1DEE8];
	[tilespmem:$0x1F950] =	vst v61;
	v36 =	vpop (erf)  }
0x70e: {  	v42 =	vmul.f32 v38, v38;
	v41 =	vld [tilespmem:s29+$0xFFFFFF80];
	v20 =	vsub.f32 $0.0e+00, v17;
	v15 =	vadd.f32 v15, v6;
	[tilespmem:s25+$0xFFFFFF88] =	vst v5;
	v48 =	vpop (erf)  }
0x70f: {  	v6 =	vmul.f32 v4, v25;
	v25 =	vld [tilespmem:s3+$0xFFFFFF98];
	v61 =	vadd.f32 v40, v30;
	v30 =	vpop (erf)  }
0x710: {  	v28 =	vadd.f32 v28, v0;
	v16 =	vmul.f32 $1.442695020e+00, v20;
	v60 =	vadd.f32 v42, v15;
	v15 =	vld [tilespmem:s13+$0xFFFFFF98];
	v0 =	vpop (erf)  }
0x711: {  	v27 =	vmul.f32 v56, v27;
	v4 =	vadd.f32 $1.000000000e+00, v48;
	v0 =	vmul.f32 v0, v7  }
0x712: {  	(erf) = vpow2.f32 v16;
	v32 =	vmul.f32 v61, v12;
	v16 =	vadd.f32 v14, v22;
	v22 =	vld [tilespmem:$0x1DFB8]  }
0x713: {  	v19 =	vadd.f32 v27, v19;
	v8 =	vadd.f32 v35, v8;
	(erf) = vrcp.f32 v4;
	v4 =	vld [tilespmem:s28+$0xFFFFFFA0];
	[tilespmem:s15+$0x60] =	vst v0  }
0x714: {  	v10 =	vmul.f32 v57, v10;
	v27 =	vadd.f32 $1.000000000e+00, v36;
	v14 =	vadd.f32 v32, v28;
	v58 =	vld [tilespmem:s2+$0x70]  }
0x715: {  	v7 =	vadd.f32 v41, v8;
	v8 =	vmul.f32 v12, v60;
	v15 =	vadd.f32 v15, v25;
	v25 =	vld [tilespmem:s1+$0x70]  }
0x716: {  	v11 =	vmul.f32 v11, v43;
	v12 =	vld [tilespmem:$0x1DF08];
	v28 =	vsub.f32 $0.0e+00, v14  }
0x717: {  	v10 =	vadd.f32 v10, v19;
	(erf) = vrcp.f32 v27;
	v7 =	vadd.f32 v8, v7;
	v27 =	vld [tilespmem:s30+$0x70]  }
0x718: {  	v20 =	vld [tilespmem:$0x1DFA8];
	[tilespmem:s16+$0xFFFFFFA8] =	vst v6;
	v19 =	vmul.f32 $1.442695020e+00, v28  }
0x719: {  	v13 =	vmul.f32 v13, v29;
	v10 =	vadd.f32 v11, v10;
	v11 =	vld [tilespmem:s6+$0xFFFFFFB8];
	v29 =	vsub.f32 $0.0e+00, v7  }
0x71a: {  	v8 =	vld [tilespmem:s4+$0xFFFFFFB8];
	v15 =	vadd.f32 v4, v15;
	v4 =	vmul.f32 v30, v23;
	v23 =	vadd.f32 v25, v58  }
0x71b: {  	v43 =	vld [tilespmem:$0x1FF80];
	v12 =	vmul.f32 v12, v47  }
0x71c: {  	s8 =	simm.s32 $0xA;
	v28 =	vmul.f32 $1.442695020e+00, v29;
	(erf) = vpow2.f32 v19;
	v19 =	vpop (erf);
	v23 =	vadd.f32 v27, v23;
	v27 =	vld [tilespmem:$0x1DF98]  }
0x71d: {  	v59 =	vmov s8;
	v29 =	vld [tilespmem:$0x1DF58];
	v12 =	vadd.f32 v12, v15;
	v30 =	vpop (erf)  }
0x71e: {  	(erf) = vpow2.f32 v28;
	v28 =	vld [tilespmem:$0x1DF28];
	v15 =	vadd.f32 $1.000000000e+00, v19;
	v30 =	vmul.f32 v30, v1  }
0x71f: {  	[tilespmem:s15+$0xFFFFFFC8] =	vst v4;
	v19 =	vld [tilespmem:s20+$0xFFFFFFC0];
	v1 =	vmul.u32 $0x88, v59  }
0x720: {  	(erf) = vrcp.f32 v15;
	v15 =	vld [tilespmem:s2+$0xFFFFFFD8];
	[tilespmem:$0x1F970] =	vst v30  }
0x721: {  	v25 =	vperm.xlane v10, v44;
	v34 =	vbroadcast v1, $0x0;
	v1 =	vsub.f32 $0.0e+00, v12;
	[tilespmem:$0x1F960] =	vst v27  }
0x722: {  	v8 =	vadd.f32 v11, v8;
	[tilespmem:s16+$0x40] =	vst v30  }
0x723: {  	v10 =	vadd.f32 v10, v25;
	v25 =	vmul.f32 v29, v33;
	v1 =	vmul.f32 $1.442695020e+00, v1;
	v11 =	vld [tilespmem:s4+$0x50]  }
0x724: {  	v48 =	vld [tilespmem:$0x1FFF0]  }
0x725: {  	v13 =	vadd.f32 v13, v2;
	v2 =	vadd.f32 v25, v23;
	v25 =	vld [tilespmem:s6+$0x50]  }
0x726: {  	v8 =	vadd.f32 v19, v8;
	v19 =	vmul.f32 v28, v46;
	v28 =	vpop (erf);
	v27 =	vld [tilespmem:s1+$0xFFFFFFD8]  }
0x727: {  	v20 =	vmul.f32 v31, v20;
	v29 =	vadd.s32 $0x80, v34;
	v30 =	vld [tilespmem:s30+$0xFFFFFFE0];
	(erf) = vpow2.f32 v1;
	v1 =	vpop (erf)  }
0x728: {  	v62 =	vsub.f32 $0.0e+00, v2;
	v36 =	vld [tilespmem:$0x1DF48];
	v1 =	vadd.f32 $1.000000000e+00, v1  }
0x729: {  	v20 =	vadd.f32 v20, v9;
	v56 =	vld [tilespmem:$0x1DF78];
	v42 =	vpop (erf);
	v23 =	vperm.xlane v10, v48  }
0x72a: {  	v31 =	vld [tilespmem:s20+$0x50];
	v9 =	vmul.f32 $1.442695020e+00, v62;
	(erf) = vrcp.f32 v1;
	v1 =	vadd.f32 v25, v11;
	v25 =	vpop (erf)  }
0x72b: {  	v25 =	vmul.f32 v25, v17;
	v23 =	vadd.f32 v10, v23;
	v10 =	vadd.f32 v19, v8;
	v19 =	vld [tilespmem:$0x1DF38]  }
0x72c: {  	(erf) = vpow2.f32 v9;
	v9 =	vld.idx.msk [tilespmem:v29+s0+$0x0], $0xffff  }
0x72d: {  	v15 =	vadd.f32 v27, v15;
	v8 =	vld.idx.msk [tilespmem:v29+s31+$0x0], $0xffff;
	[tilespmem:$0x1F980] =	vst v25  }
0x72e: {  	v24 =	vmul.f32 v26, v24;
	v27 =	vmul.f32 v36, v51;
	v11 =	vsub.f32 $0.0e+00, v10;
	[tilespmem:s25+$0x20] =	vst v25  }
0x72f: {  	v17 =	vadd.f32 $1.000000000e+00, v42;
	v15 =	vadd.f32 v30, v15;
	v26 =	vperm.xlane v23, v54;
	v41 =	vld [tilespmem:$0x1FFD0]  }
0x730: {  	v1 =	vadd.f32 v31, v1;
	v42 =	vld [tilespmem:$0x1FFC0];
	v11 =	vmul.f32 $1.442695020e+00, v11;
	v19 =	vmul.f32 v19, v49  }
0x731: {  	v35 =	vld [tilespmem:$0x1FF90];
	v23 =	vadd.f32 v23, v26  }
0x732: {  	(erf) = vpow2.f32 v11;
	v11 =	vadd.f32 v19, v1;
	v1 =	vadd.f32 v27, v15;
	v15 =	vld [tilespmem:$0x1F990]  }
0x733: {  	v19 =	vld [tilespmem:$0x1F9A0]  }
0x734: {  	v25 =	vperm.xlane v23, v41;
	_ =	sdelay $0x2  }
0x735: {  	v3 =	vmul.f32 v28, v3;
	v31 =	vsub.f32 $0.0e+00, v11  }
0x736: {  	v23 =	vadd.f32 v23, v25;
	v15 =	vmul.f32 v42, v15;
	v19 =	vmul.f32 v35, v19;
	v25 =	vpop (erf)  }
0x737: {  	v29 =	vld [tilespmem:s3+$0x30];
	v25 =	vadd.f32 $1.000000000e+00, v25  }
0x738: {  	v26 =	vld [tilespmem:$0x1DFC8];
	(erf) = vrcp.f32 v17;
	[tilespmem:s14+$0xFFFFFFE8] =	vst v3;
	v15 =	vadd.f32 v19, v15;
	v19 =	vmul.f32 $1.442695020e+00, v31  }
0x739: {  	v40 =	vld [tilespmem:$0x1FFA0];
	(erf) = vrcp.f32 v25  }
0x73a: {  	v31 =	vpop (erf);
	(erf) = vpow2.f32 v19;
	v19 =	vld [tilespmem:$0x1F9B0]  }
0x73b: {  	v17 =	vld [tilespmem:s13+$0x30]  }
0x73c: {  	v59 =	vld [tilespmem:$0x1DF18]  }
0x73d: {  	v30 =	vadd.s32 $0x81, v34;
	v27 =	vld [tilespmem:s28+$0x30]  }
0x73e: {  	v21 =	vmul.f32 v21, v26;
	v26 =	vld [tilespmem:$0x1DF78];
	v28 =	vsub.f32 $0.0e+00, v1  }
0x73f: {  	v25 =	vld [tilespmem:$0x1DF98];
	v19 =	vmul.f32 v40, v19  }
0x740: {  	v55 =	vmul.f32 v31, v14;
	v14 =	vadd.f32 v17, v29;
	v17 =	vmul.f32 $1.442695020e+00, v28;
	v28 =	vld [tilespmem:$0x1DFB8]  }
0x741: {  	s14 =	simm.s32 $0x1CE70;
	v16 =	vadd.f32 v21, v16;
	v31 =	vld [tilespmem:$0x1DFD8]  }
0x742: {  	v29 =	vpop (erf);
	(erf) = vpow2.f32 v17;
	v14 =	vadd.f32 v27, v14;
	[tilespmem:s14+$0x0] =	vst v55;
	v17 =	vmul.f32 v59, v53;
	v27 =	vld.idx.msk [tilespmem:v30+s31+$0x0], $0xffff  }
0x743: {  	v29 =	vadd.f32 $1.000000000e+00, v29;
	v21 =	vld [tilespmem:s21+$0x10];
	v15 =	vadd.f32 v19, v15;
	v19 =	vpop (erf)  }
0x744: {  	v5 =	vmul.f32 v5, v26;
	v26 =	vld [tilespmem:s22+$0x10];
	v14 =	vadd.f32 v17, v14;
	v17 =	vadd.f32 $1.000000000e+00, v19;
	v19 =	vpop (erf)  }
0x745: {  	v6 =	vmul.f32 v6, v25;
	v25 =	vld [tilespmem:$0x1F9D0];
	v7 =	vmul.f32 v19, v7  }
0x746: {  	(erf) = vrcp.f32 v29;
	v19 =	vadd.f32 $0.0e+00, v24;
	v24 =	vld.idx.msk [tilespmem:v30+s0+$0x0], $0xffff  }
0x747: {  	(erf) = vrcp.f32 v17;
	v17 =	vld [tilespmem:$0x1F9C0];
	[tilespmem:s14+$0xFFFFFF78] =	vst v7  }
0x748: {  	v4 =	vmul.f32 v4, v28;
	v30 =	vadd.f32 v6, v13;
	v6 =	vld [tilespmem:$0x1F9E0]  }
0x749: {  	v13 =	vld [tilespmem:$0x1F9F0]  }
0x74a: {  	v58 =	vadd.f32 v4, v20;
	v20 =	vadd.f32 v26, v21;
	v21 =	vpop (erf);
	v4 =	vld [tilespmem:$0x1FA00]  }
0x74b: {  	v12 =	vmul.f32 v21, v12;
	v21 =	vld [tilespmem:$0x1FA10]  }
0x74c: {  	v29 =	vsub.f32 $0.0e+00, v14;
	v19 =	vadd.f32 v5, v19;
	v5 =	vld [tilespmem:$0x1DEF8];
	v17 =	vmul.f32 v17, v25  }
0x74d: {  	v3 =	vmul.f32 v3, v31;
	v25 =	vld [tilespmem:s29+$0x10]  }
0x74e: {  	v31 =	vld [tilespmem:$0x1FA30];
	v6 =	vmul.f32 v6, v13;
	v13 =	vadd.f32 $0.0e+00, v17;
	v17 =	vmul.f32 $1.442695020e+00, v29  }
0x74f: {  	v36 =	vld [tilespmem:$0x1FF60]  }
0x750: {  	v21 =	vmul.f32 v4, v21;
	v4 =	vld [tilespmem:$0x1FA20]  }
0x751: {  	v28 =	vld [tilespmem:s21+$0xFFFFFF88]  }
0x752: {  	v26 =	vld [tilespmem:s22+$0xFFFFFF88];
	(erf) = vpow2.f32 v17;
	v20 =	vadd.f32 v25, v20;
	v17 =	vpop (erf)  }
0x753: {  	v32 =	vld [tilespmem:$0x1DF68];
	v5 =	vmul.f32 v5, v61;
	v17 =	vadd.f32 $1.000000000e+00, v17  }
0x754: {  	v23 =	vadd.f32 v23, v36;
	v6 =	vadd.f32 v6, v13;
	v13 =	vld [tilespmem:s29+$0xFFFFFF90];
	v29 =	vpop (erf)  }
0x755: {  	v25 =	vld [tilespmem:$0x1DEF8];
	v31 =	vmul.f32 v4, v31;
	v5 =	vadd.f32 v5, v20;
	v62 =	vpop (erf);
	(erf) = vrcp.f32 v17  }
0x756: {  	[tilespmem:s25+$0xFFFFFF98] =	vst v12;
	v17 =	vadd.f32 v21, v6;
	v2 =	vmul.f32 v62, v2;
	v6 =	vmul.f32 v23, v15;
	v15 =	vld [tilespmem:$0x1DFC8];
	v20 =	vpop (erf)  }
0x757: {  	v3 =	vadd.f32 v3, v16;
	v21 =	vld [tilespmem:s3+$0xFFFFFFA8];
	v10 =	vmul.f32 v20, v10;
	v20 =	vsub.f32 $0.0e+00, v5  }
0x758: {  	v23 =	vld [tilespmem:s13+$0xFFFFFFA8];
	v16 =	vadd.f32 v31, v17;
	v17 =	vmul.f32 v39, v18;
	v18 =	vadd.f32 $1.000000000e+00, v29;
	[tilespmem:s15+$0x70] =	vst v2  }
0x759: {  	v26 =	vadd.f32 v26, v28;
	v28 =	vld [tilespmem:$0x1DFD8];
	v20 =	vmul.f32 $1.442695020e+00, v20  }
0x75a: {  	v16 =	vadd.f32 v17, v16;
	v17 =	vmul.f32 v63, v22;
	(erf) = vrcp.f32 v18;
	v18 =	vld [tilespmem:s28+$0xFFFFFFB0]  }
0x75b: {  	v13 =	vadd.f32 v13, v26;
	[tilespmem:s16+$0xFFFFFFB8] =	vst v10;
	v22 =	vmul.f32 v25, v60;
	v25 =	vld [tilespmem:$0x1DF18];
	v0 =	vmul.f32 v0, v15  }
0x75c: {  	v59 =	vsub.f32 v8, v9;
	v29 =	vpop (erf);
	v9 =	vld [tilespmem:s20+$0xFFFFFFD0];
	v15 =	vperm.xlane v3, v44;
	v16 =	vadd.f32 v17, v16  }
0x75d: {  	(erf) = vpow2.f32 v20;
	v20 =	vld [tilespmem:s4+$0xFFFFFFC8];
	v26 =	vadd.f32 v22, v13;
	v13 =	vadd.f32 $1.000000000e+00, v29  }
0x75e: {  	v15 =	vadd.f32 v3, v15;
	v3 =	vadd.f32 v0, v16;
	v2 =	vmul.f32 v2, v28;
	v16 =	vld [tilespmem:s6+$0xFFFFFFC8]  }
0x75f: {  	v17 =	vld [tilespmem:$0x1DF88];
	(erf) = vrcp.f32 v13;
	v8 =	vsub.f32 $0.0e+00, v26;
	v13 =	vadd.f32 v23, v21;
	v0 =	vpop (erf)  }
0x760: {  	v21 =	vld [tilespmem:$0x1DF38];
	v0 =	vmul.f32 v0, v11;
	v2 =	vadd.f32 v2, v3;
	v11 =	vperm.xlane v15, v48  }
0x761: {  	v22 =	vld [tilespmem:$0x1DFA8];
	v8 =	vmul.f32 $1.442695020e+00, v8  }
0x762: {  	v62 =	vsub.f32 v27, v24;
	v3 =	vld [tilespmem:$0x1DFA8];
	v13 =	vadd.f32 v18, v13;
	[tilespmem:s16+$0x50] =	vst v0;
	v23 =	vperm.xlane v2, v44  }
0x763: {  	v18 =	vmul.f32 v25, v47;
	(erf) = vpow2.f32 v8;
	v8 =	vadd.f32 v16, v20;
	v16 =	vld [tilespmem:s4+$0x60]  }
0x764: {  	v12 =	vmul.f32 v12, v17;
	v15 =	vadd.f32 v15, v11;
	v17 =	vld [tilespmem:s6+$0x60];
	v2 =	vadd.f32 v2, v23;
	v11 =	vpop (erf)  }
0x765: {  	v11 =	vmul.f32 v11, v1;
	v1 =	vadd.f32 v9, v8;
	v9 =	vmul.f32 v21, v46  }
0x766: {  	v25 =	vadd.f32 v18, v13;
	v18 =	vld [tilespmem:s20+$0x60];
	v8 =	vadd.f32 v12, v19;
	v13 =	vpop (erf);
	v19 =	vperm.xlane v2, v48  }
0x767: {  	v20 =	vmul.f32 v7, v32;
	v24 =	vadd.f32 v9, v1;
	v1 =	vadd.f32 $1.000000000e+00, v13  }
0x768: {  	v7 =	vmul.f32 v10, v22;
	v12 =	vperm.xlane v15, v54;
	v9 =	vld [tilespmem:$0x1DF48];
	[tilespmem:s15+$0xFFFFFFD8] =	vst v11;
	v10 =	vpop (erf);
	v2 =	vadd.f32 v2, v19  }
0x769: {  	s8 =	simm.s32 $0xB;
	v28 =	vmul.f32 v10, v14;
	v10 =	vld [tilespmem:s2+$0xFFFFFFE8];
	(erf) = vrcp.f32 v1;
	v1 =	vadd.f32 v17, v16  }
0x76a: {  	v13 =	vadd.f32 v15, v12;
	v12 =	vmov s8;
	v15 =	vld [tilespmem:s1+$0xFFFFFFE8];
	v16 =	vperm.xlane v2, v54  }
0x76b: {  	v14 =	vsub.f32 $0.0e+00, v25;
	v17 =	vadd.f32 v18, v1;
	v1 =	vmul.u32 $0x88, v12;
	v12 =	vld [tilespmem:s30+$0xFFFFFFF0]  }
0x76c: {  	v16 =	vadd.f32 v2, v16;
	v2 =	vld [tilespmem:$0x1DF88];
	[tilespmem:s25+$0x30] =	vst v28  }
0x76d: {  	v14 =	vmul.f32 $1.442695020e+00, v14;
	[tilespmem:$0x1FA40] =	vst v34;
	v4 =	vld [tilespmem:$0x1FA50]  }
0x76e: {  	v29 =	vld [tilespmem:$0x1DF58]  }
0x76f: {  	v18 =	vadd.s32 $0x82, v34;
	v21 =	vpop (erf);
	v9 =	vmul.f32 v9, v49;
	(erf) = vpow2.f32 v14;
	v14 =	vld [tilespmem:s3+$0x40]  }
0x770: {  	v7 =	vadd.f32 v7, v30;
	v1 =	vbroadcast v1, $0x0;
	v30 =	vld [tilespmem:s13+$0x40]  }
0x771: {  	v19 =	vsub.f32 $0.0e+00, v24;
	v27 =	vadd.f32 v9, v17;
	v54 =	vld [tilespmem:s28+$0x40]  }
0x772: {  	v9 =	vadd.f32 $1.000000000e+00, v21;
	v22 =	vperm.xlane v16, v41;
	v57 =	vld [tilespmem:$0x1DF28];
	v21 =	vadd.s32 $0x82, v1  }
0x773: {  	v17 =	vmul.f32 $1.442695020e+00, v19;
	v19 =	vmul.f32 v42, v4;
	v4 =	vld [tilespmem:$0x1FA60]  }
0x774: {  	(erf) = vrcp.f32 v9;
	v9 =	vadd.s32 $0x80, v1;
	v16 =	vadd.f32 v16, v22;
	v22 =	vld.idx.msk [tilespmem:v18+s31+$0x0], $0xffff  }
0x775: {  	(erf) = vpow2.f32 v17;
	v17 =	vld [tilespmem:$0x1FA70]  }
0x776: {  	v31 =	vsub.f32 $0.0e+00, v27;
	v23 =	vld.idx.msk [tilespmem:v18+s0+$0x0], $0xffff  }
0x777: {  	v14 =	vadd.f32 v30, v14;
	v30 =	vld.idx.msk [tilespmem:v21+s31+$0x0], $0xffff  }
0x778: {  	v10 =	vadd.f32 v15, v10;
	v18 =	vmul.f32 $1.442695020e+00, v31;
	v31 =	vld.idx.msk [tilespmem:v21+s0+$0x0], $0xffff;
	v15 =	vmul.f32 v35, v4  }
0x779: {  	v21 =	vld.idx.msk [tilespmem:v9+s31+$0x0], $0xffff  }
0x77a: {  	v32 =	vld.idx.msk [tilespmem:v9+s0+$0x0], $0xffff;
	v17 =	vmul.f32 v40, v17;
	v15 =	vadd.f32 v15, v19  }
0x77b: {  	v9 =	vld [tilespmem:$0x1FAA0]  }
0x77c: {  	v15 =	vadd.f32 v17, v15;
	v17 =	vadd.f32 v54, v14;
	v14 =	vld [tilespmem:$0x1FA80];
	_ =	sdelay $0x1  }
0x77d: {  	v16 =	vadd.f32 v16, v36;
	v19 =	vadd.s32 $0x81, v1  }
0x77e: {  	v10 =	vadd.f32 v12, v10;
	v12 =	vmul.f32 v29, v51;
	v29 =	vmul.f32 v57, v53  }
0x77f: {  	v15 =	vmul.f32 v16, v15;
	v16 =	vmul.f32 v42, v9;
	v9 =	vld [tilespmem:$0x1FAB0]  }
0x780: {  	(erf) = vpow2.f32 v18;
	v18 =	vadd.s32 v37, v14  }
0x781: {  	v29 =	vadd.f32 v29, v17;
	v17 =	vadd.f32 v43, v6;
	v6 =	vld [tilespmem:$0x1FA90];
	v14 =	vpop (erf)  }
0x782: {  	v33 =	vld.idx.msk [tilespmem:v19+s31+$0x0], $0xffff;
	v5 =	vmul.f32 v14, v5  }
0x783: {  	v34 =	vld.idx.msk [tilespmem:v19+s0+$0x0], $0xffff  }
0x784: {  	v14 =	vadd.f32 v12, v10;
	v12 =	vadd.s32 v37, v9;
	v9 =	vld [tilespmem:$0x1DF68];
	[tilespmem:s14+$0x10] =	vst v5  }
0x785: {  	v19 =	vld [tilespmem:$0x1FAC0];
	[tilespmem:v18+s9+$0x0] =	vst.idx.msk vm0, v17  }
0x786: {  	v17 =	vld [tilespmem:$0x1FAD0];
	_ =	sdelay $0x2  }
0x787: {  	v15 =	vadd.f32 v43, v15;
	v10 =	vadd.f32 $0.0e+00, v20;
	v20 =	vpop (erf)  }
0x788: {  	s7 =	simm.s32 $0xC;
	v6 =	vadd.s32 v37, v6;
	v36 =	vadd.f32 $1.000000000e+00, v20;
	v18 =	vperm.xlane v13, v41  }
0x789: {  	v63 =	vmovc v53;
	s1 =	simm.s32 $0x1BA28;
	s2 =	simm.s32 $0x18FF0;
	s30 =	simm.s32 $0x1A530;
	v51 =	vmovc v59;
	v37 =	vsub.f32 $0.0e+00, v14;
	v19 =	vmul.f32 v35, v19;
	v35 =	vld [tilespmem:s21+$0x20];
	v17 =	vmul.f32 v40, v17  }
.LBB2_7:
0x78a: {  	_ = 	snop  }
0x78b: {  	v39 =	vld [tilespmem:s22+$0x20];
	v20 =	vpop (erf);
	[tilespmem:v12+s9+$0x0] =	vst.idx.msk vm0, v15;
	v12 =	vadd.f32 v13, v18  }
0x78c: {  	v13 =	vadd.f32 v19, v16;
	v16 =	vmul.f32 v20, v26;
	v18 =	vsub.f32 $0.0e+00, v29;
	v26 =	vld [tilespmem:$0x1F7E0]  }
0x78d: {  	v40 =	vmul.f32 $1.442695020e+00, v37  }
0x78e: {  	v48 =	vld [tilespmem:$0x1FF60];
	(erf) = vrcp.f32 v36;
	v18 =	vmul.f32 $1.442695020e+00, v18  }
0x78f: {  	v57 =	vpop (erf);
	v15 =	vld [tilespmem:s29+$0x20];
	(erf) = vpow2.f32 v40  }
0x790: {  	v19 =	vpop (erf);
	(erf) = vpow2.f32 v18;
	v18 =	vld [tilespmem:$0x1F6B0]  }
0x791: {  	[tilespmem:s14+$0xFFFFFF88] =	vst v16;
	v41 =	vadd.f32 v39, v35;
	v39 =	vld [tilespmem:$0x1F720];
	v4 =	vmov v26;
	v26 =	vmov v38  }
0x792: {  	[tilespmem:$0x1F7E0] =	vst v26;
	v26 =	vmul.f32 v51, v59;
	v51 =	vld [tilespmem:$0x1DFC8]  }
0x793: {  	v40 =	vld [tilespmem:s22+$0xFFFFFF98]  }
0x794: {  	v20 =	vmov v59;
	v59 =	vsub.f32 v22, v23;
	v23 =	vld [tilespmem:s21+$0xFFFFFF98];
	_ =	sdelay $0x1  }
0x795: {  	v38 =	vadd.f32 $1.000000000e+00, v19;
	v19 =	vmovc v18;
	v18 =	vmov v39;
	v39 =	vadd.f32 v15, v41;
	v15 =	vld [tilespmem:$0x1F6E0]  }
0x796: {  	v53 =	vld [tilespmem:$0x1F920];
	v12 =	vadd.f32 v12, v48;
	v11 =	vmul.f32 v11, v51  }
0x797: {  	v36 =	vld [tilespmem:$0x1DF08];
	v13 =	vadd.f32 v17, v13  }
0x798: {  	v51 =	vadd.f32 v40, v23;
	v23 =	vadd.f32 v11, v58;
	v11 =	vld [tilespmem:$0x1F860]  }
0x799: {  	v42 =	vmov v45;
	v37 =	vadd.f32 $1.000000000e+00, v57;
	v45 =	vld [tilespmem:$0x1DEE8]  }
0x79a: {  	s22 =	sadd.s32 $0x110, s22;
	[tilespmem:$0x1F330] =	vst v4;
	v13 =	vmul.f32 v12, v13;
	v4 =	vmovc v62;
	v12 =	vmov v15;
	v15 =	vsub.f32 v30, v31;
	v30 =	vld [tilespmem:$0x1F790]  }
0x79b: {  	v17 =	vmovc v47;
	v47 =	vmov v60;
	v60 =	vmul.f32 v62, v62;
	[tilespmem:$0x1F720] =	vst v42;
	v54 =	vld [tilespmem:s22+$0x0];
	(erf) = vrcp.f32 v37;
	s21 =	sadd.s32 $0x110, s21  }
0x79c: {  	s29 =	sadd.s32 $0x100, s29;
	v21 =	vsub.f32 v21, v32;
	v42 =	vmul.f32 v36, v61;
	v32 =	vld [tilespmem:s21+$0x0];
	(erf) = vrcp.f32 v38;
	[tilespmem:$0x1F920] =	vst v4  }
0x79d: {  	v37 =	vld [tilespmem:s29+$0x0];
	v13 =	vadd.f32 v43, v13;
	v43 =	vpop (erf);
	[tilespmem:$0x1F6B0] =	vst v18;
	v18 =	vsub.f32 v33, v34;
	v4 =	vmov v11  }
0x79e: {  	v57 =	vmov v53;
	v36 =	vld [tilespmem:s21+$0xFFFFFF78];
	v53 =	vmul.f32 v59, v59;
	v34 =	vmul.f32 v43, v25;
	[tilespmem:$0x1F790] =	vst v4  }
0x79f: {  	v31 =	vmul.f32 v18, v18;
	v22 =	vmov v30;
	v30 =	vmul.f32 v21, v21;
	v4 =	vld [tilespmem:s22+$0xFFFFFF78];
	[tilespmem:v6+s9+$0x0] =	vst.idx.msk vm0, v13  }
0x7a0: {  	v25 =	vmul.f32 v15, v15;
	v6 =	vadd.f32 v60, v26;
	[tilespmem:$0x1F6E0] =	vst v22;
	v22 =	vadd.f32 v42, v39  }
0x7a1: {  	v60 =	vmov v1;
	v26 =	vld [tilespmem:s29+$0xFFFFFF80];
	[tilespmem:s25+$0xFFFFFFA8] =	vst v34;
	v11 =	vadd.f32 v31, v30;
	v31 =	vadd.f32 v54, v32  }
0x7a2: {  	[tilespmem:$0x1F860] =	vst v60;
	v60 =	vadd.f32 v53, v6;
	v6 =	vld [tilespmem:$0x1DF08];
	v30 =	vsub.f32 $0.0e+00, v22  }
0x7a3: {  	v54 =	vpop (erf);
	v62 =	vld [tilespmem:$0x1DF78];
	v33 =	vadd.f32 v25, v11  }
0x7a4: {  	v13 =	vpop (erf);
	v11 =	vld [tilespmem:s1+$0xFFFFFFA0];
	v1 =	vadd.f32 v37, v31;
	v58 =	vmul.f32 $1.442695020e+00, v30  }
0x7a5: {  	v40 =	vld [tilespmem:s3+$0xFFFFFFB8];
	v13 =	vadd.f32 $1.000000000e+00, v13;
	v25 =	vpop (erf);
	v30 =	vadd.f32 $1.000000000e+00, v54;
	v31 =	vmul.f32 v33, v45  }
0x7a6: {  	v4 =	vadd.f32 v4, v36;
	v37 =	vmul.f32 v25, v24;
	v24 =	vpop (erf);
	v25 =	vld [tilespmem:s13+$0xFFFFFFB8];
	(erf) = vpow2.f32 v58  }
0x7a7: {  	v31 =	vadd.f32 v31, v1;
	(erf) = vrcp.f32 v13;
	v1 =	vmul.f32 v24, v27  }
0x7a8: {  	v35 =	vmul.f32 v45, v60;
	v4 =	vadd.f32 v26, v4;
	v24 =	vld [tilespmem:s28+$0xFFFFFFC0]  }
0x7a9: {  	v6 =	vmul.f32 v6, v47;
	v13 =	vadd.f32 v11, v51;
	(erf) = vrcp.f32 v30;
	v11 =	vld [tilespmem:$0x1DFB8];
	[tilespmem:s16+$0x60] =	vst v1  }
0x7aa: {  	v30 =	vadd.f32 v35, v4;
	v4 =	vmul.f32 v16, v62;
	v26 =	vsub.f32 $0.0e+00, v31;
	v16 =	vld [tilespmem:s4+$0x70]  }
0x7ab: {  	v25 =	vadd.f32 v25, v40;
	v27 =	vld [tilespmem:s6+$0x70]  }
0x7ac: {  	[tilespmem:s16+$0xFFFFFFC8] =	vst v37;
	v6 =	vadd.f32 v6, v13;
	v41 =	vsub.f32 $0.0e+00, v30;
	v42 =	vld [tilespmem:s20+$0x70];
	v26 =	vmul.f32 $1.442695020e+00, v26  }
0x7ad: {  	v13 =	vadd.f32 v4, v10;
	v24 =	vadd.f32 v24, v25;
	v25 =	vld [tilespmem:$0x1DF28]  }
0x7ae: {  	v4 =	vsub.f32 $0.0e+00, v6;
	v38 =	vmul.f32 $1.442695020e+00, v41;
	(erf) = vpow2.f32 v26;
	v26 =	vld [tilespmem:$0x1DF58]  }
0x7af: {  	v36 =	vld [tilespmem:$0x1DF98];
	v43 =	vpop (erf)  }
0x7b0: {  	v45 =	vld [tilespmem:s4+$0xFFFFFFD8];
	v4 =	vmul.f32 $1.442695020e+00, v4;
	(erf) = vpow2.f32 v38;
	v32 =	vadd.f32 $1.000000000e+00, v43;
	v10 =	vpop (erf)  }
0x7b1: {  	v53 =	vld [tilespmem:s6+$0xFFFFFFD8];
	v16 =	vadd.f32 v27, v16;
	v27 =	vmov s7;
	v10 =	vmul.f32 v10, v29  }
0x7b2: {  	v54 =	vmul.u32 $0x88, v27;
	v58 =	vmul.f32 v25, v17;
	v25 =	vld [tilespmem:$0x1DF98];
	(erf) = vrcp.f32 v32  }
0x7b3: {  	v29 =	vpop (erf);
	v16 =	vadd.f32 v42, v16;
	v26 =	vmul.f32 v26, v49;
	(erf) = vpow2.f32 v4;
	v4 =	vld [tilespmem:s20+$0xFFFFFFE0];
	[tilespmem:s25+$0x40] =	vst v10  }
0x7b4: {  	v49 =	vmovc v63;
	v63 =	vmovc v61;
	v40 =	vmul.f32 v29, v14;
	v61 =	vmov v33;
	v14 =	vmul.f32 v34, v36;
	v33 =	vld [tilespmem:s3+$0x50]  }
0x7b5: {  	v29 =	vadd.f32 v26, v16;
	v16 =	vbroadcast v54, $0x0;
	v26 =	vadd.f32 v58, v24;
	v24 =	vld [tilespmem:s13+$0x50]  }
0x7b6: {  	v32 =	vadd.f32 v53, v45;
	v45 =	vld [tilespmem:$0x1DF38]  }
0x7b7: {  	[tilespmem:s15+$0xFFFFFFE8] =	vst v40;
	v34 =	vld [tilespmem:s28+$0x50];
	v14 =	vadd.f32 v14, v8;
	v27 =	vpop (erf);
	v42 =	vsub.f32 $0.0e+00, v29;
	v36 =	vadd.s32 $0x82, v16  }
0x7b8: {  	v8 =	vld [tilespmem:$0x1DF48];
	v43 =	vsub.f32 $0.0e+00, v26;
	v51 =	vadd.s32 $0x80, v16;
	v27 =	vadd.f32 $1.000000000e+00, v27  }
0x7b9: {  	v58 =	vld [tilespmem:$0x1DFB8];
	v53 =	vmul.f32 $1.442695020e+00, v42  }
0x7ba: {  	v38 =	vld [tilespmem:$0x1F820];
	v54 =	vpop (erf);
	(erf) = vrcp.f32 v27;
	v27 =	vmul.f32 $1.442695020e+00, v43;
	v33 =	vadd.f32 v24, v33  }
0x7bb: {  	v42 =	vld [tilespmem:$0x1DFD8];
	v45 =	vmul.f32 v45, v49;
	v41 =	vpop (erf);
	(erf) = vpow2.f32 v53  }
0x7bc: {  	v24 =	vmul.f32 v41, v22;
	v43 =	vpop (erf);
	(erf) = vpow2.f32 v27;
	v22 =	vld.idx.msk [tilespmem:v36+s31+$0x0], $0xffff;
	v27 =	vadd.f32 v34, v33  }
0x7bd: {  	v4 =	vadd.f32 v4, v32;
	v35 =	vadd.f32 $1.000000000e+00, v54;
	v8 =	vmul.f32 v8, v46;
	v41 =	vld.idx.msk [tilespmem:v51+s31+$0x0], $0xffff  }
0x7be: {  	v58 =	vmul.f32 v37, v58;
	v51 =	vld.idx.msk [tilespmem:v51+s0+$0x0], $0xffff;
	v27 =	vadd.f32 v45, v27  }
0x7bf: {  	v8 =	vadd.f32 v8, v4;
	(erf) = vrcp.f32 v35;
	v54 =	vadd.f32 $1.000000000e+00, v43;
	v35 =	vld [tilespmem:$0x1DF78];
	[tilespmem:s14+$0x20] =	vst v24  }
0x7c0: {  	v34 =	vadd.s32 $0x81, v16;
	v62 =	vld [tilespmem:s2+$0x30];
	v45 =	vsub.f32 $0.0e+00, v27  }
0x7c1: {  	v37 =	vld [tilespmem:s30+$0x30];
	(erf) = vrcp.f32 v54;
	v54 =	vsub.f32 $0.0e+00, v8  }
0x7c2: {  	v32 =	vmul.f32 v40, v42;
	v39 =	vld [tilespmem:s1+$0x30]  }
0x7c3: {  	v53 =	vadd.f32 v58, v7;
	v7 =	vld [tilespmem:$0x1DF18];
	v58 =	vpop (erf);
	v40 =	vmul.f32 $1.442695020e+00, v45  }
0x7c4: {  	v32 =	vadd.f32 v32, v23;
	v23 =	vld.idx.msk [tilespmem:v36+s0+$0x0], $0xffff;
	v33 =	vmul.f32 $1.442695020e+00, v54;
	v45 =	vpop (erf)  }
0x7c5: {  	s15 =	smov.u32 s16;
	v31 =	vmul.f32 v58, v31;
	v54 =	vpop (erf);
	(erf) = vpow2.f32 v40;
	v40 =	vld.idx.msk [tilespmem:v34+s31+$0x0], $0xffff  }
0x7c6: {  	s16 =	smov.u32 s25;
	s25 =	smov.u32 s14;
	s14 =	sadd.s32 $0x110, s14;
	v4 =	vperm.xlane v32, v44;
	v37 =	vadd.f32 v37, v62;
	v34 =	vld.idx.msk [tilespmem:v34+s0+$0x0], $0xffff  }
0x7c7: {  	v36 =	vadd.f32 $1.000000000e+00, v45;
	[tilespmem:s14+$0x0] =	vst v31;
	v45 =	vmov v55;
	v55 =	vld [tilespmem:$0x1FFF0]  }
0x7c8: {  	v37 =	vadd.f32 v39, v37;
	v39 =	vld [tilespmem:s21+$0x10]  }
0x7c9: {  	v7 =	vmul.f32 v7, v63;
	v42 =	vpop (erf);
	v62 =	vadd.f32 $1.000000000e+00, v54;
	(erf) = vpow2.f32 v33;
	v54 =	vld [tilespmem:$0x1F7F0]  }
0x7ca: {  	(erf) = vrcp.f32 v36;
	v36 =	vmul.f32 v42, v30;
	v30 =	vadd.f32 v32, v4;
	v32 =	vld [tilespmem:s22+$0x10];
	v4 =	vmovc v38  }
0x7cb: {  	(erf) = vrcp.f32 v62;
	v7 =	vadd.f32 v7, v37;
	v58 =	vpop (erf);
	v62 =	vld [tilespmem:$0x1F770]  }
0x7cc: {  	v33 =	vmul.f32 v58, v6;
	v6 =	vld [tilespmem:$0x1F750]  }
0x7cd: {  	[tilespmem:$0x1F750] =	vst v4;
	v43 =	vsub.f32 $0.0e+00, v7;
	v44 =	vperm.xlane v30, v55;
	v4 =	vmov v35;
	v35 =	vld [tilespmem:$0x1F8B0]  }
0x7ce: {  	v42 =	vld [tilespmem:$0x1DEF8]  }
0x7cf: {  	[tilespmem:$0x1F820] =	vst v45;
	v38 =	vmov v31;
	v31 =	vmov v52;
	v37 =	vld [tilespmem:s29+$0x10];
	v45 =	vmul.f32 $1.442695020e+00, v43  }
0x7d0: {  	[tilespmem:$0x1F770] =	vst v31;
	v31 =	vld [tilespmem:$0x1F780]  }
0x7d1: {  	[tilespmem:s14+$0xFFFFFF78] =	vst v36;
	v30 =	vadd.f32 v30, v44;
	v44 =	vpop (erf);
	(erf) = vpow2.f32 v45;
	v45 =	vld [tilespmem:$0x1F800]  }
0x7d2: {  	v58 =	vmovc v9;
	v9 =	vld [tilespmem:s21+$0xFFFFFF88];
	[tilespmem:s25+$0xFFFFFF98] =	vst v33;
	v6 =	vmul.f32 v6, v62;
	v62 =	vmov v56;
	v43 =	vmov v35  }
0x7d3: {  	[tilespmem:$0x1F7F0] =	vst v62;
	v62 =	vsub.f32 v40, v34;
	v34 =	vld [tilespmem:s22+$0xFFFFFF88]  }
0x7d4: {  	v32 =	vadd.f32 v32, v39  }
0x7d5: {  	v51 =	vsub.f32 v41, v51;
	[tilespmem:$0x1F780] =	vst v43;
	v43 =	vpop (erf)  }
0x7d6: {  	v52 =	vld [tilespmem:$0x1F960];
	v32 =	vadd.f32 v37, v32;
	v37 =	vmul.f32 v42, v61;
	v40 =	vmul.f32 v45, v50;
	v45 =	vpop (erf)  }
0x7d7: {  	v41 =	vld [tilespmem:$0x1DEF8];
	v31 =	vmul.f32 v31, v54;
	v39 =	vadd.f32 $1.000000000e+00, v44;
	v6 =	vadd.f32 $0.0e+00, v6;
	v56 =	vpop (erf)  }
0x7d8: {  	v35 =	vld [tilespmem:s29+$0xFFFFFF90];
	v34 =	vadd.f32 v34, v9;
	v9 =	vadd.f32 v37, v32;
	v32 =	vmul.f32 v56, v26;
	v26 =	vmovc v25  }
0x7d9: {  	v50 =	vld [tilespmem:$0x1F850];
	[tilespmem:$0x1F960] =	vst v26;
	v26 =	vadd.f32 $1.000000000e+00, v43  }
0x7da: {  	v44 =	vld [tilespmem:$0x1DF68];
	v31 =	vadd.f32 v31, v6;
	(erf) = vrcp.f32 v39  }
0x7db: {  	(erf) = vrcp.f32 v26;
	v26 =	vld [tilespmem:$0x1F760]  }
0x7dc: {  	v6 =	vld [tilespmem:$0x1F690];
	v31 =	vadd.f32 v40, v31  }
0x7dd: {  	v43 =	vld [tilespmem:$0x1F970]  }
0x7de: {  	v37 =	vld [tilespmem:$0x1DFC8];
	v42 =	vmul.f32 v50, v52  }
0x7df: {  	v29 =	vmul.f32 v45, v29;
	v25 =	vld [tilespmem:s30+$0xFFFFFFA8]  }
0x7e0: {  	v42 =	vadd.f32 v42, v31;
	v31 =	vmov v26;
	v26 =	vld [tilespmem:$0x1F810]  }
0x7e1: {  	v56 =	vld [tilespmem:$0x1F6D0];
	[tilespmem:s15+$0x70] =	vst v29  }
0x7e2: {  	v39 =	vld [tilespmem:$0x1DFD8];
	v3 =	vmul.f32 v43, v3;
	v43 =	vmul.f32 v41, v60  }
0x7e3: {  	v50 =	vld [tilespmem:s2+$0xFFFFFFA8];
	[tilespmem:s16+$0xFFFFFFB8] =	vst v32  }
0x7e4: {  	v45 =	vmov v10;
	v10 =	vadd.f32 v35, v34;
	v52 =	vsub.f32 $0.0e+00, v9;
	v40 =	vld [tilespmem:s1+$0xFFFFFFB0]  }
0x7e5: {  	v0 =	vmul.f32 v0, v11;
	[tilespmem:$0x1F970] =	vst v45;
	v45 =	vadd.f32 v3, v42;
	v42 =	vld [tilespmem:$0x1FA40];
	v11 =	vmov v26  }
0x7e6: {  	v52 =	vmul.f32 $1.442695020e+00, v52;
	v26 =	vadd.f32 v43, v10;
	v43 =	vmovc v16;
	[tilespmem:$0x1F760] =	vst v11;
	v11 =	vmul.f32 v36, v44;
	v44 =	vld [tilespmem:$0x1F980]  }
0x7e7: {  	v1 =	vmul.f32 v1, v37;
	v34 =	vmov v56;
	v56 =	vld [tilespmem:$0x1FF70];
	[tilespmem:$0x1FA40] =	vst v43;
	v43 =	vadd.f32 v0, v45  }
0x7e8: {  	(erf) = vpow2.f32 v52;
	v25 =	vadd.f32 v25, v50;
	[tilespmem:$0x1F6D0] =	vst v31;
	v31 =	vld [tilespmem:$0x1DF18];
	v10 =	vpop (erf)  }
0x7e9: {  	v52 =	vld [tilespmem:s13+$0xFFFFFFC8];
	v29 =	vmul.f32 v29, v39;
	v50 =	vadd.f32 $1.000000000e+00, v10;
	v41 =	vadd.f32 v1, v43  }
0x7ea: {  	v16 =	vld [tilespmem:$0x1DF88];
	v0 =	vpop (erf)  }
0x7eb: {  	v35 =	vmovc v42;
	v42 =	vld [tilespmem:$0x1FFE0];
	v0 =	vmul.f32 v0, v27;
	v27 =	vadd.f32 v29, v41;
	v3 =	vmov v44  }
0x7ec: {  	v45 =	vld [tilespmem:s3+$0xFFFFFFC8];
	(erf) = vrcp.f32 v50;
	[tilespmem:$0x1F800] =	vst v3;
	v3 =	vsub.f32 $0.0e+00, v26  }
0x7ed: {  	v36 =	vld [tilespmem:$0x1DF38];
	v50 =	vmov v2;
	v2 =	vmul.f32 v31, v47;
	v31 =	vperm.xlane v27, v56  }
0x7ee: {  	v10 =	vadd.f32 $0.0e+00, v11;
	v11 =	vadd.f32 v40, v25;
	v40 =	vld [tilespmem:$0x1F910];
	v3 =	vmul.f32 $1.442695020e+00, v3  }
0x7ef: {  	v27 =	vadd.f32 v27, v31;
	v31 =	vld [tilespmem:$0x1F710]  }
0x7f0: {  	v44 =	vmov v24;
	v24 =	vld [tilespmem:s28+$0xFFFFFFD0];
	(erf) = vpow2.f32 v3  }
0x7f1: {  	v3 =	vld [tilespmem:$0x1DFA8];
	[tilespmem:s16+$0x50] =	vst v0  }
0x7f2: {  	v29 =	vmul.f32 v33, v16;
	v25 =	vadd.f32 v2, v11;
	v11 =	vpop (erf);
	v33 =	vld [tilespmem:s3+$0x60]  }
0x7f3: {  	v2 =	vadd.f32 v52, v45;
	v11 =	vmul.f32 v11, v8;
	v8 =	vmov v20;
	v45 =	vld [tilespmem:s13+$0x60]  }
0x7f4: {  	v28 =	vmov v28;
	[tilespmem:$0x1F910] =	vst v8;
	v8 =	vadd.f32 v29, v13;
	v52 =	vmov v31;
	v31 =	vld [tilespmem:$0x1F7C0]  }
0x7f5: {  	v2 =	vadd.f32 v24, v2;
	v24 =	vmul.f32 v36, v17;
	v13 =	vperm.xlane v27, v55;
	v36 =	vld [tilespmem:s28+$0x60]  }
0x7f6: {  	[tilespmem:$0x1F690] =	vst v34;
	v34 =	vperm.xlane v30, v42;
	v29 =	vld [tilespmem:$0x1DF48]  }
0x7f7: {  	[tilespmem:$0x1F850] =	vst v28;
	v28 =	vpop (erf);
	v27 =	vadd.f32 v27, v13  }
0x7f8: {  	v54 =	vld [tilespmem:$0x1FFB0];
	[tilespmem:$0x1F810] =	vst v35;
	v13 =	vadd.f32 v30, v34;
	v30 =	vpop (erf);
	v33 =	vadd.f32 v45, v33  }
0x7f9: {  	v16 =	vld [tilespmem:$0x1F6A0];
	[tilespmem:$0x1F980] =	vst v44;
	v44 =	vadd.f32 $1.000000000e+00, v28;
	v37 =	vmov v31;
	v31 =	vsub.f32 $0.0e+00, v25;
	v45 =	vpop (erf)  }
0x7fa: {  	[tilespmem:$0x1F6A0] =	vst v52;
	v52 =	vperm.xlane v27, v42;
	v35 =	vadd.f32 $1.000000000e+00, v45;
	v45 =	vadd.f32 v36, v33;
	v33 =	vld [tilespmem:$0x1F930]  }
0x7fb: {  	v1 =	vmov v5;
	v5 =	vld [tilespmem:$0x1DFA8];
	v29 =	vmul.f32 v29, v49;
	v31 =	vmul.f32 $1.442695020e+00, v31  }
0x7fc: {  	v41 =	vld [tilespmem:$0x1FFC0];
	(erf) = vrcp.f32 v44  }
0x7fd: {  	(erf) = vpow2.f32 v31;
	v31 =	vadd.f32 v27, v52;
	v27 =	vadd.f32 v29, v45;
	v29 =	vld [tilespmem:$0x1F6F0]  }
0x7fe: {  	s8 =	sadd.s32 $0x1, s7;
	[tilespmem:$0x1F8B0] =	vst v1;
	v52 =	vld [tilespmem:$0x1F7A0]  }
0x7ff: {  	v1 =	vmov s8;
	[tilespmem:s15+$0xFFFFFFD8] =	vst v11;
	v45 =	vld [tilespmem:$0x1F700];
	v44 =	vmov v33  }
0x800: {  	v1 =	vmul.u32 $0x88, v1;
	[tilespmem:$0x1F7A0] =	vst v44;
	v44 =	vld [tilespmem:$0x1FF90]  }
0x801: {  	v43 =	vmov v40;
	v40 =	vld [tilespmem:s4+$0xFFFFFFE8]  }
0x802: {  	v1 =	vbroadcast v1, $0x0;
	v24 =	vadd.f32 v24, v2;
	v2 =	vmul.f32 v32, v5;
	v5 =	vld [tilespmem:s6+$0xFFFFFFE8]  }
0x803: {  	v12 =	vadd.s32 v54, v12;
	v20 =	vmov v52;
	v52 =	vld [tilespmem:$0x1FFD0]  }
0x804: {  	v6 =	vadd.s32 v54, v6;
	v54 =	vld [tilespmem:$0x1F740];
	v16 =	vmul.f32 v41, v16;
	[tilespmem:$0x1F710] =	vst v37;
	v37 =	vadd.s32 $0x82, v1  }
0x805: {  	[tilespmem:$0x1F7C0] =	vst v43;
	v43 =	vld [tilespmem:$0x1F7B0];
	v29 =	vmul.f32 v41, v29;
	v41 =	vmul.f32 v44, v45;
	v45 =	vmov v21  }
0x806: {  	[tilespmem:$0x1F930] =	vst v45;
	v45 =	vld [tilespmem:$0x1F940]  }
0x807: {  	v28 =	vmul.f32 v30, v7;
	v7 =	vadd.f32 v2, v14;
	v14 =	vld [tilespmem:$0x1DF58]  }
0x808: {  	v2 =	vld [tilespmem:$0x1DF88];
	v5 =	vadd.f32 v5, v40;
	v40 =	vperm.xlane v31, v52  }
0x809: {  	v30 =	vld.idx.msk [tilespmem:v37+s31+$0x0], $0xffff  }
0x80a: {  	[tilespmem:s25+$0x30] =	vst v28;
	v40 =	vadd.f32 v31, v40;
	v31 =	vld [tilespmem:$0x1F730]  }
0x80b: {  	s4 =	smov.u32 s3;
	s3 =	smov.u32 s2;
	[tilespmem:$0x1F6F0] =	vst v20;
	v20 =	vmov v43;
	v43 =	vmov v45;
	v45 =	vld [tilespmem:$0x1FFA0]  }
0x80c: {  	s6 =	smov.u32 s13;
	s13 =	smov.u32 s30;
	v36 =	vadd.s32 $0x80, v1;
	v39 =	vld [tilespmem:s3+$0x40]  }
0x80d: {  	v32 =	vsub.f32 $0.0e+00, v24;
	v33 =	vld [tilespmem:s13+$0x40]  }
0x80e: {  	v34 =	vld [tilespmem:s20+$0xFFFFFFF0];
	s20 =	smov.u32 s28;
	s28 =	smov.u32 s1;
	v21 =	vsub.f32 $0.0e+00, v27  }
0x80f: {  	v32 =	vmul.f32 $1.442695020e+00, v32;
	(erf) = vrcp.f32 v35;
	v35 =	vld [tilespmem:s28+$0x40]  }
0x810: {  	v29 =	vadd.f32 v41, v29;
	v41 =	vmul.f32 v45, v31;
	v31 =	vmovc v18;
	v18 =	vmul.f32 $1.442695020e+00, v21;
	v21 =	vld [tilespmem:$0x1F7D0]  }
0x811: {  	v14 =	vmul.f32 v14, v46;
	(erf) = vpow2.f32 v32;
	v32 =	vld.idx.msk [tilespmem:v36+s0+$0x0], $0xffff  }
0x812: {  	v42 =	vadd.s32 $0x81, v1;
	v46 =	vadd.f32 v33, v39;
	v19 =	vmul.f32 v44, v19;
	v44 =	vmovc v56;
	v56 =	vmovc v4;
	v4 =	vld [tilespmem:$0x1F330]  }
0x813: {  	[tilespmem:$0x1F7B0] =	vst v43;
	v43 =	vld [tilespmem:$0x1DF28]  }
0x814: {  	v40 =	vadd.f32 v40, v48;
	[tilespmem:$0x1F940] =	vst v31;
	v31 =	vld.idx.msk [tilespmem:v37+s0+$0x0], $0xffff;
	v29 =	vadd.f32 v41, v29  }
0x815: {  	v34 =	vadd.f32 v34, v5;
	v5 =	vpop (erf);
	v37 =	vmov v21;
	v21 =	vld [tilespmem:$0x1F950]  }
0x816: {  	(erf) = vpow2.f32 v18;
	v18 =	vmovc v15;
	v15 =	vmul.f32 v40, v29;
	v29 =	vadd.f32 v35, v46;
	v46 =	vmovc v17;
	v17 =	vld [tilespmem:$0x1F6C0]  }
0x817: {  	v14 =	vadd.f32 v14, v34;
	v34 =	vld.idx.msk [tilespmem:v42+s0+$0x0], $0xffff  }
0x818: {  	v5 =	vmul.f32 v5, v9;
	v9 =	vld [tilespmem:$0x1DF68];
	[tilespmem:$0x1F700] =	vst v20  }
0x819: {  	p0 =	slt.u32 s7, $0x26;
	[tilespmem:$0x1F730] =	vst v37;
	v37 =	vmul.f32 v43, v63;
	v43 =	vld [tilespmem:$0x1FF80]  }
.Ltmp2:
0x81a: {  	v33 =	vld.idx.msk [tilespmem:v42+s31+$0x0], $0xffff;
	[tilespmem:$0x1F950] =	vst v18;
	v20 =	vmov v21;
	(pc) =	sbr.rel @p0 .LBB2_7-.Ltmp2, $4  }
0x81b: {  	v17 =	vmul.f32 v45, v17;
	v45 =	vmov v57;
	v57 =	vmov v4;
	v21 =	vld.idx.msk [tilespmem:v36+s31+$0x0], $0xffff;
	[tilespmem:s14+$0x10] =	vst v5  }
0x81c: {  	v55 =	vmov v38;
	v38 =	vmov v59;
	v48 =	vpop (erf);
	[tilespmem:$0x1F740] =	vst v57  }
0x81d: {  	s7 =	sadd.s32 $0x2, s7;
	v18 =	vperm.xlane v13, v52;
	v29 =	vadd.f32 v37, v29;
	v37 =	vsub.f32 $0.0e+00, v14;
	[tilespmem:$0x1F7D0] =	vst v20;
	v20 =	vmovc v54  }
0x81e: {  	v59 =	vmovc v51;
	s2 =	smov.u32 s21;
	s30 =	smov.u32 s22;
	s1 =	smov.u32 s29;
	v52 =	vmovc v58;
	v58 =	vmov v53;
	v36 =	vadd.f32 $1.000000000e+00, v48;
	v15 =	vadd.f32 v43, v15;
	v35 =	vld [tilespmem:s21+$0x20];
	[tilespmem:$0x1F6C0] =	vst v20  }
0x81f: {  	_ = 	snop  }
0x820: {  	(erf) = vrcp.f32 v36  }
0x821: {  	v20 =	vld [tilespmem:s22+$0x20];
	_ =	sdelay $0x1  }
0x822: {  	v53 =	vld [tilespmem:s29+$0x20];
	v39 =	vsub.f32 $0.0e+00, v29;
	v40 =	vpop (erf)  }
0x823: {  	v41 =	vld [tilespmem:$0x1DF08];
	v4 =	vmul.f32 v40, v26  }
0x824: {  	v37 =	vmul.f32 $1.442695020e+00, v37;
	v57 =	vpop (erf);
	v54 =	vmul.f32 $1.442695020e+00, v39  }
0x825: {  	v48 =	vsub.f32 v21, v32;
	v40 =	vpop (erf);
	[tilespmem:$0x1EFB0] =	vst v4;
	v20 =	vadd.f32 v20, v35  }
0x826: {  	s7 =	sadd.s32 $0x110, s21;
	(erf) = vpow2.f32 v37;
	[tilespmem:s14+$0xFFFFFF88] =	vst v4;
	v4 =	vadd.f32 $1.000000000e+00, v57;
	v35 =	vadd.f32 $1.000000000e+00, v40  }
0x827: {  	(erf) = vpow2.f32 v54;
	v36 =	vld [tilespmem:s7+$0x0];
	v20 =	vadd.f32 v53, v20;
	v53 =	vsub.f32 v33, v34  }
0x828: {  	v57 =	vsub.f32 v30, v31;
	v37 =	vld [tilespmem:s21+$0xFFFFFF98];
	s21 =	sadd.s32 $0x110, s22;
	v42 =	vmul.f32 v41, v61;
	[tilespmem:$0x1F2F0] =	vst v48;
	(erf) = vrcp.f32 v4;
	v54 =	vpop (erf)  }
0x829: {  	v21 =	vld [tilespmem:s21+$0x0];
	(erf) = vrcp.f32 v35;
	[tilespmem:$0x1F300] =	vst v53;
	v41 =	vmul.f32 v54, v25  }
0x82a: {  	v26 =	vld [tilespmem:s7+$0xFFFFFF78];
	[tilespmem:$0x1F310] =	vst v57  }
0x82b: {  	v39 =	vmul.f32 v48, v48;
	[tilespmem:$0x1EFD0] =	vst v41  }
0x82c: {  	v40 =	vmul.f32 v53, v53;
	v53 =	vmul.f32 v62, v62;
	v32 =	vld [tilespmem:s21+$0xFFFFFF78]  }
0x82d: {  	v48 =	vsub.f32 v22, v23  }
0x82e: {  	s29 =	sadd.s32 $0x100, s29;
	v51 =	vmul.f32 v51, v59;
	v20 =	vadd.f32 v42, v20  }
0x82f: {  	v57 =	vmul.f32 v57, v57;
	v30 =	vadd.f32 v40, v39;
	v39 =	vpop (erf);
	v25 =	vld [tilespmem:s29+$0x0];
	[tilespmem:$0x1F320] =	vst v48  }
0x830: {  	v42 =	vsub.f32 $0.0e+00, v20;
	v22 =	vadd.f32 v53, v51;
	v53 =	vpop (erf);
	v34 =	vld [tilespmem:$0x1DEE8]  }
0x831: {  	v4 =	vmul.f32 v48, v48;
	v48 =	vadd.f32 v57, v30;
	v35 =	vld [tilespmem:s29+$0xFFFFFF80];
	v57 =	vadd.f32 v32, v26;
	v32 =	vpop (erf)  }
0x832: {  	v21 =	vadd.f32 v21, v36;
	v54 =	vmul.f32 $1.442695020e+00, v42;
	v23 =	vld [tilespmem:s22+$0xFFFFFF98];
	v36 =	vpop (erf)  }
0x833: {  	v31 =	vld [tilespmem:s1+$0xFFFFFFA0];
	[tilespmem:s25+$0xFFFFFFA8] =	vst v41;
	v40 =	vmul.f32 v36, v27  }
0x834: {  	(erf) = vpow2.f32 v54;
	v54 =	vadd.f32 $1.000000000e+00, v53;
	v30 =	vld [tilespmem:s3+$0xFFFFFFB8]  }
0x835: {  	v51 =	vadd.f32 v4, v22;
	v26 =	vld [tilespmem:$0x1DF08];
	[tilespmem:$0x1EFA0] =	vst v40  }
0x836: {  	v21 =	vadd.f32 v25, v21;
	(erf) = vrcp.f32 v54;
	v4 =	vmul.f32 v48, v34;
	v42 =	vld [tilespmem:$0x1DFB8];
	_ =	sdelay $0x1  }
0x837: {  	v21 =	vadd.f32 v4, v21;
	_ =	sdelay $0x1  }
0x838: {  	v41 =	vmul.f32 v34, v51;
	v22 =	vadd.f32 v35, v57;
	v53 =	vsub.f32 $0.0e+00, v21  }
0x839: {  	v33 =	vld [tilespmem:s13+$0xFFFFFFB8];
	[tilespmem:$0x1EF90] =	vst v42  }
0x83a: {  	v22 =	vadd.f32 v41, v22;
	[tilespmem:s16+$0x60] =	vst v40;
	v25 =	vld [tilespmem:s28+$0xFFFFFFC0];
	v40 =	vmul.f32 v32, v24  }
0x83b: {  	v54 =	vadd.f32 $1.000000000e+00, v39;
	v34 =	vld [tilespmem:s4+$0x70]  }
0x83c: {  	v57 =	vsub.f32 $0.0e+00, v22;
	v41 =	vmul.f32 $1.442695020e+00, v53;
	v53 =	vpop (erf);
	v36 =	vld [tilespmem:s6+$0x70];
	[tilespmem:$0x1EFF0] =	vst v40  }
0x83d: {  	(erf) = vrcp.f32 v54;
	v4 =	vpop (erf);
	v27 =	vld [tilespmem:s20+$0x70]  }
0x83e: {  	v42 =	vmul.f32 $1.442695020e+00, v57;
	v39 =	vmul.f32 v4, v29;
	v32 =	vld [tilespmem:$0x1DF58]  }
0x83f: {  	(erf) = vpow2.f32 v41;
	v57 =	vadd.f32 $1.000000000e+00, v53;
	[tilespmem:s16+$0xFFFFFFC8] =	vst v40;
	v35 =	vld [tilespmem:$0x1DF28]  }
0x840: {  	v23 =	vadd.f32 v23, v37;
	(erf) = vpow2.f32 v42;
	v37 =	vld [tilespmem:s4+$0xFFFFFFD8];
	[tilespmem:$0x1F0B0] =	vst v39  }
0x841: {  	(erf) = vrcp.f32 v57;
	v40 =	vld [tilespmem:$0x1DF98]  }
0x842: {  	v23 =	vadd.f32 v31, v23;
	v54 =	vmul.f32 v26, v60;
	_ =	sdelay $0x1  }
0x843: {  	v23 =	vadd.f32 v54, v23;
	v24 =	vld [tilespmem:s6+$0xFFFFFFD8];
	_ =	sdelay $0x1  }
0x844: {  	v41 =	vsub.f32 $0.0e+00, v23;
	v34 =	vadd.f32 v36, v34;
	[tilespmem:$0x1F080] =	vst v40  }
0x845: {  	v42 =	vpop (erf);
	[tilespmem:s25+$0x40] =	vst v39;
	v29 =	vld [tilespmem:s20+$0xFFFFFFE0]  }
0x846: {  	v54 =	vpop (erf);
	v27 =	vadd.f32 v27, v34;
	v32 =	vmul.f32 v32, v49;
	v31 =	vld [tilespmem:s3+$0x50]  }
0x847: {  	v24 =	vadd.f32 v24, v37;
	v37 =	vmul.f32 v35, v47;
	v35 =	vpop (erf);
	v39 =	vld [tilespmem:s13+$0x50]  }
0x848: {  	v30 =	vadd.f32 v33, v30;
	v26 =	vmul.f32 $1.442695020e+00, v41;
	v32 =	vadd.f32 v32, v27;
	v41 =	vpop (erf);
	v36 =	vld [tilespmem:s28+$0x50];
	[tilespmem:$0x1EF60] =	vst v42  }
0x849: {  	v42 =	vmul.f32 v41, v20;
	v53 =	vld [tilespmem:$0x1DF38]  }
0x84a: {  	v25 =	vadd.f32 v25, v30;
	v57 =	vld [tilespmem:$0x1DF48];
	[tilespmem:$0x1EF70] =	vst v32  }
0x84b: {  	(erf) = vpow2.f32 v26;
	[tilespmem:$0x1F1B0] =	vst v42  }
0x84c: {  	v25 =	vadd.f32 v37, v25;
	v37 =	vld [tilespmem:$0x1DF78];
	_ =	sdelay $0x1  }
0x84d: {  	v40 =	vadd.f32 v39, v31  }
0x84e: {  	v54 =	vadd.f32 $1.000000000e+00, v54  }
0x84f: {  	v26 =	vmul.f32 v53, v63;
	v53 =	vsub.f32 $0.0e+00, v32;
	v49 =	vadd.f32 v36, v40  }
0x850: {  	v24 =	vadd.f32 v29, v24;
	v57 =	vmul.f32 v57, v46;
	v36 =	vsub.f32 $0.0e+00, v25;
	[tilespmem:$0x1F190] =	vst v37  }
0x851: {  	v39 =	vmul.f32 $1.442695020e+00, v53;
	v20 =	vadd.f32 v26, v49;
	[tilespmem:s14+$0x20] =	vst v42  }
0x852: {  	(erf) = vrcp.f32 v54;
	v24 =	vadd.f32 v57, v24;
	v40 =	vmul.f32 $1.442695020e+00, v36;
	v41 =	vld [tilespmem:s2+$0x30]  }
0x853: {  	v42 =	vadd.f32 $1.000000000e+00, v35;
	(erf) = vpow2.f32 v39;
	v53 =	vld [tilespmem:s30+$0x30];
	v49 =	vpop (erf);
	v54 =	vsub.f32 $0.0e+00, v20  }
0x854: {  	v4 =	vld [tilespmem:s1+$0x30];
	v36 =	vsub.f32 $0.0e+00, v24;
	(erf) = vpow2.f32 v40;
	v57 =	vadd.f32 $1.000000000e+00, v49  }
0x855: {  	v39 =	vld [tilespmem:$0x1DF18];
	(erf) = vrcp.f32 v42;
	v37 =	vmul.f32 $1.442695020e+00, v54  }
0x856: {  	v40 =	vmul.f32 $1.442695020e+00, v36;
	(erf) = vrcp.f32 v57  }
0x857: {  	(erf) = vpow2.f32 v37  }
0x858: {  	v41 =	vadd.f32 v53, v41;
	(erf) = vpow2.f32 v40;
	_ =	sdelay $0x1  }
0x859: {  	v42 =	vmul.f32 v39, v61;
	v26 =	vadd.f32 v4, v41  }
0x85a: {  	v49 =	vpop (erf)  }
0x85b: {  	v26 =	vadd.f32 v42, v26;
	v53 =	vpop (erf)  }
0x85c: {  	v54 =	vpop (erf)  }
0x85d: {  	v27 =	vadd.f32 $1.000000000e+00, v53;
	v31 =	vpop (erf);
	v57 =	vsub.f32 $0.0e+00, v26  }
0x85e: {  	v30 =	vadd.f32 $1.000000000e+00, v54;
	v33 =	vpop (erf)  }
0x85f: {  	(erf) = vrcp.f32 v27;
	v4 =	vmul.f32 $1.442695020e+00, v57;
	v36 =	vpop (erf)  }
0x860: {  	(erf) = vrcp.f32 v30;
	v37 =	vadd.f32 $1.000000000e+00, v36;
	v39 =	vpop (erf)  }
0x861: {  	(erf) = vpow2.f32 v4;
	v40 =	vadd.f32 $1.000000000e+00, v39  }
0x862: {  	(erf) = vrcp.f32 v37  }
0x863: {  	(erf) = vrcp.f32 v40;
	_ =	sdelay $0x3  }
0x864: {  	v41 =	vmul.f32 v49, v21  }
0x865: {  	v49 =	vpop (erf)  }
0x866: {  	s8 =	sadd.s32 $0x110, s14;
	[tilespmem:$0x1F230] =	vst v41;
	v29 =	vpop (erf)  }
0x867: {  	[tilespmem:s8+$0x0] =	vst v41;
	v32 =	vpop (erf)  }
0x868: {  	v42 =	vld [tilespmem:s7+$0x10];
	[tilespmem:$0x1EF80] =	vst v49;
	v35 =	vpop (erf)  }
0x869: {  	v39 =	vmul.f32 v31, v22;
	v53 =	vld [tilespmem:s21+$0x10];
	v4 =	vpop (erf)  }
0x86a: {  	v54 =	vld [tilespmem:s29+$0x10];
	v24 =	vmul.f32 v4, v24  }
0x86b: {  	v57 =	vld [tilespmem:$0x1DEF8];
	[tilespmem:$0x1F0D0] =	vst v39  }
0x86c: {  	[tilespmem:$0x1F070] =	vst v24  }
0x86d: {  	v40 =	vld [tilespmem:$0x1DFB8];
	_ =	sdelay $0x4  }
0x86e: {  	[tilespmem:$0x1F000] =	vst v40  }
0x86f: {  	v21 =	vadd.f32 v53, v42;
	[tilespmem:s16+$0xFFFFFFD8] =	vst v24  }
0x870: {  	[tilespmem:s8+$0xFFFFFF78] =	vst v39;
	v24 =	vld [tilespmem:s4+$0xFFFFFFE8]  }
0x871: {  	v21 =	vadd.f32 v54, v21;
	v54 =	vmul.f32 v33, v23;
	v42 =	vld [tilespmem:s7+$0xFFFFFF88]  }
0x872: {  	v49 =	vld [tilespmem:s21+$0xFFFFFF88]  }
0x873: {  	v53 =	vld [tilespmem:s29+$0xFFFFFF90];
	[tilespmem:$0x1F030] =	vst v54  }
0x874: {  	v37 =	vld [tilespmem:$0x1DF78];
	_ =	sdelay $0x4  }
0x875: {  	v41 =	vmul.f32 v57, v48;
	v57 =	vld [tilespmem:$0x1DEF8];
	[tilespmem:$0x1EFC0] =	vst v37  }
0x876: {  	v39 =	vld [tilespmem:$0x1DF98];
	_ =	sdelay $0x3  }
0x877: {  	v21 =	vadd.f32 v41, v21;
	v41 =	vmul.f32 v29, v25;
	[tilespmem:s14+$0xFFFFFF98] =	vst v54  }
0x878: {  	[tilespmem:$0x1EFE0] =	vst v39  }
0x879: {  	v36 =	vsub.f32 $0.0e+00, v21;
	v22 =	vadd.f32 v49, v42;
	v40 =	vld [tilespmem:s2+$0xFFFFFFA8];
	[tilespmem:$0x1F050] =	vst v41  }
0x87a: {  	v42 =	vld [tilespmem:s30+$0xFFFFFFA8]  }
0x87b: {  	v31 =	vmul.f32 $1.442695020e+00, v36;
	v23 =	vmul.f32 v57, v51;
	v22 =	vadd.f32 v53, v22;
	v53 =	vld [tilespmem:s1+$0xFFFFFFB0]  }
0x87c: {  	v49 =	vadd.f32 $1.000000000e+00, v32;
	v57 =	vmul.f32 v35, v20;
	[tilespmem:s25+$0xFFFFFFB8] =	vst v41;
	v54 =	vld [tilespmem:$0x1DF18]  }
0x87d: {  	(erf) = vpow2.f32 v31;
	v22 =	vadd.f32 v23, v22;
	v23 =	vld [tilespmem:s3+$0xFFFFFFC8]  }
0x87e: {  	(erf) = vrcp.f32 v49;
	v29 =	vld [tilespmem:s13+$0xFFFFFFC8];
	[tilespmem:$0x1F0F0] =	vst v57  }
0x87f: {  	v33 =	vld [tilespmem:$0x1DFA8];
	_ =	sdelay $0x4  }
0x880: {  	v36 =	vsub.f32 $0.0e+00, v22;
	v32 =	vld [tilespmem:s28+$0xFFFFFFD0];
	[tilespmem:$0x1F0C0] =	vst v33  }
0x881: {  	v33 =	vld [tilespmem:$0x1DF38]  }
0x882: {  	v20 =	vmul.f32 $1.442695020e+00, v36;
	v25 =	vadd.f32 v42, v40;
	v40 =	vpop (erf);
	[tilespmem:s25+$0x50] =	vst v57;
	v30 =	vld [tilespmem:s6+$0xFFFFFFE8]  }
0x883: {  	v41 =	vmul.f32 v54, v60;
	v42 =	vadd.f32 $1.000000000e+00, v40;
	v54 =	vpop (erf);
	v37 =	vld [tilespmem:s3+$0x60]  }
0x884: {  	(erf) = vpow2.f32 v20;
	v31 =	vmul.f32 v54, v26;
	v39 =	vld [tilespmem:s13+$0x60]  }
0x885: {  	(erf) = vrcp.f32 v42;
	v49 =	vld [tilespmem:s28+$0x60]  }
0x886: {  	v25 =	vadd.f32 v53, v25;
	v53 =	vld [tilespmem:$0x1DF48];
	[tilespmem:$0x1F1D0] =	vst v31  }
0x887: {  	v36 =	vld [tilespmem:$0x1DF88];
	_ =	sdelay $0x1  }
0x888: {  	v25 =	vadd.f32 v41, v25;
	_ =	sdelay $0x1  }
0x889: {  	v57 =	vsub.f32 $0.0e+00, v25  }
0x88a: {  	v26 =	vld [tilespmem:s20+$0xFFFFFFF0];
	[tilespmem:$0x1F1C0] =	vst v36  }
0x88b: {  	v23 =	vadd.f32 v29, v23;
	v42 =	vpop (erf);
	v29 =	vmul.f32 $1.442695020e+00, v57;
	[tilespmem:s14+$0x30] =	vst v31;
	v27 =	vld [tilespmem:$0x1DF58]  }
0x88c: {  	v24 =	vadd.f32 v30, v24;
	v20 =	vadd.f32 v39, v37;
	v39 =	vld [tilespmem:s2+$0x40];
	v4 =	vpop (erf)  }
0x88d: {  	(erf) = vpow2.f32 v29;
	v29 =	vadd.f32 $1.000000000e+00, v42;
	v41 =	vld [tilespmem:s30+$0x40];
	v30 =	vmul.f32 v4, v21  }
0x88e: {  	v20 =	vadd.f32 v49, v20;
	v49 =	vld [tilespmem:s1+$0x40]  }
0x88f: {  	v40 =	vmul.f32 v53, v63;
	v53 =	vld [tilespmem:$0x1DF28];
	(erf) = vrcp.f32 v29;
	[tilespmem:$0x1F250] =	vst v30  }
0x890: {  	v23 =	vadd.f32 v32, v23;
	v37 =	vmul.f32 v33, v47;
	v4 =	vld [tilespmem:$0x1DF68];
	_ =	sdelay $0x1  }
0x891: {  	v23 =	vadd.f32 v37, v23  }
0x892: {  	v24 =	vadd.f32 v26, v24;
	v37 =	vmul.f32 v27, v46  }
0x893: {  	v20 =	vadd.f32 v40, v20;
	v54 =	vsub.f32 $0.0e+00, v23  }
0x894: {  	v32 =	vadd.f32 v41, v39;
	v42 =	vadd.f32 v37, v24;
	[tilespmem:$0x1F240] =	vst v4  }
0x895: {  	v57 =	vsub.f32 $0.0e+00, v20;
	[tilespmem:s8+$0x10] =	vst v30  }
0x896: {  	v36 =	vmul.f32 $1.442695020e+00, v54;
	v41 =	vmul.f32 v53, v61;
	v40 =	vadd.f32 v49, v32;
	v53 =	vpop (erf);
	[tilespmem:$0x1F010] =	vst v42  }
0x897: {  	v39 =	vmul.f32 $1.442695020e+00, v57;
	v33 =	vpop (erf);
	v46 =	vld [tilespmem:s7+$0x20]  }
0x898: {  	(erf) = vpow2.f32 v36;
	v21 =	vadd.f32 v41, v40;
	v40 =	vmul.f32 v33, v22;
	v49 =	vld [tilespmem:s21+$0x20]  }
0x899: {  	(erf) = vpow2.f32 v39;
	v30 =	vld [tilespmem:s29+$0x20]  }
0x89a: {  	v4 =	vld [tilespmem:$0x1DF08];
	[tilespmem:$0x1F120] =	vst v40  }
0x89b: {  	v54 =	vsub.f32 $0.0e+00, v42;
	v42 =	vld [tilespmem:$0x1DF68];
	_ =	sdelay $0x2  }
0x89c: {  	v27 =	vadd.f32 $1.000000000e+00, v53;
	v57 =	vsub.f32 $0.0e+00, v21  }
0x89d: {  	v29 =	vmul.f32 $1.442695020e+00, v54  }
0x89e: {  	(erf) = vrcp.f32 v27;
	v31 =	vmul.f32 $1.442695020e+00, v57;
	[tilespmem:$0x1F0E0] =	vst v42  }
0x89f: {  	(erf) = vpow2.f32 v29;
	v35 =	vpop (erf);
	v24 =	vadd.f32 v49, v46;
	v49 =	vld [tilespmem:$0x1DF88]  }
0x8a0: {  	(erf) = vpow2.f32 v31;
	v29 =	vadd.f32 $1.000000000e+00, v35;
	v36 =	vpop (erf)  }
0x8a1: {  	v34 =	vmul.f32 v4, v48;
	v37 =	vadd.f32 $1.000000000e+00, v36;
	v24 =	vadd.f32 v30, v24  }
0x8a2: {  	(erf) = vrcp.f32 v29  }
0x8a3: {  	(erf) = vrcp.f32 v37;
	v24 =	vadd.f32 v34, v24  }
0x8a4: {  	[tilespmem:$0x1F040] =	vst v49  }
0x8a5: {  	v39 =	vsub.f32 $0.0e+00, v24;
	v53 =	vld [tilespmem:$0x1DFA8];
	_ =	sdelay $0x1  }
0x8a6: {  	v41 =	vmul.f32 $1.442695020e+00, v39  }
0x8a7: {  	v46 =	vpop (erf)  }
0x8a8: {  	v36 =	vmul.f32 v46, v25;
	v27 =	vpop (erf);
	[tilespmem:s8+$0xFFFFFF88] =	vst v40  }
0x8a9: {  	v54 =	vpop (erf);
	[tilespmem:$0x1F060] =	vst v53  }
0x8aa: {  	(erf) = vpow2.f32 v41;
	v41 =	vpop (erf);
	v57 =	vld [tilespmem:s7+$0xFFFFFF98];
	[tilespmem:$0x1F140] =	vst v36  }
0x8ab: {  	v22 =	vadd.f32 $1.000000000e+00, v54;
	v42 =	vpop (erf);
	v37 =	vld [tilespmem:s21+$0xFFFFFF98]  }
0x8ac: {  	v46 =	vmul.f32 v42, v20;
	v39 =	vld [tilespmem:s29+$0xFFFFFFA0]  }
0x8ad: {  	(erf) = vrcp.f32 v22;
	[tilespmem:s14+$0xFFFFFFA8] =	vst v36;
	v40 =	vld [tilespmem:$0x1DF08]  }
0x8ae: {  	v31 =	vld [tilespmem:s2+$0xFFFFFFB8];
	[tilespmem:$0x1F110] =	vst v46  }
0x8af: {  	v49 =	vld [tilespmem:$0x1DFB8];
	_ =	sdelay $0x4  }
0x8b0: {  	v20 =	vld [tilespmem:s30+$0xFFFFFFB8];
	[tilespmem:$0x1F100] =	vst v49  }
0x8b1: {  	v54 =	vpop (erf);
	v25 =	vadd.f32 v37, v57;
	[tilespmem:s25+$0x60] =	vst v46;
	v32 =	vld [tilespmem:s1+$0xFFFFFFC0]  }
0x8b2: {  	v30 =	vmul.f32 v41, v23;
	v37 =	vpop (erf);
	v53 =	vld [tilespmem:s3+$0x70]  }
0x8b3: {  	v27 =	vadd.f32 $1.000000000e+00, v27;
	v22 =	vadd.f32 v39, v25;
	v39 =	vmul.f32 v37, v21;
	v57 =	vld [tilespmem:s13+$0x70]  }
0x8b4: {  	v33 =	vadd.f32 $1.000000000e+00, v54;
	v35 =	vld [tilespmem:s28+$0x70];
	[tilespmem:$0x1F160] =	vst v30  }
0x8b5: {  	(erf) = vrcp.f32 v27;
	v36 =	vld [tilespmem:$0x1DF58];
	[tilespmem:$0x1F1F0] =	vst v39  }
0x8b6: {  	(erf) = vrcp.f32 v33;
	v41 =	vld [tilespmem:$0x1DF98];
	_ =	sdelay $0x3  }
0x8b7: {  	v4 =	vmul.f32 v40, v51;
	[tilespmem:s25+$0xFFFFFFC8] =	vst v30;
	v29 =	vadd.f32 v57, v53  }
0x8b8: {  	v40 =	vld [tilespmem:$0x1DF28];
	[tilespmem:$0x1F1E0] =	vst v41  }
0x8b9: {  	v22 =	vadd.f32 v4, v22;
	v23 =	vmul.f32 v36, v63;
	v26 =	vadd.f32 v35, v29;
	[tilespmem:s14+$0x40] =	vst v39;
	v27 =	vld [tilespmem:s3+$0xFFFFFFD8]  }
0x8ba: {  	v46 =	vld [tilespmem:s2+$0x50]  }
0x8bb: {  	v42 =	vsub.f32 $0.0e+00, v22;
	v35 =	vpop (erf);
	v49 =	vld [tilespmem:s30+$0x50];
	v57 =	vadd.f32 v23, v26  }
0x8bc: {  	v37 =	vpop (erf);
	v53 =	vld [tilespmem:s1+$0x50]  }
0x8bd: {  	v25 =	vmul.f32 $1.442695020e+00, v42;
	v54 =	vld [tilespmem:$0x1DF38];
	v39 =	vmul.f32 v37, v24;
	[tilespmem:$0x1F090] =	vst v57  }
0x8be: {  	v63 =	vld [tilespmem:s13+$0xFFFFFFD8];
	[tilespmem:$0x1F020] =	vst v35  }
0x8bf: {  	v20 =	vadd.f32 v20, v31;
	(erf) = vpow2.f32 v25;
	v36 =	vld [tilespmem:s28+$0xFFFFFFE0];
	[tilespmem:$0x1F270] =	vst v39  }
0x8c0: {  	v30 =	vadd.f32 v49, v46;
	v46 =	vld [tilespmem:$0x1DF78]  }
0x8c1: {  	v20 =	vadd.f32 v32, v20;
	v21 =	vmul.f32 v40, v60  }
0x8c2: {  	v40 =	vsub.f32 $0.0e+00, v57  }
0x8c3: {  	v20 =	vadd.f32 v21, v20  }
0x8c4: {  	v24 =	vmul.f32 $1.442695020e+00, v40;
	v25 =	vmul.f32 v54, v61;
	v29 =	vadd.f32 v53, v30  }
0x8c5: {  	v41 =	vld [tilespmem:$0x1DF48];
	[tilespmem:$0x1F260] =	vst v46  }
0x8c6: {  	v42 =	vsub.f32 $0.0e+00, v20;
	(erf) = vpow2.f32 v24;
	v24 =	vadd.f32 v25, v29;
	[tilespmem:s8+$0x20] =	vst v39  }
0x8c7: {  	v53 =	vld [tilespmem:s7+$0x30]  }
0x8c8: {  	v49 =	vmul.f32 $1.442695020e+00, v42;
	v4 =	vpop (erf);
	v29 =	vsub.f32 $0.0e+00, v24;
	v54 =	vld [tilespmem:s21+$0x30]  }
0x8c9: {  	v26 =	vadd.f32 $1.000000000e+00, v4;
	v23 =	vadd.f32 v63, v27;
	v57 =	vld [tilespmem:s29+$0x30]  }
0x8ca: {  	(erf) = vpow2.f32 v49;
	v33 =	vld [tilespmem:$0x1DF18];
	v34 =	vmul.f32 $1.442695020e+00, v29  }
0x8cb: {  	(erf) = vrcp.f32 v26;
	v21 =	vadd.f32 v36, v23;
	v63 =	vmul.f32 v41, v47  }
0x8cc: {  	v4 =	vld [tilespmem:$0x1DF78];
	(erf) = vpow2.f32 v34  }
0x8cd: {  	v21 =	vadd.f32 v63, v21;
	v25 =	vadd.f32 v54, v53;
	_ =	sdelay $0x1  }
0x8ce: {  	v35 =	vsub.f32 $0.0e+00, v21;
	v36 =	vmul.f32 v33, v48;
	v25 =	vadd.f32 v57, v25;
	_ =	sdelay $0x1  }
0x8cf: {  	v37 =	vpop (erf);
	v23 =	vmul.f32 $1.442695020e+00, v35;
	[tilespmem:$0x1F130] =	vst v4;
	v25 =	vadd.f32 v36, v25  }
0x8d0: {  	v39 =	vadd.f32 $1.000000000e+00, v37;
	v4 =	vld [tilespmem:$0x1DF98]  }
0x8d1: {  	v40 =	vpop (erf);
	(erf) = vpow2.f32 v23;
	v41 =	vsub.f32 $0.0e+00, v25  }
0x8d2: {  	v26 =	vadd.f32 $1.000000000e+00, v40;
	v46 =	vpop (erf);
	(erf) = vrcp.f32 v39  }
0x8d3: {  	v49 =	vpop (erf);
	v42 =	vmul.f32 $1.442695020e+00, v41  }
0x8d4: {  	(erf) = vrcp.f32 v26;
	v23 =	vadd.f32 $1.000000000e+00, v49  }
0x8d5: {  	[tilespmem:$0x1F150] =	vst v4;
	(erf) = vpow2.f32 v42  }
0x8d6: {  	v4 =	vld [tilespmem:$0x1DFB8];
	(erf) = vrcp.f32 v23;
	_ =	sdelay $0x1  }
0x8d7: {  	v54 =	vmul.f32 v46, v22;
	_ =	sdelay $0x1  }
0x8d8: {  	[tilespmem:s8+$0xFFFFFF98] =	vst v54;
	v53 =	vpop (erf)  }
0x8d9: {  	[tilespmem:$0x1F170] =	vst v4;
	v57 =	vpop (erf)  }
0x8da: {  	[tilespmem:$0x1F0A0] =	vst v57  }
0x8db: {  	v37 =	vpop (erf);
	v63 =	vld [tilespmem:s7+$0xFFFFFFA8]  }
0x8dc: {  	v22 =	vadd.f32 $1.000000000e+00, v53;
	v53 =	vmul.f32 v37, v20;
	v39 =	vld [tilespmem:s21+$0xFFFFFFA8];
	v41 =	vpop (erf)  }
0x8dd: {  	v40 =	vld [tilespmem:s29+$0xFFFFFFB0];
	v33 =	vpop (erf)  }
0x8de: {  	v42 =	vld [tilespmem:$0x1DF18];
	[tilespmem:s14+$0xFFFFFFB8] =	vst v53;
	v34 =	vmul.f32 v33, v24  }
0x8df: {  	v46 =	vld [tilespmem:s2+$0xFFFFFFC8]  }
0x8e0: {  	v49 =	vld [tilespmem:s30+$0xFFFFFFC8];
	[tilespmem:$0x1F210] =	vst v34  }
0x8e1: {  	v35 =	vld [tilespmem:$0x1DFA8]  }
0x8e2: {  	(erf) = vrcp.f32 v22;
	_ =	sdelay $0x1  }
0x8e3: {  	v26 =	vadd.f32 $1.000000000e+00, v41;
	_ =	sdelay $0x1  }
0x8e4: {  	(erf) = vrcp.f32 v26;
	v24 =	vld [tilespmem:s1+$0xFFFFFFD0];
	[tilespmem:$0x1F200] =	vst v35  }
0x8e5: {  	v30 =	vld [tilespmem:$0x1DF38]  }
0x8e6: {  	v26 =	vadd.f32 v49, v46;
	[tilespmem:s14+$0x50] =	vst v34;
	v49 =	vld [tilespmem:$0x1DF88]  }
0x8e7: {  	v31 =	vld [tilespmem:s2+$0x60]  }
0x8e8: {  	v37 =	vld [tilespmem:s30+$0x60]  }
0x8e9: {  	v20 =	vadd.f32 v39, v63;
	v36 =	vpop (erf);
	v39 =	vld [tilespmem:s1+$0x60]  }
0x8ea: {  	v63 =	vmul.f32 v36, v21;
	v41 =	vld [tilespmem:$0x1DF48]  }
0x8eb: {  	v20 =	vadd.f32 v40, v20;
	v40 =	vmul.f32 v42, v51  }
0x8ec: {  	[tilespmem:s25+$0xFFFFFFD8] =	vst v63  }
0x8ed: {  	v20 =	vadd.f32 v40, v20;
	v32 =	vld [tilespmem:s3+$0xFFFFFFE8];
	v42 =	vpop (erf);
	v21 =	vadd.f32 v37, v31  }
0x8ee: {  	v24 =	vadd.f32 v24, v26;
	v23 =	vld [tilespmem:s13+$0xFFFFFFE8];
	v57 =	vmul.f32 v42, v25;
	v36 =	vmul.f32 v30, v60  }
0x8ef: {  	v46 =	vsub.f32 $0.0e+00, v20;
	v25 =	vld [tilespmem:s28+$0xFFFFFFF0];
	[tilespmem:$0x1F280] =	vst v49;
	v21 =	vadd.f32 v39, v21;
	v39 =	vmul.f32 v41, v61  }
0x8f0: {  	[tilespmem:s8+$0x30] =	vst v57;
	v4 =	vld [tilespmem:$0x1DF58];
	v24 =	vadd.f32 v36, v24  }
0x8f1: {  	v29 =	vmul.f32 $1.442695020e+00, v46;
	v37 =	vld [tilespmem:s7+$0x40];
	v21 =	vadd.f32 v39, v21  }
0x8f2: {  	v40 =	vld [tilespmem:s21+$0x40];
	v46 =	vsub.f32 $0.0e+00, v24  }
0x8f3: {  	(erf) = vpow2.f32 v29;
	v42 =	vld [tilespmem:$0x1DF28];
	v49 =	vsub.f32 $0.0e+00, v21  }
0x8f4: {  	v41 =	vld [tilespmem:s29+$0x40];
	v29 =	vmul.f32 $1.442695020e+00, v46  }
0x8f5: {  	v33 =	vmul.f32 $1.442695020e+00, v49  }
0x8f6: {  	v23 =	vadd.f32 v23, v32;
	(erf) = vpow2.f32 v29  }
0x8f7: {  	v27 =	vadd.f32 v40, v37;
	(erf) = vpow2.f32 v33  }
0x8f8: {  	v23 =	vadd.f32 v25, v23;
	v4 =	vmul.f32 v4, v47  }
0x8f9: {  	v22 =	vmul.f32 v42, v48;
	v27 =	vadd.f32 v41, v27  }
0x8fa: {  	v26 =	vadd.f32 v4, v23  }
0x8fb: {  	v22 =	vadd.f32 v22, v27  }
0x8fc: {  	v34 =	vpop (erf);
	v25 =	vsub.f32 $0.0e+00, v26  }
0x8fd: {  	v23 =	vadd.f32 $1.000000000e+00, v34;
	v27 =	vsub.f32 $0.0e+00, v22  }
0x8fe: {  	v25 =	vmul.f32 $1.442695020e+00, v25  }
0x8ff: {  	(erf) = vrcp.f32 v23;
	v35 =	vmul.f32 $1.442695020e+00, v27;
	v36 =	vpop (erf)  }
0x900: {  	(erf) = vpow2.f32 v25;
	v23 =	vadd.f32 $1.000000000e+00, v36;
	v37 =	vpop (erf)  }
0x901: {  	(erf) = vpow2.f32 v35;
	v25 =	vadd.f32 $1.000000000e+00, v37  }
0x902: {  	v4 =	vld [tilespmem:$0x1DF88];
	(erf) = vrcp.f32 v23  }
0x903: {  	(erf) = vrcp.f32 v25;
	_ =	sdelay $0x3  }
0x904: {  	[tilespmem:$0x1F180] =	vst v4  }
0x905: {  	v4 =	vld [tilespmem:$0x1DFB8];
	v39 =	vpop (erf)  }
0x906: {  	v49 =	vmul.f32 v39, v20;
	v27 =	vpop (erf)  }
0x907: {  	v40 =	vpop (erf)  }
0x908: {  	[tilespmem:s8+$0xFFFFFFA8] =	vst v49;
	v25 =	vadd.f32 $1.000000000e+00, v40;
	v20 =	vpop (erf)  }
0x909: {  	v23 =	vld [tilespmem:s7+$0xFFFFFFB8];
	v41 =	vpop (erf)  }
0x90a: {  	(erf) = vrcp.f32 v25;
	v25 =	vmul.f32 v41, v21;
	v21 =	vld [tilespmem:s21+$0xFFFFFFB8];
	[tilespmem:$0x1F220] =	vst v4  }
0x90b: {  	v30 =	vld [tilespmem:s29+$0xFFFFFFC0]  }
0x90c: {  	v4 =	vld [tilespmem:$0x1DF98]  }
0x90d: {  	v41 =	vld [tilespmem:$0x1DF28];
	[tilespmem:s14+$0x60] =	vst v25  }
0x90e: {  	v42 =	vld [tilespmem:s2+$0x70]  }
0x90f: {  	v36 =	vld [tilespmem:s30+$0x70]  }
0x910: {  	v37 =	vld [tilespmem:s1+$0x70]  }
0x911: {  	v39 =	vld [tilespmem:$0x1DF58];
	[tilespmem:$0x1F290] =	vst v4  }
0x912: {  	v4 =	vld [tilespmem:$0x1DFA8]  }
0x913: {  	v40 =	vpop (erf)  }
0x914: {  	v46 =	vmul.f32 v40, v22;
	_ =	sdelay $0x1  }
0x915: {  	[tilespmem:s8+$0x40] =	vst v46  }
0x916: {  	[tilespmem:$0x1F1A0] =	vst v4  }
0x917: {  	v31 =	vadd.f32 v36, v42;
	v42 =	vld [tilespmem:s7+$0x50]  }
0x918: {  	v47 =	vld [tilespmem:s21+$0x50]  }
0x919: {  	v21 =	vadd.f32 v21, v23;
	v4 =	vadd.f32 v37, v31;
	v37 =	vld [tilespmem:s29+$0x50]  }
0x91a: {  	v29 =	vmul.f32 v20, v24;
	v36 =	vmul.f32 v39, v61;
	v40 =	vld [tilespmem:$0x1DF38]  }
0x91b: {  	v21 =	vadd.f32 v30, v21;
	v39 =	vmul.f32 v41, v51  }
0x91c: {  	[tilespmem:s14+$0xFFFFFFC8] =	vst v29;
	v22 =	vadd.f32 v36, v4  }
0x91d: {  	v20 =	vadd.f32 v39, v21;
	v41 =	vld [tilespmem:s2+$0xFFFFFFD8];
	v23 =	vadd.f32 v47, v42  }
0x91e: {  	v27 =	vadd.f32 $1.000000000e+00, v27;
	v42 =	vld [tilespmem:s30+$0xFFFFFFD8];
	v47 =	vsub.f32 $0.0e+00, v22  }
0x91f: {  	v61 =	vld [tilespmem:s1+$0xFFFFFFE0];
	v4 =	vsub.f32 $0.0e+00, v20;
	v36 =	vmul.f32 v40, v48;
	v23 =	vadd.f32 v37, v23  }
0x920: {  	v30 =	vmul.f32 $1.442695020e+00, v47;
	v37 =	vld [tilespmem:$0x1DF48]  }
0x921: {  	(erf) = vrcp.f32 v27;
	v39 =	vmul.f32 $1.442695020e+00, v4;
	v23 =	vadd.f32 v36, v23  }
0x922: {  	(erf) = vpow2.f32 v30  }
0x923: {  	v21 =	vadd.f32 v42, v41;
	(erf) = vpow2.f32 v39;
	v40 =	vsub.f32 $0.0e+00, v23;
	_ =	sdelay $0x1  }
0x924: {  	v21 =	vadd.f32 v61, v21;
	v41 =	vmul.f32 v37, v60;
	v24 =	vmul.f32 $1.442695020e+00, v40;
	_ =	sdelay $0x1  }
0x925: {  	v21 =	vadd.f32 v41, v21;
	(erf) = vpow2.f32 v24;
	_ =	sdelay $0x1  }
0x926: {  	v42 =	vsub.f32 $0.0e+00, v21  }
0x927: {  	v61 =	vpop (erf)  }
0x928: {  	v24 =	vmul.f32 $1.442695020e+00, v42;
	v47 =	vpop (erf)  }
0x929: {  	v27 =	vadd.f32 $1.000000000e+00, v47;
	v4 =	vpop (erf)  }
0x92a: {  	(erf) = vpow2.f32 v24;
	v33 =	vadd.f32 $1.000000000e+00, v4  }
0x92b: {  	(erf) = vrcp.f32 v27  }
0x92c: {  	(erf) = vrcp.f32 v33  }
0x92d: {  	v34 =	vpop (erf)  }
0x92e: {  	v24 =	vadd.f32 $1.000000000e+00, v34;
	_ =	sdelay $0x1  }
0x92f: {  	v4 =	vld [tilespmem:$0x1DF98];
	(erf) = vrcp.f32 v24;
	_ =	sdelay $0x2  }
0x930: {  	v35 =	vpop (erf)  }
0x931: {  	v47 =	vpop (erf)  }
0x932: {  	[tilespmem:$0x1F2B0] =	vst v4;
	v36 =	vpop (erf)  }
0x933: {  	v4 =	vld [tilespmem:$0x1DFA8];
	v27 =	vmul.f32 v36, v20;
	_ =	sdelay $0x1  }
0x934: {  	[tilespmem:s8+$0xFFFFFFB8] =	vst v27  }
0x935: {  	v30 =	vld [tilespmem:s7+$0xFFFFFFC8];
	v40 =	vpop (erf)  }
0x936: {  	v39 =	vld [tilespmem:s21+$0xFFFFFFC8];
	v24 =	vmul.f32 v40, v23  }
0x937: {  	v37 =	vadd.f32 $1.000000000e+00, v35;
	v20 =	vld [tilespmem:s29+$0xFFFFFFD0];
	[tilespmem:$0x1F2A0] =	vst v4  }
0x938: {  	[tilespmem:s8+$0x50] =	vst v24  }
0x939: {  	(erf) = vrcp.f32 v37;
	v42 =	vld [tilespmem:s7+$0x60]  }
0x93a: {  	v4 =	vld [tilespmem:s21+$0x60];
	_ =	sdelay $0x1  }
0x93b: {  	v41 =	vld [tilespmem:$0x1DF38]  }
0x93c: {  	v36 =	vld [tilespmem:s29+$0x60]  }
0x93d: {  	v37 =	vld [tilespmem:$0x1DF48]  }
0x93e: {  	v30 =	vadd.f32 v39, v30;
	v39 =	vadd.f32 v4, v42;
	v4 =	vld [tilespmem:$0x1DFB8];
	_ =	sdelay $0x2  }
0x93f: {  	v40 =	vpop (erf)  }
0x940: {  	v41 =	vmul.f32 v41, v51;
	v23 =	vmul.f32 v40, v21;
	v20 =	vadd.f32 v20, v30  }
0x941: {  	v42 =	vadd.f32 v36, v39;
	v36 =	vmul.f32 v37, v48;
	[tilespmem:$0x1F2C0] =	vst v4  }
0x942: {  	v32 =	vadd.f32 v41, v20;
	[tilespmem:s14+$0xFFFFFFD8] =	vst v23  }
0x943: {  	v21 =	vadd.f32 v36, v42;
	v37 =	vld [tilespmem:s2+$0xFFFFFFE8]  }
0x944: {  	v40 =	vsub.f32 $0.0e+00, v32;
	v39 =	vld [tilespmem:s30+$0xFFFFFFE8]  }
0x945: {  	v42 =	vsub.f32 $0.0e+00, v21;
	v41 =	vld [tilespmem:s1+$0xFFFFFFF0]  }
0x946: {  	v31 =	vmul.f32 $1.442695020e+00, v40;
	v4 =	vld [tilespmem:$0x1DF58]  }
0x947: {  	v34 =	vmul.f32 $1.442695020e+00, v42  }
0x948: {  	(erf) = vpow2.f32 v31  }
0x949: {  	(erf) = vpow2.f32 v34;
	v20 =	vadd.f32 v39, v37;
	_ =	sdelay $0x1  }
0x94a: {  	v36 =	vmul.f32 v4, v60;
	v20 =	vadd.f32 v41, v20;
	_ =	sdelay $0x1  }
0x94b: {  	v20 =	vadd.f32 v36, v20;
	_ =	sdelay $0x1  }
0x94c: {  	v30 =	vsub.f32 $0.0e+00, v20;
	_ =	sdelay $0x1  }
0x94d: {  	v31 =	vpop (erf);
	v30 =	vmul.f32 $1.442695020e+00, v30  }
0x94e: {  	v31 =	vadd.f32 $1.000000000e+00, v31;
	v37 =	vpop (erf)  }
0x94f: {  	v39 =	vadd.f32 $1.000000000e+00, v37;
	(erf) = vpow2.f32 v30  }
0x950: {  	(erf) = vrcp.f32 v31  }
0x951: {  	(erf) = vrcp.f32 v39;
	_ =	sdelay $0x3  }
0x952: {  	v4 =	vld [tilespmem:$0x1DFB8];
	_ =	sdelay $0x2  }
0x953: {  	v30 =	vpop (erf)  }
0x954: {  	v31 =	vpop (erf)  }
0x955: {  	[tilespmem:$0x1F2D0] =	vst v4;
	v40 =	vpop (erf)  }
0x956: {  	v4 =	vld [tilespmem:$0x1DFA8];
	v21 =	vmul.f32 v40, v21;
	_ =	sdelay $0x1  }
0x957: {  	[tilespmem:s8+$0x60] =	vst v21  }
0x958: {  	v41 =	vld [tilespmem:$0x1F750]  }
0x959: {  	v60 =	vmul.f32 v31, v32;
	v42 =	vld [tilespmem:$0x1F770]  }
0x95a: {  	[tilespmem:$0x1F2E0] =	vst v4  }
0x95b: {  	[tilespmem:s8+$0xFFFFFFC8] =	vst v60  }
0x95c: {  	v4 =	vld [tilespmem:$0x1F780]  }
0x95d: {  	v40 =	vld [tilespmem:$0x1F7F0]  }
0x95e: {  	v32 =	vmul.f32 v41, v42;
	v42 =	vld [tilespmem:$0x1EF60]  }
0x95f: {  	v41 =	vld [tilespmem:$0x1F800];
	_ =	sdelay $0x2  }
0x960: {  	v33 =	vld [tilespmem:s7+$0x70];
	v36 =	vmul.f32 v4, v40;
	v32 =	vadd.f32 $0.0e+00, v32  }
0x961: {  	v14 =	vmul.f32 v42, v14;
	v42 =	vld [tilespmem:$0x1F850]  }
0x962: {  	v32 =	vadd.f32 v36, v32;
	v36 =	vmul.f32 v41, v50;
	v50 =	vld [tilespmem:$0x1F960]  }
0x963: {  	v31 =	vld [tilespmem:s21+$0x70]  }
0x964: {  	v37 =	vld [tilespmem:s7+$0xFFFFFFD8]  }
0x965: {  	v39 =	vld [tilespmem:s21+$0xFFFFFFD8]  }
0x966: {  	v4 =	vld [tilespmem:$0x1EF70]  }
0x967: {  	v42 =	vmul.f32 v42, v50;
	v50 =	vld [tilespmem:$0x1EF80]  }
0x968: {  	v34 =	vld [tilespmem:s29+$0x70]  }
0x969: {  	v35 =	vld [tilespmem:$0x1DF58]  }
0x96a: {  	v31 =	vadd.f32 v31, v33;
	v33 =	vld [tilespmem:$0x1DFC8]  }
0x96b: {  	v40 =	vld [tilespmem:s29+$0xFFFFFFE0]  }
0x96c: {  	v37 =	vadd.f32 v39, v37;
	v39 =	vld [tilespmem:$0x1DFC8];
	v32 =	vadd.f32 v36, v32;
	v36 =	vmul.f32 v50, v4  }
0x96d: {  	v41 =	vld [tilespmem:$0x1DF48];
	[tilespmem:s15+$0xFFFFFFE8] =	vst v14  }
0x96e: {  	v32 =	vadd.f32 v42, v32;
	v42 =	vld [tilespmem:$0x1F970];
	[tilespmem:s16+$0x70] =	vst v36  }
0x96f: {  	v50 =	vld [tilespmem:$0x1EF90];
	_ =	sdelay $0x1  }
0x970: {  	v31 =	vadd.f32 v34, v31  }
0x971: {  	v34 =	vmul.f32 v35, v48;
	v37 =	vadd.f32 v40, v37;
	v48 =	vmul.f32 v41, v51;
	_ =	sdelay $0x1  }
0x972: {  	v4 =	vmul.f32 v0, v50;
	v0 =	vadd.f32 v34, v31;
	v31 =	vadd.f32 v48, v37;
	v37 =	vld [tilespmem:$0x1EFA0]  }
0x973: {  	v3 =	vmul.f32 v42, v3;
	_ =	sdelay $0x1  }
0x974: {  	v3 =	vadd.f32 v3, v32;
	_ =	sdelay $0x1  }
0x975: {  	v35 =	vld [tilespmem:$0x1DFD8];
	v3 =	vadd.f32 v4, v3;
	v40 =	vmul.f32 v37, v39  }
0x976: {  	v39 =	vld [tilespmem:$0x1EFB0]  }
0x977: {  	v3 =	vadd.f32 v40, v3;
	v40 =	vld [tilespmem:$0x1EFC0]  }
0x978: {  	v11 =	vmul.f32 v11, v33;
	v41 =	vld [tilespmem:$0x1DFD8];
	_ =	sdelay $0x1  }
0x979: {  	v58 =	vadd.f32 v11, v58;
	v14 =	vmul.f32 v14, v35  }
0x97a: {  	v42 =	vsub.f32 $0.0e+00, v0  }
0x97b: {  	v30 =	vadd.f32 $1.000000000e+00, v30;
	v4 =	vadd.f32 v14, v58;
	v14 =	vmul.f32 v39, v40;
	v39 =	vld [tilespmem:$0x1FF60]  }
0x97c: {  	v50 =	vmul.f32 v36, v41;
	v48 =	vsub.f32 $0.0e+00, v31;
	v33 =	vmul.f32 $1.442695020e+00, v42  }
0x97d: {  	v13 =	vadd.f32 v13, v18;
	(erf) = vrcp.f32 v30;
	v34 =	vperm.xlane v4, v44;
	v42 =	vld [tilespmem:$0x1EFD0]  }
0x97e: {  	v30 =	vmul.f32 $1.442695020e+00, v48;
	v48 =	vld [tilespmem:$0x1EFE0];
	(erf) = vpow2.f32 v33;
	v33 =	vadd.f32 v19, v16  }
0x97f: {  	v4 =	vadd.f32 v4, v34;
	v34 =	vld [tilespmem:$0x1F010];
	v3 =	vadd.f32 v50, v3  }
0x980: {  	v35 =	vadd.f32 v17, v33;
	v50 =	vmov v59;
	v59 =	vld [tilespmem:$0x1FFF0];
	v13 =	vadd.f32 v13, v39  }
0x981: {  	(erf) = vpow2.f32 v30;
	v30 =	vld [tilespmem:$0x1EFF0];
	v32 =	vperm.xlane v3, v44  }
0x982: {  	v11 =	vmul.f32 v13, v35;
	v35 =	vld [tilespmem:$0x1F020]  }
0x983: {  	v17 =	vmul.f32 v42, v48;
	v42 =	vld [tilespmem:$0x1FFE0];
	v3 =	vadd.f32 v3, v32  }
0x984: {  	v48 =	vld [tilespmem:$0x1F050]  }
0x985: {  	v40 =	vld [tilespmem:$0x1F030];
	v58 =	vperm.xlane v4, v59;
	v41 =	vperm.xlane v3, v59  }
0x986: {  	v8 =	vadd.f32 v17, v8;
	v32 =	vld [tilespmem:$0x1F000]  }
0x987: {  	v4 =	vadd.f32 v4, v58;
	v58 =	vld [tilespmem:$0x1F060];
	v13 =	vadd.f32 v3, v41;
	v3 =	vpop (erf);
	v17 =	vmul.f32 v35, v34  }
0x988: {  	v41 =	vld [tilespmem:$0x1F040];
	v33 =	vpop (erf)  }
0x989: {  	v16 =	vadd.f32 $1.000000000e+00, v33;
	v33 =	vld [tilespmem:$0x1DFC8];
	[tilespmem:s16+$0xFFFFFFE8] =	vst v17  }
0x98a: {  	v36 =	vperm.xlane v13, v42;
	v35 =	vld [tilespmem:$0x1F820];
	_ =	sdelay $0x1  }
0x98b: {  	v13 =	vadd.f32 v13, v36;
	v36 =	vld [tilespmem:$0x1DFD8]  }
0x98c: {  	v10 =	vadd.f32 v14, v10;
	v14 =	vmul.f32 v30, v32;
	v30 =	vmul.f32 v40, v41;
	v40 =	vld [tilespmem:$0x1F8B0]  }
0x98d: {  	v32 =	vmul.f32 v48, v58;
	v48 =	vld [tilespmem:$0x1FFC0]  }
0x98e: {  	v7 =	vadd.f32 v14, v7;
	v37 =	vpop (erf);
	v14 =	vmul.f32 v35, v52;
	v52 =	vld [tilespmem:$0x1FFD0]  }
0x98f: {  	v19 =	vadd.f32 $1.000000000e+00, v37;
	v41 =	vld [tilespmem:$0x1F6F0]  }
0x990: {  	(erf) = vrcp.f32 v16;
	v58 =	vld [tilespmem:$0x1F070]  }
0x991: {  	(erf) = vrcp.f32 v19;
	v19 =	vmul.f32 v40, v56;
	v40 =	vld [tilespmem:$0x1FF90]  }
0x992: {  	v34 =	vperm.xlane v4, v42;
	v56 =	vld [tilespmem:$0x1F700]  }
0x993: {  	v35 =	vld [tilespmem:$0x1F980];
	v37 =	vperm.xlane v13, v52  }
0x994: {  	v16 =	vadd.f32 v4, v34;
	v4 =	vmul.f32 v48, v41;
	v41 =	vld [tilespmem:$0x1F0A0]  }
0x995: {  	v13 =	vadd.f32 v13, v37;
	v37 =	vld [tilespmem:$0x1F090]  }
0x996: {  	v14 =	vadd.f32 $0.0e+00, v14  }
0x997: {  	v8 =	vadd.f32 v32, v8;
	v17 =	vmul.f32 v17, v36;
	v36 =	vld [tilespmem:$0x1F080]  }
0x998: {  	v32 =	vmul.f32 v58, v33;
	v58 =	vld [tilespmem:$0x1F6A0];
	v14 =	vadd.f32 v19, v14;
	v2 =	vmul.f32 v35, v2  }
0x999: {  	v10 =	vadd.f32 v30, v10;
	v30 =	vmul.f32 v40, v56;
	v56 =	vld [tilespmem:$0x1F730]  }
0x99a: {  	v2 =	vadd.f32 v2, v14;
	v14 =	vmul.f32 v41, v37;
	v41 =	vld [tilespmem:$0x1FFA0]  }
0x99b: {  	v35 =	vld [tilespmem:$0x1F0B0]  }
0x99c: {  	v18 =	vmul.f32 v28, v36;
	v36 =	vld [tilespmem:$0x1F0C0]  }
0x99d: {  	v33 =	vld [tilespmem:$0x1DFC8]  }
0x99e: {  	v28 =	vld [tilespmem:$0x1F6B0];
	[tilespmem:s25+$0x70] =	vst v14  }
0x99f: {  	v4 =	vadd.f32 v30, v4;
	v37 =	vld [tilespmem:$0x1F0D0];
	v19 =	vmul.f32 v41, v56  }
0x9a0: {  	v56 =	vld [tilespmem:$0x1F0E0]  }
0x9a1: {  	v19 =	vadd.f32 v19, v4;
	v4 =	vmul.f32 v35, v36;
	v35 =	vld [tilespmem:$0x1F0F0]  }
0x9a2: {  	v36 =	vld [tilespmem:$0x1F100];
	_ =	sdelay $0x1  }
0x9a3: {  	v7 =	vadd.f32 v32, v7  }
0x9a4: {  	v2 =	vadd.f32 v18, v2;
	v18 =	vpop (erf);
	v34 =	vmul.f32 v37, v56;
	v37 =	vld [tilespmem:$0x1F6C0]  }
0x9a5: {  	v17 =	vadd.f32 v17, v7;
	v30 =	vmul.f32 v48, v58;
	v32 =	vmul.f32 v40, v28;
	v58 =	vpop (erf)  }
0x9a6: {  	v7 =	vld [tilespmem:$0x1DFB8];
	v2 =	vadd.f32 v4, v2;
	v4 =	vmul.f32 v58, v31;
	v35 =	vmul.f32 v35, v36  }
0x9a7: {  	v30 =	vadd.f32 v32, v30;
	v32 =	vld [tilespmem:$0x1DFD8];
	v58 =	vperm.xlane v16, v52  }
0x9a8: {  	v2 =	vadd.f32 v35, v2;
	v35 =	vld [tilespmem:$0x1F110];
	[tilespmem:s8+$0xFFFFFFD8] =	vst v4  }
0x9a9: {  	v13 =	vadd.f32 v13, v39;
	v16 =	vadd.f32 v16, v58;
	v56 =	vmul.f32 v41, v37;
	v58 =	vld [tilespmem:$0x1F130]  }
0x9aa: {  	v37 =	vperm.xlane v17, v44;
	v36 =	vld [tilespmem:$0x1F140]  }
0x9ab: {  	v13 =	vmul.f32 v13, v19;
	v19 =	vadd.f32 v56, v30;
	v56 =	vld [tilespmem:$0x1F120]  }
0x9ac: {  	v17 =	vadd.f32 v17, v37;
	v37 =	vld [tilespmem:$0x1F150];
	_ =	sdelay $0x2  }
0x9ad: {  	v31 =	vld [tilespmem:s21+$0xFFFFFFE8]  }
0x9ae: {  	v14 =	vmul.f32 v14, v32;
	v32 =	vmul.f32 v56, v58;
	v56 =	vld [tilespmem:$0x1F160]  }
0x9af: {  	v33 =	vmul.f32 v35, v33;
	v35 =	vmul.f32 v36, v37;
	v58 =	vld [tilespmem:$0x1F170]  }
0x9b0: {  	v30 =	vld [tilespmem:s7+$0xFFFFFFE8]  }
0x9b1: {  	v10 =	vadd.f32 v35, v10;
	v35 =	vld [tilespmem:$0x1F180]  }
0x9b2: {  	v2 =	vadd.f32 v33, v2;
	v33 =	vadd.f32 $0.0e+00, v34;
	v34 =	vld [tilespmem:s29+$0xFFFFFFF0]  }
0x9b3: {  	v16 =	vadd.f32 v16, v39  }
0x9b4: {  	v14 =	vadd.f32 v14, v2;
	v36 =	vmul.f32 v56, v58  }
0x9b5: {  	v37 =	vld [tilespmem:$0x1DF58];
	v2 =	vmul.f32 v16, v19;
	v16 =	vadd.f32 v32, v33;
	v33 =	vadd.f32 v31, v30  }
0x9b6: {  	v58 =	vperm.xlane v14, v44;
	v8 =	vadd.f32 v36, v8;
	v36 =	vmul.f32 v54, v35;
	v54 =	vld [tilespmem:$0x1F190]  }
0x9b7: {  	v19 =	vadd.f32 v34, v33;
	v33 =	vld [tilespmem:$0x1F1C0]  }
0x9b8: {  	v56 =	vperm.xlane v17, v59;
	v14 =	vadd.f32 v14, v58;
	v58 =	vld [tilespmem:$0x1F1B0]  }
0x9b9: {  	v9 =	vmul.f32 v55, v9;
	v34 =	vld [tilespmem:$0x1F1D0]  }
0x9ba: {  	v17 =	vadd.f32 v17, v56;
	v56 =	vld [tilespmem:$0x1F1A0]  }
0x9bb: {  	v9 =	vadd.f32 $0.0e+00, v9;
	v35 =	vld [tilespmem:$0x1F1E0];
	v5 =	vmul.f32 v5, v54;
	_ =	sdelay $0x1  }
0x9bc: {  	v5 =	vadd.f32 v5, v9;
	v9 =	vmul.f32 v58, v33  }
0x9bd: {  	v55 =	vmul.f32 v37, v51;
	v51 =	vld [tilespmem:$0x1F1F0]  }
0x9be: {  	v30 =	vmul.f32 v53, v56;
	v53 =	vld [tilespmem:$0x1F200];
	v5 =	vadd.f32 v9, v5;
	v9 =	vmul.f32 v47, v22  }
0x9bf: {  	v31 =	vmul.f32 v34, v35;
	v34 =	vld [tilespmem:$0x1DFC8]  }
0x9c0: {  	v19 =	vadd.f32 v55, v19;
	v33 =	vld [tilespmem:$0x1DFC8];
	[tilespmem:s14+$0x70] =	vst v9  }
0x9c1: {  	v32 =	vperm.xlane v14, v59;
	v54 =	vld [tilespmem:$0x1F7A0]  }
0x9c2: {  	v37 =	vsub.f32 $0.0e+00, v19;
	v56 =	vld [tilespmem:$0x1DFD8]  }
0x9c3: {  	v26 =	vmul.f32 v61, v26;
	v14 =	vadd.f32 v14, v32;
	v58 =	vld [tilespmem:$0x1F210]  }
0x9c4: {  	v22 =	vmul.f32 $1.442695020e+00, v37;
	v61 =	vld [tilespmem:$0x1F220]  }
0x9c5: {  	v47 =	vperm.xlane v14, v42;
	v55 =	vld [tilespmem:$0x1F7B0];
	[tilespmem:s25+$0xFFFFFFE8] =	vst v26  }
0x9c6: {  	v5 =	vadd.f32 v31, v5;
	v31 =	vmul.f32 v51, v53;
	(erf) = vpow2.f32 v22;
	v51 =	vld [tilespmem:$0x1DFD8]  }
0x9c7: {  	v53 =	vld [tilespmem:$0x1F7D0]  }
0x9c8: {  	v14 =	vadd.f32 v14, v47;
	v9 =	vmul.f32 v9, v56;
	v56 =	vld [tilespmem:$0x1F230]  }
0x9c9: {  	v5 =	vadd.f32 v31, v5;
	v31 =	vmul.f32 v58, v61;
	v58 =	vld [tilespmem:$0x1F240];
	[tilespmem:v12+s9+$0x0] =	vst.idx.msk vm0, v15  }
0x9ca: {  	v10 =	vadd.f32 v30, v10;
	v30 =	vld [tilespmem:$0x1FFB0]  }
0x9cb: {  	v47 =	vperm.xlane v14, v52;
	v35 =	vmul.f32 v40, v55;
	v28 =	vld [tilespmem:$0x1F6E0]  }
0x9cc: {  	v11 =	vadd.f32 v43, v11;
	v16 =	vadd.f32 v36, v16;
	v32 =	vmul.f32 v48, v54;
	v12 =	vld [tilespmem:$0x1F250]  }
0x9cd: {  	v25 =	vmul.f32 v25, v33;
	v14 =	vadd.f32 v14, v47;
	v54 =	vmul.f32 v63, v34;
	v63 =	vld [tilespmem:$0x1F260]  }
0x9ce: {  	v33 =	vld [tilespmem:$0x1F270];
	v37 =	vadd.f32 v35, v32;
	v5 =	vadd.f32 v31, v5;
	v31 =	vmul.f32 v41, v53  }
0x9cf: {  	v36 =	vperm.xlane v17, v42;
	v61 =	vadd.f32 v14, v39;
	v34 =	vld [tilespmem:$0x1F280];
	[tilespmem:v6+s9+$0x0] =	vst.idx.msk vm0, v11;
	v35 =	vpop (erf)  }
0x9d0: {  	v47 =	vld [tilespmem:$0x1F710];
	v22 =	vadd.f32 v31, v37;
	v37 =	vadd.f32 $1.000000000e+00, v35;
	v14 =	vadd.s32 v30, v28  }
0x9d1: {  	v3 =	vmul.f32 v3, v20;
	v26 =	vmul.f32 v26, v51;
	v51 =	vld [tilespmem:$0x1F720]  }
0x9d2: {  	v17 =	vadd.f32 v17, v36;
	v8 =	vadd.f32 v54, v8;
	(erf) = vrcp.f32 v37  }
0x9d3: {  	v0 =	vmul.f32 v18, v0;
	v36 =	vadd.f32 v43, v13;
	v6 =	vld [tilespmem:$0x1F290];
	v5 =	vadd.f32 v25, v5  }
0x9d4: {  	v55 =	vperm.xlane v17, v52;
	v8 =	vadd.f32 v26, v8;
	v25 =	vmul.f32 v56, v58;
	v56 =	vld [tilespmem:$0x1DFC8]  }
0x9d5: {  	v5 =	vadd.f32 v9, v5;
	v9 =	vmul.f32 v61, v22;
	v61 =	vld [tilespmem:$0x1DFC8];
	[tilespmem:v14+s9+$0x0] =	vst.idx.msk vm0, v36  }
0x9d6: {  	v31 =	vadd.f32 $0.0e+00, v25;
	v15 =	vmul.f32 v48, v47;
	v25 =	vmul.f32 v40, v51;
	v58 =	vld [tilespmem:$0x1F2A0];
	[tilespmem:s8+$0x70] =	vst v0  }
0x9d7: {  	v12 =	vmul.f32 v12, v63;
	v32 =	vperm.xlane v5, v44;
	v63 =	vld [tilespmem:$0x1F2B0]  }
0x9d8: {  	v17 =	vadd.f32 v17, v55;
	v55 =	vperm.xlane v8, v44;
	v54 =	vadd.f32 v25, v15;
	v25 =	vld [tilespmem:$0x1F2C0]  }
0x9d9: {  	v7 =	vmul.f32 v60, v7;
	v5 =	vadd.f32 v5, v32;
	[tilespmem:s14+$0xFFFFFFE8] =	vst v3;
	v26 =	vld [tilespmem:$0x1DFD8]  }
0x9da: {  	v60 =	vmul.f32 v40, v45;
	v22 =	vmul.f32 v33, v34;
	v8 =	vadd.f32 v8, v55;
	v28 =	vld [tilespmem:$0x1F2D0]  }
0x9db: {  	v6 =	vmul.f32 v57, v6;
	v12 =	vadd.f32 v12, v31;
	v57 =	vperm.xlane v5, v59;
	v34 =	vld [tilespmem:$0x1F2E0];
	v36 =	vpop (erf)  }
0x9dc: {  	v2 =	vadd.f32 v43, v2;
	v31 =	vperm.xlane v8, v59;
	v35 =	vld [tilespmem:$0x1F740];
	v37 =	vmul.f32 v36, v19  }
0x9dd: {  	v53 =	vadd.f32 v22, v12;
	v5 =	vadd.f32 v5, v57;
	v22 =	vmul.f32 v29, v25;
	v29 =	vld [tilespmem:$0x1DFD8]  }
0x9de: {  	v32 =	vmul.f32 v21, v56;
	v8 =	vadd.f32 v8, v31;
	v20 =	vmul.f32 v49, v63;
	v49 =	vld [tilespmem:$0x1DFC8];
	[tilespmem:s8+$0xFFFFFFE8] =	vst v37  }
0x9df: {  	v6 =	vadd.f32 v6, v53;
	v33 =	vperm.xlane v5, v42;
	v15 =	vmul.f32 v46, v58;
	v55 =	vld [tilespmem:$0x1DFD8]  }
0x9e0: {  	v1 =	vadd.s32 v30, v1;
	v18 =	vmul.f32 v23, v61;
	v46 =	vperm.xlane v8, v42;
	v56 =	vld [tilespmem:$0x1F7C0]  }
0x9e1: {  	v5 =	vadd.f32 v5, v33;
	v0 =	vmul.f32 v0, v26;
	v6 =	vadd.f32 v15, v6;
	v57 =	vld [tilespmem:$0x1F930]  }
0x9e2: {  	v11 =	vmul.f32 v24, v28;
	v8 =	vadd.f32 v8, v46;
	v16 =	vadd.f32 v20, v16;
	v58 =	vld [tilespmem:$0x1F940]  }
0x9e3: {  	v10 =	vadd.f32 v22, v10;
	v20 =	vmul.f32 v27, v34;
	v47 =	vperm.xlane v5, v52;
	v25 =	vld [tilespmem:$0x1F2F0]  }
0x9e4: {  	v26 =	vld [tilespmem:$0x1F300];
	v6 =	vadd.f32 v11, v6;
	v11 =	vmul.f32 v41, v35;
	v35 =	vadd.f32 v43, v9  }
0x9e5: {  	v31 =	vld [tilespmem:$0x1F310];
	v19 =	vperm.xlane v8, v52;
	v10 =	vadd.f32 v18, v10;
	v51 =	vadd.f32 v20, v16  }
0x9e6: {  	v20 =	vld [tilespmem:$0x1F7E0];
	v6 =	vadd.f32 v32, v6;
	v3 =	vmul.f32 v3, v29;
	v11 =	vadd.f32 v11, v54  }
0x9e7: {  	v4 =	vmul.f32 v4, v49;
	v29 =	vld [tilespmem:$0x1F790];
	v7 =	vadd.f32 v7, v51;
	v14 =	vmul.f32 v48, v56  }
0x9e8: {  	v27 =	vld [tilespmem:$0x1F690];
	v0 =	vadd.f32 v0, v6;
	v16 =	vmul.f32 v48, v57;
	v12 =	vmul.f32 v40, v58  }
0x9e9: {  	v34 =	vld [tilespmem:$0x1F6D0];
	v3 =	vadd.f32 v3, v10;
	v6 =	vmul.f32 v37, v55;
	v10 =	vmul.f32 v48, v25  }
0x9ea: {  	v32 =	vadd.f32 v17, v39;
	v13 =	vmul.f32 v40, v26;
	v15 =	vmul.f32 v41, v31  }
0x9eb: {  	v4 =	vadd.f32 v4, v7;
	v63 =	vadd.f32 v60, v14;
	v14 =	vmul.f32 v41, v20  }
0x9ec: {  	v53 =	vperm.xlane v0, v44;
	v10 =	vadd.f32 v13, v10;
	v13 =	vadd.s32 v30, v29  }
0x9ed: {  	v54 =	vperm.xlane v3, v44;
	v23 =	vadd.f32 v14, v63;
	v14 =	vadd.s32 v30, v27  }
0x9ee: {  	v4 =	vadd.f32 v6, v4;
	v10 =	vadd.f32 v15, v10;
	v15 =	vadd.s32 v30, v34  }
0x9ef: {  	v5 =	vadd.f32 v5, v47;
	v11 =	vmul.f32 v32, v11;
	v0 =	vadd.f32 v0, v53  }
0x9f0: {  	v18 =	vld [tilespmem:$0x1F950];
	v12 =	vadd.f32 v12, v16;
	v3 =	vadd.f32 v3, v54;
	v24 =	vperm.xlane v4, v44  }
0x9f1: {  	v37 =	vadd.f32 v43, v11;
	v61 =	vperm.xlane v0, v59;
	[tilespmem:v13+s9+$0x0] =	vst.idx.msk vm0, v35  }
0x9f2: {  	v16 =	vperm.xlane v3, v59;
	v4 =	vadd.f32 v4, v24;
	[tilespmem:v14+s9+$0x0] =	vst.idx.msk vm0, v2  }
0x9f3: {  	v8 =	vadd.f32 v8, v19;
	v0 =	vadd.f32 v0, v61;
	[tilespmem:v15+s9+$0x0] =	vst.idx.msk vm0, v37  }
0x9f4: {  	v51 =	vmul.f32 v48, v50;
	v3 =	vadd.f32 v3, v16;
	v33 =	vperm.xlane v4, v59;
	v47 =	vld [tilespmem:$0x1F910]  }
0x9f5: {  	v5 =	vadd.f32 v5, v39;
	v7 =	vmul.f32 v41, v18;
	v21 =	vperm.xlane v0, v42;
	v49 =	vld [tilespmem:$0x1F920]  }
0x9f6: {  	v36 =	vadd.f32 v8, v39;
	v22 =	vperm.xlane v3, v42;
	v57 =	vld [tilespmem:$0x1F320];
	v4 =	vadd.f32 v4, v33  }
0x9f7: {  	v7 =	vadd.f32 v7, v12;
	v53 =	vmul.f32 v40, v62;
	v0 =	vadd.f32 v0, v21  }
0x9f8: {  	v54 =	vmul.f32 v41, v38;
	v56 =	vld [tilespmem:$0x1F860];
	v3 =	vadd.f32 v3, v22;
	v45 =	vperm.xlane v4, v42  }
0x9f9: {  	v5 =	vmul.f32 v5, v7;
	v7 =	vadd.f32 v53, v51;
	v58 =	vld [tilespmem:$0x1F760];
	v28 =	vperm.xlane v0, v52  }
0x9fa: {  	v46 =	vperm.xlane v3, v52;
	v4 =	vadd.f32 v4, v45;
	v6 =	vmul.f32 v48, v47  }
0x9fb: {  	v5 =	vadd.f32 v43, v5;
	v60 =	vld [tilespmem:$0x1F810];
	v8 =	vmul.f32 v40, v49;
	v11 =	vmul.f32 v41, v57  }
0x9fc: {  	v61 =	vld [tilespmem:$0x1FA40];
	v0 =	vadd.f32 v0, v28;
	v3 =	vadd.f32 v3, v46;
	v55 =	vperm.xlane v4, v52  }
0x9fd: {  	v9 =	vadd.s32 v30, v56;
	v6 =	vadd.f32 v8, v6;
	v7 =	vadd.f32 v11, v7  }
0x9fe: {  	v8 =	vadd.s32 v30, v58;
	v0 =	vadd.f32 v0, v39;
	v4 =	vadd.f32 v4, v55  }
0x9ff: {  	v44 =	vmul.f32 v36, v23;
	v3 =	vadd.f32 v3, v39;
	v6 =	vadd.f32 v54, v6  }
0xa00: {  	v0 =	vmul.f32 v0, v10;
	v10 =	vadd.s32 v30, v60;
	v4 =	vadd.f32 v4, v39  }
0xa01: {  	v2 =	vadd.f32 v43, v44;
	v3 =	vmul.f32 v3, v6;
	v6 =	vadd.s32 v30, v61  }
0xa02: {  	[tilespmem:v9+s9+$0x0] =	vst.idx.msk vm0, v5;
	v0 =	vadd.f32 v43, v0;
	v4 =	vmul.f32 v4, v7  }
0xa03: {  	[tilespmem:v8+s9+$0x0] =	vst.idx.msk vm0, v2;
	v62 =	vadd.f32 v43, v3  }
0xa04: {  	s12 =	sadd.s32 $0x1, s12;
	[tilespmem:v1+s9+$0x0] =	vst.idx.msk vm0, v0;
	v63 =	vadd.f32 v43, v4  }
0xa05: {  	p0 =	sne.s32 s12, $0x7D;
	[tilespmem:v10+s9+$0x0] =	vst.idx.msk vm0, v62  }
.Ltmp3:
0xa06: {  	s4 =	simm.s32 $0x18AD8;
	s30 =	rddreg [dreg:$0x4];
	[tilespmem:v6+s9+$0x0] =	vst.idx.msk vm0, v63;
	(pc) =	sbr.rel @p0 .LBB2_4-.Ltmp3, $4  }
0xa07: {  	[spmem:s30] =	stream.indirect.scatter.add.f32 [tilespmem:s9], [sflag:$0x3], $0x88, s4, s23, $0xb8;
	[tilespmem:$0x1E2B0] =	vst v63  }
0xa08: {  	_ =	swait.ge [sflag:s19], $0x1540  }
0xa09: {  	[sflag:s19] =	ssyncset.done $0x0  }
0xa0a: {  	v45 =	vmov v42;
	v54 =	vmov v48;
	[sflag:s19] =	ssyncadd.s32 $0xFFFFEAC0  }
0xa0b: {  	_ =	swait.ge [sflag:s5], $0x1540  }
0xa0c: {  	[sflag:s5] =	ssyncset.done $0x0  }
0xa0d: {  	[sflag:s5] =	ssyncadd.s32 $0xFFFFEAC0  }
0xa0e: {  	_ =	swait.ge [sflag:s5], $0x1540  }
0xa0f: {  	[sflag:s5] =	ssyncset.done $0x0  }
0xa10: {  	[sflag:s5] =	ssyncadd.s32 $0xFFFFEAC0  }
0xa11: {  	_ =	swait.ge [sflag:s5], $0x1400  }
0xa12: {  	[sflag:s5] =	ssyncset.done $0x0  }
0xa13: {  	[sflag:s5] =	ssyncadd.s32 $0xFFFFEC00  }
0xa14: {  	s1 =	stileid.u32;
	[bflag:$0x0] =	sbarrier.arrive $0xFFFF  }
0xa15: {  	s1 =	sshll.u32 s1, $0x6;
	s2 =	rddreg [dreg:$0xf]  }
0xa16: {  	s1 =	sor.u32 $0x1C03, s1;
	s3 =	rddreg [dreg:$0x11]  }
0xa17: {  	[hbm:s2], [sflag:s1] =	dma.local [spmem:s3], $0x2981  }
0xa18: {  	_ =	swait.ge [sflag:s19], $0x2981  }
0xa19: {  	s11 =	rddreg [dreg:$0x6]  }
0xa1a: {  	s30 =	rddreg [dreg:$0x10];
	s11 =	sadd.s32 $0x1, s11  }
0xa1b: {  	p0 =	sne.s32 s11, s30  }
.Ltmp4:
0xa1c: {  	_ = 	snop;
	(pc) =	sbr.rel @p0 .LBB2_1-.Ltmp4, $3  }
0xa1d: {  	_ =	sdelay $0x1  }
0xa1e: {  	[sflag:s19] =	ssyncset.done $0x0  }
0xa1f: {  	[sflag:s19] =	ssyncadd.s32 $0xFFFFD67F  }
0xa20: {  	_ =	sfence.sel $0x180000  }
0xa21: {  	[bflag:$0x0] =	sbarrier.arrive $0xFFFF  }
0xa22: {  	_ =	strace $0x90000047  }
0xa23: {  	s0 =	stileid.u32;
	[bflag:$0x2] =	sbarrier.arrive $0xFFFF  }
0xa24: {  	p0 =	sne.s32 s0, $0x0;
	s0 =	rddreg [dreg:$0x5]  }
0xa25: {  	s0 =	sadd.s32 @!p0 $0x100000, s0  }
0xa26: {  	[sflag:s0] =	ssyncadd.tile.s32 @!p0 $0x1;
	_ =	shalt  }
.Lfunc_end2:
_tile_overlayer_lowered:
.L_overlay_start_2:
0xa27: {  	(tag) =	ssettag $0x2  }
0xa28: {  	s0 =	rddreg [dreg:$0x0];
	s2 =	stileid.u32  }
0xa29: {  	s1 =	rddreg [dreg:$0x1];
	p0 =	sne.s32 s2, $0x0  }
0xa2a: {  	s3 =	rddreg [dreg:$0x2];
	[bflag:$0x3] =	sbarrier.arrive $0xFFFF;
	s2 =	simm.s32 @!p0 $0x1C03  }
0xa2b: {  	[timem:s3], [sflag:s2] =	dma.local @!p0 [hbm:s0], s1  }
0xa2c: {  	s0 =	simm.s32 @!p0 $0x3  }
0xa2d: {  	_ =	swait.ge @!p0 [sflag:s0], s1  }
0xa2e: {  	s1 =	ssub.s32 @!p0 $0x0, s1;
	[sflag:s0] =	ssyncset.done @!p0 $0x0  }
0xa2f: {  	[sflag:s0] =	ssyncadd.s32 @!p0 s1  }
0xa30: {  	[bflag:$0x3] =	sbarrier.arrive $0xFFFF  }
0xa31: {  	_ =	shalt  }

</sc_bundles>
